<compile_context>
chip_gen: v7x
topology: tpu7x:2x2x1
jax: 0.10.2.dev20260603
libtpu: 0.0.44.dev20260713+nightly
codegen_flags: <defaults>
</compile_context>

<pallas_src>
import functools

import jax
import jax.numpy as jnp
from jax import lax
from jax.experimental import pallas as pl
from jax.experimental.pallas import tpu as pltpu
from jax.experimental.pallas import tpu_sc as plsc

B = 16384
B2 = B // 2
D = 64
W = 128
NC = 2
NS = 16
NW = NC * NS
BPW = B2 // NW
CHUNK = 128
NCHUNK = BPW // CHUNK


def _neg_sqrt(x):
    i = lax.bitcast_convert_type(x, jnp.int32)
    y = lax.bitcast_convert_type(jnp.int32(0x5F3759DF) - (i >> 1), jnp.float32)
    for _ in range(3):
        y = y * (1.5 - 0.5 * x * y * y)
    return -(x * y)


def _sc_body(hrow_h, rrow_h, trow_h, hoff_h, roff_h, toff_h,
             etab_h, rtab_h, out_h,
             hidx_v, ridx_v, tidx_v, hoff_v, roff_v, toff_v,
             h_v, r_v, t_v, s_v, sem):
    wid = lax.axis_index("s") * NC + lax.axis_index("c")
    base = wid * BPW
    pltpu.sync_copy(hrow_h.at[pl.ds(wid * NCHUNK, NCHUNK)], hidx_v)
    pltpu.sync_copy(rrow_h.at[pl.ds(wid * NCHUNK, NCHUNK)], ridx_v)
    pltpu.sync_copy(trow_h.at[pl.ds(wid * NCHUNK, NCHUNK)], tidx_v)
    pltpu.sync_copy(hoff_h.at[pl.ds(base, BPW)], hoff_v)
    pltpu.sync_copy(roff_h.at[pl.ds(base, BPW)], roff_v)
    pltpu.sync_copy(toff_h.at[pl.ds(base, BPW)], toff_v)

    lane = lax.iota(jnp.int32, 16)

    def chunk_compute(j, carry):
        def group(g, carry):
            rows = g * 16 + lane
            ho = hoff_v[pl.ds(j * CHUNK + g * 16, 16)]
            ro = roff_v[pl.ds(j * CHUNK + g * 16, 16)]
            to = toff_v[pl.ds(j * CHUNK + g * 16, 16)]
            acc = jnp.zeros((16,), jnp.float32)
            for d in range(D):
                hv = plsc.load_gather(h_v, [rows, ho + d])
                rv = plsc.load_gather(r_v, [rows, ro + d])
                tv = plsc.load_gather(t_v, [rows, to + d])
                dd = hv + rv - tv
                acc = acc + dd * dd
            s_v[pl.ds(j * CHUNK + g * 16, 16)] = _neg_sqrt(acc)
            return carry
        lax.fori_loop(0, CHUNK // 16, group, 0)
        return carry

    for j in range(NCHUNK):
        pltpu.async_copy(etab_h.at[hidx_v.at[j]], h_v, sem)
        pltpu.async_copy(rtab_h.at[ridx_v.at[j]], r_v, sem)
        pltpu.async_copy(etab_h.at[tidx_v.at[j]], t_v, sem)
        pltpu.make_async_copy(etab_h.at[hidx_v.at[j]], h_v, sem).wait()
        pltpu.make_async_copy(rtab_h.at[ridx_v.at[j]], r_v, sem).wait()
        pltpu.make_async_copy(etab_h.at[tidx_v.at[j]], t_v, sem).wait()
        chunk_compute(j, 0)

    pltpu.sync_copy(s_v, out_h.at[pl.ds(base, BPW)])


@jax.jit
def _sc_call(hrow, rrow, trow, hoff, roff, toff, etab2, rtab2):
    mesh = plsc.VectorSubcoreMesh(core_axis_name="c", subcore_axis_name="s")
    run = functools.partial(
        pl.kernel,
        out_type=jax.ShapeDtypeStruct((B2,), jnp.float32),
        mesh=mesh,
        compiler_params=pltpu.CompilerParams(needs_layout_passes=False),
        scratch_types=[
            pltpu.VMEM((NCHUNK, CHUNK), jnp.int32),
            pltpu.VMEM((NCHUNK, CHUNK), jnp.int32),
            pltpu.VMEM((NCHUNK, CHUNK), jnp.int32),
            pltpu.VMEM((BPW,), jnp.int32),
            pltpu.VMEM((BPW,), jnp.int32),
            pltpu.VMEM((BPW,), jnp.int32),
            pltpu.VMEM((CHUNK, W), jnp.float32),
            pltpu.VMEM((CHUNK, W), jnp.float32),
            pltpu.VMEM((CHUNK, W), jnp.float32),
            pltpu.VMEM((BPW,), jnp.float32),
            pltpu.SemaphoreType.DMA,
        ],
    )(_sc_body)
    return run(hrow, rrow, trow, hoff, roff, toff, etab2, rtab2)


def _half(heads, relations, tails, etab2, rtab2):
    hrow = (heads >> 1).reshape(B2 // CHUNK, CHUNK)
    rrow = (relations >> 1).reshape(B2 // CHUNK, CHUNK)
    trow = (tails >> 1).reshape(B2 // CHUNK, CHUNK)
    hoff = (heads & 1) * D
    roff = (relations & 1) * D
    toff = (tails & 1) * D
    return _sc_call(hrow, rrow, trow, hoff, roff, toff, etab2, rtab2)


def kernel(heads, relations, tails, entity_table, relation_table):
    etab2 = entity_table.reshape(-1, W)
    rtab2 = relation_table.reshape(-1, W)
    lo = _half(heads[:B2], relations[:B2], tails[:B2], etab2, rtab2)
    hi = _half(heads[B2:], relations[B2:], tails[B2:], etab2, rtab2)
    return jnp.concatenate([lo, hi])

# --- scband reference (transcript-rebuilt; emitter-appended) ---
"""Pipeline reference for scband-simple-kgmodel-43705587204677 (READ-ONLY COPY).

The authoritative reference and input builder live on the scoring server;
editing this copy changes nothing except your own understanding.
"""

import jax, jax.numpy as jnp
import numpy as np

N_ENTITIES = 1000000
N_RELATIONS = 1000
EMBED_DIM = 64
BATCH = 16384


def setup_inputs(seed: int = 0) -> dict:
    key = jax.random.key(seed)
    k1, k2, k3, k4, k5 = jax.random.split(key, 5)
    heads = jax.random.randint(k1, (BATCH,), 0, N_ENTITIES, dtype=jnp.int64 if jax.config.jax_enable_x64 else jnp.int32).astype(jnp.int32)
    relations = jax.random.randint(k2, (BATCH,), 0, N_RELATIONS).astype(jnp.int32)
    tails = jax.random.randint(k3, (BATCH,), 0, N_ENTITIES).astype(jnp.int32)
    entity_table = jax.random.normal(k4, (N_ENTITIES, EMBED_DIM), dtype=jnp.float32)
    relation_table = jax.random.normal(k5, (N_RELATIONS, EMBED_DIM), dtype=jnp.float32)
    return {
        "heads": heads,
        "relations": relations,
        "tails": tails,
        "entity_table": entity_table,
        "relation_table": relation_table,
    }


def reference(heads, relations, tails, entity_table, relation_table):
    # TransE-style scoring: score = -||h + r - t||_2
    h = jnp.take(entity_table, heads, axis=0)
    r = jnp.take(relation_table, relations, axis=0)
    t = jnp.take(entity_table, tails, axis=0)
    score = -jnp.sqrt(jnp.sum((h + r - t) ** 2, axis=-1))
    return score

if __name__ == "__main__":
    import jax
    _d = setup_inputs()
    print(jax.jit(kernel)(*tuple(_d.values())))

</pallas_src>

<mosaic_0001>
#map = affine_map<(d0, d1) -> (0, 0)>
#map1 = affine_map<(d0, d1) -> (0)>
module attributes {stable_mosaic.version = 14 : i64} {
  func.func @_sc_body(%arg0: i32, %arg1: i32, %arg2: memref<64x128xi32, #tpu.memory_space<hbm>>, %arg3: memref<64x128xi32, #tpu.memory_space<hbm>>, %arg4: memref<64x128xi32, #tpu.memory_space<hbm>>, %arg5: memref<8192xi32, #tpu.memory_space<hbm>>, %arg6: memref<8192xi32, #tpu.memory_space<hbm>>, %arg7: memref<8192xi32, #tpu.memory_space<hbm>>, %arg8: memref<500000x128xf32, #tpu.memory_space<hbm>>, %arg9: memref<500x128xf32, #tpu.memory_space<hbm>>, %arg10: memref<8192xf32, #tpu.memory_space<hbm>>, %arg11: memref<2x128xi32, #tpu.memory_space<vmem>>, %arg12: memref<2x128xi32, #tpu.memory_space<vmem>>, %arg13: memref<2x128xi32, #tpu.memory_space<vmem>>, %arg14: memref<256xi32, #tpu.memory_space<vmem>>, %arg15: memref<256xi32, #tpu.memory_space<vmem>>, %arg16: memref<256xi32, #tpu.memory_space<vmem>>, %arg17: memref<128x128xf32, #tpu.memory_space<vmem>>, %arg18: memref<128x128xf32, #tpu.memory_space<vmem>>, %arg19: memref<128x128xf32, #tpu.memory_space<vmem>>, %arg20: memref<256xf32, #tpu.memory_space<vmem>>, %arg21: memref<!tpu.dma_semaphore, #tpu.memory_space<semaphore_mem>>) attributes {dimension_semantics = [#tpu.dimension_semantics<core_parallel>, #tpu.dimension_semantics<subcore_parallel>], iteration_bounds = array<i64: 2, 16>, scalar_prefetch = 0 : i64, scratch_operands = 11 : i64, tpu.core_type = #tpu.core_type<sc_vector_subcore>, window_params = [{transform_indices = #map}, {transform_indices = #map}, {transform_indices = #map}, {transform_indices = #map1}, {transform_indices = #map1}, {transform_indices = #map1}, {transform_indices = #map}, {transform_indices = #map}, {transform_indices = #map1}]} {
    %mul3A = arith.constant 2 : i32
    %mul3A_0 = arith.muli %arg1, %mul3A : i32
    %add3A = arith.addi %mul3A_0, %arg0 : i32
    %mul3A_1 = arith.constant 256 : i32
    %mul3A_2 = arith.muli %add3A, %mul3A_1 : i32
    %mul3A_3 = arith.constant 2 : i32
    %mul3A_4 = arith.muli %add3A, %mul3A_3 : i32
    "tpu.region"() ({
      %run_scoped3A = tpu.sem_alloc : memref<!tpu.dma_semaphore, #tpu.memory_space<semaphore_mem>>
      %dma_start3A_102 = arith.constant 0 : i32
      %dma_start3A_103 = tpu.memref_slice %arg2[%mul3A_4, %dma_start3A_102] : memref<64x128xi32, #tpu.memory_space<hbm>> -> memref<2x128xi32, #tpu.memory_space<hbm>>
      %dma_start3A_104 = arith.constant 0 : i32
      %dma_start3A_105 = tpu.memref_slice %arg2[%mul3A_4, %dma_start3A_104] : memref<64x128xi32, #tpu.memory_space<hbm>> -> memref<2x128xi32, #tpu.memory_space<hbm>>
      tpu.enqueue_dma source(%dma_start3A_105 : memref<2x128xi32, #tpu.memory_space<hbm>>) target(%arg11 : memref<2x128xi32, #tpu.memory_space<vmem>>) target_semaphore(%run_scoped3A : memref<!tpu.dma_semaphore, #tpu.memory_space<semaphore_mem>>)
      %dma_wait3A_106 = arith.constant 0 : i32
      %dma_wait3A_107 = tpu.memref_slice %arg2[%mul3A_4, %dma_wait3A_106] : memref<64x128xi32, #tpu.memory_space<hbm>> -> memref<2x128xi32, #tpu.memory_space<hbm>>
      %dma_wait3A_108 = arith.constant 0 : i32
      %dma_wait3A_109 = tpu.memref_slice %arg2[%mul3A_4, %dma_wait3A_108] : memref<64x128xi32, #tpu.memory_space<hbm>> -> memref<2x128xi32, #tpu.memory_space<hbm>>
      tpu.wait_dma2 semaphore(%run_scoped3A : memref<!tpu.dma_semaphore, #tpu.memory_space<semaphore_mem>>) src(%dma_wait3A_109 : memref<2x128xi32, #tpu.memory_space<hbm>>) dst(%arg11 : memref<2x128xi32, #tpu.memory_space<vmem>>)
      tpu.yield
    }) : () -> ()
    %mul3A_5 = arith.constant 2 : i32
    %mul3A_6 = arith.muli %add3A, %mul3A_5 : i32
    "tpu.region"() ({
      %run_scoped3A = tpu.sem_alloc : memref<!tpu.dma_semaphore, #tpu.memory_space<semaphore_mem>>
      %dma_start3A_102 = arith.constant 0 : i32
      %dma_start3A_103 = tpu.memref_slice %arg3[%mul3A_6, %dma_start3A_102] : memref<64x128xi32, #tpu.memory_space<hbm>> -> memref<2x128xi32, #tpu.memory_space<hbm>>
      %dma_start3A_104 = arith.constant 0 : i32
      %dma_start3A_105 = tpu.memref_slice %arg3[%mul3A_6, %dma_start3A_104] : memref<64x128xi32, #tpu.memory_space<hbm>> -> memref<2x128xi32, #tpu.memory_space<hbm>>
      tpu.enqueue_dma source(%dma_start3A_105 : memref<2x128xi32, #tpu.memory_space<hbm>>) target(%arg12 : memref<2x128xi32, #tpu.memory_space<vmem>>) target_semaphore(%run_scoped3A : memref<!tpu.dma_semaphore, #tpu.memory_space<semaphore_mem>>)
      %dma_wait3A_106 = arith.constant 0 : i32
      %dma_wait3A_107 = tpu.memref_slice %arg3[%mul3A_6, %dma_wait3A_106] : memref<64x128xi32, #tpu.memory_space<hbm>> -> memref<2x128xi32, #tpu.memory_space<hbm>>
      %dma_wait3A_108 = arith.constant 0 : i32
      %dma_wait3A_109 = tpu.memref_slice %arg3[%mul3A_6, %dma_wait3A_108] : memref<64x128xi32, #tpu.memory_space<hbm>> -> memref<2x128xi32, #tpu.memory_space<hbm>>
      tpu.wait_dma2 semaphore(%run_scoped3A : memref<!tpu.dma_semaphore, #tpu.memory_space<semaphore_mem>>) src(%dma_wait3A_109 : memref<2x128xi32, #tpu.memory_space<hbm>>) dst(%arg12 : memref<2x128xi32, #tpu.memory_space<vmem>>)
      tpu.yield
    }) : () -> ()
    %mul3A_7 = arith.constant 2 : i32
    %mul3A_8 = arith.muli %add3A, %mul3A_7 : i32
    "tpu.region"() ({
      %run_scoped3A = tpu.sem_alloc : memref<!tpu.dma_semaphore, #tpu.memory_space<semaphore_mem>>
      %dma_start3A_102 = arith.constant 0 : i32
      %dma_start3A_103 = tpu.memref_slice %arg4[%mul3A_8, %dma_start3A_102] : memref<64x128xi32, #tpu.memory_space<hbm>> -> memref<2x128xi32, #tpu.memory_space<hbm>>
      %dma_start3A_104 = arith.constant 0 : i32
      %dma_start3A_105 = tpu.memref_slice %arg4[%mul3A_8, %dma_start3A_104] : memref<64x128xi32, #tpu.memory_space<hbm>> -> memref<2x128xi32, #tpu.memory_space<hbm>>
      tpu.enqueue_dma source(%dma_start3A_105 : memref<2x128xi32, #tpu.memory_space<hbm>>) target(%arg13 : memref<2x128xi32, #tpu.memory_space<vmem>>) target_semaphore(%run_scoped3A : memref<!tpu.dma_semaphore, #tpu.memory_space<semaphore_mem>>)
      %dma_wait3A_106 = arith.constant 0 : i32
      %dma_wait3A_107 = tpu.memref_slice %arg4[%mul3A_8, %dma_wait3A_106] : memref<64x128xi32, #tpu.memory_space<hbm>> -> memref<2x128xi32, #tpu.memory_space<hbm>>
      %dma_wait3A_108 = arith.constant 0 : i32
      %dma_wait3A_109 = tpu.memref_slice %arg4[%mul3A_8, %dma_wait3A_108] : memref<64x128xi32, #tpu.memory_space<hbm>> -> memref<2x128xi32, #tpu.memory_space<hbm>>
      tpu.wait_dma2 semaphore(%run_scoped3A : memref<!tpu.dma_semaphore, #tpu.memory_space<semaphore_mem>>) src(%dma_wait3A_109 : memref<2x128xi32, #tpu.memory_space<hbm>>) dst(%arg13 : memref<2x128xi32, #tpu.memory_space<vmem>>)
      tpu.yield
    }) : () -> ()
    "tpu.region"() ({
      %run_scoped3A = tpu.sem_alloc : memref<!tpu.dma_semaphore, #tpu.memory_space<semaphore_mem>>
      %dma_start3A_102 = tpu.memref_slice %arg5[%mul3A_2] : memref<8192xi32, #tpu.memory_space<hbm>> -> memref<256xi32, #tpu.memory_space<hbm>>
      %dma_start3A_103 = tpu.memref_slice %arg5[%mul3A_2] : memref<8192xi32, #tpu.memory_space<hbm>> -> memref<256xi32, #tpu.memory_space<hbm>>
      tpu.enqueue_dma source(%dma_start3A_103 : memref<256xi32, #tpu.memory_space<hbm>>) target(%arg14 : memref<256xi32, #tpu.memory_space<vmem>>) target_semaphore(%run_scoped3A : memref<!tpu.dma_semaphore, #tpu.memory_space<semaphore_mem>>)
      %dma_wait3A_104 = tpu.memref_slice %arg5[%mul3A_2] : memref<8192xi32, #tpu.memory_space<hbm>> -> memref<256xi32, #tpu.memory_space<hbm>>
      %dma_wait3A_105 = tpu.memref_slice %arg5[%mul3A_2] : memref<8192xi32, #tpu.memory_space<hbm>> -> memref<256xi32, #tpu.memory_space<hbm>>
      tpu.wait_dma2 semaphore(%run_scoped3A : memref<!tpu.dma_semaphore, #tpu.memory_space<semaphore_mem>>) src(%dma_wait3A_105 : memref<256xi32, #tpu.memory_space<hbm>>) dst(%arg14 : memref<256xi32, #tpu.memory_space<vmem>>)
      tpu.yield
    }) : () -> ()
    "tpu.region"() ({
      %run_scoped3A = tpu.sem_alloc : memref<!tpu.dma_semaphore, #tpu.memory_space<semaphore_mem>>
      %dma_start3A_102 = tpu.memref_slice %arg6[%mul3A_2] : memref<8192xi32, #tpu.memory_space<hbm>> -> memref<256xi32, #tpu.memory_space<hbm>>
      %dma_start3A_103 = tpu.memref_slice %arg6[%mul3A_2] : memref<8192xi32, #tpu.memory_space<hbm>> -> memref<256xi32, #tpu.memory_space<hbm>>
      tpu.enqueue_dma source(%dma_start3A_103 : memref<256xi32, #tpu.memory_space<hbm>>) target(%arg15 : memref<256xi32, #tpu.memory_space<vmem>>) target_semaphore(%run_scoped3A : memref<!tpu.dma_semaphore, #tpu.memory_space<semaphore_mem>>)
      %dma_wait3A_104 = tpu.memref_slice %arg6[%mul3A_2] : memref<8192xi32, #tpu.memory_space<hbm>> -> memref<256xi32, #tpu.memory_space<hbm>>
      %dma_wait3A_105 = tpu.memref_slice %arg6[%mul3A_2] : memref<8192xi32, #tpu.memory_space<hbm>> -> memref<256xi32, #tpu.memory_space<hbm>>
      tpu.wait_dma2 semaphore(%run_scoped3A : memref<!tpu.dma_semaphore, #tpu.memory_space<semaphore_mem>>) src(%dma_wait3A_105 : memref<256xi32, #tpu.memory_space<hbm>>) dst(%arg15 : memref<256xi32, #tpu.memory_space<vmem>>)
      tpu.yield
    }) : () -> ()
    "tpu.region"() ({
      %run_scoped3A = tpu.sem_alloc : memref<!tpu.dma_semaphore, #tpu.memory_space<semaphore_mem>>
      %dma_start3A_102 = tpu.memref_slice %arg7[%mul3A_2] : memref<8192xi32, #tpu.memory_space<hbm>> -> memref<256xi32, #tpu.memory_space<hbm>>
      %dma_start3A_103 = tpu.memref_slice %arg7[%mul3A_2] : memref<8192xi32, #tpu.memory_space<hbm>> -> memref<256xi32, #tpu.memory_space<hbm>>
      tpu.enqueue_dma source(%dma_start3A_103 : memref<256xi32, #tpu.memory_space<hbm>>) target(%arg16 : memref<256xi32, #tpu.memory_space<vmem>>) target_semaphore(%run_scoped3A : memref<!tpu.dma_semaphore, #tpu.memory_space<semaphore_mem>>)
      %dma_wait3A_104 = tpu.memref_slice %arg7[%mul3A_2] : memref<8192xi32, #tpu.memory_space<hbm>> -> memref<256xi32, #tpu.memory_space<hbm>>
      %dma_wait3A_105 = tpu.memref_slice %arg7[%mul3A_2] : memref<8192xi32, #tpu.memory_space<hbm>> -> memref<256xi32, #tpu.memory_space<hbm>>
      tpu.wait_dma2 semaphore(%run_scoped3A : memref<!tpu.dma_semaphore, #tpu.memory_space<semaphore_mem>>) src(%dma_wait3A_105 : memref<256xi32, #tpu.memory_space<hbm>>) dst(%arg16 : memref<256xi32, #tpu.memory_space<vmem>>)
      tpu.yield
    }) : () -> ()
    %iota3A = tpu.iota {dimensions = array<i32: 0>} : vector<16xi32>
    %dma_start3A = arith.constant 0 : i32
    %dma_start3A_9 = arith.constant 0 : i32
    %dma_start3A_10 = tpu.memref_slice %arg11[%dma_start3A, %dma_start3A_9] : memref<2x128xi32, #tpu.memory_space<vmem>> -> memref<1x128xi32, #tpu.memory_space<vmem>>
    %dma_start3A_11 = tpu.memref_squeeze %dma_start3A_10 : memref<1x128xi32, #tpu.memory_space<vmem>> -> memref<128xi32, #tpu.memory_space<vmem>>
    %dma_start3A_12 = arith.constant 0 : i32
    %dma_start3A_13 = arith.constant 0 : i32
    %dma_start3A_14 = tpu.memref_slice %arg8[%dma_start3A_12, %dma_start3A_13] : memref<500000x128xf32, #tpu.memory_space<hbm>> -> memref<500000x128xf32, #tpu.memory_space<hbm>>
    tpu.enqueue_indirect_dma source(%dma_start3A_14 : memref<500000x128xf32, #tpu.memory_space<hbm>>) target(%arg17 : memref<128x128xf32, #tpu.memory_space<vmem>>) offsets(%dma_start3A_11 : memref<128xi32, #tpu.memory_space<vmem>>) semaphore(%arg21 : memref<!tpu.dma_semaphore, #tpu.memory_space<semaphore_mem>>)
    %dma_start3A_15 = arith.constant 0 : i32
    %dma_start3A_16 = arith.constant 0 : i32
    %dma_start3A_17 = tpu.memref_slice %arg12[%dma_start3A_15, %dma_start3A_16] : memref<2x128xi32, #tpu.memory_space<vmem>> -> memref<1x128xi32, #tpu.memory_space<vmem>>
    %dma_start3A_18 = tpu.memref_squeeze %dma_start3A_17 : memref<1x128xi32, #tpu.memory_space<vmem>> -> memref<128xi32, #tpu.memory_space<vmem>>
    %dma_start3A_19 = arith.constant 0 : i32
    %dma_start3A_20 = arith.constant 0 : i32
    %dma_start3A_21 = tpu.memref_slice %arg9[%dma_start3A_19, %dma_start3A_20] : memref<500x128xf32, #tpu.memory_space<hbm>> -> memref<500x128xf32, #tpu.memory_space<hbm>>
    tpu.enqueue_indirect_dma source(%dma_start3A_21 : memref<500x128xf32, #tpu.memory_space<hbm>>) target(%arg18 : memref<128x128xf32, #tpu.memory_space<vmem>>) offsets(%dma_start3A_18 : memref<128xi32, #tpu.memory_space<vmem>>) semaphore(%arg21 : memref<!tpu.dma_semaphore, #tpu.memory_space<semaphore_mem>>)
    %dma_start3A_22 = arith.constant 0 : i32
    %dma_start3A_23 = arith.constant 0 : i32
    %dma_start3A_24 = tpu.memref_slice %arg13[%dma_start3A_22, %dma_start3A_23] : memref<2x128xi32, #tpu.memory_space<vmem>> -> memref<1x128xi32, #tpu.memory_space<vmem>>
    %dma_start3A_25 = tpu.memref_squeeze %dma_start3A_24 : memref<1x128xi32, #tpu.memory_space<vmem>> -> memref<128xi32, #tpu.memory_space<vmem>>
    %dma_start3A_26 = arith.constant 0 : i32
    %dma_start3A_27 = arith.constant 0 : i32
    %dma_start3A_28 = tpu.memref_slice %arg8[%dma_start3A_26, %dma_start3A_27] : memref<500000x128xf32, #tpu.memory_space<hbm>> -> memref<500000x128xf32, #tpu.memory_space<hbm>>
    tpu.enqueue_indirect_dma source(%dma_start3A_28 : memref<500000x128xf32, #tpu.memory_space<hbm>>) target(%arg19 : memref<128x128xf32, #tpu.memory_space<vmem>>) offsets(%dma_start3A_25 : memref<128xi32, #tpu.memory_space<vmem>>) semaphore(%arg21 : memref<!tpu.dma_semaphore, #tpu.memory_space<semaphore_mem>>)
    %dma_wait3A = arith.constant 0 : i32
    %dma_wait3A_29 = arith.constant 0 : i32
    %dma_wait3A_30 = tpu.memref_slice %arg11[%dma_wait3A, %dma_wait3A_29] : memref<2x128xi32, #tpu.memory_space<vmem>> -> memref<1x128xi32, #tpu.memory_space<vmem>>
    %dma_wait3A_31 = tpu.memref_squeeze %dma_wait3A_30 : memref<1x128xi32, #tpu.memory_space<vmem>> -> memref<128xi32, #tpu.memory_space<vmem>>
    %dma_wait3A_32 = arith.constant 0 : i32
    %dma_wait3A_33 = arith.constant 0 : i32
    %dma_wait3A_34 = tpu.memref_slice %arg8[%dma_wait3A_32, %dma_wait3A_33] : memref<500000x128xf32, #tpu.memory_space<hbm>> -> memref<500000x128xf32, #tpu.memory_space<hbm>>
    tpu.wait_indirect_dma semaphore(%arg21 : memref<!tpu.dma_semaphore, #tpu.memory_space<semaphore_mem>>) src(%dma_wait3A_34 : memref<500000x128xf32, #tpu.memory_space<hbm>>) dst(%arg17 : memref<128x128xf32, #tpu.memory_space<vmem>>)
    %dma_wait3A_35 = arith.constant 0 : i32
    %dma_wait3A_36 = arith.constant 0 : i32
    %dma_wait3A_37 = tpu.memref_slice %arg12[%dma_wait3A_35, %dma_wait3A_36] : memref<2x128xi32, #tpu.memory_space<vmem>> -> memref<1x128xi32, #tpu.memory_space<vmem>>
    %dma_wait3A_38 = tpu.memref_squeeze %dma_wait3A_37 : memref<1x128xi32, #tpu.memory_space<vmem>> -> memref<128xi32, #tpu.memory_space<vmem>>
    %dma_wait3A_39 = arith.constant 0 : i32
    %dma_wait3A_40 = arith.constant 0 : i32
    %dma_wait3A_41 = tpu.memref_slice %arg9[%dma_wait3A_39, %dma_wait3A_40] : memref<500x128xf32, #tpu.memory_space<hbm>> -> memref<500x128xf32, #tpu.memory_space<hbm>>
    tpu.wait_indirect_dma semaphore(%arg21 : memref<!tpu.dma_semaphore, #tpu.memory_space<semaphore_mem>>) src(%dma_wait3A_41 : memref<500x128xf32, #tpu.memory_space<hbm>>) dst(%arg18 : memref<128x128xf32, #tpu.memory_space<vmem>>)
    %dma_wait3A_42 = arith.constant 0 : i32
    %dma_wait3A_43 = arith.constant 0 : i32
    %dma_wait3A_44 = tpu.memref_slice %arg13[%dma_wait3A_42, %dma_wait3A_43] : memref<2x128xi32, #tpu.memory_space<vmem>> -> memref<1x128xi32, #tpu.memory_space<vmem>>
    %dma_wait3A_45 = tpu.memref_squeeze %dma_wait3A_44 : memref<1x128xi32, #tpu.memory_space<vmem>> -> memref<128xi32, #tpu.memory_space<vmem>>
    %dma_wait3A_46 = arith.constant 0 : i32
    %dma_wait3A_47 = arith.constant 0 : i32
    %dma_wait3A_48 = tpu.memref_slice %arg8[%dma_wait3A_46, %dma_wait3A_47] : memref<500000x128xf32, #tpu.memory_space<hbm>> -> memref<500000x128xf32, #tpu.memory_space<hbm>>
    tpu.wait_indirect_dma semaphore(%arg21 : memref<!tpu.dma_semaphore, #tpu.memory_space<semaphore_mem>>) src(%dma_wait3A_48 : memref<500000x128xf32, #tpu.memory_space<hbm>>) dst(%arg19 : memref<128x128xf32, #tpu.memory_space<vmem>>)
    %scan3A = arith.constant 0 : i32
    %scan3A_49 = arith.constant 0 : i32
    %scan3A_50 = arith.constant 8 : i32
    %scan3A_51 = arith.addi %scan3A_49, %scan3A_50 : i32
    %scan3A_52 = arith.constant 1 : i32
    scf.for %scan3A_102 = %scan3A_49 to %scan3A_51 step %scan3A_52  : i32 {
      %mul3A_103 = arith.constant 16 : i32
      %mul3A_104 = arith.muli %scan3A_102, %mul3A_103 : i32
      %add3A_105 = vector.broadcast %mul3A_104 : i32 to vector<16xi32>
      %add3A_106 = arith.addi %add3A_105, %iota3A : vector<16xi32>
      %mul3A_107 = arith.constant 16 : i32
      %mul3A_108 = arith.muli %scan3A_102, %mul3A_107 : i32
      %add3A_109 = arith.constant 0 : i32
      %add3A_110 = arith.addi %add3A_109, %mul3A_108 : i32
      %get3A = arith.index_cast %add3A_110 : i32 to index
      %get3A_111 = tpu.vector_load %arg14[%get3A] {strides = array<i32>} : memref<256xi32, #tpu.memory_space<vmem>>, vector<16xi32>,
      %mul3A_112 = arith.constant 16 : i32
      %mul3A_113 = arith.muli %scan3A_102, %mul3A_112 : i32
      %add3A_114 = arith.constant 0 : i32
      %add3A_115 = arith.addi %add3A_114, %mul3A_113 : i32
      %get3A_116 = arith.index_cast %add3A_115 : i32 to index
      %get3A_117 = tpu.vector_load %arg15[%get3A_116] {strides = array<i32>} : memref<256xi32, #tpu.memory_space<vmem>>, vector<16xi32>,
      %mul3A_118 = arith.constant 16 : i32
      %mul3A_119 = arith.muli %scan3A_102, %mul3A_118 : i32
      %add3A_120 = arith.constant 0 : i32
      %add3A_121 = arith.addi %add3A_120, %mul3A_119 : i32
      %get3A_122 = arith.index_cast %add3A_121 : i32 to index
      %get3A_123 = tpu.vector_load %arg16[%get3A_122] {strides = array<i32>} : memref<256xi32, #tpu.memory_space<vmem>>, vector<16xi32>,
      %broadcast_in_dim3A = arith.constant 0.000000e+00 : f32
      %broadcast_in_dim3A_124 = vector.broadcast %broadcast_in_dim3A : f32 to vector<16xf32>
      %add3A_125 = arith.constant 0 : i32
      %add3A_126 = vector.broadcast %add3A_125 : i32 to vector<16xi32>
      %add3A_127 = arith.addi %get3A_111, %add3A_126 : vector<16xi32>
      %gather3A = tpu.vector_load_idx %arg17[%add3A_106, %add3A_127] : memref<128x128xf32, #tpu.memory_space<vmem>>[vector<16xi32>, vector<16xi32>], vector<16xf32>,
      %add3A_128 = arith.constant 0 : i32
      %add3A_129 = vector.broadcast %add3A_128 : i32 to vector<16xi32>
      %add3A_130 = arith.addi %get3A_117, %add3A_129 : vector<16xi32>
      %gather3A_131 = tpu.vector_load_idx %arg18[%add3A_106, %add3A_130] : memref<128x128xf32, #tpu.memory_space<vmem>>[vector<16xi32>, vector<16xi32>], vector<16xf32>,
      %add3A_132 = arith.constant 0 : i32
      %add3A_133 = vector.broadcast %add3A_132 : i32 to vector<16xi32>
      %add3A_134 = arith.addi %get3A_123, %add3A_133 : vector<16xi32>
      %gather3A_135 = tpu.vector_load_idx %arg19[%add3A_106, %add3A_134] : memref<128x128xf32, #tpu.memory_space<vmem>>[vector<16xi32>, vector<16xi32>], vector<16xf32>,
      %add3A_136 = arith.addf %gather3A, %gather3A_131 : vector<16xf32>
      %sub3A = arith.subf %add3A_136, %gather3A_135 : vector<16xf32>
      %mul3A_137 = arith.mulf %sub3A, %sub3A : vector<16xf32>
      %add3A_138 = arith.addf %broadcast_in_dim3A_124, %mul3A_137 : vector<16xf32>
      %add3A_139 = arith.constant 1 : i32
      %add3A_140 = vector.broadcast %add3A_139 : i32 to vector<16xi32>
      %add3A_141 = arith.addi %get3A_111, %add3A_140 : vector<16xi32>
      %gather3A_142 = tpu.vector_load_idx %arg17[%add3A_106, %add3A_141] : memref<128x128xf32, #tpu.memory_space<vmem>>[vector<16xi32>, vector<16xi32>], vector<16xf32>,
      %add3A_143 = arith.constant 1 : i32
      %add3A_144 = vector.broadcast %add3A_143 : i32 to vector<16xi32>
      %add3A_145 = arith.addi %get3A_117, %add3A_144 : vector<16xi32>
      %gather3A_146 = tpu.vector_load_idx %arg18[%add3A_106, %add3A_145] : memref<128x128xf32, #tpu.memory_space<vmem>>[vector<16xi32>, vector<16xi32>], vector<16xf32>,
      %add3A_147 = arith.constant 1 : i32
      %add3A_148 = vector.broadcast %add3A_147 : i32 to vector<16xi32>
      %add3A_149 = arith.addi %get3A_123, %add3A_148 : vector<16xi32>
      %gather3A_150 = tpu.vector_load_idx %arg19[%add3A_106, %add3A_149] : memref<128x128xf32, #tpu.memory_space<vmem>>[vector<16xi32>, vector<16xi32>], vector<16xf32>,
      %add3A_151 = arith.addf %gather3A_142, %gather3A_146 : vector<16xf32>
      %sub3A_152 = arith.subf %add3A_151, %gather3A_150 : vector<16xf32>
      %mul3A_153 = arith.mulf %sub3A_152, %sub3A_152 : vector<16xf32>
      %add3A_154 = arith.addf %add3A_138, %mul3A_153 : vector<16xf32>
      %add3A_155 = arith.constant 2 : i32
      %add3A_156 = vector.broadcast %add3A_155 : i32 to vector<16xi32>
      %add3A_157 = arith.addi %get3A_111, %add3A_156 : vector<16xi32>
      %gather3A_158 = tpu.vector_load_idx %arg17[%add3A_106, %add3A_157] : memref<128x128xf32, #tpu.memory_space<vmem>>[vector<16xi32>, vector<16xi32>], vector<16xf32>,
      %add3A_159 = arith.constant 2 : i32
      %add3A_160 = vector.broadcast %add3A_159 : i32 to vector<16xi32>
      %add3A_161 = arith.addi %get3A_117, %add3A_160 : vector<16xi32>
      %gather3A_162 = tpu.vector_load_idx %arg18[%add3A_106, %add3A_161] : memref<128x128xf32, #tpu.memory_space<vmem>>[vector<16xi32>, vector<16xi32>], vector<16xf32>,
      %add3A_163 = arith.constant 2 : i32
      %add3A_164 = vector.broadcast %add3A_163 : i32 to vector<16xi32>
      %add3A_165 = arith.addi %get3A_123, %add3A_164 : vector<16xi32>
      %gather3A_166 = tpu.vector_load_idx %arg19[%add3A_106, %add3A_165] : memref<128x128xf32, #tpu.memory_space<vmem>>[vector<16xi32>, vector<16xi32>], vector<16xf32>,
      %add3A_167 = arith.addf %gather3A_158, %gather3A_162 : vector<16xf32>
      %sub3A_168 = arith.subf %add3A_167, %gather3A_166 : vector<16xf32>
      %mul3A_169 = arith.mulf %sub3A_168, %sub3A_168 : vector<16xf32>
      %add3A_170 = arith.addf %add3A_154, %mul3A_169 : vector<16xf32>
      %add3A_171 = arith.constant 3 : i32
      %add3A_172 = vector.broadcast %add3A_171 : i32 to vector<16xi32>
      %add3A_173 = arith.addi %get3A_111, %add3A_172 : vector<16xi32>
      %gather3A_174 = tpu.vector_load_idx %arg17[%add3A_106, %add3A_173] : memref<128x128xf32, #tpu.memory_space<vmem>>[vector<16xi32>, vector<16xi32>], vector<16xf32>,
      %add3A_175 = arith.constant 3 : i32
      %add3A_176 = vector.broadcast %add3A_175 : i32 to vector<16xi32>
      %add3A_177 = arith.addi %get3A_117, %add3A_176 : vector<16xi32>
      %gather3A_178 = tpu.vector_load_idx %arg18[%add3A_106, %add3A_177] : memref<128x128xf32, #tpu.memory_space<vmem>>[vector<16xi32>, vector<16xi32>], vector<16xf32>,
      %add3A_179 = arith.constant 3 : i32
      %add3A_180 = vector.broadcast %add3A_179 : i32 to vector<16xi32>
      %add3A_181 = arith.addi %get3A_123, %add3A_180 : vector<16xi32>
      %gather3A_182 = tpu.vector_load_idx %arg19[%add3A_106, %add3A_181] : memref<128x128xf32, #tpu.memory_space<vmem>>[vector<16xi32>, vector<16xi32>], vector<16xf32>,
      %add3A_183 = arith.addf %gather3A_174, %gather3A_178 : vector<16xf32>
      %sub3A_184 = arith.subf %add3A_183, %gather3A_182 : vector<16xf32>
      %mul3A_185 = arith.mulf %sub3A_184, %sub3A_184 : vector<16xf32>
      %add3A_186 = arith.addf %add3A_170, %mul3A_185 : vector<16xf32>
      %add3A_187 = arith.constant 4 : i32
      %add3A_188 = vector.broadcast %add3A_187 : i32 to vector<16xi32>
      %add3A_189 = arith.addi %get3A_111, %add3A_188 : vector<16xi32>
      %gather3A_190 = tpu.vector_load_idx %arg17[%add3A_106, %add3A_189] : memref<128x128xf32, #tpu.memory_space<vmem>>[vector<16xi32>, vector<16xi32>], vector<16xf32>,
      %add3A_191 = arith.constant 4 : i32
      %add3A_192 = vector.broadcast %add3A_191 : i32 to vector<16xi32>
      %add3A_193 = arith.addi %get3A_117, %add3A_192 : vector<16xi32>
      %gather3A_194 = tpu.vector_load_idx %arg18[%add3A_106, %add3A_193] : memref<128x128xf32, #tpu.memory_space<vmem>>[vector<16xi32>, vector<16xi32>], vector<16xf32>,
      %add3A_195 = arith.constant 4 : i32
      %add3A_196 = vector.broadcast %add3A_195 : i32 to vector<16xi32>
      %add3A_197 = arith.addi %get3A_123, %add3A_196 : vector<16xi32>
      %gather3A_198 = tpu.vector_load_idx %arg19[%add3A_106, %add3A_197] : memref<128x128xf32, #tpu.memory_space<vmem>>[vector<16xi32>, vector<16xi32>], vector<16xf32>,
      %add3A_199 = arith.addf %gather3A_190, %gather3A_194 : vector<16xf32>
      %sub3A_200 = arith.subf %add3A_199, %gather3A_198 : vector<16xf32>
      %mul3A_201 = arith.mulf %sub3A_200, %sub3A_200 : vector<16xf32>
      %add3A_202 = arith.addf %add3A_186, %mul3A_201 : vector<16xf32>
      %add3A_203 = arith.constant 5 : i32
      %add3A_204 = vector.broadcast %add3A_203 : i32 to vector<16xi32>
      %add3A_205 = arith.addi %get3A_111, %add3A_204 : vector<16xi32>
      %gather3A_206 = tpu.vector_load_idx %arg17[%add3A_106, %add3A_205] : memref<128x128xf32, #tpu.memory_space<vmem>>[vector<16xi32>, vector<16xi32>], vector<16xf32>,
      %add3A_207 = arith.constant 5 : i32
      %add3A_208 = vector.broadcast %add3A_207 : i32 to vector<16xi32>
      %add3A_209 = arith.addi %get3A_117, %add3A_208 : vector<16xi32>
      %gather3A_210 = tpu.vector_load_idx %arg18[%add3A_106, %add3A_209] : memref<128x128xf32, #tpu.memory_space<vmem>>[vector<16xi32>, vector<16xi32>], vector<16xf32>,
      %add3A_211 = arith.constant 5 : i32
      %add3A_212 = vector.broadcast %add3A_211 : i32 to vector<16xi32>
      %add3A_213 = arith.addi %get3A_123, %add3A_212 : vector<16xi32>
      %gather3A_214 = tpu.vector_load_idx %arg19[%add3A_106, %add3A_213] : memref<128x128xf32, #tpu.memory_space<vmem>>[vector<16xi32>, vector<16xi32>], vector<16xf32>,
      %add3A_215 = arith.addf %gather3A_206, %gather3A_210 : vector<16xf32>
      %sub3A_216 = arith.subf %add3A_215, %gather3A_214 : vector<16xf32>
      %mul3A_217 = arith.mulf %sub3A_216, %sub3A_216 : vector<16xf32>
      %add3A_218 = arith.addf %add3A_202, %mul3A_217 : vector<16xf32>
      %add3A_219 = arith.constant 6 : i32
      %add3A_220 = vector.broadcast %add3A_219 : i32 to vector<16xi32>
      %add3A_221 = arith.addi %get3A_111, %add3A_220 : vector<16xi32>
      %gather3A_222 = tpu.vector_load_idx %arg17[%add3A_106, %add3A_221] : memref<128x128xf32, #tpu.memory_space<vmem>>[vector<16xi32>, vector<16xi32>], vector<16xf32>,
      %add3A_223 = arith.constant 6 : i32
      %add3A_224 = vector.broadcast %add3A_223 : i32 to vector<16xi32>
      %add3A_225 = arith.addi %get3A_117, %add3A_224 : vector<16xi32>
      %gather3A_226 = tpu.vector_load_idx %arg18[%add3A_106, %add3A_225] : memref<128x128xf32, #tpu.memory_space<vmem>>[vector<16xi32>, vector<16xi32>], vector<16xf32>,
      %add3A_227 = arith.constant 6 : i32
      %add3A_228 = vector.broadcast %add3A_227 : i32 to vector<16xi32>
      %add3A_229 = arith.addi %get3A_123, %add3A_228 : vector<16xi32>
      %gather3A_230 = tpu.vector_load_idx %arg19[%add3A_106, %add3A_229] : memref<128x128xf32, #tpu.memory_space<vmem>>[vector<16xi32>, vector<16xi32>], vector<16xf32>,
      %add3A_231 = arith.addf %gather3A_222, %gather3A_226 : vector<16xf32>
      %sub3A_232 = arith.subf %add3A_231, %gather3A_230 : vector<16xf32>
      %mul3A_233 = arith.mulf %sub3A_232, %sub3A_232 : vector<16xf32>
      %add3A_234 = arith.addf %add3A_218, %mul3A_233 : vector<16xf32>
      %add3A_235 = arith.constant 7 : i32
      %add3A_236 = vector.broadcast %add3A_235 : i32 to vector<16xi32>
      %add3A_237 = arith.addi %get3A_111, %add3A_236 : vector<16xi32>
      %gather3A_238 = tpu.vector_load_idx %arg17[%add3A_106, %add3A_237] : memref<128x128xf32, #tpu.memory_space<vmem>>[vector<16xi32>, vector<16xi32>], vector<16xf32>,
      %add3A_239 = arith.constant 7 : i32
      %add3A_240 = vector.broadcast %add3A_239 : i32 to vector<16xi32>
      %add3A_241 = arith.addi %get3A_117, %add3A_240 : vector<16xi32>
      %gather3A_242 = tpu.vector_load_idx %arg18[%add3A_106, %add3A_241] : memref<128x128xf32, #tpu.memory_space<vmem>>[vector<16xi32>, vector<16xi32>], vector<16xf32>,
      %add3A_243 = arith.constant 7 : i32
      %add3A_244 = vector.broadcast %add3A_243 : i32 to vector<16xi32>
      %add3A_245 = arith.addi %get3A_123, %add3A_244 : vector<16xi32>
      %gather3A_246 = tpu.vector_load_idx %arg19[%add3A_106, %add3A_245] : memref<128x128xf32, #tpu.memory_space<vmem>>[vector<16xi32>, vector<16xi32>], vector<16xf32>,
      %add3A_247 = arith.addf %gather3A_238, %gather3A_242 : vector<16xf32>
      %sub3A_248 = arith.subf %add3A_247, %gather3A_246 : vector<16xf32>
      %mul3A_249 = arith.mulf %sub3A_248, %sub3A_248 : vector<16xf32>
      %add3A_250 = arith.addf %add3A_234, %mul3A_249 : vector<16xf32>
      %add3A_251 = arith.constant 8 : i32
      %add3A_252 = vector.broadcast %add3A_251 : i32 to vector<16xi32>
      %add3A_253 = arith.addi %get3A_111, %add3A_252 : vector<16xi32>
      %gather3A_254 = tpu.vector_load_idx %arg17[%add3A_106, %add3A_253] : memref<128x128xf32, #tpu.memory_space<vmem>>[vector<16xi32>, vector<16xi32>], vector<16xf32>,
      %add3A_255 = arith.constant 8 : i32
      %add3A_256 = vector.broadcast %add3A_255 : i32 to vector<16xi32>
      %add3A_257 = arith.addi %get3A_117, %add3A_256 : vector<16xi32>
      %gather3A_258 = tpu.vector_load_idx %arg18[%add3A_106, %add3A_257] : memref<128x128xf32, #tpu.memory_space<vmem>>[vector<16xi32>, vector<16xi32>], vector<16xf32>,
      %add3A_259 = arith.constant 8 : i32
      %add3A_260 = vector.broadcast %add3A_259 : i32 to vector<16xi32>
      %add3A_261 = arith.addi %get3A_123, %add3A_260 : vector<16xi32>
      %gather3A_262 = tpu.vector_load_idx %arg19[%add3A_106, %add3A_261] : memref<128x128xf32, #tpu.memory_space<vmem>>[vector<16xi32>, vector<16xi32>], vector<16xf32>,
      %add3A_263 = arith.addf %gather3A_254, %gather3A_258 : vector<16xf32>
      %sub3A_264 = arith.subf %add3A_263, %gather3A_262 : vector<16xf32>
      %mul3A_265 = arith.mulf %sub3A_264, %sub3A_264 : vector<16xf32>
      %add3A_266 = arith.addf %add3A_250, %mul3A_265 : vector<16xf32>
      %add3A_267 = arith.constant 9 : i32
      %add3A_268 = vector.broadcast %add3A_267 : i32 to vector<16xi32>
      %add3A_269 = arith.addi %get3A_111, %add3A_268 : vector<16xi32>
      %gather3A_270 = tpu.vector_load_idx %arg17[%add3A_106, %add3A_269] : memref<128x128xf32, #tpu.memory_space<vmem>>[vector<16xi32>, vector<16xi32>], vector<16xf32>,
      %add3A_271 = arith.constant 9 : i32
      %add3A_272 = vector.broadcast %add3A_271 : i32 to vector<16xi32>
      %add3A_273 = arith.addi %get3A_117, %add3A_272 : vector<16xi32>
      %gather3A_274 = tpu.vector_load_idx %arg18[%add3A_106, %add3A_273] : memref<128x128xf32, #tpu.memory_space<vmem>>[vector<16xi32>, vector<16xi32>], vector<16xf32>,
      %add3A_275 = arith.constant 9 : i32
      %add3A_276 = vector.broadcast %add3A_275 : i32 to vector<16xi32>
      %add3A_277 = arith.addi %get3A_123, %add3A_276 : vector<16xi32>
      %gather3A_278 = tpu.vector_load_idx %arg19[%add3A_106, %add3A_277] : memref<128x128xf32, #tpu.memory_space<vmem>>[vector<16xi32>, vector<16xi32>], vector<16xf32>,
      %add3A_279 = arith.addf %gather3A_270, %gather3A_274 : vector<16xf32>
      %sub3A_280 = arith.subf %add3A_279, %gather3A_278 : vector<16xf32>
      %mul3A_281 = arith.mulf %sub3A_280, %sub3A_280 : vector<16xf32>
      %add3A_282 = arith.addf %add3A_266, %mul3A_281 : vector<16xf32>
      %add3A_283 = arith.constant 10 : i32
      %add3A_284 = vector.broadcast %add3A_283 : i32 to vector<16xi32>
      %add3A_285 = arith.addi %get3A_111, %add3A_284 : vector<16xi32>
      %gather3A_286 = tpu.vector_load_idx %arg17[%add3A_106, %add3A_285] : memref<128x128xf32, #tpu.memory_space<vmem>>[vector<16xi32>, vector<16xi32>], vector<16xf32>,
      %add3A_287 = arith.constant 10 : i32
      %add3A_288 = vector.broadcast %add3A_287 : i32 to vector<16xi32>
      %add3A_289 = arith.addi %get3A_117, %add3A_288 : vector<16xi32>
      %gather3A_290 = tpu.vector_load_idx %arg18[%add3A_106, %add3A_289] : memref<128x128xf32, #tpu.memory_space<vmem>>[vector<16xi32>, vector<16xi32>], vector<16xf32>,
      %add3A_291 = arith.constant 10 : i32
      %add3A_292 = vector.broadcast %add3A_291 : i32 to vector<16xi32>
      %add3A_293 = arith.addi %get3A_123, %add3A_292 : vector<16xi32>
      %gather3A_294 = tpu.vector_load_idx %arg19[%add3A_106, %add3A_293] : memref<128x128xf32, #tpu.memory_space<vmem>>[vector<16xi32>, vector<16xi32>], vector<16xf32>,
      %add3A_295 = arith.addf %gather3A_286, %gather3A_290 : vector<16xf32>
      %sub3A_296 = arith.subf %add3A_295, %gather3A_294 : vector<16xf32>
      %mul3A_297 = arith.mulf %sub3A_296, %sub3A_296 : vector<16xf32>
      %add3A_298 = arith.addf %add3A_282, %mul3A_297 : vector<16xf32>
      %add3A_299 = arith.constant 11 : i32
      %add3A_300 = vector.broadcast %add3A_299 : i32 to vector<16xi32>
      %add3A_301 = arith.addi %get3A_111, %add3A_300 : vector<16xi32>
      %gather3A_302 = tpu.vector_load_idx %arg17[%add3A_106, %add3A_301] : memref<128x128xf32, #tpu.memory_space<vmem>>[vector<16xi32>, vector<16xi32>], vector<16xf32>,
      %add3A_303 = arith.constant 11 : i32
      %add3A_304 = vector.broadcast %add3A_303 : i32 to vector<16xi32>
      %add3A_305 = arith.addi %get3A_117, %add3A_304 : vector<16xi32>
      %gather3A_306 = tpu.vector_load_idx %arg18[%add3A_106, %add3A_305] : memref<128x128xf32, #tpu.memory_space<vmem>>[vector<16xi32>, vector<16xi32>], vector<16xf32>,
      %add3A_307 = arith.constant 11 : i32
      %add3A_308 = vector.broadcast %add3A_307 : i32 to vector<16xi32>
      %add3A_309 = arith.addi %get3A_123, %add3A_308 : vector<16xi32>
      %gather3A_310 = tpu.vector_load_idx %arg19[%add3A_106, %add3A_309] : memref<128x128xf32, #tpu.memory_space<vmem>>[vector<16xi32>, vector<16xi32>], vector<16xf32>,
      %add3A_311 = arith.addf %gather3A_302, %gather3A_306 : vector<16xf32>
      %sub3A_312 = arith.subf %add3A_311, %gather3A_310 : vector<16xf32>
      %mul3A_313 = arith.mulf %sub3A_312, %sub3A_312 : vector<16xf32>
      %add3A_314 = arith.addf %add3A_298, %mul3A_313 : vector<16xf32>
      %add3A_315 = arith.constant 12 : i32
      %add3A_316 = vector.broadcast %add3A_315 : i32 to vector<16xi32>
      %add3A_317 = arith.addi %get3A_111, %add3A_316 : vector<16xi32>
      %gather3A_318 = tpu.vector_load_idx %arg17[%add3A_106, %add3A_317] : memref<128x128xf32, #tpu.memory_space<vmem>>[vector<16xi32>, vector<16xi32>], vector<16xf32>,
      %add3A_319 = arith.constant 12 : i32
      %add3A_320 = vector.broadcast %add3A_319 : i32 to vector<16xi32>
      %add3A_321 = arith.addi %get3A_117, %add3A_320 : vector<16xi32>
      %gather3A_322 = tpu.vector_load_idx %arg18[%add3A_106, %add3A_321] : memref<128x128xf32, #tpu.memory_space<vmem>>[vector<16xi32>, vector<16xi32>], vector<16xf32>,
      %add3A_323 = arith.constant 12 : i32
      %add3A_324 = vector.broadcast %add3A_323 : i32 to vector<16xi32>
      %add3A_325 = arith.addi %get3A_123, %add3A_324 : vector<16xi32>
      %gather3A_326 = tpu.vector_load_idx %arg19[%add3A_106, %add3A_325] : memref<128x128xf32, #tpu.memory_space<vmem>>[vector<16xi32>, vector<16xi32>], vector<16xf32>,
      %add3A_327 = arith.addf %gather3A_318, %gather3A_322 : vector<16xf32>
      %sub3A_328 = arith.subf %add3A_327, %gather3A_326 : vector<16xf32>
      %mul3A_329 = arith.mulf %sub3A_328, %sub3A_328 : vector<16xf32>
      %add3A_330 = arith.addf %add3A_314, %mul3A_329 : vector<16xf32>
      %add3A_331 = arith.constant 13 : i32
      %add3A_332 = vector.broadcast %add3A_331 : i32 to vector<16xi32>
      %add3A_333 = arith.addi %get3A_111, %add3A_332 : vector<16xi32>
      %gather3A_334 = tpu.vector_load_idx %arg17[%add3A_106, %add3A_333] : memref<128x128xf32, #tpu.memory_space<vmem>>[vector<16xi32>, vector<16xi32>], vector<16xf32>,
      %add3A_335 = arith.constant 13 : i32
      %add3A_336 = vector.broadcast %add3A_335 : i32 to vector<16xi32>
      %add3A_337 = arith.addi %get3A_117, %add3A_336 : vector<16xi32>
      %gather3A_338 = tpu.vector_load_idx %arg18[%add3A_106, %add3A_337] : memref<128x128xf32, #tpu.memory_space<vmem>>[vector<16xi32>, vector<16xi32>], vector<16xf32>,
      %add3A_339 = arith.constant 13 : i32
      %add3A_340 = vector.broadcast %add3A_339 : i32 to vector<16xi32>
      %add3A_341 = arith.addi %get3A_123, %add3A_340 : vector<16xi32>
      %gather3A_342 = tpu.vector_load_idx %arg19[%add3A_106, %add3A_341] : memref<128x128xf32, #tpu.memory_space<vmem>>[vector<16xi32>, vector<16xi32>], vector<16xf32>,
      %add3A_343 = arith.addf %gather3A_334, %gather3A_338 : vector<16xf32>
      %sub3A_344 = arith.subf %add3A_343, %gather3A_342 : vector<16xf32>
      %mul3A_345 = arith.mulf %sub3A_344, %sub3A_344 : vector<16xf32>
      %add3A_346 = arith.addf %add3A_330, %mul3A_345 : vector<16xf32>
      %add3A_347 = arith.constant 14 : i32
      %add3A_348 = vector.broadcast %add3A_347 : i32 to vector<16xi32>
      %add3A_349 = arith.addi %get3A_111, %add3A_348 : vector<16xi32>
      %gather3A_350 = tpu.vector_load_idx %arg17[%add3A_106, %add3A_349] : memref<128x128xf32, #tpu.memory_space<vmem>>[vector<16xi32>, vector<16xi32>], vector<16xf32>,
      %add3A_351 = arith.constant 14 : i32
      %add3A_352 = vector.broadcast %add3A_351 : i32 to vector<16xi32>
      %add3A_353 = arith.addi %get3A_117, %add3A_352 : vector<16xi32>
      %gather3A_354 = tpu.vector_load_idx %arg18[%add3A_106, %add3A_353] : memref<128x128xf32, #tpu.memory_space<vmem>>[vector<16xi32>, vector<16xi32>], vector<16xf32>,
      %add3A_355 = arith.constant 14 : i32
      %add3A_356 = vector.broadcast %add3A_355 : i32 to vector<16xi32>
      %add3A_357 = arith.addi %get3A_123, %add3A_356 : vector<16xi32>
      %gather3A_358 = tpu.vector_load_idx %arg19[%add3A_106, %add3A_357] : memref<128x128xf32, #tpu.memory_space<vmem>>[vector<16xi32>, vector<16xi32>], vector<16xf32>,
      %add3A_359 = arith.addf %gather3A_350, %gather3A_354 : vector<16xf32>
      %sub3A_360 = arith.subf %add3A_359, %gather3A_358 : vector<16xf32>
      %mul3A_361 = arith.mulf %sub3A_360, %sub3A_360 : vector<16xf32>
      %add3A_362 = arith.addf %add3A_346, %mul3A_361 : vector<16xf32>
      %add3A_363 = arith.constant 15 : i32
      %add3A_364 = vector.broadcast %add3A_363 : i32 to vector<16xi32>
      %add3A_365 = arith.addi %get3A_111, %add3A_364 : vector<16xi32>
      %gather3A_366 = tpu.vector_load_idx %arg17[%add3A_106, %add3A_365] : memref<128x128xf32, #tpu.memory_space<vmem>>[vector<16xi32>, vector<16xi32>], vector<16xf32>,
      %add3A_367 = arith.constant 15 : i32
      %add3A_368 = vector.broadcast %add3A_367 : i32 to vector<16xi32>
      %add3A_369 = arith.addi %get3A_117, %add3A_368 : vector<16xi32>
      %gather3A_370 = tpu.vector_load_idx %arg18[%add3A_106, %add3A_369] : memref<128x128xf32, #tpu.memory_space<vmem>>[vector<16xi32>, vector<16xi32>], vector<16xf32>,
      %add3A_371 = arith.constant 15 : i32
      %add3A_372 = vector.broadcast %add3A_371 : i32 to vector<16xi32>
      %add3A_373 = arith.addi %get3A_123, %add3A_372 : vector<16xi32>
      %gather3A_374 = tpu.vector_load_idx %arg19[%add3A_106, %add3A_373] : memref<128x128xf32, #tpu.memory_space<vmem>>[vector<16xi32>, vector<16xi32>], vector<16xf32>,
      %add3A_375 = arith.addf %gather3A_366, %gather3A_370 : vector<16xf32>
      %sub3A_376 = arith.subf %add3A_375, %gather3A_374 : vector<16xf32>
      %mul3A_377 = arith.mulf %sub3A_376, %sub3A_376 : vector<16xf32>
      %add3A_378 = arith.addf %add3A_362, %mul3A_377 : vector<16xf32>
      %add3A_379 = arith.constant 16 : i32
      %add3A_380 = vector.broadcast %add3A_379 : i32 to vector<16xi32>
      %add3A_381 = arith.addi %get3A_111, %add3A_380 : vector<16xi32>
      %gather3A_382 = tpu.vector_load_idx %arg17[%add3A_106, %add3A_381] : memref<128x128xf32, #tpu.memory_space<vmem>>[vector<16xi32>, vector<16xi32>], vector<16xf32>,
      %add3A_383 = arith.constant 16 : i32
      %add3A_384 = vector.broadcast %add3A_383 : i32 to vector<16xi32>
      %add3A_385 = arith.addi %get3A_117, %add3A_384 : vector<16xi32>
      %gather3A_386 = tpu.vector_load_idx %arg18[%add3A_106, %add3A_385] : memref<128x128xf32, #tpu.memory_space<vmem>>[vector<16xi32>, vector<16xi32>], vector<16xf32>,
      %add3A_387 = arith.constant 16 : i32
      %add3A_388 = vector.broadcast %add3A_387 : i32 to vector<16xi32>
      %add3A_389 = arith.addi %get3A_123, %add3A_388 : vector<16xi32>
      %gather3A_390 = tpu.vector_load_idx %arg19[%add3A_106, %add3A_389] : memref<128x128xf32, #tpu.memory_space<vmem>>[vector<16xi32>, vector<16xi32>], vector<16xf32>,
      %add3A_391 = arith.addf %gather3A_382, %gather3A_386 : vector<16xf32>
      %sub3A_392 = arith.subf %add3A_391, %gather3A_390 : vector<16xf32>
      %mul3A_393 = arith.mulf %sub3A_392, %sub3A_392 : vector<16xf32>
      %add3A_394 = arith.addf %add3A_378, %mul3A_393 : vector<16xf32>
      %add3A_395 = arith.constant 17 : i32
      %add3A_396 = vector.broadcast %add3A_395 : i32 to vector<16xi32>
      %add3A_397 = arith.addi %get3A_111, %add3A_396 : vector<16xi32>
      %gather3A_398 = tpu.vector_load_idx %arg17[%add3A_106, %add3A_397] : memref<128x128xf32, #tpu.memory_space<vmem>>[vector<16xi32>, vector<16xi32>], vector<16xf32>,
      %add3A_399 = arith.constant 17 : i32
      %add3A_400 = vector.broadcast %add3A_399 : i32 to vector<16xi32>
      %add3A_401 = arith.addi %get3A_117, %add3A_400 : vector<16xi32>
      %gather3A_402 = tpu.vector_load_idx %arg18[%add3A_106, %add3A_401] : memref<128x128xf32, #tpu.memory_space<vmem>>[vector<16xi32>, vector<16xi32>], vector<16xf32>,
      %add3A_403 = arith.constant 17 : i32
      %add3A_404 = vector.broadcast %add3A_403 : i32 to vector<16xi32>
      %add3A_405 = arith.addi %get3A_123, %add3A_404 : vector<16xi32>
      %gather3A_406 = tpu.vector_load_idx %arg19[%add3A_106, %add3A_405] : memref<128x128xf32, #tpu.memory_space<vmem>>[vector<16xi32>, vector<16xi32>], vector<16xf32>,
      %add3A_407 = arith.addf %gather3A_398, %gather3A_402 : vector<16xf32>
      %sub3A_408 = arith.subf %add3A_407, %gather3A_406 : vector<16xf32>
      %mul3A_409 = arith.mulf %sub3A_408, %sub3A_408 : vector<16xf32>
      %add3A_410 = arith.addf %add3A_394, %mul3A_409 : vector<16xf32>
      %add3A_411 = arith.constant 18 : i32
      %add3A_412 = vector.broadcast %add3A_411 : i32 to vector<16xi32>
      %add3A_413 = arith.addi %get3A_111, %add3A_412 : vector<16xi32>
      %gather3A_414 = tpu.vector_load_idx %arg17[%add3A_106, %add3A_413] : memref<128x128xf32, #tpu.memory_space<vmem>>[vector<16xi32>, vector<16xi32>], vector<16xf32>,
      %add3A_415 = arith.constant 18 : i32
      %add3A_416 = vector.broadcast %add3A_415 : i32 to vector<16xi32>
      %add3A_417 = arith.addi %get3A_117, %add3A_416 : vector<16xi32>
      %gather3A_418 = tpu.vector_load_idx %arg18[%add3A_106, %add3A_417] : memref<128x128xf32, #tpu.memory_space<vmem>>[vector<16xi32>, vector<16xi32>], vector<16xf32>,
      %add3A_419 = arith.constant 18 : i32
      %add3A_420 = vector.broadcast %add3A_419 : i32 to vector<16xi32>
      %add3A_421 = arith.addi %get3A_123, %add3A_420 : vector<16xi32>
      %gather3A_422 = tpu.vector_load_idx %arg19[%add3A_106, %add3A_421] : memref<128x128xf32, #tpu.memory_space<vmem>>[vector<16xi32>, vector<16xi32>], vector<16xf32>,
      %add3A_423 = arith.addf %gather3A_414, %gather3A_418 : vector<16xf32>
      %sub3A_424 = arith.subf %add3A_423, %gather3A_422 : vector<16xf32>
      %mul3A_425 = arith.mulf %sub3A_424, %sub3A_424 : vector<16xf32>
      %add3A_426 = arith.addf %add3A_410, %mul3A_425 : vector<16xf32>
      %add3A_427 = arith.constant 19 : i32
      %add3A_428 = vector.broadcast %add3A_427 : i32 to vector<16xi32>
      %add3A_429 = arith.addi %get3A_111, %add3A_428 : vector<16xi32>
      %gather3A_430 = tpu.vector_load_idx %arg17[%add3A_106, %add3A_429] : memref<128x128xf32, #tpu.memory_space<vmem>>[vector<16xi32>, vector<16xi32>], vector<16xf32>,
      %add3A_431 = arith.constant 19 : i32
      %add3A_432 = vector.broadcast %add3A_431 : i32 to vector<16xi32>
      %add3A_433 = arith.addi %get3A_117, %add3A_432 : vector<16xi32>
      %gather3A_434 = tpu.vector_load_idx %arg18[%add3A_106, %add3A_433] : memref<128x128xf32, #tpu.memory_space<vmem>>[vector<16xi32>, vector<16xi32>], vector<16xf32>,
      %add3A_435 = arith.constant 19 : i32
      %add3A_436 = vector.broadcast %add3A_435 : i32 to vector<16xi32>
      %add3A_437 = arith.addi %get3A_123, %add3A_436 : vector<16xi32>
      %gather3A_438 = tpu.vector_load_idx %arg19[%add3A_106, %add3A_437] : memref<128x128xf32, #tpu.memory_space<vmem>>[vector<16xi32>, vector<16xi32>], vector<16xf32>,
      %add3A_439 = arith.addf %gather3A_430, %gather3A_434 : vector<16xf32>
      %sub3A_440 = arith.subf %add3A_439, %gather3A_438 : vector<16xf32>
      %mul3A_441 = arith.mulf %sub3A_440, %sub3A_440 : vector<16xf32>
      %add3A_442 = arith.addf %add3A_426, %mul3A_441 : vector<16xf32>
      %add3A_443 = arith.constant 20 : i32
      %add3A_444 = vector.broadcast %add3A_443 : i32 to vector<16xi32>
      %add3A_445 = arith.addi %get3A_111, %add3A_444 : vector<16xi32>
      %gather3A_446 = tpu.vector_load_idx %arg17[%add3A_106, %add3A_445] : memref<128x128xf32, #tpu.memory_space<vmem>>[vector<16xi32>, vector<16xi32>], vector<16xf32>,
      %add3A_447 = arith.constant 20 : i32
      %add3A_448 = vector.broadcast %add3A_447 : i32 to vector<16xi32>
      %add3A_449 = arith.addi %get3A_117, %add3A_448 : vector<16xi32>
      %gather3A_450 = tpu.vector_load_idx %arg18[%add3A_106, %add3A_449] : memref<128x128xf32, #tpu.memory_space<vmem>>[vector<16xi32>, vector<16xi32>], vector<16xf32>,
      %add3A_451 = arith.constant 20 : i32
      %add3A_452 = vector.broadcast %add3A_451 : i32 to vector<16xi32>
      %add3A_453 = arith.addi %get3A_123, %add3A_452 : vector<16xi32>
      %gather3A_454 = tpu.vector_load_idx %arg19[%add3A_106, %add3A_453] : memref<128x128xf32, #tpu.memory_space<vmem>>[vector<16xi32>, vector<16xi32>], vector<16xf32>,
      %add3A_455 = arith.addf %gather3A_446, %gather3A_450 : vector<16xf32>
      %sub3A_456 = arith.subf %add3A_455, %gather3A_454 : vector<16xf32>
      %mul3A_457 = arith.mulf %sub3A_456, %sub3A_456 : vector<16xf32>
      %add3A_458 = arith.addf %add3A_442, %mul3A_457 : vector<16xf32>
      %add3A_459 = arith.constant 21 : i32
      %add3A_460 = vector.broadcast %add3A_459 : i32 to vector<16xi32>
      %add3A_461 = arith.addi %get3A_111, %add3A_460 : vector<16xi32>
      %gather3A_462 = tpu.vector_load_idx %arg17[%add3A_106, %add3A_461] : memref<128x128xf32, #tpu.memory_space<vmem>>[vector<16xi32>, vector<16xi32>], vector<16xf32>,
      %add3A_463 = arith.constant 21 : i32
      %add3A_464 = vector.broadcast %add3A_463 : i32 to vector<16xi32>
      %add3A_465 = arith.addi %get3A_117, %add3A_464 : vector<16xi32>
      %gather3A_466 = tpu.vector_load_idx %arg18[%add3A_106, %add3A_465] : memref<128x128xf32, #tpu.memory_space<vmem>>[vector<16xi32>, vector<16xi32>], vector<16xf32>,
      %add3A_467 = arith.constant 21 : i32
      %add3A_468 = vector.broadcast %add3A_467 : i32 to vector<16xi32>
      %add3A_469 = arith.addi %get3A_123, %add3A_468 : vector<16xi32>
      %gather3A_470 = tpu.vector_load_idx %arg19[%add3A_106, %add3A_469] : memref<128x128xf32, #tpu.memory_space<vmem>>[vector<16xi32>, vector<16xi32>], vector<16xf32>,
      %add3A_471 = arith.addf %gather3A_462, %gather3A_466 : vector<16xf32>
      %sub3A_472 = arith.subf %add3A_471, %gather3A_470 : vector<16xf32>
      %mul3A_473 = arith.mulf %sub3A_472, %sub3A_472 : vector<16xf32>
      %add3A_474 = arith.addf %add3A_458, %mul3A_473 : vector<16xf32>
      %add3A_475 = arith.constant 22 : i32
      %add3A_476 = vector.broadcast %add3A_475 : i32 to vector<16xi32>
      %add3A_477 = arith.addi %get3A_111, %add3A_476 : vector<16xi32>
      %gather3A_478 = tpu.vector_load_idx %arg17[%add3A_106, %add3A_477] : memref<128x128xf32, #tpu.memory_space<vmem>>[vector<16xi32>, vector<16xi32>], vector<16xf32>,
      %add3A_479 = arith.constant 22 : i32
      %add3A_480 = vector.broadcast %add3A_479 : i32 to vector<16xi32>
      %add3A_481 = arith.addi %get3A_117, %add3A_480 : vector<16xi32>
      %gather3A_482 = tpu.vector_load_idx %arg18[%add3A_106, %add3A_481] : memref<128x128xf32, #tpu.memory_space<vmem>>[vector<16xi32>, vector<16xi32>], vector<16xf32>,
      %add3A_483 = arith.constant 22 : i32
      %add3A_484 = vector.broadcast %add3A_483 : i32 to vector<16xi32>
      %add3A_485 = arith.addi %get3A_123, %add3A_484 : vector<16xi32>
      %gather3A_486 = tpu.vector_load_idx %arg19[%add3A_106, %add3A_485] : memref<128x128xf32, #tpu.memory_space<vmem>>[vector<16xi32>, vector<16xi32>], vector<16xf32>,
      %add3A_487 = arith.addf %gather3A_478, %gather3A_482 : vector<16xf32>
      %sub3A_488 = arith.subf %add3A_487, %gather3A_486 : vector<16xf32>
      %mul3A_489 = arith.mulf %sub3A_488, %sub3A_488 : vector<16xf32>
      %add3A_490 = arith.addf %add3A_474, %mul3A_489 : vector<16xf32>
      %add3A_491 = arith.constant 23 : i32
      %add3A_492 = vector.broadcast %add3A_491 : i32 to vector<16xi32>
      %add3A_493 = arith.addi %get3A_111, %add3A_492 : vector<16xi32>
      %gather3A_494 = tpu.vector_load_idx %arg17[%add3A_106, %add3A_493] : memref<128x128xf32, #tpu.memory_space<vmem>>[vector<16xi32>, vector<16xi32>], vector<16xf32>,
      %add3A_495 = arith.constant 23 : i32
      %add3A_496 = vector.broadcast %add3A_495 : i32 to vector<16xi32>
      %add3A_497 = arith.addi %get3A_117, %add3A_496 : vector<16xi32>
      %gather3A_498 = tpu.vector_load_idx %arg18[%add3A_106, %add3A_497] : memref<128x128xf32, #tpu.memory_space<vmem>>[vector<16xi32>, vector<16xi32>], vector<16xf32>,
      %add3A_499 = arith.constant 23 : i32
      %add3A_500 = vector.broadcast %add3A_499 : i32 to vector<16xi32>
      %add3A_501 = arith.addi %get3A_123, %add3A_500 : vector<16xi32>
      %gather3A_502 = tpu.vector_load_idx %arg19[%add3A_106, %add3A_501] : memref<128x128xf32, #tpu.memory_space<vmem>>[vector<16xi32>, vector<16xi32>], vector<16xf32>,
      %add3A_503 = arith.addf %gather3A_494, %gather3A_498 : vector<16xf32>
      %sub3A_504 = arith.subf %add3A_503, %gather3A_502 : vector<16xf32>
      %mul3A_505 = arith.mulf %sub3A_504, %sub3A_504 : vector<16xf32>
      %add3A_506 = arith.addf %add3A_490, %mul3A_505 : vector<16xf32>
      %add3A_507 = arith.constant 24 : i32
      %add3A_508 = vector.broadcast %add3A_507 : i32 to vector<16xi32>
      %add3A_509 = arith.addi %get3A_111, %add3A_508 : vector<16xi32>
      %gather3A_510 = tpu.vector_load_idx %arg17[%add3A_106, %add3A_509] : memref<128x128xf32, #tpu.memory_space<vmem>>[vector<16xi32>, vector<16xi32>], vector<16xf32>,
      %add3A_511 = arith.constant 24 : i32
      %add3A_512 = vector.broadcast %add3A_511 : i32 to vector<16xi32>
      %add3A_513 = arith.addi %get3A_117, %add3A_512 : vector<16xi32>
      %gather3A_514 = tpu.vector_load_idx %arg18[%add3A_106, %add3A_513] : memref<128x128xf32, #tpu.memory_space<vmem>>[vector<16xi32>, vector<16xi32>], vector<16xf32>,
      %add3A_515 = arith.constant 24 : i32
      %add3A_516 = vector.broadcast %add3A_515 : i32 to vector<16xi32>
      %add3A_517 = arith.addi %get3A_123, %add3A_516 : vector<16xi32>
      %gather3A_518 = tpu.vector_load_idx %arg19[%add3A_106, %add3A_517] : memref<128x128xf32, #tpu.memory_space<vmem>>[vector<16xi32>, vector<16xi32>], vector<16xf32>,
      %add3A_519 = arith.addf %gather3A_510, %gather3A_514 : vector<16xf32>
      %sub3A_520 = arith.subf %add3A_519, %gather3A_518 : vector<16xf32>
      %mul3A_521 = arith.mulf %sub3A_520, %sub3A_520 : vector<16xf32>
      %add3A_522 = arith.addf %add3A_506, %mul3A_521 : vector<16xf32>
      %add3A_523 = arith.constant 25 : i32
      %add3A_524 = vector.broadcast %add3A_523 : i32 to vector<16xi32>
      %add3A_525 = arith.addi %get3A_111, %add3A_524 : vector<16xi32>
      %gather3A_526 = tpu.vector_load_idx %arg17[%add3A_106, %add3A_525] : memref<128x128xf32, #tpu.memory_space<vmem>>[vector<16xi32>, vector<16xi32>], vector<16xf32>,
      %add3A_527 = arith.constant 25 : i32
      %add3A_528 = vector.broadcast %add3A_527 : i32 to vector<16xi32>
      %add3A_529 = arith.addi %get3A_117, %add3A_528 : vector<16xi32>
      %gather3A_530 = tpu.vector_load_idx %arg18[%add3A_106, %add3A_529] : memref<128x128xf32, #tpu.memory_space<vmem>>[vector<16xi32>, vector<16xi32>], vector<16xf32>,
      %add3A_531 = arith.constant 25 : i32
      %add3A_532 = vector.broadcast %add3A_531 : i32 to vector<16xi32>
      %add3A_533 = arith.addi %get3A_123, %add3A_532 : vector<16xi32>
      %gather3A_534 = tpu.vector_load_idx %arg19[%add3A_106, %add3A_533] : memref<128x128xf32, #tpu.memory_space<vmem>>[vector<16xi32>, vector<16xi32>], vector<16xf32>,
      %add3A_535 = arith.addf %gather3A_526, %gather3A_530 : vector<16xf32>
      %sub3A_536 = arith.subf %add3A_535, %gather3A_534 : vector<16xf32>
      %mul3A_537 = arith.mulf %sub3A_536, %sub3A_536 : vector<16xf32>
      %add3A_538 = arith.addf %add3A_522, %mul3A_537 : vector<16xf32>
      %add3A_539 = arith.constant 26 : i32
      %add3A_540 = vector.broadcast %add3A_539 : i32 to vector<16xi32>
      %add3A_541 = arith.addi %get3A_111, %add3A_540 : vector<16xi32>
      %gather3A_542 = tpu.vector_load_idx %arg17[%add3A_106, %add3A_541] : memref<128x128xf32, #tpu.memory_space<vmem>>[vector<16xi32>, vector<16xi32>], vector<16xf32>,
      %add3A_543 = arith.constant 26 : i32
      %add3A_544 = vector.broadcast %add3A_543 : i32 to vector<16xi32>
      %add3A_545 = arith.addi %get3A_117, %add3A_544 : vector<16xi32>
      %gather3A_546 = tpu.vector_load_idx %arg18[%add3A_106, %add3A_545] : memref<128x128xf32, #tpu.memory_space<vmem>>[vector<16xi32>, vector<16xi32>], vector<16xf32>,
      %add3A_547 = arith.constant 26 : i32
      %add3A_548 = vector.broadcast %add3A_547 : i32 to vector<16xi32>
      %add3A_549 = arith.addi %get3A_123, %add3A_548 : vector<16xi32>
      %gather3A_550 = tpu.vector_load_idx %arg19[%add3A_106, %add3A_549] : memref<128x128xf32, #tpu.memory_space<vmem>>[vector<16xi32>, vector<16xi32>], vector<16xf32>,
      %add3A_551 = arith.addf %gather3A_542, %gather3A_546 : vector<16xf32>
      %sub3A_552 = arith.subf %add3A_551, %gather3A_550 : vector<16xf32>
      %mul3A_553 = arith.mulf %sub3A_552, %sub3A_552 : vector<16xf32>
      %add3A_554 = arith.addf %add3A_538, %mul3A_553 : vector<16xf32>
      %add3A_555 = arith.constant 27 : i32
      %add3A_556 = vector.broadcast %add3A_555 : i32 to vector<16xi32>
      %add3A_557 = arith.addi %get3A_111, %add3A_556 : vector<16xi32>
      %gather3A_558 = tpu.vector_load_idx %arg17[%add3A_106, %add3A_557] : memref<128x128xf32, #tpu.memory_space<vmem>>[vector<16xi32>, vector<16xi32>], vector<16xf32>,
      %add3A_559 = arith.constant 27 : i32
      %add3A_560 = vector.broadcast %add3A_559 : i32 to vector<16xi32>
      %add3A_561 = arith.addi %get3A_117, %add3A_560 : vector<16xi32>
      %gather3A_562 = tpu.vector_load_idx %arg18[%add3A_106, %add3A_561] : memref<128x128xf32, #tpu.memory_space<vmem>>[vector<16xi32>, vector<16xi32>], vector<16xf32>,
      %add3A_563 = arith.constant 27 : i32
      %add3A_564 = vector.broadcast %add3A_563 : i32 to vector<16xi32>
      %add3A_565 = arith.addi %get3A_123, %add3A_564 : vector<16xi32>
      %gather3A_566 = tpu.vector_load_idx %arg19[%add3A_106, %add3A_565] : memref<128x128xf32, #tpu.memory_space<vmem>>[vector<16xi32>, vector<16xi32>], vector<16xf32>,
      %add3A_567 = arith.addf %gather3A_558, %gather3A_562 : vector<16xf32>
      %sub3A_568 = arith.subf %add3A_567, %gather3A_566 : vector<16xf32>
      %mul3A_569 = arith.mulf %sub3A_568, %sub3A_568 : vector<16xf32>
      %add3A_570 = arith.addf %add3A_554, %mul3A_569 : vector<16xf32>
      %add3A_571 = arith.constant 28 : i32
      %add3A_572 = vector.broadcast %add3A_571 : i32 to vector<16xi32>
      %add3A_573 = arith.addi %get3A_111, %add3A_572 : vector<16xi32>
      %gather3A_574 = tpu.vector_load_idx %arg17[%add3A_106, %add3A_573] : memref<128x128xf32, #tpu.memory_space<vmem>>[vector<16xi32>, vector<16xi32>], vector<16xf32>,
      %add3A_575 = arith.constant 28 : i32
      %add3A_576 = vector.broadcast %add3A_575 : i32 to vector<16xi32>
      %add3A_577 = arith.addi %get3A_117, %add3A_576 : vector<16xi32>
      %gather3A_578 = tpu.vector_load_idx %arg18[%add3A_106, %add3A_577] : memref<128x128xf32, #tpu.memory_space<vmem>>[vector<16xi32>, vector<16xi32>], vector<16xf32>,
      %add3A_579 = arith.constant 28 : i32
      %add3A_580 = vector.broadcast %add3A_579 : i32 to vector<16xi32>
      %add3A_581 = arith.addi %get3A_123, %add3A_580 : vector<16xi32>
      %gather3A_582 = tpu.vector_load_idx %arg19[%add3A_106, %add3A_581] : memref<128x128xf32, #tpu.memory_space<vmem>>[vector<16xi32>, vector<16xi32>], vector<16xf32>,
      %add3A_583 = arith.addf %gather3A_574, %gather3A_578 : vector<16xf32>
      %sub3A_584 = arith.subf %add3A_583, %gather3A_582 : vector<16xf32>
      %mul3A_585 = arith.mulf %sub3A_584, %sub3A_584 : vector<16xf32>
      %add3A_586 = arith.addf %add3A_570, %mul3A_585 : vector<16xf32>
      %add3A_587 = arith.constant 29 : i32
      %add3A_588 = vector.broadcast %add3A_587 : i32 to vector<16xi32>
      %add3A_589 = arith.addi %get3A_111, %add3A_588 : vector<16xi32>
      %gather3A_590 = tpu.vector_load_idx %arg17[%add3A_106, %add3A_589] : memref<128x128xf32, #tpu.memory_space<vmem>>[vector<16xi32>, vector<16xi32>], vector<16xf32>,
      %add3A_591 = arith.constant 29 : i32
      %add3A_592 = vector.broadcast %add3A_591 : i32 to vector<16xi32>
      %add3A_593 = arith.addi %get3A_117, %add3A_592 : vector<16xi32>
      %gather3A_594 = tpu.vector_load_idx %arg18[%add3A_106, %add3A_593] : memref<128x128xf32, #tpu.memory_space<vmem>>[vector<16xi32>, vector<16xi32>], vector<16xf32>,
      %add3A_595 = arith.constant 29 : i32
      %add3A_596 = vector.broadcast %add3A_595 : i32 to vector<16xi32>
      %add3A_597 = arith.addi %get3A_123, %add3A_596 : vector<16xi32>
      %gather3A_598 = tpu.vector_load_idx %arg19[%add3A_106, %add3A_597] : memref<128x128xf32, #tpu.memory_space<vmem>>[vector<16xi32>, vector<16xi32>], vector<16xf32>,
      %add3A_599 = arith.addf %gather3A_590, %gather3A_594 : vector<16xf32>
      %sub3A_600 = arith.subf %add3A_599, %gather3A_598 : vector<16xf32>
      %mul3A_601 = arith.mulf %sub3A_600, %sub3A_600 : vector<16xf32>
      %add3A_602 = arith.addf %add3A_586, %mul3A_601 : vector<16xf32>
      %add3A_603 = arith.constant 30 : i32
      %add3A_604 = vector.broadcast %add3A_603 : i32 to vector<16xi32>
      %add3A_605 = arith.addi %get3A_111, %add3A_604 : vector<16xi32>
      %gather3A_606 = tpu.vector_load_idx %arg17[%add3A_106, %add3A_605] : memref<128x128xf32, #tpu.memory_space<vmem>>[vector<16xi32>, vector<16xi32>], vector<16xf32>,
      %add3A_607 = arith.constant 30 : i32
      %add3A_608 = vector.broadcast %add3A_607 : i32 to vector<16xi32>
      %add3A_609 = arith.addi %get3A_117, %add3A_608 : vector<16xi32>
      %gather3A_610 = tpu.vector_load_idx %arg18[%add3A_106, %add3A_609] : memref<128x128xf32, #tpu.memory_space<vmem>>[vector<16xi32>, vector<16xi32>], vector<16xf32>,
      %add3A_611 = arith.constant 30 : i32
      %add3A_612 = vector.broadcast %add3A_611 : i32 to vector<16xi32>
      %add3A_613 = arith.addi %get3A_123, %add3A_612 : vector<16xi32>
      %gather3A_614 = tpu.vector_load_idx %arg19[%add3A_106, %add3A_613] : memref<128x128xf32, #tpu.memory_space<vmem>>[vector<16xi32>, vector<16xi32>], vector<16xf32>,
      %add3A_615 = arith.addf %gather3A_606, %gather3A_610 : vector<16xf32>
      %sub3A_616 = arith.subf %add3A_615, %gather3A_614 : vector<16xf32>
      %mul3A_617 = arith.mulf %sub3A_616, %sub3A_616 : vector<16xf32>
      %add3A_618 = arith.addf %add3A_602, %mul3A_617 : vector<16xf32>
      %add3A_619 = arith.constant 31 : i32
      %add3A_620 = vector.broadcast %add3A_619 : i32 to vector<16xi32>
      %add3A_621 = arith.addi %get3A_111, %add3A_620 : vector<16xi32>
      %gather3A_622 = tpu.vector_load_idx %arg17[%add3A_106, %add3A_621] : memref<128x128xf32, #tpu.memory_space<vmem>>[vector<16xi32>, vector<16xi32>], vector<16xf32>,
      %add3A_623 = arith.constant 31 : i32
      %add3A_624 = vector.broadcast %add3A_623 : i32 to vector<16xi32>
      %add3A_625 = arith.addi %get3A_117, %add3A_624 : vector<16xi32>
      %gather3A_626 = tpu.vector_load_idx %arg18[%add3A_106, %add3A_625] : memref<128x128xf32, #tpu.memory_space<vmem>>[vector<16xi32>, vector<16xi32>], vector<16xf32>,
      %add3A_627 = arith.constant 31 : i32
      %add3A_628 = vector.broadcast %add3A_627 : i32 to vector<16xi32>
      %add3A_629 = arith.addi %get3A_123, %add3A_628 : vector<16xi32>
      %gather3A_630 = tpu.vector_load_idx %arg19[%add3A_106, %add3A_629] : memref<128x128xf32, #tpu.memory_space<vmem>>[vector<16xi32>, vector<16xi32>], vector<16xf32>,
      %add3A_631 = arith.addf %gather3A_622, %gather3A_626 : vector<16xf32>
      %sub3A_632 = arith.subf %add3A_631, %gather3A_630 : vector<16xf32>
      %mul3A_633 = arith.mulf %sub3A_632, %sub3A_632 : vector<16xf32>
      %add3A_634 = arith.addf %add3A_618, %mul3A_633 : vector<16xf32>
      %add3A_635 = arith.constant 32 : i32
      %add3A_636 = vector.broadcast %add3A_635 : i32 to vector<16xi32>
      %add3A_637 = arith.addi %get3A_111, %add3A_636 : vector<16xi32>
      %gather3A_638 = tpu.vector_load_idx %arg17[%add3A_106, %add3A_637] : memref<128x128xf32, #tpu.memory_space<vmem>>[vector<16xi32>, vector<16xi32>], vector<16xf32>,
      %add3A_639 = arith.constant 32 : i32
      %add3A_640 = vector.broadcast %add3A_639 : i32 to vector<16xi32>
      %add3A_641 = arith.addi %get3A_117, %add3A_640 : vector<16xi32>
      %gather3A_642 = tpu.vector_load_idx %arg18[%add3A_106, %add3A_641] : memref<128x128xf32, #tpu.memory_space<vmem>>[vector<16xi32>, vector<16xi32>], vector<16xf32>,
      %add3A_643 = arith.constant 32 : i32
      %add3A_644 = vector.broadcast %add3A_643 : i32 to vector<16xi32>
      %add3A_645 = arith.addi %get3A_123, %add3A_644 : vector<16xi32>
      %gather3A_646 = tpu.vector_load_idx %arg19[%add3A_106, %add3A_645] : memref<128x128xf32, #tpu.memory_space<vmem>>[vector<16xi32>, vector<16xi32>], vector<16xf32>,
      %add3A_647 = arith.addf %gather3A_638, %gather3A_642 : vector<16xf32>
      %sub3A_648 = arith.subf %add3A_647, %gather3A_646 : vector<16xf32>
      %mul3A_649 = arith.mulf %sub3A_648, %sub3A_648 : vector<16xf32>
      %add3A_650 = arith.addf %add3A_634, %mul3A_649 : vector<16xf32>
      %add3A_651 = arith.constant 33 : i32
      %add3A_652 = vector.broadcast %add3A_651 : i32 to vector<16xi32>
      %add3A_653 = arith.addi %get3A_111, %add3A_652 : vector<16xi32>
      %gather3A_654 = tpu.vector_load_idx %arg17[%add3A_106, %add3A_653] : memref<128x128xf32, #tpu.memory_space<vmem>>[vector<16xi32>, vector<16xi32>], vector<16xf32>,
      %add3A_655 = arith.constant 33 : i32
      %add3A_656 = vector.broadcast %add3A_655 : i32 to vector<16xi32>
      %add3A_657 = arith.addi %get3A_117, %add3A_656 : vector<16xi32>
      %gather3A_658 = tpu.vector_load_idx %arg18[%add3A_106, %add3A_657] : memref<128x128xf32, #tpu.memory_space<vmem>>[vector<16xi32>, vector<16xi32>], vector<16xf32>,
      %add3A_659 = arith.constant 33 : i32
      %add3A_660 = vector.broadcast %add3A_659 : i32 to vector<16xi32>
      %add3A_661 = arith.addi %get3A_123, %add3A_660 : vector<16xi32>
      %gather3A_662 = tpu.vector_load_idx %arg19[%add3A_106, %add3A_661] : memref<128x128xf32, #tpu.memory_space<vmem>>[vector<16xi32>, vector<16xi32>], vector<16xf32>,
      %add3A_663 = arith.addf %gather3A_654, %gather3A_658 : vector<16xf32>
      %sub3A_664 = arith.subf %add3A_663, %gather3A_662 : vector<16xf32>
      %mul3A_665 = arith.mulf %sub3A_664, %sub3A_664 : vector<16xf32>
      %add3A_666 = arith.addf %add3A_650, %mul3A_665 : vector<16xf32>
      %add3A_667 = arith.constant 34 : i32
      %add3A_668 = vector.broadcast %add3A_667 : i32 to vector<16xi32>
      %add3A_669 = arith.addi %get3A_111, %add3A_668 : vector<16xi32>
      %gather3A_670 = tpu.vector_load_idx %arg17[%add3A_106, %add3A_669] : memref<128x128xf32, #tpu.memory_space<vmem>>[vector<16xi32>, vector<16xi32>], vector<16xf32>,
      %add3A_671 = arith.constant 34 : i32
      %add3A_672 = vector.broadcast %add3A_671 : i32 to vector<16xi32>
      %add3A_673 = arith.addi %get3A_117, %add3A_672 : vector<16xi32>
      %gather3A_674 = tpu.vector_load_idx %arg18[%add3A_106, %add3A_673] : memref<128x128xf32, #tpu.memory_space<vmem>>[vector<16xi32>, vector<16xi32>], vector<16xf32>,
      %add3A_675 = arith.constant 34 : i32
      %add3A_676 = vector.broadcast %add3A_675 : i32 to vector<16xi32>
      %add3A_677 = arith.addi %get3A_123, %add3A_676 : vector<16xi32>
      %gather3A_678 = tpu.vector_load_idx %arg19[%add3A_106, %add3A_677] : memref<128x128xf32, #tpu.memory_space<vmem>>[vector<16xi32>, vector<16xi32>], vector<16xf32>,
      %add3A_679 = arith.addf %gather3A_670, %gather3A_674 : vector<16xf32>
      %sub3A_680 = arith.subf %add3A_679, %gather3A_678 : vector<16xf32>
      %mul3A_681 = arith.mulf %sub3A_680, %sub3A_680 : vector<16xf32>
      %add3A_682 = arith.addf %add3A_666, %mul3A_681 : vector<16xf32>
      %add3A_683 = arith.constant 35 : i32
      %add3A_684 = vector.broadcast %add3A_683 : i32 to vector<16xi32>
      %add3A_685 = arith.addi %get3A_111, %add3A_684 : vector<16xi32>
      %gather3A_686 = tpu.vector_load_idx %arg17[%add3A_106, %add3A_685] : memref<128x128xf32, #tpu.memory_space<vmem>>[vector<16xi32>, vector<16xi32>], vector<16xf32>,
      %add3A_687 = arith.constant 35 : i32
      %add3A_688 = vector.broadcast %add3A_687 : i32 to vector<16xi32>
      %add3A_689 = arith.addi %get3A_117, %add3A_688 : vector<16xi32>
      %gather3A_690 = tpu.vector_load_idx %arg18[%add3A_106, %add3A_689] : memref<128x128xf32, #tpu.memory_space<vmem>>[vector<16xi32>, vector<16xi32>], vector<16xf32>,
      %add3A_691 = arith.constant 35 : i32
      %add3A_692 = vector.broadcast %add3A_691 : i32 to vector<16xi32>
      %add3A_693 = arith.addi %get3A_123, %add3A_692 : vector<16xi32>
      %gather3A_694 = tpu.vector_load_idx %arg19[%add3A_106, %add3A_693] : memref<128x128xf32, #tpu.memory_space<vmem>>[vector<16xi32>, vector<16xi32>], vector<16xf32>,
      %add3A_695 = arith.addf %gather3A_686, %gather3A_690 : vector<16xf32>
      %sub3A_696 = arith.subf %add3A_695, %gather3A_694 : vector<16xf32>
      %mul3A_697 = arith.mulf %sub3A_696, %sub3A_696 : vector<16xf32>
      %add3A_698 = arith.addf %add3A_682, %mul3A_697 : vector<16xf32>
      %add3A_699 = arith.constant 36 : i32
      %add3A_700 = vector.broadcast %add3A_699 : i32 to vector<16xi32>
      %add3A_701 = arith.addi %get3A_111, %add3A_700 : vector<16xi32>
      %gather3A_702 = tpu.vector_load_idx %arg17[%add3A_106, %add3A_701] : memref<128x128xf32, #tpu.memory_space<vmem>>[vector<16xi32>, vector<16xi32>], vector<16xf32>,
      %add3A_703 = arith.constant 36 : i32
      %add3A_704 = vector.broadcast %add3A_703 : i32 to vector<16xi32>
      %add3A_705 = arith.addi %get3A_117, %add3A_704 : vector<16xi32>
      %gather3A_706 = tpu.vector_load_idx %arg18[%add3A_106, %add3A_705] : memref<128x128xf32, #tpu.memory_space<vmem>>[vector<16xi32>, vector<16xi32>], vector<16xf32>,
      %add3A_707 = arith.constant 36 : i32
      %add3A_708 = vector.broadcast %add3A_707 : i32 to vector<16xi32>
      %add3A_709 = arith.addi %get3A_123, %add3A_708 : vector<16xi32>
      %gather3A_710 = tpu.vector_load_idx %arg19[%add3A_106, %add3A_709] : memref<128x128xf32, #tpu.memory_space<vmem>>[vector<16xi32>, vector<16xi32>], vector<16xf32>,
      %add3A_711 = arith.addf %gather3A_702, %gather3A_706 : vector<16xf32>
      %sub3A_712 = arith.subf %add3A_711, %gather3A_710 : vector<16xf32>
      %mul3A_713 = arith.mulf %sub3A_712, %sub3A_712 : vector<16xf32>
      %add3A_714 = arith.addf %add3A_698, %mul3A_713 : vector<16xf32>
      %add3A_715 = arith.constant 37 : i32
      %add3A_716 = vector.broadcast %add3A_715 : i32 to vector<16xi32>
      %add3A_717 = arith.addi %get3A_111, %add3A_716 : vector<16xi32>
      %gather3A_718 = tpu.vector_load_idx %arg17[%add3A_106, %add3A_717] : memref<128x128xf32, #tpu.memory_space<vmem>>[vector<16xi32>, vector<16xi32>], vector<16xf32>,
      %add3A_719 = arith.constant 37 : i32
      %add3A_720 = vector.broadcast %add3A_719 : i32 to vector<16xi32>
      %add3A_721 = arith.addi %get3A_117, %add3A_720 : vector<16xi32>
      %gather3A_722 = tpu.vector_load_idx %arg18[%add3A_106, %add3A_721] : memref<128x128xf32, #tpu.memory_space<vmem>>[vector<16xi32>, vector<16xi32>], vector<16xf32>,
      %add3A_723 = arith.constant 37 : i32
      %add3A_724 = vector.broadcast %add3A_723 : i32 to vector<16xi32>
      %add3A_725 = arith.addi %get3A_123, %add3A_724 : vector<16xi32>
      %gather3A_726 = tpu.vector_load_idx %arg19[%add3A_106, %add3A_725] : memref<128x128xf32, #tpu.memory_space<vmem>>[vector<16xi32>, vector<16xi32>], vector<16xf32>,
      %add3A_727 = arith.addf %gather3A_718, %gather3A_722 : vector<16xf32>
      %sub3A_728 = arith.subf %add3A_727, %gather3A_726 : vector<16xf32>
      %mul3A_729 = arith.mulf %sub3A_728, %sub3A_728 : vector<16xf32>
      %add3A_730 = arith.addf %add3A_714, %mul3A_729 : vector<16xf32>
      %add3A_731 = arith.constant 38 : i32
      %add3A_732 = vector.broadcast %add3A_731 : i32 to vector<16xi32>
      %add3A_733 = arith.addi %get3A_111, %add3A_732 : vector<16xi32>
      %gather3A_734 = tpu.vector_load_idx %arg17[%add3A_106, %add3A_733] : memref<128x128xf32, #tpu.memory_space<vmem>>[vector<16xi32>, vector<16xi32>], vector<16xf32>,
      %add3A_735 = arith.constant 38 : i32
      %add3A_736 = vector.broadcast %add3A_735 : i32 to vector<16xi32>
      %add3A_737 = arith.addi %get3A_117, %add3A_736 : vector<16xi32>
      %gather3A_738 = tpu.vector_load_idx %arg18[%add3A_106, %add3A_737] : memref<128x128xf32, #tpu.memory_space<vmem>>[vector<16xi32>, vector<16xi32>], vector<16xf32>,
      %add3A_739 = arith.constant 38 : i32
      %add3A_740 = vector.broadcast %add3A_739 : i32 to vector<16xi32>
      %add3A_741 = arith.addi %get3A_123, %add3A_740 : vector<16xi32>
      %gather3A_742 = tpu.vector_load_idx %arg19[%add3A_106, %add3A_741] : memref<128x128xf32, #tpu.memory_space<vmem>>[vector<16xi32>, vector<16xi32>], vector<16xf32>,
      %add3A_743 = arith.addf %gather3A_734, %gather3A_738 : vector<16xf32>
      %sub3A_744 = arith.subf %add3A_743, %gather3A_742 : vector<16xf32>
      %mul3A_745 = arith.mulf %sub3A_744, %sub3A_744 : vector<16xf32>
      %add3A_746 = arith.addf %add3A_730, %mul3A_745 : vector<16xf32>
      %add3A_747 = arith.constant 39 : i32
      %add3A_748 = vector.broadcast %add3A_747 : i32 to vector<16xi32>
      %add3A_749 = arith.addi %get3A_111, %add3A_748 : vector<16xi32>
      %gather3A_750 = tpu.vector_load_idx %arg17[%add3A_106, %add3A_749] : memref<128x128xf32, #tpu.memory_space<vmem>>[vector<16xi32>, vector<16xi32>], vector<16xf32>,
      %add3A_751 = arith.constant 39 : i32
      %add3A_752 = vector.broadcast %add3A_751 : i32 to vector<16xi32>
      %add3A_753 = arith.addi %get3A_117, %add3A_752 : vector<16xi32>
      %gather3A_754 = tpu.vector_load_idx %arg18[%add3A_106, %add3A_753] : memref<128x128xf32, #tpu.memory_space<vmem>>[vector<16xi32>, vector<16xi32>], vector<16xf32>,
      %add3A_755 = arith.constant 39 : i32
      %add3A_756 = vector.broadcast %add3A_755 : i32 to vector<16xi32>
      %add3A_757 = arith.addi %get3A_123, %add3A_756 : vector<16xi32>
      %gather3A_758 = tpu.vector_load_idx %arg19[%add3A_106, %add3A_757] : memref<128x128xf32, #tpu.memory_space<vmem>>[vector<16xi32>, vector<16xi32>], vector<16xf32>,
      %add3A_759 = arith.addf %gather3A_750, %gather3A_754 : vector<16xf32>
      %sub3A_760 = arith.subf %add3A_759, %gather3A_758 : vector<16xf32>
      %mul3A_761 = arith.mulf %sub3A_760, %sub3A_760 : vector<16xf32>
      %add3A_762 = arith.addf %add3A_746, %mul3A_761 : vector<16xf32>
      %add3A_763 = arith.constant 40 : i32
      %add3A_764 = vector.broadcast %add3A_763 : i32 to vector<16xi32>
      %add3A_765 = arith.addi %get3A_111, %add3A_764 : vector<16xi32>
      %gather3A_766 = tpu.vector_load_idx %arg17[%add3A_106, %add3A_765] : memref<128x128xf32, #tpu.memory_space<vmem>>[vector<16xi32>, vector<16xi32>], vector<16xf32>,
      %add3A_767 = arith.constant 40 : i32
      %add3A_768 = vector.broadcast %add3A_767 : i32 to vector<16xi32>
      %add3A_769 = arith.addi %get3A_117, %add3A_768 : vector<16xi32>
      %gather3A_770 = tpu.vector_load_idx %arg18[%add3A_106, %add3A_769] : memref<128x128xf32, #tpu.memory_space<vmem>>[vector<16xi32>, vector<16xi32>], vector<16xf32>,
      %add3A_771 = arith.constant 40 : i32
      %add3A_772 = vector.broadcast %add3A_771 : i32 to vector<16xi32>
      %add3A_773 = arith.addi %get3A_123, %add3A_772 : vector<16xi32>
      %gather3A_774 = tpu.vector_load_idx %arg19[%add3A_106, %add3A_773] : memref<128x128xf32, #tpu.memory_space<vmem>>[vector<16xi32>, vector<16xi32>], vector<16xf32>,
      %add3A_775 = arith.addf %gather3A_766, %gather3A_770 : vector<16xf32>
      %sub3A_776 = arith.subf %add3A_775, %gather3A_774 : vector<16xf32>
      %mul3A_777 = arith.mulf %sub3A_776, %sub3A_776 : vector<16xf32>
      %add3A_778 = arith.addf %add3A_762, %mul3A_777 : vector<16xf32>
      %add3A_779 = arith.constant 41 : i32
      %add3A_780 = vector.broadcast %add3A_779 : i32 to vector<16xi32>
      %add3A_781 = arith.addi %get3A_111, %add3A_780 : vector<16xi32>
      %gather3A_782 = tpu.vector_load_idx %arg17[%add3A_106, %add3A_781] : memref<128x128xf32, #tpu.memory_space<vmem>>[vector<16xi32>, vector<16xi32>], vector<16xf32>,
      %add3A_783 = arith.constant 41 : i32
      %add3A_784 = vector.broadcast %add3A_783 : i32 to vector<16xi32>
      %add3A_785 = arith.addi %get3A_117, %add3A_784 : vector<16xi32>
      %gather3A_786 = tpu.vector_load_idx %arg18[%add3A_106, %add3A_785] : memref<128x128xf32, #tpu.memory_space<vmem>>[vector<16xi32>, vector<16xi32>], vector<16xf32>,
      %add3A_787 = arith.constant 41 : i32
      %add3A_788 = vector.broadcast %add3A_787 : i32 to vector<16xi32>
      %add3A_789 = arith.addi %get3A_123, %add3A_788 : vector<16xi32>
      %gather3A_790 = tpu.vector_load_idx %arg19[%add3A_106, %add3A_789] : memref<128x128xf32, #tpu.memory_space<vmem>>[vector<16xi32>, vector<16xi32>], vector<16xf32>,
      %add3A_791 = arith.addf %gather3A_782, %gather3A_786 : vector<16xf32>
      %sub3A_792 = arith.subf %add3A_791, %gather3A_790 : vector<16xf32>
      %mul3A_793 = arith.mulf %sub3A_792, %sub3A_792 : vector<16xf32>
      %add3A_794 = arith.addf %add3A_778, %mul3A_793 : vector<16xf32>
      %add3A_795 = arith.constant 42 : i32
      %add3A_796 = vector.broadcast %add3A_795 : i32 to vector<16xi32>
      %add3A_797 = arith.addi %get3A_111, %add3A_796 : vector<16xi32>
      %gather3A_798 = tpu.vector_load_idx %arg17[%add3A_106, %add3A_797] : memref<128x128xf32, #tpu.memory_space<vmem>>[vector<16xi32>, vector<16xi32>], vector<16xf32>,
      %add3A_799 = arith.constant 42 : i32
      %add3A_800 = vector.broadcast %add3A_799 : i32 to vector<16xi32>
      %add3A_801 = arith.addi %get3A_117, %add3A_800 : vector<16xi32>
      %gather3A_802 = tpu.vector_load_idx %arg18[%add3A_106, %add3A_801] : memref<128x128xf32, #tpu.memory_space<vmem>>[vector<16xi32>, vector<16xi32>], vector<16xf32>,
      %add3A_803 = arith.constant 42 : i32
      %add3A_804 = vector.broadcast %add3A_803 : i32 to vector<16xi32>
      %add3A_805 = arith.addi %get3A_123, %add3A_804 : vector<16xi32>
      %gather3A_806 = tpu.vector_load_idx %arg19[%add3A_106, %add3A_805] : memref<128x128xf32, #tpu.memory_space<vmem>>[vector<16xi32>, vector<16xi32>], vector<16xf32>,
      %add3A_807 = arith.addf %gather3A_798, %gather3A_802 : vector<16xf32>
      %sub3A_808 = arith.subf %add3A_807, %gather3A_806 : vector<16xf32>
      %mul3A_809 = arith.mulf %sub3A_808, %sub3A_808 : vector<16xf32>
      %add3A_810 = arith.addf %add3A_794, %mul3A_809 : vector<16xf32>
      %add3A_811 = arith.constant 43 : i32
      %add3A_812 = vector.broadcast %add3A_811 : i32 to vector<16xi32>
      %add3A_813 = arith.addi %get3A_111, %add3A_812 : vector<16xi32>
      %gather3A_814 = tpu.vector_load_idx %arg17[%add3A_106, %add3A_813] : memref<128x128xf32, #tpu.memory_space<vmem>>[vector<16xi32>, vector<16xi32>], vector<16xf32>,
      %add3A_815 = arith.constant 43 : i32
      %add3A_816 = vector.broadcast %add3A_815 : i32 to vector<16xi32>
      %add3A_817 = arith.addi %get3A_117, %add3A_816 : vector<16xi32>
      %gather3A_818 = tpu.vector_load_idx %arg18[%add3A_106, %add3A_817] : memref<128x128xf32, #tpu.memory_space<vmem>>[vector<16xi32>, vector<16xi32>], vector<16xf32>,
      %add3A_819 = arith.constant 43 : i32
      %add3A_820 = vector.broadcast %add3A_819 : i32 to vector<16xi32>
      %add3A_821 = arith.addi %get3A_123, %add3A_820 : vector<16xi32>
      %gather3A_822 = tpu.vector_load_idx %arg19[%add3A_106, %add3A_821] : memref<128x128xf32, #tpu.memory_space<vmem>>[vector<16xi32>, vector<16xi32>], vector<16xf32>,
      %add3A_823 = arith.addf %gather3A_814, %gather3A_818 : vector<16xf32>
      %sub3A_824 = arith.subf %add3A_823, %gather3A_822 : vector<16xf32>
      %mul3A_825 = arith.mulf %sub3A_824, %sub3A_824 : vector<16xf32>
      %add3A_826 = arith.addf %add3A_810, %mul3A_825 : vector<16xf32>
      %add3A_827 = arith.constant 44 : i32
      %add3A_828 = vector.broadcast %add3A_827 : i32 to vector<16xi32>
      %add3A_829 = arith.addi %get3A_111, %add3A_828 : vector<16xi32>
      %gather3A_830 = tpu.vector_load_idx %arg17[%add3A_106, %add3A_829] : memref<128x128xf32, #tpu.memory_space<vmem>>[vector<16xi32>, vector<16xi32>], vector<16xf32>,
      %add3A_831 = arith.constant 44 : i32
      %add3A_832 = vector.broadcast %add3A_831 : i32 to vector<16xi32>
      %add3A_833 = arith.addi %get3A_117, %add3A_832 : vector<16xi32>
      %gather3A_834 = tpu.vector_load_idx %arg18[%add3A_106, %add3A_833] : memref<128x128xf32, #tpu.memory_space<vmem>>[vector<16xi32>, vector<16xi32>], vector<16xf32>,
      %add3A_835 = arith.constant 44 : i32
      %add3A_836 = vector.broadcast %add3A_835 : i32 to vector<16xi32>
      %add3A_837 = arith.addi %get3A_123, %add3A_836 : vector<16xi32>
      %gather3A_838 = tpu.vector_load_idx %arg19[%add3A_106, %add3A_837] : memref<128x128xf32, #tpu.memory_space<vmem>>[vector<16xi32>, vector<16xi32>], vector<16xf32>,
      %add3A_839 = arith.addf %gather3A_830, %gather3A_834 : vector<16xf32>
      %sub3A_840 = arith.subf %add3A_839, %gather3A_838 : vector<16xf32>
      %mul3A_841 = arith.mulf %sub3A_840, %sub3A_840 : vector<16xf32>
      %add3A_842 = arith.addf %add3A_826, %mul3A_841 : vector<16xf32>
      %add3A_843 = arith.constant 45 : i32
      %add3A_844 = vector.broadcast %add3A_843 : i32 to vector<16xi32>
      %add3A_845 = arith.addi %get3A_111, %add3A_844 : vector<16xi32>
      %gather3A_846 = tpu.vector_load_idx %arg17[%add3A_106, %add3A_845] : memref<128x128xf32, #tpu.memory_space<vmem>>[vector<16xi32>, vector<16xi32>], vector<16xf32>,
      %add3A_847 = arith.constant 45 : i32
      %add3A_848 = vector.broadcast %add3A_847 : i32 to vector<16xi32>
      %add3A_849 = arith.addi %get3A_117, %add3A_848 : vector<16xi32>
      %gather3A_850 = tpu.vector_load_idx %arg18[%add3A_106, %add3A_849] : memref<128x128xf32, #tpu.memory_space<vmem>>[vector<16xi32>, vector<16xi32>], vector<16xf32>,
      %add3A_851 = arith.constant 45 : i32
      %add3A_852 = vector.broadcast %add3A_851 : i32 to vector<16xi32>
      %add3A_853 = arith.addi %get3A_123, %add3A_852 : vector<16xi32>
      %gather3A_854 = tpu.vector_load_idx %arg19[%add3A_106, %add3A_853] : memref<128x128xf32, #tpu.memory_space<vmem>>[vector<16xi32>, vector<16xi32>], vector<16xf32>,
      %add3A_855 = arith.addf %gather3A_846, %gather3A_850 : vector<16xf32>
      %sub3A_856 = arith.subf %add3A_855, %gather3A_854 : vector<16xf32>
      %mul3A_857 = arith.mulf %sub3A_856, %sub3A_856 : vector<16xf32>
      %add3A_858 = arith.addf %add3A_842, %mul3A_857 : vector<16xf32>
      %add3A_859 = arith.constant 46 : i32
      %add3A_860 = vector.broadcast %add3A_859 : i32 to vector<16xi32>
      %add3A_861 = arith.addi %get3A_111, %add3A_860 : vector<16xi32>
      %gather3A_862 = tpu.vector_load_idx %arg17[%add3A_106, %add3A_861] : memref<128x128xf32, #tpu.memory_space<vmem>>[vector<16xi32>, vector<16xi32>], vector<16xf32>,
      %add3A_863 = arith.constant 46 : i32
      %add3A_864 = vector.broadcast %add3A_863 : i32 to vector<16xi32>
      %add3A_865 = arith.addi %get3A_117, %add3A_864 : vector<16xi32>
      %gather3A_866 = tpu.vector_load_idx %arg18[%add3A_106, %add3A_865] : memref<128x128xf32, #tpu.memory_space<vmem>>[vector<16xi32>, vector<16xi32>], vector<16xf32>,
      %add3A_867 = arith.constant 46 : i32
      %add3A_868 = vector.broadcast %add3A_867 : i32 to vector<16xi32>
      %add3A_869 = arith.addi %get3A_123, %add3A_868 : vector<16xi32>
      %gather3A_870 = tpu.vector_load_idx %arg19[%add3A_106, %add3A_869] : memref<128x128xf32, #tpu.memory_space<vmem>>[vector<16xi32>, vector<16xi32>], vector<16xf32>,
      %add3A_871 = arith.addf %gather3A_862, %gather3A_866 : vector<16xf32>
      %sub3A_872 = arith.subf %add3A_871, %gather3A_870 : vector<16xf32>
      %mul3A_873 = arith.mulf %sub3A_872, %sub3A_872 : vector<16xf32>
      %add3A_874 = arith.addf %add3A_858, %mul3A_873 : vector<16xf32>
      %add3A_875 = arith.constant 47 : i32
      %add3A_876 = vector.broadcast %add3A_875 : i32 to vector<16xi32>
      %add3A_877 = arith.addi %get3A_111, %add3A_876 : vector<16xi32>
      %gather3A_878 = tpu.vector_load_idx %arg17[%add3A_106, %add3A_877] : memref<128x128xf32, #tpu.memory_space<vmem>>[vector<16xi32>, vector<16xi32>], vector<16xf32>,
      %add3A_879 = arith.constant 47 : i32
      %add3A_880 = vector.broadcast %add3A_879 : i32 to vector<16xi32>
      %add3A_881 = arith.addi %get3A_117, %add3A_880 : vector<16xi32>
      %gather3A_882 = tpu.vector_load_idx %arg18[%add3A_106, %add3A_881] : memref<128x128xf32, #tpu.memory_space<vmem>>[vector<16xi32>, vector<16xi32>], vector<16xf32>,
      %add3A_883 = arith.constant 47 : i32
      %add3A_884 = vector.broadcast %add3A_883 : i32 to vector<16xi32>
      %add3A_885 = arith.addi %get3A_123, %add3A_884 : vector<16xi32>
      %gather3A_886 = tpu.vector_load_idx %arg19[%add3A_106, %add3A_885] : memref<128x128xf32, #tpu.memory_space<vmem>>[vector<16xi32>, vector<16xi32>], vector<16xf32>,
      %add3A_887 = arith.addf %gather3A_878, %gather3A_882 : vector<16xf32>
      %sub3A_888 = arith.subf %add3A_887, %gather3A_886 : vector<16xf32>
      %mul3A_889 = arith.mulf %sub3A_888, %sub3A_888 : vector<16xf32>
      %add3A_890 = arith.addf %add3A_874, %mul3A_889 : vector<16xf32>
      %add3A_891 = arith.constant 48 : i32
      %add3A_892 = vector.broadcast %add3A_891 : i32 to vector<16xi32>
      %add3A_893 = arith.addi %get3A_111, %add3A_892 : vector<16xi32>
      %gather3A_894 = tpu.vector_load_idx %arg17[%add3A_106, %add3A_893] : memref<128x128xf32, #tpu.memory_space<vmem>>[vector<16xi32>, vector<16xi32>], vector<16xf32>,
      %add3A_895 = arith.constant 48 : i32
      %add3A_896 = vector.broadcast %add3A_895 : i32 to vector<16xi32>
      %add3A_897 = arith.addi %get3A_117, %add3A_896 : vector<16xi32>
      %gather3A_898 = tpu.vector_load_idx %arg18[%add3A_106, %add3A_897] : memref<128x128xf32, #tpu.memory_space<vmem>>[vector<16xi32>, vector<16xi32>], vector<16xf32>,
      %add3A_899 = arith.constant 48 : i32
      %add3A_900 = vector.broadcast %add3A_899 : i32 to vector<16xi32>
      %add3A_901 = arith.addi %get3A_123, %add3A_900 : vector<16xi32>
      %gather3A_902 = tpu.vector_load_idx %arg19[%add3A_106, %add3A_901] : memref<128x128xf32, #tpu.memory_space<vmem>>[vector<16xi32>, vector<16xi32>], vector<16xf32>,
      %add3A_903 = arith.addf %gather3A_894, %gather3A_898 : vector<16xf32>
      %sub3A_904 = arith.subf %add3A_903, %gather3A_902 : vector<16xf32>
      %mul3A_905 = arith.mulf %sub3A_904, %sub3A_904 : vector<16xf32>
      %add3A_906 = arith.addf %add3A_890, %mul3A_905 : vector<16xf32>
      %add3A_907 = arith.constant 49 : i32
      %add3A_908 = vector.broadcast %add3A_907 : i32 to vector<16xi32>
      %add3A_909 = arith.addi %get3A_111, %add3A_908 : vector<16xi32>
      %gather3A_910 = tpu.vector_load_idx %arg17[%add3A_106, %add3A_909] : memref<128x128xf32, #tpu.memory_space<vmem>>[vector<16xi32>, vector<16xi32>], vector<16xf32>,
      %add3A_911 = arith.constant 49 : i32
      %add3A_912 = vector.broadcast %add3A_911 : i32 to vector<16xi32>
      %add3A_913 = arith.addi %get3A_117, %add3A_912 : vector<16xi32>
      %gather3A_914 = tpu.vector_load_idx %arg18[%add3A_106, %add3A_913] : memref<128x128xf32, #tpu.memory_space<vmem>>[vector<16xi32>, vector<16xi32>], vector<16xf32>,
      %add3A_915 = arith.constant 49 : i32
      %add3A_916 = vector.broadcast %add3A_915 : i32 to vector<16xi32>
      %add3A_917 = arith.addi %get3A_123, %add3A_916 : vector<16xi32>
      %gather3A_918 = tpu.vector_load_idx %arg19[%add3A_106, %add3A_917] : memref<128x128xf32, #tpu.memory_space<vmem>>[vector<16xi32>, vector<16xi32>], vector<16xf32>,
      %add3A_919 = arith.addf %gather3A_910, %gather3A_914 : vector<16xf32>
      %sub3A_920 = arith.subf %add3A_919, %gather3A_918 : vector<16xf32>
      %mul3A_921 = arith.mulf %sub3A_920, %sub3A_920 : vector<16xf32>
      %add3A_922 = arith.addf %add3A_906, %mul3A_921 : vector<16xf32>
      %add3A_923 = arith.constant 50 : i32
      %add3A_924 = vector.broadcast %add3A_923 : i32 to vector<16xi32>
      %add3A_925 = arith.addi %get3A_111, %add3A_924 : vector<16xi32>
      %gather3A_926 = tpu.vector_load_idx %arg17[%add3A_106, %add3A_925] : memref<128x128xf32, #tpu.memory_space<vmem>>[vector<16xi32>, vector<16xi32>], vector<16xf32>,
      %add3A_927 = arith.constant 50 : i32
      %add3A_928 = vector.broadcast %add3A_927 : i32 to vector<16xi32>
      %add3A_929 = arith.addi %get3A_117, %add3A_928 : vector<16xi32>
      %gather3A_930 = tpu.vector_load_idx %arg18[%add3A_106, %add3A_929] : memref<128x128xf32, #tpu.memory_space<vmem>>[vector<16xi32>, vector<16xi32>], vector<16xf32>,
      %add3A_931 = arith.constant 50 : i32
      %add3A_932 = vector.broadcast %add3A_931 : i32 to vector<16xi32>
      %add3A_933 = arith.addi %get3A_123, %add3A_932 : vector<16xi32>
      %gather3A_934 = tpu.vector_load_idx %arg19[%add3A_106, %add3A_933] : memref<128x128xf32, #tpu.memory_space<vmem>>[vector<16xi32>, vector<16xi32>], vector<16xf32>,
      %add3A_935 = arith.addf %gather3A_926, %gather3A_930 : vector<16xf32>
      %sub3A_936 = arith.subf %add3A_935, %gather3A_934 : vector<16xf32>
      %mul3A_937 = arith.mulf %sub3A_936, %sub3A_936 : vector<16xf32>
      %add3A_938 = arith.addf %add3A_922, %mul3A_937 : vector<16xf32>
      %add3A_939 = arith.constant 51 : i32
      %add3A_940 = vector.broadcast %add3A_939 : i32 to vector<16xi32>
      %add3A_941 = arith.addi %get3A_111, %add3A_940 : vector<16xi32>
      %gather3A_942 = tpu.vector_load_idx %arg17[%add3A_106, %add3A_941] : memref<128x128xf32, #tpu.memory_space<vmem>>[vector<16xi32>, vector<16xi32>], vector<16xf32>,
      %add3A_943 = arith.constant 51 : i32
      %add3A_944 = vector.broadcast %add3A_943 : i32 to vector<16xi32>
      %add3A_945 = arith.addi %get3A_117, %add3A_944 : vector<16xi32>
      %gather3A_946 = tpu.vector_load_idx %arg18[%add3A_106, %add3A_945] : memref<128x128xf32, #tpu.memory_space<vmem>>[vector<16xi32>, vector<16xi32>], vector<16xf32>,
      %add3A_947 = arith.constant 51 : i32
      %add3A_948 = vector.broadcast %add3A_947 : i32 to vector<16xi32>
      %add3A_949 = arith.addi %get3A_123, %add3A_948 : vector<16xi32>
      %gather3A_950 = tpu.vector_load_idx %arg19[%add3A_106, %add3A_949] : memref<128x128xf32, #tpu.memory_space<vmem>>[vector<16xi32>, vector<16xi32>], vector<16xf32>,
      %add3A_951 = arith.addf %gather3A_942, %gather3A_946 : vector<16xf32>
      %sub3A_952 = arith.subf %add3A_951, %gather3A_950 : vector<16xf32>
      %mul3A_953 = arith.mulf %sub3A_952, %sub3A_952 : vector<16xf32>
      %add3A_954 = arith.addf %add3A_938, %mul3A_953 : vector<16xf32>
      %add3A_955 = arith.constant 52 : i32
      %add3A_956 = vector.broadcast %add3A_955 : i32 to vector<16xi32>
      %add3A_957 = arith.addi %get3A_111, %add3A_956 : vector<16xi32>
      %gather3A_958 = tpu.vector_load_idx %arg17[%add3A_106, %add3A_957] : memref<128x128xf32, #tpu.memory_space<vmem>>[vector<16xi32>, vector<16xi32>], vector<16xf32>,
      %add3A_959 = arith.constant 52 : i32
      %add3A_960 = vector.broadcast %add3A_959 : i32 to vector<16xi32>
      %add3A_961 = arith.addi %get3A_117, %add3A_960 : vector<16xi32>
      %gather3A_962 = tpu.vector_load_idx %arg18[%add3A_106, %add3A_961] : memref<128x128xf32, #tpu.memory_space<vmem>>[vector<16xi32>, vector<16xi32>], vector<16xf32>,
      %add3A_963 = arith.constant 52 : i32
      %add3A_964 = vector.broadcast %add3A_963 : i32 to vector<16xi32>
      %add3A_965 = arith.addi %get3A_123, %add3A_964 : vector<16xi32>
      %gather3A_966 = tpu.vector_load_idx %arg19[%add3A_106, %add3A_965] : memref<128x128xf32, #tpu.memory_space<vmem>>[vector<16xi32>, vector<16xi32>], vector<16xf32>,
      %add3A_967 = arith.addf %gather3A_958, %gather3A_962 : vector<16xf32>
      %sub3A_968 = arith.subf %add3A_967, %gather3A_966 : vector<16xf32>
      %mul3A_969 = arith.mulf %sub3A_968, %sub3A_968 : vector<16xf32>
      %add3A_970 = arith.addf %add3A_954, %mul3A_969 : vector<16xf32>
      %add3A_971 = arith.constant 53 : i32
      %add3A_972 = vector.broadcast %add3A_971 : i32 to vector<16xi32>
      %add3A_973 = arith.addi %get3A_111, %add3A_972 : vector<16xi32>
      %gather3A_974 = tpu.vector_load_idx %arg17[%add3A_106, %add3A_973] : memref<128x128xf32, #tpu.memory_space<vmem>>[vector<16xi32>, vector<16xi32>], vector<16xf32>,
      %add3A_975 = arith.constant 53 : i32
      %add3A_976 = vector.broadcast %add3A_975 : i32 to vector<16xi32>
      %add3A_977 = arith.addi %get3A_117, %add3A_976 : vector<16xi32>
      %gather3A_978 = tpu.vector_load_idx %arg18[%add3A_106, %add3A_977] : memref<128x128xf32, #tpu.memory_space<vmem>>[vector<16xi32>, vector<16xi32>], vector<16xf32>,
      %add3A_979 = arith.constant 53 : i32
      %add3A_980 = vector.broadcast %add3A_979 : i32 to vector<16xi32>
      %add3A_981 = arith.addi %get3A_123, %add3A_980 : vector<16xi32>
      %gather3A_982 = tpu.vector_load_idx %arg19[%add3A_106, %add3A_981] : memref<128x128xf32, #tpu.memory_space<vmem>>[vector<16xi32>, vector<16xi32>], vector<16xf32>,
      %add3A_983 = arith.addf %gather3A_974, %gather3A_978 : vector<16xf32>
      %sub3A_984 = arith.subf %add3A_983, %gather3A_982 : vector<16xf32>
      %mul3A_985 = arith.mulf %sub3A_984, %sub3A_984 : vector<16xf32>
      %add3A_986 = arith.addf %add3A_970, %mul3A_985 : vector<16xf32>
      %add3A_987 = arith.constant 54 : i32
      %add3A_988 = vector.broadcast %add3A_987 : i32 to vector<16xi32>
      %add3A_989 = arith.addi %get3A_111, %add3A_988 : vector<16xi32>
      %gather3A_990 = tpu.vector_load_idx %arg17[%add3A_106, %add3A_989] : memref<128x128xf32, #tpu.memory_space<vmem>>[vector<16xi32>, vector<16xi32>], vector<16xf32>,
      %add3A_991 = arith.constant 54 : i32
      %add3A_992 = vector.broadcast %add3A_991 : i32 to vector<16xi32>
      %add3A_993 = arith.addi %get3A_117, %add3A_992 : vector<16xi32>
      %gather3A_994 = tpu.vector_load_idx %arg18[%add3A_106, %add3A_993] : memref<128x128xf32, #tpu.memory_space<vmem>>[vector<16xi32>, vector<16xi32>], vector<16xf32>,
      %add3A_995 = arith.constant 54 : i32
      %add3A_996 = vector.broadcast %add3A_995 : i32 to vector<16xi32>
      %add3A_997 = arith.addi %get3A_123, %add3A_996 : vector<16xi32>
      %gather3A_998 = tpu.vector_load_idx %arg19[%add3A_106, %add3A_997] : memref<128x128xf32, #tpu.memory_space<vmem>>[vector<16xi32>, vector<16xi32>], vector<16xf32>,
      %add3A_999 = arith.addf %gather3A_990, %gather3A_994 : vector<16xf32>
      %sub3A_1000 = arith.subf %add3A_999, %gather3A_998 : vector<16xf32>
      %mul3A_1001 = arith.mulf %sub3A_1000, %sub3A_1000 : vector<16xf32>
      %add3A_1002 = arith.addf %add3A_986, %mul3A_1001 : vector<16xf32>
      %add3A_1003 = arith.constant 55 : i32
      %add3A_1004 = vector.broadcast %add3A_1003 : i32 to vector<16xi32>
      %add3A_1005 = arith.addi %get3A_111, %add3A_1004 : vector<16xi32>
      %gather3A_1006 = tpu.vector_load_idx %arg17[%add3A_106, %add3A_1005] : memref<128x128xf32, #tpu.memory_space<vmem>>[vector<16xi32>, vector<16xi32>], vector<16xf32>,
      %add3A_1007 = arith.constant 55 : i32
      %add3A_1008 = vector.broadcast %add3A_1007 : i32 to vector<16xi32>
      %add3A_1009 = arith.addi %get3A_117, %add3A_1008 : vector<16xi32>
      %gather3A_1010 = tpu.vector_load_idx %arg18[%add3A_106, %add3A_1009] : memref<128x128xf32, #tpu.memory_space<vmem>>[vector<16xi32>, vector<16xi32>], vector<16xf32>,
      %add3A_1011 = arith.constant 55 : i32
      %add3A_1012 = vector.broadcast %add3A_1011 : i32 to vector<16xi32>
      %add3A_1013 = arith.addi %get3A_123, %add3A_1012 : vector<16xi32>
      %gather3A_1014 = tpu.vector_load_idx %arg19[%add3A_106, %add3A_1013] : memref<128x128xf32, #tpu.memory_space<vmem>>[vector<16xi32>, vector<16xi32>], vector<16xf32>,
      %add3A_1015 = arith.addf %gather3A_1006, %gather3A_1010 : vector<16xf32>
      %sub3A_1016 = arith.subf %add3A_1015, %gather3A_1014 : vector<16xf32>
      %mul3A_1017 = arith.mulf %sub3A_1016, %sub3A_1016 : vector<16xf32>
      %add3A_1018 = arith.addf %add3A_1002, %mul3A_1017 : vector<16xf32>
      %add3A_1019 = arith.constant 56 : i32
      %add3A_1020 = vector.broadcast %add3A_1019 : i32 to vector<16xi32>
      %add3A_1021 = arith.addi %get3A_111, %add3A_1020 : vector<16xi32>
      %gather3A_1022 = tpu.vector_load_idx %arg17[%add3A_106, %add3A_1021] : memref<128x128xf32, #tpu.memory_space<vmem>>[vector<16xi32>, vector<16xi32>], vector<16xf32>,
      %add3A_1023 = arith.constant 56 : i32
      %add3A_1024 = vector.broadcast %add3A_1023 : i32 to vector<16xi32>
      %add3A_1025 = arith.addi %get3A_117, %add3A_1024 : vector<16xi32>
      %gather3A_1026 = tpu.vector_load_idx %arg18[%add3A_106, %add3A_1025] : memref<128x128xf32, #tpu.memory_space<vmem>>[vector<16xi32>, vector<16xi32>], vector<16xf32>,
      %add3A_1027 = arith.constant 56 : i32
      %add3A_1028 = vector.broadcast %add3A_1027 : i32 to vector<16xi32>
      %add3A_1029 = arith.addi %get3A_123, %add3A_1028 : vector<16xi32>
      %gather3A_1030 = tpu.vector_load_idx %arg19[%add3A_106, %add3A_1029] : memref<128x128xf32, #tpu.memory_space<vmem>>[vector<16xi32>, vector<16xi32>], vector<16xf32>,
      %add3A_1031 = arith.addf %gather3A_1022, %gather3A_1026 : vector<16xf32>
      %sub3A_1032 = arith.subf %add3A_1031, %gather3A_1030 : vector<16xf32>
      %mul3A_1033 = arith.mulf %sub3A_1032, %sub3A_1032 : vector<16xf32>
      %add3A_1034 = arith.addf %add3A_1018, %mul3A_1033 : vector<16xf32>
      %add3A_1035 = arith.constant 57 : i32
      %add3A_1036 = vector.broadcast %add3A_1035 : i32 to vector<16xi32>
      %add3A_1037 = arith.addi %get3A_111, %add3A_1036 : vector<16xi32>
      %gather3A_1038 = tpu.vector_load_idx %arg17[%add3A_106, %add3A_1037] : memref<128x128xf32, #tpu.memory_space<vmem>>[vector<16xi32>, vector<16xi32>], vector<16xf32>,
      %add3A_1039 = arith.constant 57 : i32
      %add3A_1040 = vector.broadcast %add3A_1039 : i32 to vector<16xi32>
      %add3A_1041 = arith.addi %get3A_117, %add3A_1040 : vector<16xi32>
      %gather3A_1042 = tpu.vector_load_idx %arg18[%add3A_106, %add3A_1041] : memref<128x128xf32, #tpu.memory_space<vmem>>[vector<16xi32>, vector<16xi32>], vector<16xf32>,
      %add3A_1043 = arith.constant 57 : i32
      %add3A_1044 = vector.broadcast %add3A_1043 : i32 to vector<16xi32>
      %add3A_1045 = arith.addi %get3A_123, %add3A_1044 : vector<16xi32>
      %gather3A_1046 = tpu.vector_load_idx %arg19[%add3A_106, %add3A_1045] : memref<128x128xf32, #tpu.memory_space<vmem>>[vector<16xi32>, vector<16xi32>], vector<16xf32>,
      %add3A_1047 = arith.addf %gather3A_1038, %gather3A_1042 : vector<16xf32>
      %sub3A_1048 = arith.subf %add3A_1047, %gather3A_1046 : vector<16xf32>
      %mul3A_1049 = arith.mulf %sub3A_1048, %sub3A_1048 : vector<16xf32>
      %add3A_1050 = arith.addf %add3A_1034, %mul3A_1049 : vector<16xf32>
      %add3A_1051 = arith.constant 58 : i32
      %add3A_1052 = vector.broadcast %add3A_1051 : i32 to vector<16xi32>
      %add3A_1053 = arith.addi %get3A_111, %add3A_1052 : vector<16xi32>
      %gather3A_1054 = tpu.vector_load_idx %arg17[%add3A_106, %add3A_1053] : memref<128x128xf32, #tpu.memory_space<vmem>>[vector<16xi32>, vector<16xi32>], vector<16xf32>,
      %add3A_1055 = arith.constant 58 : i32
      %add3A_1056 = vector.broadcast %add3A_1055 : i32 to vector<16xi32>
      %add3A_1057 = arith.addi %get3A_117, %add3A_1056 : vector<16xi32>
      %gather3A_1058 = tpu.vector_load_idx %arg18[%add3A_106, %add3A_1057] : memref<128x128xf32, #tpu.memory_space<vmem>>[vector<16xi32>, vector<16xi32>], vector<16xf32>,
      %add3A_1059 = arith.constant 58 : i32
      %add3A_1060 = vector.broadcast %add3A_1059 : i32 to vector<16xi32>
      %add3A_1061 = arith.addi %get3A_123, %add3A_1060 : vector<16xi32>
      %gather3A_1062 = tpu.vector_load_idx %arg19[%add3A_106, %add3A_1061] : memref<128x128xf32, #tpu.memory_space<vmem>>[vector<16xi32>, vector<16xi32>], vector<16xf32>,
      %add3A_1063 = arith.addf %gather3A_1054, %gather3A_1058 : vector<16xf32>
      %sub3A_1064 = arith.subf %add3A_1063, %gather3A_1062 : vector<16xf32>
      %mul3A_1065 = arith.mulf %sub3A_1064, %sub3A_1064 : vector<16xf32>
      %add3A_1066 = arith.addf %add3A_1050, %mul3A_1065 : vector<16xf32>
      %add3A_1067 = arith.constant 59 : i32
      %add3A_1068 = vector.broadcast %add3A_1067 : i32 to vector<16xi32>
      %add3A_1069 = arith.addi %get3A_111, %add3A_1068 : vector<16xi32>
      %gather3A_1070 = tpu.vector_load_idx %arg17[%add3A_106, %add3A_1069] : memref<128x128xf32, #tpu.memory_space<vmem>>[vector<16xi32>, vector<16xi32>], vector<16xf32>,
      %add3A_1071 = arith.constant 59 : i32
      %add3A_1072 = vector.broadcast %add3A_1071 : i32 to vector<16xi32>
      %add3A_1073 = arith.addi %get3A_117, %add3A_1072 : vector<16xi32>
      %gather3A_1074 = tpu.vector_load_idx %arg18[%add3A_106, %add3A_1073] : memref<128x128xf32, #tpu.memory_space<vmem>>[vector<16xi32>, vector<16xi32>], vector<16xf32>,
      %add3A_1075 = arith.constant 59 : i32
      %add3A_1076 = vector.broadcast %add3A_1075 : i32 to vector<16xi32>
      %add3A_1077 = arith.addi %get3A_123, %add3A_1076 : vector<16xi32>
      %gather3A_1078 = tpu.vector_load_idx %arg19[%add3A_106, %add3A_1077] : memref<128x128xf32, #tpu.memory_space<vmem>>[vector<16xi32>, vector<16xi32>], vector<16xf32>,
      %add3A_1079 = arith.addf %gather3A_1070, %gather3A_1074 : vector<16xf32>
      %sub3A_1080 = arith.subf %add3A_1079, %gather3A_1078 : vector<16xf32>
      %mul3A_1081 = arith.mulf %sub3A_1080, %sub3A_1080 : vector<16xf32>
      %add3A_1082 = arith.addf %add3A_1066, %mul3A_1081 : vector<16xf32>
      %add3A_1083 = arith.constant 60 : i32
      %add3A_1084 = vector.broadcast %add3A_1083 : i32 to vector<16xi32>
      %add3A_1085 = arith.addi %get3A_111, %add3A_1084 : vector<16xi32>
      %gather3A_1086 = tpu.vector_load_idx %arg17[%add3A_106, %add3A_1085] : memref<128x128xf32, #tpu.memory_space<vmem>>[vector<16xi32>, vector<16xi32>], vector<16xf32>,
      %add3A_1087 = arith.constant 60 : i32
      %add3A_1088 = vector.broadcast %add3A_1087 : i32 to vector<16xi32>
      %add3A_1089 = arith.addi %get3A_117, %add3A_1088 : vector<16xi32>
      %gather3A_1090 = tpu.vector_load_idx %arg18[%add3A_106, %add3A_1089] : memref<128x128xf32, #tpu.memory_space<vmem>>[vector<16xi32>, vector<16xi32>], vector<16xf32>,
      %add3A_1091 = arith.constant 60 : i32
      %add3A_1092 = vector.broadcast %add3A_1091 : i32 to vector<16xi32>
      %add3A_1093 = arith.addi %get3A_123, %add3A_1092 : vector<16xi32>
      %gather3A_1094 = tpu.vector_load_idx %arg19[%add3A_106, %add3A_1093] : memref<128x128xf32, #tpu.memory_space<vmem>>[vector<16xi32>, vector<16xi32>], vector<16xf32>,
      %add3A_1095 = arith.addf %gather3A_1086, %gather3A_1090 : vector<16xf32>
      %sub3A_1096 = arith.subf %add3A_1095, %gather3A_1094 : vector<16xf32>
      %mul3A_1097 = arith.mulf %sub3A_1096, %sub3A_1096 : vector<16xf32>
      %add3A_1098 = arith.addf %add3A_1082, %mul3A_1097 : vector<16xf32>
      %add3A_1099 = arith.constant 61 : i32
      %add3A_1100 = vector.broadcast %add3A_1099 : i32 to vector<16xi32>
      %add3A_1101 = arith.addi %get3A_111, %add3A_1100 : vector<16xi32>
      %gather3A_1102 = tpu.vector_load_idx %arg17[%add3A_106, %add3A_1101] : memref<128x128xf32, #tpu.memory_space<vmem>>[vector<16xi32>, vector<16xi32>], vector<16xf32>,
      %add3A_1103 = arith.constant 61 : i32
      %add3A_1104 = vector.broadcast %add3A_1103 : i32 to vector<16xi32>
      %add3A_1105 = arith.addi %get3A_117, %add3A_1104 : vector<16xi32>
      %gather3A_1106 = tpu.vector_load_idx %arg18[%add3A_106, %add3A_1105] : memref<128x128xf32, #tpu.memory_space<vmem>>[vector<16xi32>, vector<16xi32>], vector<16xf32>,
      %add3A_1107 = arith.constant 61 : i32
      %add3A_1108 = vector.broadcast %add3A_1107 : i32 to vector<16xi32>
      %add3A_1109 = arith.addi %get3A_123, %add3A_1108 : vector<16xi32>
      %gather3A_1110 = tpu.vector_load_idx %arg19[%add3A_106, %add3A_1109] : memref<128x128xf32, #tpu.memory_space<vmem>>[vector<16xi32>, vector<16xi32>], vector<16xf32>,
      %add3A_1111 = arith.addf %gather3A_1102, %gather3A_1106 : vector<16xf32>
      %sub3A_1112 = arith.subf %add3A_1111, %gather3A_1110 : vector<16xf32>
      %mul3A_1113 = arith.mulf %sub3A_1112, %sub3A_1112 : vector<16xf32>
      %add3A_1114 = arith.addf %add3A_1098, %mul3A_1113 : vector<16xf32>
      %add3A_1115 = arith.constant 62 : i32
      %add3A_1116 = vector.broadcast %add3A_1115 : i32 to vector<16xi32>
      %add3A_1117 = arith.addi %get3A_111, %add3A_1116 : vector<16xi32>
      %gather3A_1118 = tpu.vector_load_idx %arg17[%add3A_106, %add3A_1117] : memref<128x128xf32, #tpu.memory_space<vmem>>[vector<16xi32>, vector<16xi32>], vector<16xf32>,
      %add3A_1119 = arith.constant 62 : i32
      %add3A_1120 = vector.broadcast %add3A_1119 : i32 to vector<16xi32>
      %add3A_1121 = arith.addi %get3A_117, %add3A_1120 : vector<16xi32>
      %gather3A_1122 = tpu.vector_load_idx %arg18[%add3A_106, %add3A_1121] : memref<128x128xf32, #tpu.memory_space<vmem>>[vector<16xi32>, vector<16xi32>], vector<16xf32>,
      %add3A_1123 = arith.constant 62 : i32
      %add3A_1124 = vector.broadcast %add3A_1123 : i32 to vector<16xi32>
      %add3A_1125 = arith.addi %get3A_123, %add3A_1124 : vector<16xi32>
      %gather3A_1126 = tpu.vector_load_idx %arg19[%add3A_106, %add3A_1125] : memref<128x128xf32, #tpu.memory_space<vmem>>[vector<16xi32>, vector<16xi32>], vector<16xf32>,
      %add3A_1127 = arith.addf %gather3A_1118, %gather3A_1122 : vector<16xf32>
      %sub3A_1128 = arith.subf %add3A_1127, %gather3A_1126 : vector<16xf32>
      %mul3A_1129 = arith.mulf %sub3A_1128, %sub3A_1128 : vector<16xf32>
      %add3A_1130 = arith.addf %add3A_1114, %mul3A_1129 : vector<16xf32>
      %add3A_1131 = arith.constant 63 : i32
      %add3A_1132 = vector.broadcast %add3A_1131 : i32 to vector<16xi32>
      %add3A_1133 = arith.addi %get3A_111, %add3A_1132 : vector<16xi32>
      %gather3A_1134 = tpu.vector_load_idx %arg17[%add3A_106, %add3A_1133] : memref<128x128xf32, #tpu.memory_space<vmem>>[vector<16xi32>, vector<16xi32>], vector<16xf32>,
      %add3A_1135 = arith.constant 63 : i32
      %add3A_1136 = vector.broadcast %add3A_1135 : i32 to vector<16xi32>
      %add3A_1137 = arith.addi %get3A_117, %add3A_1136 : vector<16xi32>
      %gather3A_1138 = tpu.vector_load_idx %arg18[%add3A_106, %add3A_1137] : memref<128x128xf32, #tpu.memory_space<vmem>>[vector<16xi32>, vector<16xi32>], vector<16xf32>,
      %add3A_1139 = arith.constant 63 : i32
      %add3A_1140 = vector.broadcast %add3A_1139 : i32 to vector<16xi32>
      %add3A_1141 = arith.addi %get3A_123, %add3A_1140 : vector<16xi32>
      %gather3A_1142 = tpu.vector_load_idx %arg19[%add3A_106, %add3A_1141] : memref<128x128xf32, #tpu.memory_space<vmem>>[vector<16xi32>, vector<16xi32>], vector<16xf32>,
      %add3A_1143 = arith.addf %gather3A_1134, %gather3A_1138 : vector<16xf32>
      %sub3A_1144 = arith.subf %add3A_1143, %gather3A_1142 : vector<16xf32>
      %mul3A_1145 = arith.mulf %sub3A_1144, %sub3A_1144 : vector<16xf32>
      %add3A_1146 = arith.addf %add3A_1130, %mul3A_1145 : vector<16xf32>
      %bitcast_convert_type3A = tpu.bitcast %add3A_1146 : vector<16xf32> -> vector<16xi32>
      %shift_right_arithmetic3A = arith.constant 1 : i32
      %shift_right_arithmetic3A_1147 = vector.broadcast %shift_right_arithmetic3A : i32 to vector<16xi32>
      %shift_right_arithmetic3A_1148 = arith.shrsi %bitcast_convert_type3A, %shift_right_arithmetic3A_1147 : vector<16xi32>
      %sub3A_1149 = arith.constant 1597463007 : i32
      %sub3A_1150 = vector.broadcast %sub3A_1149 : i32 to vector<16xi32>
      %sub3A_1151 = arith.subi %sub3A_1150, %shift_right_arithmetic3A_1148 : vector<16xi32>
      %bitcast_convert_type3A_1152 = tpu.bitcast %sub3A_1151 : vector<16xi32> -> vector<16xf32>
      %mul3A_1153 = arith.constant 5.000000e-01 : f32
      %mul3A_1154 = vector.broadcast %mul3A_1153 : f32 to vector<16xf32>
      %mul3A_1155 = arith.mulf %mul3A_1154, %add3A_1146 : vector<16xf32>
      %mul3A_1156 = arith.mulf %mul3A_1155, %bitcast_convert_type3A_1152 : vector<16xf32>
      %mul3A_1157 = arith.mulf %mul3A_1156, %bitcast_convert_type3A_1152 : vector<16xf32>
      %sub3A_1158 = arith.constant 1.500000e+00 : f32
      %sub3A_1159 = vector.broadcast %sub3A_1158 : f32 to vector<16xf32>
      %sub3A_1160 = arith.subf %sub3A_1159, %mul3A_1157 : vector<16xf32>
      %mul3A_1161 = arith.mulf %bitcast_convert_type3A_1152, %sub3A_1160 : vector<16xf32>
      %mul3A_1162 = arith.constant 5.000000e-01 : f32
      %mul3A_1163 = vector.broadcast %mul3A_1162 : f32 to vector<16xf32>
      %mul3A_1164 = arith.mulf %mul3A_1163, %add3A_1146 : vector<16xf32>
      %mul3A_1165 = arith.mulf %mul3A_1164, %mul3A_1161 : vector<16xf32>
      %mul3A_1166 = arith.mulf %mul3A_1165, %mul3A_1161 : vector<16xf32>
      %sub3A_1167 = arith.constant 1.500000e+00 : f32
      %sub3A_1168 = vector.broadcast %sub3A_1167 : f32 to vector<16xf32>
      %sub3A_1169 = arith.subf %sub3A_1168, %mul3A_1166 : vector<16xf32>
      %mul3A_1170 = arith.mulf %mul3A_1161, %sub3A_1169 : vector<16xf32>
      %mul3A_1171 = arith.constant 5.000000e-01 : f32
      %mul3A_1172 = vector.broadcast %mul3A_1171 : f32 to vector<16xf32>
      %mul3A_1173 = arith.mulf %mul3A_1172, %add3A_1146 : vector<16xf32>
      %mul3A_1174 = arith.mulf %mul3A_1173, %mul3A_1170 : vector<16xf32>
      %mul3A_1175 = arith.mulf %mul3A_1174, %mul3A_1170 : vector<16xf32>
      %sub3A_1176 = arith.constant 1.500000e+00 : f32
      %sub3A_1177 = vector.broadcast %sub3A_1176 : f32 to vector<16xf32>
      %sub3A_1178 = arith.subf %sub3A_1177, %mul3A_1175 : vector<16xf32>
      %mul3A_1179 = arith.mulf %mul3A_1170, %sub3A_1178 : vector<16xf32>
      %mul3A_1180 = arith.mulf %add3A_1146, %mul3A_1179 : vector<16xf32>
      %neg3A = arith.constant 0.000000e+00 : f32
      %neg3A_1181 = vector.broadcast %neg3A : f32 to vector<16xf32>
      %neg3A_1182 = arith.subf %neg3A_1181, %mul3A_1180 : vector<16xf32>
      %mul3A_1183 = arith.constant 16 : i32
      %mul3A_1184 = arith.muli %scan3A_102, %mul3A_1183 : i32
      %add3A_1185 = arith.constant 0 : i32
      %add3A_1186 = arith.addi %add3A_1185, %mul3A_1184 : i32
      %swap3A = arith.index_cast %add3A_1186 : i32 to index
      %swap3A_1187 = tpu.vector_load %arg20[%swap3A] {strides = array<i32>} : memref<256xf32, #tpu.memory_space<vmem>>, vector<16xf32>,
      tpu.vector_store %arg20[%swap3A], %neg3A_1182 {strides = array<i32>} : memref<256xf32, #tpu.memory_space<vmem>>, vector<16xf32>,
    }
    %scan3A_53 = arith.constant 8 : i32
    %dma_start3A_54 = arith.constant 1 : i32
    %dma_start3A_55 = arith.constant 0 : i32
    %dma_start3A_56 = tpu.memref_slice %arg11[%dma_start3A_54, %dma_start3A_55] : memref<2x128xi32, #tpu.memory_space<vmem>> -> memref<1x128xi32, #tpu.memory_space<vmem>>
    %dma_start3A_57 = tpu.memref_squeeze %dma_start3A_56 : memref<1x128xi32, #tpu.memory_space<vmem>> -> memref<128xi32, #tpu.memory_space<vmem>>
    %dma_start3A_58 = arith.constant 0 : i32
    %dma_start3A_59 = arith.constant 0 : i32
    %dma_start3A_60 = tpu.memref_slice %arg8[%dma_start3A_58, %dma_start3A_59] : memref<500000x128xf32, #tpu.memory_space<hbm>> -> memref<500000x128xf32, #tpu.memory_space<hbm>>
    tpu.enqueue_indirect_dma source(%dma_start3A_60 : memref<500000x128xf32, #tpu.memory_space<hbm>>) target(%arg17 : memref<128x128xf32, #tpu.memory_space<vmem>>) offsets(%dma_start3A_57 : memref<128xi32, #tpu.memory_space<vmem>>) semaphore(%arg21 : memref<!tpu.dma_semaphore, #tpu.memory_space<semaphore_mem>>)
    %dma_start3A_61 = arith.constant 1 : i32
    %dma_start3A_62 = arith.constant 0 : i32
    %dma_start3A_63 = tpu.memref_slice %arg12[%dma_start3A_61, %dma_start3A_62] : memref<2x128xi32, #tpu.memory_space<vmem>> -> memref<1x128xi32, #tpu.memory_space<vmem>>
    %dma_start3A_64 = tpu.memref_squeeze %dma_start3A_63 : memref<1x128xi32, #tpu.memory_space<vmem>> -> memref<128xi32, #tpu.memory_space<vmem>>
    %dma_start3A_65 = arith.constant 0 : i32
    %dma_start3A_66 = arith.constant 0 : i32
    %dma_start3A_67 = tpu.memref_slice %arg9[%dma_start3A_65, %dma_start3A_66] : memref<500x128xf32, #tpu.memory_space<hbm>> -> memref<500x128xf32, #tpu.memory_space<hbm>>
    tpu.enqueue_indirect_dma source(%dma_start3A_67 : memref<500x128xf32, #tpu.memory_space<hbm>>) target(%arg18 : memref<128x128xf32, #tpu.memory_space<vmem>>) offsets(%dma_start3A_64 : memref<128xi32, #tpu.memory_space<vmem>>) semaphore(%arg21 : memref<!tpu.dma_semaphore, #tpu.memory_space<semaphore_mem>>)
    %dma_start3A_68 = arith.constant 1 : i32
    %dma_start3A_69 = arith.constant 0 : i32
    %dma_start3A_70 = tpu.memref_slice %arg13[%dma_start3A_68, %dma_start3A_69] : memref<2x128xi32, #tpu.memory_space<vmem>> -> memref<1x128xi32, #tpu.memory_space<vmem>>
    %dma_start3A_71 = tpu.memref_squeeze %dma_start3A_70 : memref<1x128xi32, #tpu.memory_space<vmem>> -> memref<128xi32, #tpu.memory_space<vmem>>
    %dma_start3A_72 = arith.constant 0 : i32
    %dma_start3A_73 = arith.constant 0 : i32
    %dma_start3A_74 = tpu.memref_slice %arg8[%dma_start3A_72, %dma_start3A_73] : memref<500000x128xf32, #tpu.memory_space<hbm>> -> memref<500000x128xf32, #tpu.memory_space<hbm>>
    tpu.enqueue_indirect_dma source(%dma_start3A_74 : memref<500000x128xf32, #tpu.memory_space<hbm>>) target(%arg19 : memref<128x128xf32, #tpu.memory_space<vmem>>) offsets(%dma_start3A_71 : memref<128xi32, #tpu.memory_space<vmem>>) semaphore(%arg21 : memref<!tpu.dma_semaphore, #tpu.memory_space<semaphore_mem>>)
    %dma_wait3A_75 = arith.constant 1 : i32
    %dma_wait3A_76 = arith.constant 0 : i32
    %dma_wait3A_77 = tpu.memref_slice %arg11[%dma_wait3A_75, %dma_wait3A_76] : memref<2x128xi32, #tpu.memory_space<vmem>> -> memref<1x128xi32, #tpu.memory_space<vmem>>
    %dma_wait3A_78 = tpu.memref_squeeze %dma_wait3A_77 : memref<1x128xi32, #tpu.memory_space<vmem>> -> memref<128xi32, #tpu.memory_space<vmem>>
    %dma_wait3A_79 = arith.constant 0 : i32
    %dma_wait3A_80 = arith.constant 0 : i32
    %dma_wait3A_81 = tpu.memref_slice %arg8[%dma_wait3A_79, %dma_wait3A_80] : memref<500000x128xf32, #tpu.memory_space<hbm>> -> memref<500000x128xf32, #tpu.memory_space<hbm>>
    tpu.wait_indirect_dma semaphore(%arg21 : memref<!tpu.dma_semaphore, #tpu.memory_space<semaphore_mem>>) src(%dma_wait3A_81 : memref<500000x128xf32, #tpu.memory_space<hbm>>) dst(%arg17 : memref<128x128xf32, #tpu.memory_space<vmem>>)
    %dma_wait3A_82 = arith.constant 1 : i32
    %dma_wait3A_83 = arith.constant 0 : i32
    %dma_wait3A_84 = tpu.memref_slice %arg12[%dma_wait3A_82, %dma_wait3A_83] : memref<2x128xi32, #tpu.memory_space<vmem>> -> memref<1x128xi32, #tpu.memory_space<vmem>>
    %dma_wait3A_85 = tpu.memref_squeeze %dma_wait3A_84 : memref<1x128xi32, #tpu.memory_space<vmem>> -> memref<128xi32, #tpu.memory_space<vmem>>
    %dma_wait3A_86 = arith.constant 0 : i32
    %dma_wait3A_87 = arith.constant 0 : i32
    %dma_wait3A_88 = tpu.memref_slice %arg9[%dma_wait3A_86, %dma_wait3A_87] : memref<500x128xf32, #tpu.memory_space<hbm>> -> memref<500x128xf32, #tpu.memory_space<hbm>>
    tpu.wait_indirect_dma semaphore(%arg21 : memref<!tpu.dma_semaphore, #tpu.memory_space<semaphore_mem>>) src(%dma_wait3A_88 : memref<500x128xf32, #tpu.memory_space<hbm>>) dst(%arg18 : memref<128x128xf32, #tpu.memory_space<vmem>>)
    %dma_wait3A_89 = arith.constant 1 : i32
    %dma_wait3A_90 = arith.constant 0 : i32
    %dma_wait3A_91 = tpu.memref_slice %arg13[%dma_wait3A_89, %dma_wait3A_90] : memref<2x128xi32, #tpu.memory_space<vmem>> -> memref<1x128xi32, #tpu.memory_space<vmem>>
    %dma_wait3A_92 = tpu.memref_squeeze %dma_wait3A_91 : memref<1x128xi32, #tpu.memory_space<vmem>> -> memref<128xi32, #tpu.memory_space<vmem>>
    %dma_wait3A_93 = arith.constant 0 : i32
    %dma_wait3A_94 = arith.constant 0 : i32
    %dma_wait3A_95 = tpu.memref_slice %arg8[%dma_wait3A_93, %dma_wait3A_94] : memref<500000x128xf32, #tpu.memory_space<hbm>> -> memref<500000x128xf32, #tpu.memory_space<hbm>>
    tpu.wait_indirect_dma semaphore(%arg21 : memref<!tpu.dma_semaphore, #tpu.memory_space<semaphore_mem>>) src(%dma_wait3A_95 : memref<500000x128xf32, #tpu.memory_space<hbm>>) dst(%arg19 : memref<128x128xf32, #tpu.memory_space<vmem>>)
    %scan3A_96 = arith.constant 0 : i32
    %scan3A_97 = arith.constant 0 : i32
    %scan3A_98 = arith.constant 8 : i32
    %scan3A_99 = arith.addi %scan3A_97, %scan3A_98 : i32
    %scan3A_100 = arith.constant 1 : i32
    scf.for %scan3A_102 = %scan3A_97 to %scan3A_99 step %scan3A_100  : i32 {
      %mul3A_103 = arith.constant 16 : i32
      %mul3A_104 = arith.muli %scan3A_102, %mul3A_103 : i32
      %add3A_105 = vector.broadcast %mul3A_104 : i32 to vector<16xi32>
      %add3A_106 = arith.addi %add3A_105, %iota3A : vector<16xi32>
      %mul3A_107 = arith.constant 16 : i32
      %mul3A_108 = arith.muli %scan3A_102, %mul3A_107 : i32
      %add3A_109 = arith.constant 128 : i32
      %add3A_110 = arith.addi %add3A_109, %mul3A_108 : i32
      %get3A = arith.index_cast %add3A_110 : i32 to index
      %get3A_111 = tpu.vector_load %arg14[%get3A] {strides = array<i32>} : memref<256xi32, #tpu.memory_space<vmem>>, vector<16xi32>,
      %mul3A_112 = arith.constant 16 : i32
      %mul3A_113 = arith.muli %scan3A_102, %mul3A_112 : i32
      %add3A_114 = arith.constant 128 : i32
      %add3A_115 = arith.addi %add3A_114, %mul3A_113 : i32
      %get3A_116 = arith.index_cast %add3A_115 : i32 to index
      %get3A_117 = tpu.vector_load %arg15[%get3A_116] {strides = array<i32>} : memref<256xi32, #tpu.memory_space<vmem>>, vector<16xi32>,
      %mul3A_118 = arith.constant 16 : i32
      %mul3A_119 = arith.muli %scan3A_102, %mul3A_118 : i32
      %add3A_120 = arith.constant 128 : i32
      %add3A_121 = arith.addi %add3A_120, %mul3A_119 : i32
      %get3A_122 = arith.index_cast %add3A_121 : i32 to index
      %get3A_123 = tpu.vector_load %arg16[%get3A_122] {strides = array<i32>} : memref<256xi32, #tpu.memory_space<vmem>>, vector<16xi32>,
      %broadcast_in_dim3A = arith.constant 0.000000e+00 : f32
      %broadcast_in_dim3A_124 = vector.broadcast %broadcast_in_dim3A : f32 to vector<16xf32>
      %add3A_125 = arith.constant 0 : i32
      %add3A_126 = vector.broadcast %add3A_125 : i32 to vector<16xi32>
      %add3A_127 = arith.addi %get3A_111, %add3A_126 : vector<16xi32>
      %gather3A = tpu.vector_load_idx %arg17[%add3A_106, %add3A_127] : memref<128x128xf32, #tpu.memory_space<vmem>>[vector<16xi32>, vector<16xi32>], vector<16xf32>,
      %add3A_128 = arith.constant 0 : i32
      %add3A_129 = vector.broadcast %add3A_128 : i32 to vector<16xi32>
      %add3A_130 = arith.addi %get3A_117, %add3A_129 : vector<16xi32>
      %gather3A_131 = tpu.vector_load_idx %arg18[%add3A_106, %add3A_130] : memref<128x128xf32, #tpu.memory_space<vmem>>[vector<16xi32>, vector<16xi32>], vector<16xf32>,
      %add3A_132 = arith.constant 0 : i32
      %add3A_133 = vector.broadcast %add3A_132 : i32 to vector<16xi32>
      %add3A_134 = arith.addi %get3A_123, %add3A_133 : vector<16xi32>
      %gather3A_135 = tpu.vector_load_idx %arg19[%add3A_106, %add3A_134] : memref<128x128xf32, #tpu.memory_space<vmem>>[vector<16xi32>, vector<16xi32>], vector<16xf32>,
      %add3A_136 = arith.addf %gather3A, %gather3A_131 : vector<16xf32>
      %sub3A = arith.subf %add3A_136, %gather3A_135 : vector<16xf32>
      %mul3A_137 = arith.mulf %sub3A, %sub3A : vector<16xf32>
      %add3A_138 = arith.addf %broadcast_in_dim3A_124, %mul3A_137 : vector<16xf32>
      %add3A_139 = arith.constant 1 : i32
      %add3A_140 = vector.broadcast %add3A_139 : i32 to vector<16xi32>
      %add3A_141 = arith.addi %get3A_111, %add3A_140 : vector<16xi32>
      %gather3A_142 = tpu.vector_load_idx %arg17[%add3A_106, %add3A_141] : memref<128x128xf32, #tpu.memory_space<vmem>>[vector<16xi32>, vector<16xi32>], vector<16xf32>,
      %add3A_143 = arith.constant 1 : i32
      %add3A_144 = vector.broadcast %add3A_143 : i32 to vector<16xi32>
      %add3A_145 = arith.addi %get3A_117, %add3A_144 : vector<16xi32>
      %gather3A_146 = tpu.vector_load_idx %arg18[%add3A_106, %add3A_145] : memref<128x128xf32, #tpu.memory_space<vmem>>[vector<16xi32>, vector<16xi32>], vector<16xf32>,
      %add3A_147 = arith.constant 1 : i32
      %add3A_148 = vector.broadcast %add3A_147 : i32 to vector<16xi32>
      %add3A_149 = arith.addi %get3A_123, %add3A_148 : vector<16xi32>
      %gather3A_150 = tpu.vector_load_idx %arg19[%add3A_106, %add3A_149] : memref<128x128xf32, #tpu.memory_space<vmem>>[vector<16xi32>, vector<16xi32>], vector<16xf32>,
      %add3A_151 = arith.addf %gather3A_142, %gather3A_146 : vector<16xf32>
      %sub3A_152 = arith.subf %add3A_151, %gather3A_150 : vector<16xf32>
      %mul3A_153 = arith.mulf %sub3A_152, %sub3A_152 : vector<16xf32>
      %add3A_154 = arith.addf %add3A_138, %mul3A_153 : vector<16xf32>
      %add3A_155 = arith.constant 2 : i32
      %add3A_156 = vector.broadcast %add3A_155 : i32 to vector<16xi32>
      %add3A_157 = arith.addi %get3A_111, %add3A_156 : vector<16xi32>
      %gather3A_158 = tpu.vector_load_idx %arg17[%add3A_106, %add3A_157] : memref<128x128xf32, #tpu.memory_space<vmem>>[vector<16xi32>, vector<16xi32>], vector<16xf32>,
      %add3A_159 = arith.constant 2 : i32
      %add3A_160 = vector.broadcast %add3A_159 : i32 to vector<16xi32>
      %add3A_161 = arith.addi %get3A_117, %add3A_160 : vector<16xi32>
      %gather3A_162 = tpu.vector_load_idx %arg18[%add3A_106, %add3A_161] : memref<128x128xf32, #tpu.memory_space<vmem>>[vector<16xi32>, vector<16xi32>], vector<16xf32>,
      %add3A_163 = arith.constant 2 : i32
      %add3A_164 = vector.broadcast %add3A_163 : i32 to vector<16xi32>
      %add3A_165 = arith.addi %get3A_123, %add3A_164 : vector<16xi32>
      %gather3A_166 = tpu.vector_load_idx %arg19[%add3A_106, %add3A_165] : memref<128x128xf32, #tpu.memory_space<vmem>>[vector<16xi32>, vector<16xi32>], vector<16xf32>,
      %add3A_167 = arith.addf %gather3A_158, %gather3A_162 : vector<16xf32>
      %sub3A_168 = arith.subf %add3A_167, %gather3A_166 : vector<16xf32>
      %mul3A_169 = arith.mulf %sub3A_168, %sub3A_168 : vector<16xf32>
      %add3A_170 = arith.addf %add3A_154, %mul3A_169 : vector<16xf32>
      %add3A_171 = arith.constant 3 : i32
      %add3A_172 = vector.broadcast %add3A_171 : i32 to vector<16xi32>
      %add3A_173 = arith.addi %get3A_111, %add3A_172 : vector<16xi32>
      %gather3A_174 = tpu.vector_load_idx %arg17[%add3A_106, %add3A_173] : memref<128x128xf32, #tpu.memory_space<vmem>>[vector<16xi32>, vector<16xi32>], vector<16xf32>,
      %add3A_175 = arith.constant 3 : i32
      %add3A_176 = vector.broadcast %add3A_175 : i32 to vector<16xi32>
      %add3A_177 = arith.addi %get3A_117, %add3A_176 : vector<16xi32>
      %gather3A_178 = tpu.vector_load_idx %arg18[%add3A_106, %add3A_177] : memref<128x128xf32, #tpu.memory_space<vmem>>[vector<16xi32>, vector<16xi32>], vector<16xf32>,
      %add3A_179 = arith.constant 3 : i32
      %add3A_180 = vector.broadcast %add3A_179 : i32 to vector<16xi32>
      %add3A_181 = arith.addi %get3A_123, %add3A_180 : vector<16xi32>
      %gather3A_182 = tpu.vector_load_idx %arg19[%add3A_106, %add3A_181] : memref<128x128xf32, #tpu.memory_space<vmem>>[vector<16xi32>, vector<16xi32>], vector<16xf32>,
      %add3A_183 = arith.addf %gather3A_174, %gather3A_178 : vector<16xf32>
      %sub3A_184 = arith.subf %add3A_183, %gather3A_182 : vector<16xf32>
      %mul3A_185 = arith.mulf %sub3A_184, %sub3A_184 : vector<16xf32>
      %add3A_186 = arith.addf %add3A_170, %mul3A_185 : vector<16xf32>
      %add3A_187 = arith.constant 4 : i32
      %add3A_188 = vector.broadcast %add3A_187 : i32 to vector<16xi32>
      %add3A_189 = arith.addi %get3A_111, %add3A_188 : vector<16xi32>
      %gather3A_190 = tpu.vector_load_idx %arg17[%add3A_106, %add3A_189] : memref<128x128xf32, #tpu.memory_space<vmem>>[vector<16xi32>, vector<16xi32>], vector<16xf32>,
      %add3A_191 = arith.constant 4 : i32
      %add3A_192 = vector.broadcast %add3A_191 : i32 to vector<16xi32>
      %add3A_193 = arith.addi %get3A_117, %add3A_192 : vector<16xi32>
      %gather3A_194 = tpu.vector_load_idx %arg18[%add3A_106, %add3A_193] : memref<128x128xf32, #tpu.memory_space<vmem>>[vector<16xi32>, vector<16xi32>], vector<16xf32>,
      %add3A_195 = arith.constant 4 : i32
      %add3A_196 = vector.broadcast %add3A_195 : i32 to vector<16xi32>
      %add3A_197 = arith.addi %get3A_123, %add3A_196 : vector<16xi32>
      %gather3A_198 = tpu.vector_load_idx %arg19[%add3A_106, %add3A_197] : memref<128x128xf32, #tpu.memory_space<vmem>>[vector<16xi32>, vector<16xi32>], vector<16xf32>,
      %add3A_199 = arith.addf %gather3A_190, %gather3A_194 : vector<16xf32>
      %sub3A_200 = arith.subf %add3A_199, %gather3A_198 : vector<16xf32>
      %mul3A_201 = arith.mulf %sub3A_200, %sub3A_200 : vector<16xf32>
      %add3A_202 = arith.addf %add3A_186, %mul3A_201 : vector<16xf32>
      %add3A_203 = arith.constant 5 : i32
      %add3A_204 = vector.broadcast %add3A_203 : i32 to vector<16xi32>
      %add3A_205 = arith.addi %get3A_111, %add3A_204 : vector<16xi32>
      %gather3A_206 = tpu.vector_load_idx %arg17[%add3A_106, %add3A_205] : memref<128x128xf32, #tpu.memory_space<vmem>>[vector<16xi32>, vector<16xi32>], vector<16xf32>,
      %add3A_207 = arith.constant 5 : i32
      %add3A_208 = vector.broadcast %add3A_207 : i32 to vector<16xi32>
      %add3A_209 = arith.addi %get3A_117, %add3A_208 : vector<16xi32>
      %gather3A_210 = tpu.vector_load_idx %arg18[%add3A_106, %add3A_209] : memref<128x128xf32, #tpu.memory_space<vmem>>[vector<16xi32>, vector<16xi32>], vector<16xf32>,
      %add3A_211 = arith.constant 5 : i32
      %add3A_212 = vector.broadcast %add3A_211 : i32 to vector<16xi32>
      %add3A_213 = arith.addi %get3A_123, %add3A_212 : vector<16xi32>
      %gather3A_214 = tpu.vector_load_idx %arg19[%add3A_106, %add3A_213] : memref<128x128xf32, #tpu.memory_space<vmem>>[vector<16xi32>, vector<16xi32>], vector<16xf32>,
      %add3A_215 = arith.addf %gather3A_206, %gather3A_210 : vector<16xf32>
      %sub3A_216 = arith.subf %add3A_215, %gather3A_214 : vector<16xf32>
      %mul3A_217 = arith.mulf %sub3A_216, %sub3A_216 : vector<16xf32>
      %add3A_218 = arith.addf %add3A_202, %mul3A_217 : vector<16xf32>
      %add3A_219 = arith.constant 6 : i32
      %add3A_220 = vector.broadcast %add3A_219 : i32 to vector<16xi32>
      %add3A_221 = arith.addi %get3A_111, %add3A_220 : vector<16xi32>
      %gather3A_222 = tpu.vector_load_idx %arg17[%add3A_106, %add3A_221] : memref<128x128xf32, #tpu.memory_space<vmem>>[vector<16xi32>, vector<16xi32>], vector<16xf32>,
      %add3A_223 = arith.constant 6 : i32
      %add3A_224 = vector.broadcast %add3A_223 : i32 to vector<16xi32>
      %add3A_225 = arith.addi %get3A_117, %add3A_224 : vector<16xi32>
      %gather3A_226 = tpu.vector_load_idx %arg18[%add3A_106, %add3A_225] : memref<128x128xf32, #tpu.memory_space<vmem>>[vector<16xi32>, vector<16xi32>], vector<16xf32>,
      %add3A_227 = arith.constant 6 : i32
      %add3A_228 = vector.broadcast %add3A_227 : i32 to vector<16xi32>
      %add3A_229 = arith.addi %get3A_123, %add3A_228 : vector<16xi32>
      %gather3A_230 = tpu.vector_load_idx %arg19[%add3A_106, %add3A_229] : memref<128x128xf32, #tpu.memory_space<vmem>>[vector<16xi32>, vector<16xi32>], vector<16xf32>,
      %add3A_231 = arith.addf %gather3A_222, %gather3A_226 : vector<16xf32>
      %sub3A_232 = arith.subf %add3A_231, %gather3A_230 : vector<16xf32>
      %mul3A_233 = arith.mulf %sub3A_232, %sub3A_232 : vector<16xf32>
      %add3A_234 = arith.addf %add3A_218, %mul3A_233 : vector<16xf32>
      %add3A_235 = arith.constant 7 : i32
      %add3A_236 = vector.broadcast %add3A_235 : i32 to vector<16xi32>
      %add3A_237 = arith.addi %get3A_111, %add3A_236 : vector<16xi32>
      %gather3A_238 = tpu.vector_load_idx %arg17[%add3A_106, %add3A_237] : memref<128x128xf32, #tpu.memory_space<vmem>>[vector<16xi32>, vector<16xi32>], vector<16xf32>,
      %add3A_239 = arith.constant 7 : i32
      %add3A_240 = vector.broadcast %add3A_239 : i32 to vector<16xi32>
      %add3A_241 = arith.addi %get3A_117, %add3A_240 : vector<16xi32>
      %gather3A_242 = tpu.vector_load_idx %arg18[%add3A_106, %add3A_241] : memref<128x128xf32, #tpu.memory_space<vmem>>[vector<16xi32>, vector<16xi32>], vector<16xf32>,
      %add3A_243 = arith.constant 7 : i32
      %add3A_244 = vector.broadcast %add3A_243 : i32 to vector<16xi32>
      %add3A_245 = arith.addi %get3A_123, %add3A_244 : vector<16xi32>
      %gather3A_246 = tpu.vector_load_idx %arg19[%add3A_106, %add3A_245] : memref<128x128xf32, #tpu.memory_space<vmem>>[vector<16xi32>, vector<16xi32>], vector<16xf32>,
      %add3A_247 = arith.addf %gather3A_238, %gather3A_242 : vector<16xf32>
      %sub3A_248 = arith.subf %add3A_247, %gather3A_246 : vector<16xf32>
      %mul3A_249 = arith.mulf %sub3A_248, %sub3A_248 : vector<16xf32>
      %add3A_250 = arith.addf %add3A_234, %mul3A_249 : vector<16xf32>
      %add3A_251 = arith.constant 8 : i32
      %add3A_252 = vector.broadcast %add3A_251 : i32 to vector<16xi32>
      %add3A_253 = arith.addi %get3A_111, %add3A_252 : vector<16xi32>
      %gather3A_254 = tpu.vector_load_idx %arg17[%add3A_106, %add3A_253] : memref<128x128xf32, #tpu.memory_space<vmem>>[vector<16xi32>, vector<16xi32>], vector<16xf32>,
      %add3A_255 = arith.constant 8 : i32
      %add3A_256 = vector.broadcast %add3A_255 : i32 to vector<16xi32>
      %add3A_257 = arith.addi %get3A_117, %add3A_256 : vector<16xi32>
      %gather3A_258 = tpu.vector_load_idx %arg18[%add3A_106, %add3A_257] : memref<128x128xf32, #tpu.memory_space<vmem>>[vector<16xi32>, vector<16xi32>], vector<16xf32>,
      %add3A_259 = arith.constant 8 : i32
      %add3A_260 = vector.broadcast %add3A_259 : i32 to vector<16xi32>
      %add3A_261 = arith.addi %get3A_123, %add3A_260 : vector<16xi32>
      %gather3A_262 = tpu.vector_load_idx %arg19[%add3A_106, %add3A_261] : memref<128x128xf32, #tpu.memory_space<vmem>>[vector<16xi32>, vector<16xi32>], vector<16xf32>,
      %add3A_263 = arith.addf %gather3A_254, %gather3A_258 : vector<16xf32>
      %sub3A_264 = arith.subf %add3A_263, %gather3A_262 : vector<16xf32>
      %mul3A_265 = arith.mulf %sub3A_264, %sub3A_264 : vector<16xf32>
      %add3A_266 = arith.addf %add3A_250, %mul3A_265 : vector<16xf32>
      %add3A_267 = arith.constant 9 : i32
      %add3A_268 = vector.broadcast %add3A_267 : i32 to vector<16xi32>
      %add3A_269 = arith.addi %get3A_111, %add3A_268 : vector<16xi32>
      %gather3A_270 = tpu.vector_load_idx %arg17[%add3A_106, %add3A_269] : memref<128x128xf32, #tpu.memory_space<vmem>>[vector<16xi32>, vector<16xi32>], vector<16xf32>,
      %add3A_271 = arith.constant 9 : i32
      %add3A_272 = vector.broadcast %add3A_271 : i32 to vector<16xi32>
      %add3A_273 = arith.addi %get3A_117, %add3A_272 : vector<16xi32>
      %gather3A_274 = tpu.vector_load_idx %arg18[%add3A_106, %add3A_273] : memref<128x128xf32, #tpu.memory_space<vmem>>[vector<16xi32>, vector<16xi32>], vector<16xf32>,
      %add3A_275 = arith.constant 9 : i32
      %add3A_276 = vector.broadcast %add3A_275 : i32 to vector<16xi32>
      %add3A_277 = arith.addi %get3A_123, %add3A_276 : vector<16xi32>
      %gather3A_278 = tpu.vector_load_idx %arg19[%add3A_106, %add3A_277] : memref<128x128xf32, #tpu.memory_space<vmem>>[vector<16xi32>, vector<16xi32>], vector<16xf32>,
      %add3A_279 = arith.addf %gather3A_270, %gather3A_274 : vector<16xf32>
      %sub3A_280 = arith.subf %add3A_279, %gather3A_278 : vector<16xf32>
      %mul3A_281 = arith.mulf %sub3A_280, %sub3A_280 : vector<16xf32>
      %add3A_282 = arith.addf %add3A_266, %mul3A_281 : vector<16xf32>
      %add3A_283 = arith.constant 10 : i32
      %add3A_284 = vector.broadcast %add3A_283 : i32 to vector<16xi32>
      %add3A_285 = arith.addi %get3A_111, %add3A_284 : vector<16xi32>
      %gather3A_286 = tpu.vector_load_idx %arg17[%add3A_106, %add3A_285] : memref<128x128xf32, #tpu.memory_space<vmem>>[vector<16xi32>, vector<16xi32>], vector<16xf32>,
      %add3A_287 = arith.constant 10 : i32
      %add3A_288 = vector.broadcast %add3A_287 : i32 to vector<16xi32>
      %add3A_289 = arith.addi %get3A_117, %add3A_288 : vector<16xi32>
      %gather3A_290 = tpu.vector_load_idx %arg18[%add3A_106, %add3A_289] : memref<128x128xf32, #tpu.memory_space<vmem>>[vector<16xi32>, vector<16xi32>], vector<16xf32>,
      %add3A_291 = arith.constant 10 : i32
      %add3A_292 = vector.broadcast %add3A_291 : i32 to vector<16xi32>
      %add3A_293 = arith.addi %get3A_123, %add3A_292 : vector<16xi32>
      %gather3A_294 = tpu.vector_load_idx %arg19[%add3A_106, %add3A_293] : memref<128x128xf32, #tpu.memory_space<vmem>>[vector<16xi32>, vector<16xi32>], vector<16xf32>,
      %add3A_295 = arith.addf %gather3A_286, %gather3A_290 : vector<16xf32>
      %sub3A_296 = arith.subf %add3A_295, %gather3A_294 : vector<16xf32>
      %mul3A_297 = arith.mulf %sub3A_296, %sub3A_296 : vector<16xf32>
      %add3A_298 = arith.addf %add3A_282, %mul3A_297 : vector<16xf32>
      %add3A_299 = arith.constant 11 : i32
      %add3A_300 = vector.broadcast %add3A_299 : i32 to vector<16xi32>
      %add3A_301 = arith.addi %get3A_111, %add3A_300 : vector<16xi32>
      %gather3A_302 = tpu.vector_load_idx %arg17[%add3A_106, %add3A_301] : memref<128x128xf32, #tpu.memory_space<vmem>>[vector<16xi32>, vector<16xi32>], vector<16xf32>,
      %add3A_303 = arith.constant 11 : i32
      %add3A_304 = vector.broadcast %add3A_303 : i32 to vector<16xi32>
      %add3A_305 = arith.addi %get3A_117, %add3A_304 : vector<16xi32>
      %gather3A_306 = tpu.vector_load_idx %arg18[%add3A_106, %add3A_305] : memref<128x128xf32, #tpu.memory_space<vmem>>[vector<16xi32>, vector<16xi32>], vector<16xf32>,
      %add3A_307 = arith.constant 11 : i32
      %add3A_308 = vector.broadcast %add3A_307 : i32 to vector<16xi32>
      %add3A_309 = arith.addi %get3A_123, %add3A_308 : vector<16xi32>
      %gather3A_310 = tpu.vector_load_idx %arg19[%add3A_106, %add3A_309] : memref<128x128xf32, #tpu.memory_space<vmem>>[vector<16xi32>, vector<16xi32>], vector<16xf32>,
      %add3A_311 = arith.addf %gather3A_302, %gather3A_306 : vector<16xf32>
      %sub3A_312 = arith.subf %add3A_311, %gather3A_310 : vector<16xf32>
      %mul3A_313 = arith.mulf %sub3A_312, %sub3A_312 : vector<16xf32>
      %add3A_314 = arith.addf %add3A_298, %mul3A_313 : vector<16xf32>
      %add3A_315 = arith.constant 12 : i32
      %add3A_316 = vector.broadcast %add3A_315 : i32 to vector<16xi32>
      %add3A_317 = arith.addi %get3A_111, %add3A_316 : vector<16xi32>
      %gather3A_318 = tpu.vector_load_idx %arg17[%add3A_106, %add3A_317] : memref<128x128xf32, #tpu.memory_space<vmem>>[vector<16xi32>, vector<16xi32>], vector<16xf32>,
      %add3A_319 = arith.constant 12 : i32
      %add3A_320 = vector.broadcast %add3A_319 : i32 to vector<16xi32>
      %add3A_321 = arith.addi %get3A_117, %add3A_320 : vector<16xi32>
      %gather3A_322 = tpu.vector_load_idx %arg18[%add3A_106, %add3A_321] : memref<128x128xf32, #tpu.memory_space<vmem>>[vector<16xi32>, vector<16xi32>], vector<16xf32>,
      %add3A_323 = arith.constant 12 : i32
      %add3A_324 = vector.broadcast %add3A_323 : i32 to vector<16xi32>
      %add3A_325 = arith.addi %get3A_123, %add3A_324 : vector<16xi32>
      %gather3A_326 = tpu.vector_load_idx %arg19[%add3A_106, %add3A_325] : memref<128x128xf32, #tpu.memory_space<vmem>>[vector<16xi32>, vector<16xi32>], vector<16xf32>,
      %add3A_327 = arith.addf %gather3A_318, %gather3A_322 : vector<16xf32>
      %sub3A_328 = arith.subf %add3A_327, %gather3A_326 : vector<16xf32>
      %mul3A_329 = arith.mulf %sub3A_328, %sub3A_328 : vector<16xf32>
      %add3A_330 = arith.addf %add3A_314, %mul3A_329 : vector<16xf32>
      %add3A_331 = arith.constant 13 : i32
      %add3A_332 = vector.broadcast %add3A_331 : i32 to vector<16xi32>
      %add3A_333 = arith.addi %get3A_111, %add3A_332 : vector<16xi32>
      %gather3A_334 = tpu.vector_load_idx %arg17[%add3A_106, %add3A_333] : memref<128x128xf32, #tpu.memory_space<vmem>>[vector<16xi32>, vector<16xi32>], vector<16xf32>,
      %add3A_335 = arith.constant 13 : i32
      %add3A_336 = vector.broadcast %add3A_335 : i32 to vector<16xi32>
      %add3A_337 = arith.addi %get3A_117, %add3A_336 : vector<16xi32>
      %gather3A_338 = tpu.vector_load_idx %arg18[%add3A_106, %add3A_337] : memref<128x128xf32, #tpu.memory_space<vmem>>[vector<16xi32>, vector<16xi32>], vector<16xf32>,
      %add3A_339 = arith.constant 13 : i32
      %add3A_340 = vector.broadcast %add3A_339 : i32 to vector<16xi32>
      %add3A_341 = arith.addi %get3A_123, %add3A_340 : vector<16xi32>
      %gather3A_342 = tpu.vector_load_idx %arg19[%add3A_106, %add3A_341] : memref<128x128xf32, #tpu.memory_space<vmem>>[vector<16xi32>, vector<16xi32>], vector<16xf32>,
      %add3A_343 = arith.addf %gather3A_334, %gather3A_338 : vector<16xf32>
      %sub3A_344 = arith.subf %add3A_343, %gather3A_342 : vector<16xf32>
      %mul3A_345 = arith.mulf %sub3A_344, %sub3A_344 : vector<16xf32>
      %add3A_346 = arith.addf %add3A_330, %mul3A_345 : vector<16xf32>
      %add3A_347 = arith.constant 14 : i32
      %add3A_348 = vector.broadcast %add3A_347 : i32 to vector<16xi32>
      %add3A_349 = arith.addi %get3A_111, %add3A_348 : vector<16xi32>
      %gather3A_350 = tpu.vector_load_idx %arg17[%add3A_106, %add3A_349] : memref<128x128xf32, #tpu.memory_space<vmem>>[vector<16xi32>, vector<16xi32>], vector<16xf32>,
      %add3A_351 = arith.constant 14 : i32
      %add3A_352 = vector.broadcast %add3A_351 : i32 to vector<16xi32>
      %add3A_353 = arith.addi %get3A_117, %add3A_352 : vector<16xi32>
      %gather3A_354 = tpu.vector_load_idx %arg18[%add3A_106, %add3A_353] : memref<128x128xf32, #tpu.memory_space<vmem>>[vector<16xi32>, vector<16xi32>], vector<16xf32>,
      %add3A_355 = arith.constant 14 : i32
      %add3A_356 = vector.broadcast %add3A_355 : i32 to vector<16xi32>
      %add3A_357 = arith.addi %get3A_123, %add3A_356 : vector<16xi32>
      %gather3A_358 = tpu.vector_load_idx %arg19[%add3A_106, %add3A_357] : memref<128x128xf32, #tpu.memory_space<vmem>>[vector<16xi32>, vector<16xi32>], vector<16xf32>,
      %add3A_359 = arith.addf %gather3A_350, %gather3A_354 : vector<16xf32>
      %sub3A_360 = arith.subf %add3A_359, %gather3A_358 : vector<16xf32>
      %mul3A_361 = arith.mulf %sub3A_360, %sub3A_360 : vector<16xf32>
      %add3A_362 = arith.addf %add3A_346, %mul3A_361 : vector<16xf32>
      %add3A_363 = arith.constant 15 : i32
      %add3A_364 = vector.broadcast %add3A_363 : i32 to vector<16xi32>
      %add3A_365 = arith.addi %get3A_111, %add3A_364 : vector<16xi32>
      %gather3A_366 = tpu.vector_load_idx %arg17[%add3A_106, %add3A_365] : memref<128x128xf32, #tpu.memory_space<vmem>>[vector<16xi32>, vector<16xi32>], vector<16xf32>,
      %add3A_367 = arith.constant 15 : i32
      %add3A_368 = vector.broadcast %add3A_367 : i32 to vector<16xi32>
      %add3A_369 = arith.addi %get3A_117, %add3A_368 : vector<16xi32>
      %gather3A_370 = tpu.vector_load_idx %arg18[%add3A_106, %add3A_369] : memref<128x128xf32, #tpu.memory_space<vmem>>[vector<16xi32>, vector<16xi32>], vector<16xf32>,
      %add3A_371 = arith.constant 15 : i32
      %add3A_372 = vector.broadcast %add3A_371 : i32 to vector<16xi32>
      %add3A_373 = arith.addi %get3A_123, %add3A_372 : vector<16xi32>
      %gather3A_374 = tpu.vector_load_idx %arg19[%add3A_106, %add3A_373] : memref<128x128xf32, #tpu.memory_space<vmem>>[vector<16xi32>, vector<16xi32>], vector<16xf32>,
      %add3A_375 = arith.addf %gather3A_366, %gather3A_370 : vector<16xf32>
      %sub3A_376 = arith.subf %add3A_375, %gather3A_374 : vector<16xf32>
      %mul3A_377 = arith.mulf %sub3A_376, %sub3A_376 : vector<16xf32>
      %add3A_378 = arith.addf %add3A_362, %mul3A_377 : vector<16xf32>
      %add3A_379 = arith.constant 16 : i32
      %add3A_380 = vector.broadcast %add3A_379 : i32 to vector<16xi32>
      %add3A_381 = arith.addi %get3A_111, %add3A_380 : vector<16xi32>
      %gather3A_382 = tpu.vector_load_idx %arg17[%add3A_106, %add3A_381] : memref<128x128xf32, #tpu.memory_space<vmem>>[vector<16xi32>, vector<16xi32>], vector<16xf32>,
      %add3A_383 = arith.constant 16 : i32
      %add3A_384 = vector.broadcast %add3A_383 : i32 to vector<16xi32>
      %add3A_385 = arith.addi %get3A_117, %add3A_384 : vector<16xi32>
      %gather3A_386 = tpu.vector_load_idx %arg18[%add3A_106, %add3A_385] : memref<128x128xf32, #tpu.memory_space<vmem>>[vector<16xi32>, vector<16xi32>], vector<16xf32>,
      %add3A_387 = arith.constant 16 : i32
      %add3A_388 = vector.broadcast %add3A_387 : i32 to vector<16xi32>
      %add3A_389 = arith.addi %get3A_123, %add3A_388 : vector<16xi32>
      %gather3A_390 = tpu.vector_load_idx %arg19[%add3A_106, %add3A_389] : memref<128x128xf32, #tpu.memory_space<vmem>>[vector<16xi32>, vector<16xi32>], vector<16xf32>,
      %add3A_391 = arith.addf %gather3A_382, %gather3A_386 : vector<16xf32>
      %sub3A_392 = arith.subf %add3A_391, %gather3A_390 : vector<16xf32>
      %mul3A_393 = arith.mulf %sub3A_392, %sub3A_392 : vector<16xf32>
      %add3A_394 = arith.addf %add3A_378, %mul3A_393 : vector<16xf32>
      %add3A_395 = arith.constant 17 : i32
      %add3A_396 = vector.broadcast %add3A_395 : i32 to vector<16xi32>
      %add3A_397 = arith.addi %get3A_111, %add3A_396 : vector<16xi32>
      %gather3A_398 = tpu.vector_load_idx %arg17[%add3A_106, %add3A_397] : memref<128x128xf32, #tpu.memory_space<vmem>>[vector<16xi32>, vector<16xi32>], vector<16xf32>,
      %add3A_399 = arith.constant 17 : i32
      %add3A_400 = vector.broadcast %add3A_399 : i32 to vector<16xi32>
      %add3A_401 = arith.addi %get3A_117, %add3A_400 : vector<16xi32>
      %gather3A_402 = tpu.vector_load_idx %arg18[%add3A_106, %add3A_401] : memref<128x128xf32, #tpu.memory_space<vmem>>[vector<16xi32>, vector<16xi32>], vector<16xf32>,
      %add3A_403 = arith.constant 17 : i32
      %add3A_404 = vector.broadcast %add3A_403 : i32 to vector<16xi32>
      %add3A_405 = arith.addi %get3A_123, %add3A_404 : vector<16xi32>
      %gather3A_406 = tpu.vector_load_idx %arg19[%add3A_106, %add3A_405] : memref<128x128xf32, #tpu.memory_space<vmem>>[vector<16xi32>, vector<16xi32>], vector<16xf32>,
      %add3A_407 = arith.addf %gather3A_398, %gather3A_402 : vector<16xf32>
      %sub3A_408 = arith.subf %add3A_407, %gather3A_406 : vector<16xf32>
      %mul3A_409 = arith.mulf %sub3A_408, %sub3A_408 : vector<16xf32>
      %add3A_410 = arith.addf %add3A_394, %mul3A_409 : vector<16xf32>
      %add3A_411 = arith.constant 18 : i32
      %add3A_412 = vector.broadcast %add3A_411 : i32 to vector<16xi32>
      %add3A_413 = arith.addi %get3A_111, %add3A_412 : vector<16xi32>
      %gather3A_414 = tpu.vector_load_idx %arg17[%add3A_106, %add3A_413] : memref<128x128xf32, #tpu.memory_space<vmem>>[vector<16xi32>, vector<16xi32>], vector<16xf32>,
      %add3A_415 = arith.constant 18 : i32
      %add3A_416 = vector.broadcast %add3A_415 : i32 to vector<16xi32>
      %add3A_417 = arith.addi %get3A_117, %add3A_416 : vector<16xi32>
      %gather3A_418 = tpu.vector_load_idx %arg18[%add3A_106, %add3A_417] : memref<128x128xf32, #tpu.memory_space<vmem>>[vector<16xi32>, vector<16xi32>], vector<16xf32>,
      %add3A_419 = arith.constant 18 : i32
      %add3A_420 = vector.broadcast %add3A_419 : i32 to vector<16xi32>
      %add3A_421 = arith.addi %get3A_123, %add3A_420 : vector<16xi32>
      %gather3A_422 = tpu.vector_load_idx %arg19[%add3A_106, %add3A_421] : memref<128x128xf32, #tpu.memory_space<vmem>>[vector<16xi32>, vector<16xi32>], vector<16xf32>,
      %add3A_423 = arith.addf %gather3A_414, %gather3A_418 : vector<16xf32>
      %sub3A_424 = arith.subf %add3A_423, %gather3A_422 : vector<16xf32>
      %mul3A_425 = arith.mulf %sub3A_424, %sub3A_424 : vector<16xf32>
      %add3A_426 = arith.addf %add3A_410, %mul3A_425 : vector<16xf32>
      %add3A_427 = arith.constant 19 : i32
      %add3A_428 = vector.broadcast %add3A_427 : i32 to vector<16xi32>
      %add3A_429 = arith.addi %get3A_111, %add3A_428 : vector<16xi32>
      %gather3A_430 = tpu.vector_load_idx %arg17[%add3A_106, %add3A_429] : memref<128x128xf32, #tpu.memory_space<vmem>>[vector<16xi32>, vector<16xi32>], vector<16xf32>,
      %add3A_431 = arith.constant 19 : i32
      %add3A_432 = vector.broadcast %add3A_431 : i32 to vector<16xi32>
      %add3A_433 = arith.addi %get3A_117, %add3A_432 : vector<16xi32>
      %gather3A_434 = tpu.vector_load_idx %arg18[%add3A_106, %add3A_433] : memref<128x128xf32, #tpu.memory_space<vmem>>[vector<16xi32>, vector<16xi32>], vector<16xf32>,
      %add3A_435 = arith.constant 19 : i32
      %add3A_436 = vector.broadcast %add3A_435 : i32 to vector<16xi32>
      %add3A_437 = arith.addi %get3A_123, %add3A_436 : vector<16xi32>
      %gather3A_438 = tpu.vector_load_idx %arg19[%add3A_106, %add3A_437] : memref<128x128xf32, #tpu.memory_space<vmem>>[vector<16xi32>, vector<16xi32>], vector<16xf32>,
      %add3A_439 = arith.addf %gather3A_430, %gather3A_434 : vector<16xf32>
      %sub3A_440 = arith.subf %add3A_439, %gather3A_438 : vector<16xf32>
      %mul3A_441 = arith.mulf %sub3A_440, %sub3A_440 : vector<16xf32>
      %add3A_442 = arith.addf %add3A_426, %mul3A_441 : vector<16xf32>
      %add3A_443 = arith.constant 20 : i32
      %add3A_444 = vector.broadcast %add3A_443 : i32 to vector<16xi32>
      %add3A_445 = arith.addi %get3A_111, %add3A_444 : vector<16xi32>
      %gather3A_446 = tpu.vector_load_idx %arg17[%add3A_106, %add3A_445] : memref<128x128xf32, #tpu.memory_space<vmem>>[vector<16xi32>, vector<16xi32>], vector<16xf32>,
      %add3A_447 = arith.constant 20 : i32
      %add3A_448 = vector.broadcast %add3A_447 : i32 to vector<16xi32>
      %add3A_449 = arith.addi %get3A_117, %add3A_448 : vector<16xi32>
      %gather3A_450 = tpu.vector_load_idx %arg18[%add3A_106, %add3A_449] : memref<128x128xf32, #tpu.memory_space<vmem>>[vector<16xi32>, vector<16xi32>], vector<16xf32>,
      %add3A_451 = arith.constant 20 : i32
      %add3A_452 = vector.broadcast %add3A_451 : i32 to vector<16xi32>
      %add3A_453 = arith.addi %get3A_123, %add3A_452 : vector<16xi32>
      %gather3A_454 = tpu.vector_load_idx %arg19[%add3A_106, %add3A_453] : memref<128x128xf32, #tpu.memory_space<vmem>>[vector<16xi32>, vector<16xi32>], vector<16xf32>,
      %add3A_455 = arith.addf %gather3A_446, %gather3A_450 : vector<16xf32>
      %sub3A_456 = arith.subf %add3A_455, %gather3A_454 : vector<16xf32>
      %mul3A_457 = arith.mulf %sub3A_456, %sub3A_456 : vector<16xf32>
      %add3A_458 = arith.addf %add3A_442, %mul3A_457 : vector<16xf32>
      %add3A_459 = arith.constant 21 : i32
      %add3A_460 = vector.broadcast %add3A_459 : i32 to vector<16xi32>
      %add3A_461 = arith.addi %get3A_111, %add3A_460 : vector<16xi32>
      %gather3A_462 = tpu.vector_load_idx %arg17[%add3A_106, %add3A_461] : memref<128x128xf32, #tpu.memory_space<vmem>>[vector<16xi32>, vector<16xi32>], vector<16xf32>,
      %add3A_463 = arith.constant 21 : i32
      %add3A_464 = vector.broadcast %add3A_463 : i32 to vector<16xi32>
      %add3A_465 = arith.addi %get3A_117, %add3A_464 : vector<16xi32>
      %gather3A_466 = tpu.vector_load_idx %arg18[%add3A_106, %add3A_465] : memref<128x128xf32, #tpu.memory_space<vmem>>[vector<16xi32>, vector<16xi32>], vector<16xf32>,
      %add3A_467 = arith.constant 21 : i32
      %add3A_468 = vector.broadcast %add3A_467 : i32 to vector<16xi32>
      %add3A_469 = arith.addi %get3A_123, %add3A_468 : vector<16xi32>
      %gather3A_470 = tpu.vector_load_idx %arg19[%add3A_106, %add3A_469] : memref<128x128xf32, #tpu.memory_space<vmem>>[vector<16xi32>, vector<16xi32>], vector<16xf32>,
      %add3A_471 = arith.addf %gather3A_462, %gather3A_466 : vector<16xf32>
      %sub3A_472 = arith.subf %add3A_471, %gather3A_470 : vector<16xf32>
      %mul3A_473 = arith.mulf %sub3A_472, %sub3A_472 : vector<16xf32>
      %add3A_474 = arith.addf %add3A_458, %mul3A_473 : vector<16xf32>
      %add3A_475 = arith.constant 22 : i32
      %add3A_476 = vector.broadcast %add3A_475 : i32 to vector<16xi32>
      %add3A_477 = arith.addi %get3A_111, %add3A_476 : vector<16xi32>
      %gather3A_478 = tpu.vector_load_idx %arg17[%add3A_106, %add3A_477] : memref<128x128xf32, #tpu.memory_space<vmem>>[vector<16xi32>, vector<16xi32>], vector<16xf32>,
      %add3A_479 = arith.constant 22 : i32
      %add3A_480 = vector.broadcast %add3A_479 : i32 to vector<16xi32>
      %add3A_481 = arith.addi %get3A_117, %add3A_480 : vector<16xi32>
      %gather3A_482 = tpu.vector_load_idx %arg18[%add3A_106, %add3A_481] : memref<128x128xf32, #tpu.memory_space<vmem>>[vector<16xi32>, vector<16xi32>], vector<16xf32>,
      %add3A_483 = arith.constant 22 : i32
      %add3A_484 = vector.broadcast %add3A_483 : i32 to vector<16xi32>
      %add3A_485 = arith.addi %get3A_123, %add3A_484 : vector<16xi32>
      %gather3A_486 = tpu.vector_load_idx %arg19[%add3A_106, %add3A_485] : memref<128x128xf32, #tpu.memory_space<vmem>>[vector<16xi32>, vector<16xi32>], vector<16xf32>,
      %add3A_487 = arith.addf %gather3A_478, %gather3A_482 : vector<16xf32>
      %sub3A_488 = arith.subf %add3A_487, %gather3A_486 : vector<16xf32>
      %mul3A_489 = arith.mulf %sub3A_488, %sub3A_488 : vector<16xf32>
      %add3A_490 = arith.addf %add3A_474, %mul3A_489 : vector<16xf32>
      %add3A_491 = arith.constant 23 : i32
      %add3A_492 = vector.broadcast %add3A_491 : i32 to vector<16xi32>
      %add3A_493 = arith.addi %get3A_111, %add3A_492 : vector<16xi32>
      %gather3A_494 = tpu.vector_load_idx %arg17[%add3A_106, %add3A_493] : memref<128x128xf32, #tpu.memory_space<vmem>>[vector<16xi32>, vector<16xi32>], vector<16xf32>,
      %add3A_495 = arith.constant 23 : i32
      %add3A_496 = vector.broadcast %add3A_495 : i32 to vector<16xi32>
      %add3A_497 = arith.addi %get3A_117, %add3A_496 : vector<16xi32>
      %gather3A_498 = tpu.vector_load_idx %arg18[%add3A_106, %add3A_497] : memref<128x128xf32, #tpu.memory_space<vmem>>[vector<16xi32>, vector<16xi32>], vector<16xf32>,
      %add3A_499 = arith.constant 23 : i32
      %add3A_500 = vector.broadcast %add3A_499 : i32 to vector<16xi32>
      %add3A_501 = arith.addi %get3A_123, %add3A_500 : vector<16xi32>
      %gather3A_502 = tpu.vector_load_idx %arg19[%add3A_106, %add3A_501] : memref<128x128xf32, #tpu.memory_space<vmem>>[vector<16xi32>, vector<16xi32>], vector<16xf32>,
      %add3A_503 = arith.addf %gather3A_494, %gather3A_498 : vector<16xf32>
      %sub3A_504 = arith.subf %add3A_503, %gather3A_502 : vector<16xf32>
      %mul3A_505 = arith.mulf %sub3A_504, %sub3A_504 : vector<16xf32>
      %add3A_506 = arith.addf %add3A_490, %mul3A_505 : vector<16xf32>
      %add3A_507 = arith.constant 24 : i32
      %add3A_508 = vector.broadcast %add3A_507 : i32 to vector<16xi32>
      %add3A_509 = arith.addi %get3A_111, %add3A_508 : vector<16xi32>
      %gather3A_510 = tpu.vector_load_idx %arg17[%add3A_106, %add3A_509] : memref<128x128xf32, #tpu.memory_space<vmem>>[vector<16xi32>, vector<16xi32>], vector<16xf32>,
      %add3A_511 = arith.constant 24 : i32
      %add3A_512 = vector.broadcast %add3A_511 : i32 to vector<16xi32>
      %add3A_513 = arith.addi %get3A_117, %add3A_512 : vector<16xi32>
      %gather3A_514 = tpu.vector_load_idx %arg18[%add3A_106, %add3A_513] : memref<128x128xf32, #tpu.memory_space<vmem>>[vector<16xi32>, vector<16xi32>], vector<16xf32>,
      %add3A_515 = arith.constant 24 : i32
      %add3A_516 = vector.broadcast %add3A_515 : i32 to vector<16xi32>
      %add3A_517 = arith.addi %get3A_123, %add3A_516 : vector<16xi32>
      %gather3A_518 = tpu.vector_load_idx %arg19[%add3A_106, %add3A_517] : memref<128x128xf32, #tpu.memory_space<vmem>>[vector<16xi32>, vector<16xi32>], vector<16xf32>,
      %add3A_519 = arith.addf %gather3A_510, %gather3A_514 : vector<16xf32>
      %sub3A_520 = arith.subf %add3A_519, %gather3A_518 : vector<16xf32>
      %mul3A_521 = arith.mulf %sub3A_520, %sub3A_520 : vector<16xf32>
      %add3A_522 = arith.addf %add3A_506, %mul3A_521 : vector<16xf32>
      %add3A_523 = arith.constant 25 : i32
      %add3A_524 = vector.broadcast %add3A_523 : i32 to vector<16xi32>
      %add3A_525 = arith.addi %get3A_111, %add3A_524 : vector<16xi32>
      %gather3A_526 = tpu.vector_load_idx %arg17[%add3A_106, %add3A_525] : memref<128x128xf32, #tpu.memory_space<vmem>>[vector<16xi32>, vector<16xi32>], vector<16xf32>,
      %add3A_527 = arith.constant 25 : i32
      %add3A_528 = vector.broadcast %add3A_527 : i32 to vector<16xi32>
      %add3A_529 = arith.addi %get3A_117, %add3A_528 : vector<16xi32>
      %gather3A_530 = tpu.vector_load_idx %arg18[%add3A_106, %add3A_529] : memref<128x128xf32, #tpu.memory_space<vmem>>[vector<16xi32>, vector<16xi32>], vector<16xf32>,
      %add3A_531 = arith.constant 25 : i32
      %add3A_532 = vector.broadcast %add3A_531 : i32 to vector<16xi32>
      %add3A_533 = arith.addi %get3A_123, %add3A_532 : vector<16xi32>
      %gather3A_534 = tpu.vector_load_idx %arg19[%add3A_106, %add3A_533] : memref<128x128xf32, #tpu.memory_space<vmem>>[vector<16xi32>, vector<16xi32>], vector<16xf32>,
      %add3A_535 = arith.addf %gather3A_526, %gather3A_530 : vector<16xf32>
      %sub3A_536 = arith.subf %add3A_535, %gather3A_534 : vector<16xf32>
      %mul3A_537 = arith.mulf %sub3A_536, %sub3A_536 : vector<16xf32>
      %add3A_538 = arith.addf %add3A_522, %mul3A_537 : vector<16xf32>
      %add3A_539 = arith.constant 26 : i32
      %add3A_540 = vector.broadcast %add3A_539 : i32 to vector<16xi32>
      %add3A_541 = arith.addi %get3A_111, %add3A_540 : vector<16xi32>
      %gather3A_542 = tpu.vector_load_idx %arg17[%add3A_106, %add3A_541] : memref<128x128xf32, #tpu.memory_space<vmem>>[vector<16xi32>, vector<16xi32>], vector<16xf32>,
      %add3A_543 = arith.constant 26 : i32
      %add3A_544 = vector.broadcast %add3A_543 : i32 to vector<16xi32>
      %add3A_545 = arith.addi %get3A_117, %add3A_544 : vector<16xi32>
      %gather3A_546 = tpu.vector_load_idx %arg18[%add3A_106, %add3A_545] : memref<128x128xf32, #tpu.memory_space<vmem>>[vector<16xi32>, vector<16xi32>], vector<16xf32>,
      %add3A_547 = arith.constant 26 : i32
      %add3A_548 = vector.broadcast %add3A_547 : i32 to vector<16xi32>
      %add3A_549 = arith.addi %get3A_123, %add3A_548 : vector<16xi32>
      %gather3A_550 = tpu.vector_load_idx %arg19[%add3A_106, %add3A_549] : memref<128x128xf32, #tpu.memory_space<vmem>>[vector<16xi32>, vector<16xi32>], vector<16xf32>,
      %add3A_551 = arith.addf %gather3A_542, %gather3A_546 : vector<16xf32>
      %sub3A_552 = arith.subf %add3A_551, %gather3A_550 : vector<16xf32>
      %mul3A_553 = arith.mulf %sub3A_552, %sub3A_552 : vector<16xf32>
      %add3A_554 = arith.addf %add3A_538, %mul3A_553 : vector<16xf32>
      %add3A_555 = arith.constant 27 : i32
      %add3A_556 = vector.broadcast %add3A_555 : i32 to vector<16xi32>
      %add3A_557 = arith.addi %get3A_111, %add3A_556 : vector<16xi32>
      %gather3A_558 = tpu.vector_load_idx %arg17[%add3A_106, %add3A_557] : memref<128x128xf32, #tpu.memory_space<vmem>>[vector<16xi32>, vector<16xi32>], vector<16xf32>,
      %add3A_559 = arith.constant 27 : i32
      %add3A_560 = vector.broadcast %add3A_559 : i32 to vector<16xi32>
      %add3A_561 = arith.addi %get3A_117, %add3A_560 : vector<16xi32>
      %gather3A_562 = tpu.vector_load_idx %arg18[%add3A_106, %add3A_561] : memref<128x128xf32, #tpu.memory_space<vmem>>[vector<16xi32>, vector<16xi32>], vector<16xf32>,
      %add3A_563 = arith.constant 27 : i32
      %add3A_564 = vector.broadcast %add3A_563 : i32 to vector<16xi32>
      %add3A_565 = arith.addi %get3A_123, %add3A_564 : vector<16xi32>
      %gather3A_566 = tpu.vector_load_idx %arg19[%add3A_106, %add3A_565] : memref<128x128xf32, #tpu.memory_space<vmem>>[vector<16xi32>, vector<16xi32>], vector<16xf32>,
      %add3A_567 = arith.addf %gather3A_558, %gather3A_562 : vector<16xf32>
      %sub3A_568 = arith.subf %add3A_567, %gather3A_566 : vector<16xf32>
      %mul3A_569 = arith.mulf %sub3A_568, %sub3A_568 : vector<16xf32>
      %add3A_570 = arith.addf %add3A_554, %mul3A_569 : vector<16xf32>
      %add3A_571 = arith.constant 28 : i32
      %add3A_572 = vector.broadcast %add3A_571 : i32 to vector<16xi32>
      %add3A_573 = arith.addi %get3A_111, %add3A_572 : vector<16xi32>
      %gather3A_574 = tpu.vector_load_idx %arg17[%add3A_106, %add3A_573] : memref<128x128xf32, #tpu.memory_space<vmem>>[vector<16xi32>, vector<16xi32>], vector<16xf32>,
      %add3A_575 = arith.constant 28 : i32
      %add3A_576 = vector.broadcast %add3A_575 : i32 to vector<16xi32>
      %add3A_577 = arith.addi %get3A_117, %add3A_576 : vector<16xi32>
      %gather3A_578 = tpu.vector_load_idx %arg18[%add3A_106, %add3A_577] : memref<128x128xf32, #tpu.memory_space<vmem>>[vector<16xi32>, vector<16xi32>], vector<16xf32>,
      %add3A_579 = arith.constant 28 : i32
      %add3A_580 = vector.broadcast %add3A_579 : i32 to vector<16xi32>
      %add3A_581 = arith.addi %get3A_123, %add3A_580 : vector<16xi32>
      %gather3A_582 = tpu.vector_load_idx %arg19[%add3A_106, %add3A_581] : memref<128x128xf32, #tpu.memory_space<vmem>>[vector<16xi32>, vector<16xi32>], vector<16xf32>,
      %add3A_583 = arith.addf %gather3A_574, %gather3A_578 : vector<16xf32>
      %sub3A_584 = arith.subf %add3A_583, %gather3A_582 : vector<16xf32>
      %mul3A_585 = arith.mulf %sub3A_584, %sub3A_584 : vector<16xf32>
      %add3A_586 = arith.addf %add3A_570, %mul3A_585 : vector<16xf32>
      %add3A_587 = arith.constant 29 : i32
      %add3A_588 = vector.broadcast %add3A_587 : i32 to vector<16xi32>
      %add3A_589 = arith.addi %get3A_111, %add3A_588 : vector<16xi32>
      %gather3A_590 = tpu.vector_load_idx %arg17[%add3A_106, %add3A_589] : memref<128x128xf32, #tpu.memory_space<vmem>>[vector<16xi32>, vector<16xi32>], vector<16xf32>,
      %add3A_591 = arith.constant 29 : i32
      %add3A_592 = vector.broadcast %add3A_591 : i32 to vector<16xi32>
      %add3A_593 = arith.addi %get3A_117, %add3A_592 : vector<16xi32>
      %gather3A_594 = tpu.vector_load_idx %arg18[%add3A_106, %add3A_593] : memref<128x128xf32, #tpu.memory_space<vmem>>[vector<16xi32>, vector<16xi32>], vector<16xf32>,
      %add3A_595 = arith.constant 29 : i32
      %add3A_596 = vector.broadcast %add3A_595 : i32 to vector<16xi32>
      %add3A_597 = arith.addi %get3A_123, %add3A_596 : vector<16xi32>
      %gather3A_598 = tpu.vector_load_idx %arg19[%add3A_106, %add3A_597] : memref<128x128xf32, #tpu.memory_space<vmem>>[vector<16xi32>, vector<16xi32>], vector<16xf32>,
      %add3A_599 = arith.addf %gather3A_590, %gather3A_594 : vector<16xf32>
      %sub3A_600 = arith.subf %add3A_599, %gather3A_598 : vector<16xf32>
      %mul3A_601 = arith.mulf %sub3A_600, %sub3A_600 : vector<16xf32>
      %add3A_602 = arith.addf %add3A_586, %mul3A_601 : vector<16xf32>
      %add3A_603 = arith.constant 30 : i32
      %add3A_604 = vector.broadcast %add3A_603 : i32 to vector<16xi32>
      %add3A_605 = arith.addi %get3A_111, %add3A_604 : vector<16xi32>
      %gather3A_606 = tpu.vector_load_idx %arg17[%add3A_106, %add3A_605] : memref<128x128xf32, #tpu.memory_space<vmem>>[vector<16xi32>, vector<16xi32>], vector<16xf32>,
      %add3A_607 = arith.constant 30 : i32
      %add3A_608 = vector.broadcast %add3A_607 : i32 to vector<16xi32>
      %add3A_609 = arith.addi %get3A_117, %add3A_608 : vector<16xi32>
      %gather3A_610 = tpu.vector_load_idx %arg18[%add3A_106, %add3A_609] : memref<128x128xf32, #tpu.memory_space<vmem>>[vector<16xi32>, vector<16xi32>], vector<16xf32>,
      %add3A_611 = arith.constant 30 : i32
      %add3A_612 = vector.broadcast %add3A_611 : i32 to vector<16xi32>
      %add3A_613 = arith.addi %get3A_123, %add3A_612 : vector<16xi32>
      %gather3A_614 = tpu.vector_load_idx %arg19[%add3A_106, %add3A_613] : memref<128x128xf32, #tpu.memory_space<vmem>>[vector<16xi32>, vector<16xi32>], vector<16xf32>,
      %add3A_615 = arith.addf %gather3A_606, %gather3A_610 : vector<16xf32>
      %sub3A_616 = arith.subf %add3A_615, %gather3A_614 : vector<16xf32>
      %mul3A_617 = arith.mulf %sub3A_616, %sub3A_616 : vector<16xf32>
      %add3A_618 = arith.addf %add3A_602, %mul3A_617 : vector<16xf32>
      %add3A_619 = arith.constant 31 : i32
      %add3A_620 = vector.broadcast %add3A_619 : i32 to vector<16xi32>
      %add3A_621 = arith.addi %get3A_111, %add3A_620 : vector<16xi32>
      %gather3A_622 = tpu.vector_load_idx %arg17[%add3A_106, %add3A_621] : memref<128x128xf32, #tpu.memory_space<vmem>>[vector<16xi32>, vector<16xi32>], vector<16xf32>,
      %add3A_623 = arith.constant 31 : i32
      %add3A_624 = vector.broadcast %add3A_623 : i32 to vector<16xi32>
      %add3A_625 = arith.addi %get3A_117, %add3A_624 : vector<16xi32>
      %gather3A_626 = tpu.vector_load_idx %arg18[%add3A_106, %add3A_625] : memref<128x128xf32, #tpu.memory_space<vmem>>[vector<16xi32>, vector<16xi32>], vector<16xf32>,
      %add3A_627 = arith.constant 31 : i32
      %add3A_628 = vector.broadcast %add3A_627 : i32 to vector<16xi32>
      %add3A_629 = arith.addi %get3A_123, %add3A_628 : vector<16xi32>
      %gather3A_630 = tpu.vector_load_idx %arg19[%add3A_106, %add3A_629] : memref<128x128xf32, #tpu.memory_space<vmem>>[vector<16xi32>, vector<16xi32>], vector<16xf32>,
      %add3A_631 = arith.addf %gather3A_622, %gather3A_626 : vector<16xf32>
      %sub3A_632 = arith.subf %add3A_631, %gather3A_630 : vector<16xf32>
      %mul3A_633 = arith.mulf %sub3A_632, %sub3A_632 : vector<16xf32>
      %add3A_634 = arith.addf %add3A_618, %mul3A_633 : vector<16xf32>
      %add3A_635 = arith.constant 32 : i32
      %add3A_636 = vector.broadcast %add3A_635 : i32 to vector<16xi32>
      %add3A_637 = arith.addi %get3A_111, %add3A_636 : vector<16xi32>
      %gather3A_638 = tpu.vector_load_idx %arg17[%add3A_106, %add3A_637] : memref<128x128xf32, #tpu.memory_space<vmem>>[vector<16xi32>, vector<16xi32>], vector<16xf32>,
      %add3A_639 = arith.constant 32 : i32
      %add3A_640 = vector.broadcast %add3A_639 : i32 to vector<16xi32>
      %add3A_641 = arith.addi %get3A_117, %add3A_640 : vector<16xi32>
      %gather3A_642 = tpu.vector_load_idx %arg18[%add3A_106, %add3A_641] : memref<128x128xf32, #tpu.memory_space<vmem>>[vector<16xi32>, vector<16xi32>], vector<16xf32>,
      %add3A_643 = arith.constant 32 : i32
      %add3A_644 = vector.broadcast %add3A_643 : i32 to vector<16xi32>
      %add3A_645 = arith.addi %get3A_123, %add3A_644 : vector<16xi32>
      %gather3A_646 = tpu.vector_load_idx %arg19[%add3A_106, %add3A_645] : memref<128x128xf32, #tpu.memory_space<vmem>>[vector<16xi32>, vector<16xi32>], vector<16xf32>,
      %add3A_647 = arith.addf %gather3A_638, %gather3A_642 : vector<16xf32>
      %sub3A_648 = arith.subf %add3A_647, %gather3A_646 : vector<16xf32>
      %mul3A_649 = arith.mulf %sub3A_648, %sub3A_648 : vector<16xf32>
      %add3A_650 = arith.addf %add3A_634, %mul3A_649 : vector<16xf32>
      %add3A_651 = arith.constant 33 : i32
      %add3A_652 = vector.broadcast %add3A_651 : i32 to vector<16xi32>
      %add3A_653 = arith.addi %get3A_111, %add3A_652 : vector<16xi32>
      %gather3A_654 = tpu.vector_load_idx %arg17[%add3A_106, %add3A_653] : memref<128x128xf32, #tpu.memory_space<vmem>>[vector<16xi32>, vector<16xi32>], vector<16xf32>,
      %add3A_655 = arith.constant 33 : i32
      %add3A_656 = vector.broadcast %add3A_655 : i32 to vector<16xi32>
      %add3A_657 = arith.addi %get3A_117, %add3A_656 : vector<16xi32>
      %gather3A_658 = tpu.vector_load_idx %arg18[%add3A_106, %add3A_657] : memref<128x128xf32, #tpu.memory_space<vmem>>[vector<16xi32>, vector<16xi32>], vector<16xf32>,
      %add3A_659 = arith.constant 33 : i32
      %add3A_660 = vector.broadcast %add3A_659 : i32 to vector<16xi32>
      %add3A_661 = arith.addi %get3A_123, %add3A_660 : vector<16xi32>
      %gather3A_662 = tpu.vector_load_idx %arg19[%add3A_106, %add3A_661] : memref<128x128xf32, #tpu.memory_space<vmem>>[vector<16xi32>, vector<16xi32>], vector<16xf32>,
      %add3A_663 = arith.addf %gather3A_654, %gather3A_658 : vector<16xf32>
      %sub3A_664 = arith.subf %add3A_663, %gather3A_662 : vector<16xf32>
      %mul3A_665 = arith.mulf %sub3A_664, %sub3A_664 : vector<16xf32>
      %add3A_666 = arith.addf %add3A_650, %mul3A_665 : vector<16xf32>
      %add3A_667 = arith.constant 34 : i32
      %add3A_668 = vector.broadcast %add3A_667 : i32 to vector<16xi32>
      %add3A_669 = arith.addi %get3A_111, %add3A_668 : vector<16xi32>
      %gather3A_670 = tpu.vector_load_idx %arg17[%add3A_106, %add3A_669] : memref<128x128xf32, #tpu.memory_space<vmem>>[vector<16xi32>, vector<16xi32>], vector<16xf32>,
      %add3A_671 = arith.constant 34 : i32
      %add3A_672 = vector.broadcast %add3A_671 : i32 to vector<16xi32>
      %add3A_673 = arith.addi %get3A_117, %add3A_672 : vector<16xi32>
      %gather3A_674 = tpu.vector_load_idx %arg18[%add3A_106, %add3A_673] : memref<128x128xf32, #tpu.memory_space<vmem>>[vector<16xi32>, vector<16xi32>], vector<16xf32>,
      %add3A_675 = arith.constant 34 : i32
      %add3A_676 = vector.broadcast %add3A_675 : i32 to vector<16xi32>
      %add3A_677 = arith.addi %get3A_123, %add3A_676 : vector<16xi32>
      %gather3A_678 = tpu.vector_load_idx %arg19[%add3A_106, %add3A_677] : memref<128x128xf32, #tpu.memory_space<vmem>>[vector<16xi32>, vector<16xi32>], vector<16xf32>,
      %add3A_679 = arith.addf %gather3A_670, %gather3A_674 : vector<16xf32>
      %sub3A_680 = arith.subf %add3A_679, %gather3A_678 : vector<16xf32>
      %mul3A_681 = arith.mulf %sub3A_680, %sub3A_680 : vector<16xf32>
      %add3A_682 = arith.addf %add3A_666, %mul3A_681 : vector<16xf32>
      %add3A_683 = arith.constant 35 : i32
      %add3A_684 = vector.broadcast %add3A_683 : i32 to vector<16xi32>
      %add3A_685 = arith.addi %get3A_111, %add3A_684 : vector<16xi32>
      %gather3A_686 = tpu.vector_load_idx %arg17[%add3A_106, %add3A_685] : memref<128x128xf32, #tpu.memory_space<vmem>>[vector<16xi32>, vector<16xi32>], vector<16xf32>,
      %add3A_687 = arith.constant 35 : i32
      %add3A_688 = vector.broadcast %add3A_687 : i32 to vector<16xi32>
      %add3A_689 = arith.addi %get3A_117, %add3A_688 : vector<16xi32>
      %gather3A_690 = tpu.vector_load_idx %arg18[%add3A_106, %add3A_689] : memref<128x128xf32, #tpu.memory_space<vmem>>[vector<16xi32>, vector<16xi32>], vector<16xf32>,
      %add3A_691 = arith.constant 35 : i32
      %add3A_692 = vector.broadcast %add3A_691 : i32 to vector<16xi32>
      %add3A_693 = arith.addi %get3A_123, %add3A_692 : vector<16xi32>
      %gather3A_694 = tpu.vector_load_idx %arg19[%add3A_106, %add3A_693] : memref<128x128xf32, #tpu.memory_space<vmem>>[vector<16xi32>, vector<16xi32>], vector<16xf32>,
      %add3A_695 = arith.addf %gather3A_686, %gather3A_690 : vector<16xf32>
      %sub3A_696 = arith.subf %add3A_695, %gather3A_694 : vector<16xf32>
      %mul3A_697 = arith.mulf %sub3A_696, %sub3A_696 : vector<16xf32>
      %add3A_698 = arith.addf %add3A_682, %mul3A_697 : vector<16xf32>
      %add3A_699 = arith.constant 36 : i32
      %add3A_700 = vector.broadcast %add3A_699 : i32 to vector<16xi32>
      %add3A_701 = arith.addi %get3A_111, %add3A_700 : vector<16xi32>
      %gather3A_702 = tpu.vector_load_idx %arg17[%add3A_106, %add3A_701] : memref<128x128xf32, #tpu.memory_space<vmem>>[vector<16xi32>, vector<16xi32>], vector<16xf32>,
      %add3A_703 = arith.constant 36 : i32
      %add3A_704 = vector.broadcast %add3A_703 : i32 to vector<16xi32>
      %add3A_705 = arith.addi %get3A_117, %add3A_704 : vector<16xi32>
      %gather3A_706 = tpu.vector_load_idx %arg18[%add3A_106, %add3A_705] : memref<128x128xf32, #tpu.memory_space<vmem>>[vector<16xi32>, vector<16xi32>], vector<16xf32>,
      %add3A_707 = arith.constant 36 : i32
      %add3A_708 = vector.broadcast %add3A_707 : i32 to vector<16xi32>
      %add3A_709 = arith.addi %get3A_123, %add3A_708 : vector<16xi32>
      %gather3A_710 = tpu.vector_load_idx %arg19[%add3A_106, %add3A_709] : memref<128x128xf32, #tpu.memory_space<vmem>>[vector<16xi32>, vector<16xi32>], vector<16xf32>,
      %add3A_711 = arith.addf %gather3A_702, %gather3A_706 : vector<16xf32>
      %sub3A_712 = arith.subf %add3A_711, %gather3A_710 : vector<16xf32>
      %mul3A_713 = arith.mulf %sub3A_712, %sub3A_712 : vector<16xf32>
      %add3A_714 = arith.addf %add3A_698, %mul3A_713 : vector<16xf32>
      %add3A_715 = arith.constant 37 : i32
      %add3A_716 = vector.broadcast %add3A_715 : i32 to vector<16xi32>
      %add3A_717 = arith.addi %get3A_111, %add3A_716 : vector<16xi32>
      %gather3A_718 = tpu.vector_load_idx %arg17[%add3A_106, %add3A_717] : memref<128x128xf32, #tpu.memory_space<vmem>>[vector<16xi32>, vector<16xi32>], vector<16xf32>,
      %add3A_719 = arith.constant 37 : i32
      %add3A_720 = vector.broadcast %add3A_719 : i32 to vector<16xi32>
      %add3A_721 = arith.addi %get3A_117, %add3A_720 : vector<16xi32>
      %gather3A_722 = tpu.vector_load_idx %arg18[%add3A_106, %add3A_721] : memref<128x128xf32, #tpu.memory_space<vmem>>[vector<16xi32>, vector<16xi32>], vector<16xf32>,
      %add3A_723 = arith.constant 37 : i32
      %add3A_724 = vector.broadcast %add3A_723 : i32 to vector<16xi32>
      %add3A_725 = arith.addi %get3A_123, %add3A_724 : vector<16xi32>
      %gather3A_726 = tpu.vector_load_idx %arg19[%add3A_106, %add3A_725] : memref<128x128xf32, #tpu.memory_space<vmem>>[vector<16xi32>, vector<16xi32>], vector<16xf32>,
      %add3A_727 = arith.addf %gather3A_718, %gather3A_722 : vector<16xf32>
      %sub3A_728 = arith.subf %add3A_727, %gather3A_726 : vector<16xf32>
      %mul3A_729 = arith.mulf %sub3A_728, %sub3A_728 : vector<16xf32>
      %add3A_730 = arith.addf %add3A_714, %mul3A_729 : vector<16xf32>
      %add3A_731 = arith.constant 38 : i32
      %add3A_732 = vector.broadcast %add3A_731 : i32 to vector<16xi32>
      %add3A_733 = arith.addi %get3A_111, %add3A_732 : vector<16xi32>
      %gather3A_734 = tpu.vector_load_idx %arg17[%add3A_106, %add3A_733] : memref<128x128xf32, #tpu.memory_space<vmem>>[vector<16xi32>, vector<16xi32>], vector<16xf32>,
      %add3A_735 = arith.constant 38 : i32
      %add3A_736 = vector.broadcast %add3A_735 : i32 to vector<16xi32>
      %add3A_737 = arith.addi %get3A_117, %add3A_736 : vector<16xi32>
      %gather3A_738 = tpu.vector_load_idx %arg18[%add3A_106, %add3A_737] : memref<128x128xf32, #tpu.memory_space<vmem>>[vector<16xi32>, vector<16xi32>], vector<16xf32>,
      %add3A_739 = arith.constant 38 : i32
      %add3A_740 = vector.broadcast %add3A_739 : i32 to vector<16xi32>
      %add3A_741 = arith.addi %get3A_123, %add3A_740 : vector<16xi32>
      %gather3A_742 = tpu.vector_load_idx %arg19[%add3A_106, %add3A_741] : memref<128x128xf32, #tpu.memory_space<vmem>>[vector<16xi32>, vector<16xi32>], vector<16xf32>,
      %add3A_743 = arith.addf %gather3A_734, %gather3A_738 : vector<16xf32>
      %sub3A_744 = arith.subf %add3A_743, %gather3A_742 : vector<16xf32>
      %mul3A_745 = arith.mulf %sub3A_744, %sub3A_744 : vector<16xf32>
      %add3A_746 = arith.addf %add3A_730, %mul3A_745 : vector<16xf32>
      %add3A_747 = arith.constant 39 : i32
      %add3A_748 = vector.broadcast %add3A_747 : i32 to vector<16xi32>
      %add3A_749 = arith.addi %get3A_111, %add3A_748 : vector<16xi32>
      %gather3A_750 = tpu.vector_load_idx %arg17[%add3A_106, %add3A_749] : memref<128x128xf32, #tpu.memory_space<vmem>>[vector<16xi32>, vector<16xi32>], vector<16xf32>,
      %add3A_751 = arith.constant 39 : i32
      %add3A_752 = vector.broadcast %add3A_751 : i32 to vector<16xi32>
      %add3A_753 = arith.addi %get3A_117, %add3A_752 : vector<16xi32>
      %gather3A_754 = tpu.vector_load_idx %arg18[%add3A_106, %add3A_753] : memref<128x128xf32, #tpu.memory_space<vmem>>[vector<16xi32>, vector<16xi32>], vector<16xf32>,
      %add3A_755 = arith.constant 39 : i32
      %add3A_756 = vector.broadcast %add3A_755 : i32 to vector<16xi32>
      %add3A_757 = arith.addi %get3A_123, %add3A_756 : vector<16xi32>
      %gather3A_758 = tpu.vector_load_idx %arg19[%add3A_106, %add3A_757] : memref<128x128xf32, #tpu.memory_space<vmem>>[vector<16xi32>, vector<16xi32>], vector<16xf32>,
      %add3A_759 = arith.addf %gather3A_750, %gather3A_754 : vector<16xf32>
      %sub3A_760 = arith.subf %add3A_759, %gather3A_758 : vector<16xf32>
      %mul3A_761 = arith.mulf %sub3A_760, %sub3A_760 : vector<16xf32>
      %add3A_762 = arith.addf %add3A_746, %mul3A_761 : vector<16xf32>
      %add3A_763 = arith.constant 40 : i32
      %add3A_764 = vector.broadcast %add3A_763 : i32 to vector<16xi32>
      %add3A_765 = arith.addi %get3A_111, %add3A_764 : vector<16xi32>
      %gather3A_766 = tpu.vector_load_idx %arg17[%add3A_106, %add3A_765] : memref<128x128xf32, #tpu.memory_space<vmem>>[vector<16xi32>, vector<16xi32>], vector<16xf32>,
      %add3A_767 = arith.constant 40 : i32
      %add3A_768 = vector.broadcast %add3A_767 : i32 to vector<16xi32>
      %add3A_769 = arith.addi %get3A_117, %add3A_768 : vector<16xi32>
      %gather3A_770 = tpu.vector_load_idx %arg18[%add3A_106, %add3A_769] : memref<128x128xf32, #tpu.memory_space<vmem>>[vector<16xi32>, vector<16xi32>], vector<16xf32>,
      %add3A_771 = arith.constant 40 : i32
      %add3A_772 = vector.broadcast %add3A_771 : i32 to vector<16xi32>
      %add3A_773 = arith.addi %get3A_123, %add3A_772 : vector<16xi32>
      %gather3A_774 = tpu.vector_load_idx %arg19[%add3A_106, %add3A_773] : memref<128x128xf32, #tpu.memory_space<vmem>>[vector<16xi32>, vector<16xi32>], vector<16xf32>,
      %add3A_775 = arith.addf %gather3A_766, %gather3A_770 : vector<16xf32>
      %sub3A_776 = arith.subf %add3A_775, %gather3A_774 : vector<16xf32>
      %mul3A_777 = arith.mulf %sub3A_776, %sub3A_776 : vector<16xf32>
      %add3A_778 = arith.addf %add3A_762, %mul3A_777 : vector<16xf32>
      %add3A_779 = arith.constant 41 : i32
      %add3A_780 = vector.broadcast %add3A_779 : i32 to vector<16xi32>
      %add3A_781 = arith.addi %get3A_111, %add3A_780 : vector<16xi32>
      %gather3A_782 = tpu.vector_load_idx %arg17[%add3A_106, %add3A_781] : memref<128x128xf32, #tpu.memory_space<vmem>>[vector<16xi32>, vector<16xi32>], vector<16xf32>,
      %add3A_783 = arith.constant 41 : i32
      %add3A_784 = vector.broadcast %add3A_783 : i32 to vector<16xi32>
      %add3A_785 = arith.addi %get3A_117, %add3A_784 : vector<16xi32>
      %gather3A_786 = tpu.vector_load_idx %arg18[%add3A_106, %add3A_785] : memref<128x128xf32, #tpu.memory_space<vmem>>[vector<16xi32>, vector<16xi32>], vector<16xf32>,
      %add3A_787 = arith.constant 41 : i32
      %add3A_788 = vector.broadcast %add3A_787 : i32 to vector<16xi32>
      %add3A_789 = arith.addi %get3A_123, %add3A_788 : vector<16xi32>
      %gather3A_790 = tpu.vector_load_idx %arg19[%add3A_106, %add3A_789] : memref<128x128xf32, #tpu.memory_space<vmem>>[vector<16xi32>, vector<16xi32>], vector<16xf32>,
      %add3A_791 = arith.addf %gather3A_782, %gather3A_786 : vector<16xf32>
      %sub3A_792 = arith.subf %add3A_791, %gather3A_790 : vector<16xf32>
      %mul3A_793 = arith.mulf %sub3A_792, %sub3A_792 : vector<16xf32>
      %add3A_794 = arith.addf %add3A_778, %mul3A_793 : vector<16xf32>
      %add3A_795 = arith.constant 42 : i32
      %add3A_796 = vector.broadcast %add3A_795 : i32 to vector<16xi32>
      %add3A_797 = arith.addi %get3A_111, %add3A_796 : vector<16xi32>
      %gather3A_798 = tpu.vector_load_idx %arg17[%add3A_106, %add3A_797] : memref<128x128xf32, #tpu.memory_space<vmem>>[vector<16xi32>, vector<16xi32>], vector<16xf32>,
      %add3A_799 = arith.constant 42 : i32
      %add3A_800 = vector.broadcast %add3A_799 : i32 to vector<16xi32>
      %add3A_801 = arith.addi %get3A_117, %add3A_800 : vector<16xi32>
      %gather3A_802 = tpu.vector_load_idx %arg18[%add3A_106, %add3A_801] : memref<128x128xf32, #tpu.memory_space<vmem>>[vector<16xi32>, vector<16xi32>], vector<16xf32>,
      %add3A_803 = arith.constant 42 : i32
      %add3A_804 = vector.broadcast %add3A_803 : i32 to vector<16xi32>
      %add3A_805 = arith.addi %get3A_123, %add3A_804 : vector<16xi32>
      %gather3A_806 = tpu.vector_load_idx %arg19[%add3A_106, %add3A_805] : memref<128x128xf32, #tpu.memory_space<vmem>>[vector<16xi32>, vector<16xi32>], vector<16xf32>,
      %add3A_807 = arith.addf %gather3A_798, %gather3A_802 : vector<16xf32>
      %sub3A_808 = arith.subf %add3A_807, %gather3A_806 : vector<16xf32>
      %mul3A_809 = arith.mulf %sub3A_808, %sub3A_808 : vector<16xf32>
      %add3A_810 = arith.addf %add3A_794, %mul3A_809 : vector<16xf32>
      %add3A_811 = arith.constant 43 : i32
      %add3A_812 = vector.broadcast %add3A_811 : i32 to vector<16xi32>
      %add3A_813 = arith.addi %get3A_111, %add3A_812 : vector<16xi32>
      %gather3A_814 = tpu.vector_load_idx %arg17[%add3A_106, %add3A_813] : memref<128x128xf32, #tpu.memory_space<vmem>>[vector<16xi32>, vector<16xi32>], vector<16xf32>,
      %add3A_815 = arith.constant 43 : i32
      %add3A_816 = vector.broadcast %add3A_815 : i32 to vector<16xi32>
      %add3A_817 = arith.addi %get3A_117, %add3A_816 : vector<16xi32>
      %gather3A_818 = tpu.vector_load_idx %arg18[%add3A_106, %add3A_817] : memref<128x128xf32, #tpu.memory_space<vmem>>[vector<16xi32>, vector<16xi32>], vector<16xf32>,
      %add3A_819 = arith.constant 43 : i32
      %add3A_820 = vector.broadcast %add3A_819 : i32 to vector<16xi32>
      %add3A_821 = arith.addi %get3A_123, %add3A_820 : vector<16xi32>
      %gather3A_822 = tpu.vector_load_idx %arg19[%add3A_106, %add3A_821] : memref<128x128xf32, #tpu.memory_space<vmem>>[vector<16xi32>, vector<16xi32>], vector<16xf32>,
      %add3A_823 = arith.addf %gather3A_814, %gather3A_818 : vector<16xf32>
      %sub3A_824 = arith.subf %add3A_823, %gather3A_822 : vector<16xf32>
      %mul3A_825 = arith.mulf %sub3A_824, %sub3A_824 : vector<16xf32>
      %add3A_826 = arith.addf %add3A_810, %mul3A_825 : vector<16xf32>
      %add3A_827 = arith.constant 44 : i32
      %add3A_828 = vector.broadcast %add3A_827 : i32 to vector<16xi32>
      %add3A_829 = arith.addi %get3A_111, %add3A_828 : vector<16xi32>
      %gather3A_830 = tpu.vector_load_idx %arg17[%add3A_106, %add3A_829] : memref<128x128xf32, #tpu.memory_space<vmem>>[vector<16xi32>, vector<16xi32>], vector<16xf32>,
      %add3A_831 = arith.constant 44 : i32
      %add3A_832 = vector.broadcast %add3A_831 : i32 to vector<16xi32>
      %add3A_833 = arith.addi %get3A_117, %add3A_832 : vector<16xi32>
      %gather3A_834 = tpu.vector_load_idx %arg18[%add3A_106, %add3A_833] : memref<128x128xf32, #tpu.memory_space<vmem>>[vector<16xi32>, vector<16xi32>], vector<16xf32>,
      %add3A_835 = arith.constant 44 : i32
      %add3A_836 = vector.broadcast %add3A_835 : i32 to vector<16xi32>
      %add3A_837 = arith.addi %get3A_123, %add3A_836 : vector<16xi32>
      %gather3A_838 = tpu.vector_load_idx %arg19[%add3A_106, %add3A_837] : memref<128x128xf32, #tpu.memory_space<vmem>>[vector<16xi32>, vector<16xi32>], vector<16xf32>,
      %add3A_839 = arith.addf %gather3A_830, %gather3A_834 : vector<16xf32>
      %sub3A_840 = arith.subf %add3A_839, %gather3A_838 : vector<16xf32>
      %mul3A_841 = arith.mulf %sub3A_840, %sub3A_840 : vector<16xf32>
      %add3A_842 = arith.addf %add3A_826, %mul3A_841 : vector<16xf32>
      %add3A_843 = arith.constant 45 : i32
      %add3A_844 = vector.broadcast %add3A_843 : i32 to vector<16xi32>
      %add3A_845 = arith.addi %get3A_111, %add3A_844 : vector<16xi32>
      %gather3A_846 = tpu.vector_load_idx %arg17[%add3A_106, %add3A_845] : memref<128x128xf32, #tpu.memory_space<vmem>>[vector<16xi32>, vector<16xi32>], vector<16xf32>,
      %add3A_847 = arith.constant 45 : i32
      %add3A_848 = vector.broadcast %add3A_847 : i32 to vector<16xi32>
      %add3A_849 = arith.addi %get3A_117, %add3A_848 : vector<16xi32>
      %gather3A_850 = tpu.vector_load_idx %arg18[%add3A_106, %add3A_849] : memref<128x128xf32, #tpu.memory_space<vmem>>[vector<16xi32>, vector<16xi32>], vector<16xf32>,
      %add3A_851 = arith.constant 45 : i32
      %add3A_852 = vector.broadcast %add3A_851 : i32 to vector<16xi32>
      %add3A_853 = arith.addi %get3A_123, %add3A_852 : vector<16xi32>
      %gather3A_854 = tpu.vector_load_idx %arg19[%add3A_106, %add3A_853] : memref<128x128xf32, #tpu.memory_space<vmem>>[vector<16xi32>, vector<16xi32>], vector<16xf32>,
      %add3A_855 = arith.addf %gather3A_846, %gather3A_850 : vector<16xf32>
      %sub3A_856 = arith.subf %add3A_855, %gather3A_854 : vector<16xf32>
      %mul3A_857 = arith.mulf %sub3A_856, %sub3A_856 : vector<16xf32>
      %add3A_858 = arith.addf %add3A_842, %mul3A_857 : vector<16xf32>
      %add3A_859 = arith.constant 46 : i32
      %add3A_860 = vector.broadcast %add3A_859 : i32 to vector<16xi32>
      %add3A_861 = arith.addi %get3A_111, %add3A_860 : vector<16xi32>
      %gather3A_862 = tpu.vector_load_idx %arg17[%add3A_106, %add3A_861] : memref<128x128xf32, #tpu.memory_space<vmem>>[vector<16xi32>, vector<16xi32>], vector<16xf32>,
      %add3A_863 = arith.constant 46 : i32
      %add3A_864 = vector.broadcast %add3A_863 : i32 to vector<16xi32>
      %add3A_865 = arith.addi %get3A_117, %add3A_864 : vector<16xi32>
      %gather3A_866 = tpu.vector_load_idx %arg18[%add3A_106, %add3A_865] : memref<128x128xf32, #tpu.memory_space<vmem>>[vector<16xi32>, vector<16xi32>], vector<16xf32>,
      %add3A_867 = arith.constant 46 : i32
      %add3A_868 = vector.broadcast %add3A_867 : i32 to vector<16xi32>
      %add3A_869 = arith.addi %get3A_123, %add3A_868 : vector<16xi32>
      %gather3A_870 = tpu.vector_load_idx %arg19[%add3A_106, %add3A_869] : memref<128x128xf32, #tpu.memory_space<vmem>>[vector<16xi32>, vector<16xi32>], vector<16xf32>,
      %add3A_871 = arith.addf %gather3A_862, %gather3A_866 : vector<16xf32>
      %sub3A_872 = arith.subf %add3A_871, %gather3A_870 : vector<16xf32>
      %mul3A_873 = arith.mulf %sub3A_872, %sub3A_872 : vector<16xf32>
      %add3A_874 = arith.addf %add3A_858, %mul3A_873 : vector<16xf32>
      %add3A_875 = arith.constant 47 : i32
      %add3A_876 = vector.broadcast %add3A_875 : i32 to vector<16xi32>
      %add3A_877 = arith.addi %get3A_111, %add3A_876 : vector<16xi32>
      %gather3A_878 = tpu.vector_load_idx %arg17[%add3A_106, %add3A_877] : memref<128x128xf32, #tpu.memory_space<vmem>>[vector<16xi32>, vector<16xi32>], vector<16xf32>,
      %add3A_879 = arith.constant 47 : i32
      %add3A_880 = vector.broadcast %add3A_879 : i32 to vector<16xi32>
      %add3A_881 = arith.addi %get3A_117, %add3A_880 : vector<16xi32>
      %gather3A_882 = tpu.vector_load_idx %arg18[%add3A_106, %add3A_881] : memref<128x128xf32, #tpu.memory_space<vmem>>[vector<16xi32>, vector<16xi32>], vector<16xf32>,
      %add3A_883 = arith.constant 47 : i32
      %add3A_884 = vector.broadcast %add3A_883 : i32 to vector<16xi32>
      %add3A_885 = arith.addi %get3A_123, %add3A_884 : vector<16xi32>
      %gather3A_886 = tpu.vector_load_idx %arg19[%add3A_106, %add3A_885] : memref<128x128xf32, #tpu.memory_space<vmem>>[vector<16xi32>, vector<16xi32>], vector<16xf32>,
      %add3A_887 = arith.addf %gather3A_878, %gather3A_882 : vector<16xf32>
      %sub3A_888 = arith.subf %add3A_887, %gather3A_886 : vector<16xf32>
      %mul3A_889 = arith.mulf %sub3A_888, %sub3A_888 : vector<16xf32>
      %add3A_890 = arith.addf %add3A_874, %mul3A_889 : vector<16xf32>
      %add3A_891 = arith.constant 48 : i32
      %add3A_892 = vector.broadcast %add3A_891 : i32 to vector<16xi32>
      %add3A_893 = arith.addi %get3A_111, %add3A_892 : vector<16xi32>
      %gather3A_894 = tpu.vector_load_idx %arg17[%add3A_106, %add3A_893] : memref<128x128xf32, #tpu.memory_space<vmem>>[vector<16xi32>, vector<16xi32>], vector<16xf32>,
      %add3A_895 = arith.constant 48 : i32
      %add3A_896 = vector.broadcast %add3A_895 : i32 to vector<16xi32>
      %add3A_897 = arith.addi %get3A_117, %add3A_896 : vector<16xi32>
      %gather3A_898 = tpu.vector_load_idx %arg18[%add3A_106, %add3A_897] : memref<128x128xf32, #tpu.memory_space<vmem>>[vector<16xi32>, vector<16xi32>], vector<16xf32>,
      %add3A_899 = arith.constant 48 : i32
      %add3A_900 = vector.broadcast %add3A_899 : i32 to vector<16xi32>
      %add3A_901 = arith.addi %get3A_123, %add3A_900 : vector<16xi32>
      %gather3A_902 = tpu.vector_load_idx %arg19[%add3A_106, %add3A_901] : memref<128x128xf32, #tpu.memory_space<vmem>>[vector<16xi32>, vector<16xi32>], vector<16xf32>,
      %add3A_903 = arith.addf %gather3A_894, %gather3A_898 : vector<16xf32>
      %sub3A_904 = arith.subf %add3A_903, %gather3A_902 : vector<16xf32>
      %mul3A_905 = arith.mulf %sub3A_904, %sub3A_904 : vector<16xf32>
      %add3A_906 = arith.addf %add3A_890, %mul3A_905 : vector<16xf32>
      %add3A_907 = arith.constant 49 : i32
      %add3A_908 = vector.broadcast %add3A_907 : i32 to vector<16xi32>
      %add3A_909 = arith.addi %get3A_111, %add3A_908 : vector<16xi32>
      %gather3A_910 = tpu.vector_load_idx %arg17[%add3A_106, %add3A_909] : memref<128x128xf32, #tpu.memory_space<vmem>>[vector<16xi32>, vector<16xi32>], vector<16xf32>,
      %add3A_911 = arith.constant 49 : i32
      %add3A_912 = vector.broadcast %add3A_911 : i32 to vector<16xi32>
      %add3A_913 = arith.addi %get3A_117, %add3A_912 : vector<16xi32>
      %gather3A_914 = tpu.vector_load_idx %arg18[%add3A_106, %add3A_913] : memref<128x128xf32, #tpu.memory_space<vmem>>[vector<16xi32>, vector<16xi32>], vector<16xf32>,
      %add3A_915 = arith.constant 49 : i32
      %add3A_916 = vector.broadcast %add3A_915 : i32 to vector<16xi32>
      %add3A_917 = arith.addi %get3A_123, %add3A_916 : vector<16xi32>
      %gather3A_918 = tpu.vector_load_idx %arg19[%add3A_106, %add3A_917] : memref<128x128xf32, #tpu.memory_space<vmem>>[vector<16xi32>, vector<16xi32>], vector<16xf32>,
      %add3A_919 = arith.addf %gather3A_910, %gather3A_914 : vector<16xf32>
      %sub3A_920 = arith.subf %add3A_919, %gather3A_918 : vector<16xf32>
      %mul3A_921 = arith.mulf %sub3A_920, %sub3A_920 : vector<16xf32>
      %add3A_922 = arith.addf %add3A_906, %mul3A_921 : vector<16xf32>
      %add3A_923 = arith.constant 50 : i32
      %add3A_924 = vector.broadcast %add3A_923 : i32 to vector<16xi32>
      %add3A_925 = arith.addi %get3A_111, %add3A_924 : vector<16xi32>
      %gather3A_926 = tpu.vector_load_idx %arg17[%add3A_106, %add3A_925] : memref<128x128xf32, #tpu.memory_space<vmem>>[vector<16xi32>, vector<16xi32>], vector<16xf32>,
      %add3A_927 = arith.constant 50 : i32
      %add3A_928 = vector.broadcast %add3A_927 : i32 to vector<16xi32>
      %add3A_929 = arith.addi %get3A_117, %add3A_928 : vector<16xi32>
      %gather3A_930 = tpu.vector_load_idx %arg18[%add3A_106, %add3A_929] : memref<128x128xf32, #tpu.memory_space<vmem>>[vector<16xi32>, vector<16xi32>], vector<16xf32>,
      %add3A_931 = arith.constant 50 : i32
      %add3A_932 = vector.broadcast %add3A_931 : i32 to vector<16xi32>
      %add3A_933 = arith.addi %get3A_123, %add3A_932 : vector<16xi32>
      %gather3A_934 = tpu.vector_load_idx %arg19[%add3A_106, %add3A_933] : memref<128x128xf32, #tpu.memory_space<vmem>>[vector<16xi32>, vector<16xi32>], vector<16xf32>,
      %add3A_935 = arith.addf %gather3A_926, %gather3A_930 : vector<16xf32>
      %sub3A_936 = arith.subf %add3A_935, %gather3A_934 : vector<16xf32>
      %mul3A_937 = arith.mulf %sub3A_936, %sub3A_936 : vector<16xf32>
      %add3A_938 = arith.addf %add3A_922, %mul3A_937 : vector<16xf32>
      %add3A_939 = arith.constant 51 : i32
      %add3A_940 = vector.broadcast %add3A_939 : i32 to vector<16xi32>
      %add3A_941 = arith.addi %get3A_111, %add3A_940 : vector<16xi32>
      %gather3A_942 = tpu.vector_load_idx %arg17[%add3A_106, %add3A_941] : memref<128x128xf32, #tpu.memory_space<vmem>>[vector<16xi32>, vector<16xi32>], vector<16xf32>,
      %add3A_943 = arith.constant 51 : i32
      %add3A_944 = vector.broadcast %add3A_943 : i32 to vector<16xi32>
      %add3A_945 = arith.addi %get3A_117, %add3A_944 : vector<16xi32>
      %gather3A_946 = tpu.vector_load_idx %arg18[%add3A_106, %add3A_945] : memref<128x128xf32, #tpu.memory_space<vmem>>[vector<16xi32>, vector<16xi32>], vector<16xf32>,
      %add3A_947 = arith.constant 51 : i32
      %add3A_948 = vector.broadcast %add3A_947 : i32 to vector<16xi32>
      %add3A_949 = arith.addi %get3A_123, %add3A_948 : vector<16xi32>
      %gather3A_950 = tpu.vector_load_idx %arg19[%add3A_106, %add3A_949] : memref<128x128xf32, #tpu.memory_space<vmem>>[vector<16xi32>, vector<16xi32>], vector<16xf32>,
      %add3A_951 = arith.addf %gather3A_942, %gather3A_946 : vector<16xf32>
      %sub3A_952 = arith.subf %add3A_951, %gather3A_950 : vector<16xf32>
      %mul3A_953 = arith.mulf %sub3A_952, %sub3A_952 : vector<16xf32>
      %add3A_954 = arith.addf %add3A_938, %mul3A_953 : vector<16xf32>
      %add3A_955 = arith.constant 52 : i32
      %add3A_956 = vector.broadcast %add3A_955 : i32 to vector<16xi32>
      %add3A_957 = arith.addi %get3A_111, %add3A_956 : vector<16xi32>
      %gather3A_958 = tpu.vector_load_idx %arg17[%add3A_106, %add3A_957] : memref<128x128xf32, #tpu.memory_space<vmem>>[vector<16xi32>, vector<16xi32>], vector<16xf32>,
      %add3A_959 = arith.constant 52 : i32
      %add3A_960 = vector.broadcast %add3A_959 : i32 to vector<16xi32>
      %add3A_961 = arith.addi %get3A_117, %add3A_960 : vector<16xi32>
      %gather3A_962 = tpu.vector_load_idx %arg18[%add3A_106, %add3A_961] : memref<128x128xf32, #tpu.memory_space<vmem>>[vector<16xi32>, vector<16xi32>], vector<16xf32>,
      %add3A_963 = arith.constant 52 : i32
      %add3A_964 = vector.broadcast %add3A_963 : i32 to vector<16xi32>
      %add3A_965 = arith.addi %get3A_123, %add3A_964 : vector<16xi32>
      %gather3A_966 = tpu.vector_load_idx %arg19[%add3A_106, %add3A_965] : memref<128x128xf32, #tpu.memory_space<vmem>>[vector<16xi32>, vector<16xi32>], vector<16xf32>,
      %add3A_967 = arith.addf %gather3A_958, %gather3A_962 : vector<16xf32>
      %sub3A_968 = arith.subf %add3A_967, %gather3A_966 : vector<16xf32>
      %mul3A_969 = arith.mulf %sub3A_968, %sub3A_968 : vector<16xf32>
      %add3A_970 = arith.addf %add3A_954, %mul3A_969 : vector<16xf32>
      %add3A_971 = arith.constant 53 : i32
      %add3A_972 = vector.broadcast %add3A_971 : i32 to vector<16xi32>
      %add3A_973 = arith.addi %get3A_111, %add3A_972 : vector<16xi32>
      %gather3A_974 = tpu.vector_load_idx %arg17[%add3A_106, %add3A_973] : memref<128x128xf32, #tpu.memory_space<vmem>>[vector<16xi32>, vector<16xi32>], vector<16xf32>,
      %add3A_975 = arith.constant 53 : i32
      %add3A_976 = vector.broadcast %add3A_975 : i32 to vector<16xi32>
      %add3A_977 = arith.addi %get3A_117, %add3A_976 : vector<16xi32>
      %gather3A_978 = tpu.vector_load_idx %arg18[%add3A_106, %add3A_977] : memref<128x128xf32, #tpu.memory_space<vmem>>[vector<16xi32>, vector<16xi32>], vector<16xf32>,
      %add3A_979 = arith.constant 53 : i32
      %add3A_980 = vector.broadcast %add3A_979 : i32 to vector<16xi32>
      %add3A_981 = arith.addi %get3A_123, %add3A_980 : vector<16xi32>
      %gather3A_982 = tpu.vector_load_idx %arg19[%add3A_106, %add3A_981] : memref<128x128xf32, #tpu.memory_space<vmem>>[vector<16xi32>, vector<16xi32>], vector<16xf32>,
      %add3A_983 = arith.addf %gather3A_974, %gather3A_978 : vector<16xf32>
      %sub3A_984 = arith.subf %add3A_983, %gather3A_982 : vector<16xf32>
      %mul3A_985 = arith.mulf %sub3A_984, %sub3A_984 : vector<16xf32>
      %add3A_986 = arith.addf %add3A_970, %mul3A_985 : vector<16xf32>
      %add3A_987 = arith.constant 54 : i32
      %add3A_988 = vector.broadcast %add3A_987 : i32 to vector<16xi32>
      %add3A_989 = arith.addi %get3A_111, %add3A_988 : vector<16xi32>
      %gather3A_990 = tpu.vector_load_idx %arg17[%add3A_106, %add3A_989] : memref<128x128xf32, #tpu.memory_space<vmem>>[vector<16xi32>, vector<16xi32>], vector<16xf32>,
      %add3A_991 = arith.constant 54 : i32
      %add3A_992 = vector.broadcast %add3A_991 : i32 to vector<16xi32>
      %add3A_993 = arith.addi %get3A_117, %add3A_992 : vector<16xi32>
      %gather3A_994 = tpu.vector_load_idx %arg18[%add3A_106, %add3A_993] : memref<128x128xf32, #tpu.memory_space<vmem>>[vector<16xi32>, vector<16xi32>], vector<16xf32>,
      %add3A_995 = arith.constant 54 : i32
      %add3A_996 = vector.broadcast %add3A_995 : i32 to vector<16xi32>
      %add3A_997 = arith.addi %get3A_123, %add3A_996 : vector<16xi32>
      %gather3A_998 = tpu.vector_load_idx %arg19[%add3A_106, %add3A_997] : memref<128x128xf32, #tpu.memory_space<vmem>>[vector<16xi32>, vector<16xi32>], vector<16xf32>,
      %add3A_999 = arith.addf %gather3A_990, %gather3A_994 : vector<16xf32>
      %sub3A_1000 = arith.subf %add3A_999, %gather3A_998 : vector<16xf32>
      %mul3A_1001 = arith.mulf %sub3A_1000, %sub3A_1000 : vector<16xf32>
      %add3A_1002 = arith.addf %add3A_986, %mul3A_1001 : vector<16xf32>
      %add3A_1003 = arith.constant 55 : i32
      %add3A_1004 = vector.broadcast %add3A_1003 : i32 to vector<16xi32>
      %add3A_1005 = arith.addi %get3A_111, %add3A_1004 : vector<16xi32>
      %gather3A_1006 = tpu.vector_load_idx %arg17[%add3A_106, %add3A_1005] : memref<128x128xf32, #tpu.memory_space<vmem>>[vector<16xi32>, vector<16xi32>], vector<16xf32>,
      %add3A_1007 = arith.constant 55 : i32
      %add3A_1008 = vector.broadcast %add3A_1007 : i32 to vector<16xi32>
      %add3A_1009 = arith.addi %get3A_117, %add3A_1008 : vector<16xi32>
      %gather3A_1010 = tpu.vector_load_idx %arg18[%add3A_106, %add3A_1009] : memref<128x128xf32, #tpu.memory_space<vmem>>[vector<16xi32>, vector<16xi32>], vector<16xf32>,
      %add3A_1011 = arith.constant 55 : i32
      %add3A_1012 = vector.broadcast %add3A_1011 : i32 to vector<16xi32>
      %add3A_1013 = arith.addi %get3A_123, %add3A_1012 : vector<16xi32>
      %gather3A_1014 = tpu.vector_load_idx %arg19[%add3A_106, %add3A_1013] : memref<128x128xf32, #tpu.memory_space<vmem>>[vector<16xi32>, vector<16xi32>], vector<16xf32>,
      %add3A_1015 = arith.addf %gather3A_1006, %gather3A_1010 : vector<16xf32>
      %sub3A_1016 = arith.subf %add3A_1015, %gather3A_1014 : vector<16xf32>
      %mul3A_1017 = arith.mulf %sub3A_1016, %sub3A_1016 : vector<16xf32>
      %add3A_1018 = arith.addf %add3A_1002, %mul3A_1017 : vector<16xf32>
      %add3A_1019 = arith.constant 56 : i32
      %add3A_1020 = vector.broadcast %add3A_1019 : i32 to vector<16xi32>
      %add3A_1021 = arith.addi %get3A_111, %add3A_1020 : vector<16xi32>
      %gather3A_1022 = tpu.vector_load_idx %arg17[%add3A_106, %add3A_1021] : memref<128x128xf32, #tpu.memory_space<vmem>>[vector<16xi32>, vector<16xi32>], vector<16xf32>,
      %add3A_1023 = arith.constant 56 : i32
      %add3A_1024 = vector.broadcast %add3A_1023 : i32 to vector<16xi32>
      %add3A_1025 = arith.addi %get3A_117, %add3A_1024 : vector<16xi32>
      %gather3A_1026 = tpu.vector_load_idx %arg18[%add3A_106, %add3A_1025] : memref<128x128xf32, #tpu.memory_space<vmem>>[vector<16xi32>, vector<16xi32>], vector<16xf32>,
      %add3A_1027 = arith.constant 56 : i32
      %add3A_1028 = vector.broadcast %add3A_1027 : i32 to vector<16xi32>
      %add3A_1029 = arith.addi %get3A_123, %add3A_1028 : vector<16xi32>
      %gather3A_1030 = tpu.vector_load_idx %arg19[%add3A_106, %add3A_1029] : memref<128x128xf32, #tpu.memory_space<vmem>>[vector<16xi32>, vector<16xi32>], vector<16xf32>,
      %add3A_1031 = arith.addf %gather3A_1022, %gather3A_1026 : vector<16xf32>
      %sub3A_1032 = arith.subf %add3A_1031, %gather3A_1030 : vector<16xf32>
      %mul3A_1033 = arith.mulf %sub3A_1032, %sub3A_1032 : vector<16xf32>
      %add3A_1034 = arith.addf %add3A_1018, %mul3A_1033 : vector<16xf32>
      %add3A_1035 = arith.constant 57 : i32
      %add3A_1036 = vector.broadcast %add3A_1035 : i32 to vector<16xi32>
      %add3A_1037 = arith.addi %get3A_111, %add3A_1036 : vector<16xi32>
      %gather3A_1038 = tpu.vector_load_idx %arg17[%add3A_106, %add3A_1037] : memref<128x128xf32, #tpu.memory_space<vmem>>[vector<16xi32>, vector<16xi32>], vector<16xf32>,
      %add3A_1039 = arith.constant 57 : i32
      %add3A_1040 = vector.broadcast %add3A_1039 : i32 to vector<16xi32>
      %add3A_1041 = arith.addi %get3A_117, %add3A_1040 : vector<16xi32>
      %gather3A_1042 = tpu.vector_load_idx %arg18[%add3A_106, %add3A_1041] : memref<128x128xf32, #tpu.memory_space<vmem>>[vector<16xi32>, vector<16xi32>], vector<16xf32>,
      %add3A_1043 = arith.constant 57 : i32
      %add3A_1044 = vector.broadcast %add3A_1043 : i32 to vector<16xi32>
      %add3A_1045 = arith.addi %get3A_123, %add3A_1044 : vector<16xi32>
      %gather3A_1046 = tpu.vector_load_idx %arg19[%add3A_106, %add3A_1045] : memref<128x128xf32, #tpu.memory_space<vmem>>[vector<16xi32>, vector<16xi32>], vector<16xf32>,
      %add3A_1047 = arith.addf %gather3A_1038, %gather3A_1042 : vector<16xf32>
      %sub3A_1048 = arith.subf %add3A_1047, %gather3A_1046 : vector<16xf32>
      %mul3A_1049 = arith.mulf %sub3A_1048, %sub3A_1048 : vector<16xf32>
      %add3A_1050 = arith.addf %add3A_1034, %mul3A_1049 : vector<16xf32>
      %add3A_1051 = arith.constant 58 : i32
      %add3A_1052 = vector.broadcast %add3A_1051 : i32 to vector<16xi32>
      %add3A_1053 = arith.addi %get3A_111, %add3A_1052 : vector<16xi32>
      %gather3A_1054 = tpu.vector_load_idx %arg17[%add3A_106, %add3A_1053] : memref<128x128xf32, #tpu.memory_space<vmem>>[vector<16xi32>, vector<16xi32>], vector<16xf32>,
      %add3A_1055 = arith.constant 58 : i32
      %add3A_1056 = vector.broadcast %add3A_1055 : i32 to vector<16xi32>
      %add3A_1057 = arith.addi %get3A_117, %add3A_1056 : vector<16xi32>
      %gather3A_1058 = tpu.vector_load_idx %arg18[%add3A_106, %add3A_1057] : memref<128x128xf32, #tpu.memory_space<vmem>>[vector<16xi32>, vector<16xi32>], vector<16xf32>,
      %add3A_1059 = arith.constant 58 : i32
      %add3A_1060 = vector.broadcast %add3A_1059 : i32 to vector<16xi32>
      %add3A_1061 = arith.addi %get3A_123, %add3A_1060 : vector<16xi32>
      %gather3A_1062 = tpu.vector_load_idx %arg19[%add3A_106, %add3A_1061] : memref<128x128xf32, #tpu.memory_space<vmem>>[vector<16xi32>, vector<16xi32>], vector<16xf32>,
      %add3A_1063 = arith.addf %gather3A_1054, %gather3A_1058 : vector<16xf32>
      %sub3A_1064 = arith.subf %add3A_1063, %gather3A_1062 : vector<16xf32>
      %mul3A_1065 = arith.mulf %sub3A_1064, %sub3A_1064 : vector<16xf32>
      %add3A_1066 = arith.addf %add3A_1050, %mul3A_1065 : vector<16xf32>
      %add3A_1067 = arith.constant 59 : i32
      %add3A_1068 = vector.broadcast %add3A_1067 : i32 to vector<16xi32>
      %add3A_1069 = arith.addi %get3A_111, %add3A_1068 : vector<16xi32>
      %gather3A_1070 = tpu.vector_load_idx %arg17[%add3A_106, %add3A_1069] : memref<128x128xf32, #tpu.memory_space<vmem>>[vector<16xi32>, vector<16xi32>], vector<16xf32>,
      %add3A_1071 = arith.constant 59 : i32
      %add3A_1072 = vector.broadcast %add3A_1071 : i32 to vector<16xi32>
      %add3A_1073 = arith.addi %get3A_117, %add3A_1072 : vector<16xi32>
      %gather3A_1074 = tpu.vector_load_idx %arg18[%add3A_106, %add3A_1073] : memref<128x128xf32, #tpu.memory_space<vmem>>[vector<16xi32>, vector<16xi32>], vector<16xf32>,
      %add3A_1075 = arith.constant 59 : i32
      %add3A_1076 = vector.broadcast %add3A_1075 : i32 to vector<16xi32>
      %add3A_1077 = arith.addi %get3A_123, %add3A_1076 : vector<16xi32>
      %gather3A_1078 = tpu.vector_load_idx %arg19[%add3A_106, %add3A_1077] : memref<128x128xf32, #tpu.memory_space<vmem>>[vector<16xi32>, vector<16xi32>], vector<16xf32>,
      %add3A_1079 = arith.addf %gather3A_1070, %gather3A_1074 : vector<16xf32>
      %sub3A_1080 = arith.subf %add3A_1079, %gather3A_1078 : vector<16xf32>
      %mul3A_1081 = arith.mulf %sub3A_1080, %sub3A_1080 : vector<16xf32>
      %add3A_1082 = arith.addf %add3A_1066, %mul3A_1081 : vector<16xf32>
      %add3A_1083 = arith.constant 60 : i32
      %add3A_1084 = vector.broadcast %add3A_1083 : i32 to vector<16xi32>
      %add3A_1085 = arith.addi %get3A_111, %add3A_1084 : vector<16xi32>
      %gather3A_1086 = tpu.vector_load_idx %arg17[%add3A_106, %add3A_1085] : memref<128x128xf32, #tpu.memory_space<vmem>>[vector<16xi32>, vector<16xi32>], vector<16xf32>,
      %add3A_1087 = arith.constant 60 : i32
      %add3A_1088 = vector.broadcast %add3A_1087 : i32 to vector<16xi32>
      %add3A_1089 = arith.addi %get3A_117, %add3A_1088 : vector<16xi32>
      %gather3A_1090 = tpu.vector_load_idx %arg18[%add3A_106, %add3A_1089] : memref<128x128xf32, #tpu.memory_space<vmem>>[vector<16xi32>, vector<16xi32>], vector<16xf32>,
      %add3A_1091 = arith.constant 60 : i32
      %add3A_1092 = vector.broadcast %add3A_1091 : i32 to vector<16xi32>
      %add3A_1093 = arith.addi %get3A_123, %add3A_1092 : vector<16xi32>
      %gather3A_1094 = tpu.vector_load_idx %arg19[%add3A_106, %add3A_1093] : memref<128x128xf32, #tpu.memory_space<vmem>>[vector<16xi32>, vector<16xi32>], vector<16xf32>,
      %add3A_1095 = arith.addf %gather3A_1086, %gather3A_1090 : vector<16xf32>
      %sub3A_1096 = arith.subf %add3A_1095, %gather3A_1094 : vector<16xf32>
      %mul3A_1097 = arith.mulf %sub3A_1096, %sub3A_1096 : vector<16xf32>
      %add3A_1098 = arith.addf %add3A_1082, %mul3A_1097 : vector<16xf32>
      %add3A_1099 = arith.constant 61 : i32
      %add3A_1100 = vector.broadcast %add3A_1099 : i32 to vector<16xi32>
      %add3A_1101 = arith.addi %get3A_111, %add3A_1100 : vector<16xi32>
      %gather3A_1102 = tpu.vector_load_idx %arg17[%add3A_106, %add3A_1101] : memref<128x128xf32, #tpu.memory_space<vmem>>[vector<16xi32>, vector<16xi32>], vector<16xf32>,
      %add3A_1103 = arith.constant 61 : i32
      %add3A_1104 = vector.broadcast %add3A_1103 : i32 to vector<16xi32>
      %add3A_1105 = arith.addi %get3A_117, %add3A_1104 : vector<16xi32>
      %gather3A_1106 = tpu.vector_load_idx %arg18[%add3A_106, %add3A_1105] : memref<128x128xf32, #tpu.memory_space<vmem>>[vector<16xi32>, vector<16xi32>], vector<16xf32>,
      %add3A_1107 = arith.constant 61 : i32
      %add3A_1108 = vector.broadcast %add3A_1107 : i32 to vector<16xi32>
      %add3A_1109 = arith.addi %get3A_123, %add3A_1108 : vector<16xi32>
      %gather3A_1110 = tpu.vector_load_idx %arg19[%add3A_106, %add3A_1109] : memref<128x128xf32, #tpu.memory_space<vmem>>[vector<16xi32>, vector<16xi32>], vector<16xf32>,
      %add3A_1111 = arith.addf %gather3A_1102, %gather3A_1106 : vector<16xf32>
      %sub3A_1112 = arith.subf %add3A_1111, %gather3A_1110 : vector<16xf32>
      %mul3A_1113 = arith.mulf %sub3A_1112, %sub3A_1112 : vector<16xf32>
      %add3A_1114 = arith.addf %add3A_1098, %mul3A_1113 : vector<16xf32>
      %add3A_1115 = arith.constant 62 : i32
      %add3A_1116 = vector.broadcast %add3A_1115 : i32 to vector<16xi32>
      %add3A_1117 = arith.addi %get3A_111, %add3A_1116 : vector<16xi32>
      %gather3A_1118 = tpu.vector_load_idx %arg17[%add3A_106, %add3A_1117] : memref<128x128xf32, #tpu.memory_space<vmem>>[vector<16xi32>, vector<16xi32>], vector<16xf32>,
      %add3A_1119 = arith.constant 62 : i32
      %add3A_1120 = vector.broadcast %add3A_1119 : i32 to vector<16xi32>
      %add3A_1121 = arith.addi %get3A_117, %add3A_1120 : vector<16xi32>
      %gather3A_1122 = tpu.vector_load_idx %arg18[%add3A_106, %add3A_1121] : memref<128x128xf32, #tpu.memory_space<vmem>>[vector<16xi32>, vector<16xi32>], vector<16xf32>,
      %add3A_1123 = arith.constant 62 : i32
      %add3A_1124 = vector.broadcast %add3A_1123 : i32 to vector<16xi32>
      %add3A_1125 = arith.addi %get3A_123, %add3A_1124 : vector<16xi32>
      %gather3A_1126 = tpu.vector_load_idx %arg19[%add3A_106, %add3A_1125] : memref<128x128xf32, #tpu.memory_space<vmem>>[vector<16xi32>, vector<16xi32>], vector<16xf32>,
      %add3A_1127 = arith.addf %gather3A_1118, %gather3A_1122 : vector<16xf32>
      %sub3A_1128 = arith.subf %add3A_1127, %gather3A_1126 : vector<16xf32>
      %mul3A_1129 = arith.mulf %sub3A_1128, %sub3A_1128 : vector<16xf32>
      %add3A_1130 = arith.addf %add3A_1114, %mul3A_1129 : vector<16xf32>
      %add3A_1131 = arith.constant 63 : i32
      %add3A_1132 = vector.broadcast %add3A_1131 : i32 to vector<16xi32>
      %add3A_1133 = arith.addi %get3A_111, %add3A_1132 : vector<16xi32>
      %gather3A_1134 = tpu.vector_load_idx %arg17[%add3A_106, %add3A_1133] : memref<128x128xf32, #tpu.memory_space<vmem>>[vector<16xi32>, vector<16xi32>], vector<16xf32>,
      %add3A_1135 = arith.constant 63 : i32
      %add3A_1136 = vector.broadcast %add3A_1135 : i32 to vector<16xi32>
      %add3A_1137 = arith.addi %get3A_117, %add3A_1136 : vector<16xi32>
      %gather3A_1138 = tpu.vector_load_idx %arg18[%add3A_106, %add3A_1137] : memref<128x128xf32, #tpu.memory_space<vmem>>[vector<16xi32>, vector<16xi32>], vector<16xf32>,
      %add3A_1139 = arith.constant 63 : i32
      %add3A_1140 = vector.broadcast %add3A_1139 : i32 to vector<16xi32>
      %add3A_1141 = arith.addi %get3A_123, %add3A_1140 : vector<16xi32>
      %gather3A_1142 = tpu.vector_load_idx %arg19[%add3A_106, %add3A_1141] : memref<128x128xf32, #tpu.memory_space<vmem>>[vector<16xi32>, vector<16xi32>], vector<16xf32>,
      %add3A_1143 = arith.addf %gather3A_1134, %gather3A_1138 : vector<16xf32>
      %sub3A_1144 = arith.subf %add3A_1143, %gather3A_1142 : vector<16xf32>
      %mul3A_1145 = arith.mulf %sub3A_1144, %sub3A_1144 : vector<16xf32>
      %add3A_1146 = arith.addf %add3A_1130, %mul3A_1145 : vector<16xf32>
      %bitcast_convert_type3A = tpu.bitcast %add3A_1146 : vector<16xf32> -> vector<16xi32>
      %shift_right_arithmetic3A = arith.constant 1 : i32
      %shift_right_arithmetic3A_1147 = vector.broadcast %shift_right_arithmetic3A : i32 to vector<16xi32>
      %shift_right_arithmetic3A_1148 = arith.shrsi %bitcast_convert_type3A, %shift_right_arithmetic3A_1147 : vector<16xi32>
      %sub3A_1149 = arith.constant 1597463007 : i32
      %sub3A_1150 = vector.broadcast %sub3A_1149 : i32 to vector<16xi32>
      %sub3A_1151 = arith.subi %sub3A_1150, %shift_right_arithmetic3A_1148 : vector<16xi32>
      %bitcast_convert_type3A_1152 = tpu.bitcast %sub3A_1151 : vector<16xi32> -> vector<16xf32>
      %mul3A_1153 = arith.constant 5.000000e-01 : f32
      %mul3A_1154 = vector.broadcast %mul3A_1153 : f32 to vector<16xf32>
      %mul3A_1155 = arith.mulf %mul3A_1154, %add3A_1146 : vector<16xf32>
      %mul3A_1156 = arith.mulf %mul3A_1155, %bitcast_convert_type3A_1152 : vector<16xf32>
      %mul3A_1157 = arith.mulf %mul3A_1156, %bitcast_convert_type3A_1152 : vector<16xf32>
      %sub3A_1158 = arith.constant 1.500000e+00 : f32
      %sub3A_1159 = vector.broadcast %sub3A_1158 : f32 to vector<16xf32>
      %sub3A_1160 = arith.subf %sub3A_1159, %mul3A_1157 : vector<16xf32>
      %mul3A_1161 = arith.mulf %bitcast_convert_type3A_1152, %sub3A_1160 : vector<16xf32>
      %mul3A_1162 = arith.constant 5.000000e-01 : f32
      %mul3A_1163 = vector.broadcast %mul3A_1162 : f32 to vector<16xf32>
      %mul3A_1164 = arith.mulf %mul3A_1163, %add3A_1146 : vector<16xf32>
      %mul3A_1165 = arith.mulf %mul3A_1164, %mul3A_1161 : vector<16xf32>
      %mul3A_1166 = arith.mulf %mul3A_1165, %mul3A_1161 : vector<16xf32>
      %sub3A_1167 = arith.constant 1.500000e+00 : f32
      %sub3A_1168 = vector.broadcast %sub3A_1167 : f32 to vector<16xf32>
      %sub3A_1169 = arith.subf %sub3A_1168, %mul3A_1166 : vector<16xf32>
      %mul3A_1170 = arith.mulf %mul3A_1161, %sub3A_1169 : vector<16xf32>
      %mul3A_1171 = arith.constant 5.000000e-01 : f32
      %mul3A_1172 = vector.broadcast %mul3A_1171 : f32 to vector<16xf32>
      %mul3A_1173 = arith.mulf %mul3A_1172, %add3A_1146 : vector<16xf32>
      %mul3A_1174 = arith.mulf %mul3A_1173, %mul3A_1170 : vector<16xf32>
      %mul3A_1175 = arith.mulf %mul3A_1174, %mul3A_1170 : vector<16xf32>
      %sub3A_1176 = arith.constant 1.500000e+00 : f32
      %sub3A_1177 = vector.broadcast %sub3A_1176 : f32 to vector<16xf32>
      %sub3A_1178 = arith.subf %sub3A_1177, %mul3A_1175 : vector<16xf32>
      %mul3A_1179 = arith.mulf %mul3A_1170, %sub3A_1178 : vector<16xf32>
      %mul3A_1180 = arith.mulf %add3A_1146, %mul3A_1179 : vector<16xf32>
      %neg3A = arith.constant 0.000000e+00 : f32
      %neg3A_1181 = vector.broadcast %neg3A : f32 to vector<16xf32>
      %neg3A_1182 = arith.subf %neg3A_1181, %mul3A_1180 : vector<16xf32>
      %mul3A_1183 = arith.constant 16 : i32
      %mul3A_1184 = arith.muli %scan3A_102, %mul3A_1183 : i32
      %add3A_1185 = arith.constant 128 : i32
      %add3A_1186 = arith.addi %add3A_1185, %mul3A_1184 : i32
      %swap3A = arith.index_cast %add3A_1186 : i32 to index
      %swap3A_1187 = tpu.vector_load %arg20[%swap3A] {strides = array<i32>} : memref<256xf32, #tpu.memory_space<vmem>>, vector<16xf32>,
      tpu.vector_store %arg20[%swap3A], %neg3A_1182 {strides = array<i32>} : memref<256xf32, #tpu.memory_space<vmem>>, vector<16xf32>,
    }
    %scan3A_101 = arith.constant 8 : i32
    "tpu.region"() ({
      %run_scoped3A = tpu.sem_alloc : memref<!tpu.dma_semaphore, #tpu.memory_space<semaphore_mem>>
      %dma_start3A_102 = tpu.memref_slice %arg10[%mul3A_2] : memref<8192xf32, #tpu.memory_space<hbm>> -> memref<256xf32, #tpu.memory_space<hbm>>
      %dma_start3A_103 = tpu.memref_slice %arg10[%mul3A_2] : memref<8192xf32, #tpu.memory_space<hbm>> -> memref<256xf32, #tpu.memory_space<hbm>>
      tpu.enqueue_dma source(%arg20 : memref<256xf32, #tpu.memory_space<vmem>>) target(%dma_start3A_103 : memref<256xf32, #tpu.memory_space<hbm>>) target_semaphore(%run_scoped3A : memref<!tpu.dma_semaphore, #tpu.memory_space<semaphore_mem>>)
      %dma_wait3A_104 = tpu.memref_slice %arg10[%mul3A_2] : memref<8192xf32, #tpu.memory_space<hbm>> -> memref<256xf32, #tpu.memory_space<hbm>>
      %dma_wait3A_105 = tpu.memref_slice %arg10[%mul3A_2] : memref<8192xf32, #tpu.memory_space<hbm>> -> memref<256xf32, #tpu.memory_space<hbm>>
      tpu.wait_dma2 semaphore(%run_scoped3A : memref<!tpu.dma_semaphore, #tpu.memory_space<semaphore_mem>>) src(%arg20 : memref<256xf32, #tpu.memory_space<vmem>>) dst(%dma_wait3A_105 : memref<256xf32, #tpu.memory_space<hbm>>)
      tpu.yield
    }) : () -> ()
    return
  }
}

</mosaic_0001>

<sc_bundles>
// kernel: _sc_call.3.cloned.1.call-start
scs
__scs_entry_jumppad:
0x0: {  	(pc) =	sbr.rel $0x88, $3  }
0x1: {  	(tag) =	ssettag $0x0;
	lr =	simm.s32 $0x1  }
0x2: {  	[smem:$0x3F99] =	sst lr;
	_ =	strace $0xD0000000  }
0x3: {  	_ = 	snop  }
0x4: {  	_ = 	snop  }
0x5: {  	_ = 	snop  }
0x6: {  	_ = 	snop  }
0x7: {  	_ = 	snop  }
__scs_overlays_trampoline_lowered:
0x8: {  	[smem:$0x3FA8] =	sst s0  }
0x9: {  	[smem:$0x3FA9] =	sst s1  }
0xa: {  	[smem:$0x3FAA] =	sst s2  }
0xb: {  	[smem:$0x3FAB] =	sst s3  }
0xc: {  	[smem:$0x3FAC] =	sst s4  }
0xd: {  	[smem:$0x3FAD] =	sst s5  }
0xe: {  	[smem:$0x3FAE] =	sst s6  }
0xf: {  	[smem:$0x3FAF] =	sst s7  }
0x10: {  	[smem:$0x3FB0] =	sst s8  }
0x11: {  	[smem:$0x3FB1] =	sst s9;
	s0 =	simm.s32 @!p0 $0x0  }
0x12: {  	s1 =	sld [smem:$0x3F97];
	s0 =	simm.s32 @p0 $0x1  }
0x13: {  	[smem:$0x3FB2] =	sst s0;
	s0 =	simm.s32 @!p1 $0x0  }
0x14: {  	s2 =	sld [smem:$0x3F96];
	s0 =	simm.s32 @p1 $0x1  }
0x15: {  	[smem:$0x3FB3] =	sst s0;
	s0 =	simm.s32 @!p2 $0x0  }
0x16: {  	s3 =	sld [smem:$0x3FDB];
	s0 =	simm.s32 @p2 $0x1  }
0x17: {  	s4 =	simm.s32 $0x1BF5;
	[smem:$0x3FB5] =	sst s0  }
0x18: {  	s0 =	sld [smem:$0x3F98];
	_ =	swait.ge [sflag:s4], $0x0  }
0x19: {  	s7 =	sld [smem:$0x3F99]  }
0x1a: {  	s8 =	sadd.s32 $0xFFFFE003, lr  }
0x1b: {  	s9 =	sadd.s32 $0xFFFFFEF7, lr;
	s5 =	simm.s32 $0xFFFFFFFF;
	p2 =	slt.u32 s8, $0xFFFFF086  }
0x1c: {  	p1 =	slt.u32 s9, $0xF7A;
	s5 =	simm.s32 @!p2 $0x0  }
0x1d: {  	s5 =	simm.s32 @p1 $0x1;
	p0 =	seq.s32 s7, s2  }
0x1e: {  	s7 =	smul.u32 @!p0 $0xF7A, s2;
	p2 =	seq.s32 @!p0 s5, $0x0  }
0x1f: {  	s9 =	smul.u32 $0xF7A, s1;
	s8 =	simm.s32 @!p0 $0x1BF5;
	p2 =	por !p2, p0  }
0x20: {  	[sflag:s8] =	ssyncset.s32 @!p0 $0xFFFFF086;
	s6 =	sadd.s32 @!p0 s3, s7;
	s7 =	simm.s32 @!p0 $0x108  }
0x21: {  	s3 =	sadd.s32 s3, s9;
	s6 =	sadd.s32 @!p0 $0x88, s6;
	s7 =	simm.s32 @p2 $0x1082  }
0x22: {  	[simem:s7], [sflag:s8] =	dma.local @!p0 [hbm:s6], $0xF7A  }
0x23: {  	s9 =	sor.u32 $0xD0000000, s2;
	s6 =	simm.s32 $0x108;
	_ =	swait.ge @!p0 [sflag:s8], $0x0  }
0x24: {  	s3 =	sadd.s32 $0x88, s3;
	s6 =	simm.s32 @!p1 $0x1082;
	[sflag:s4] =	ssyncset.s32 $0xFFFFF086  }
0x25: {  	[simem:s6], [sflag:s4] =	dma.local [hbm:s3], $0xF7A  }
0x26: {  	[smem:$0x3F99] =	sst s1;
	(tag) =	ssettag s2;
	_ =	strace s9  }
0x27: {  	s1 =	sld [smem:$0x3FA9]  }
0x28: {  	s2 =	sld [smem:$0x3FAA]  }
0x29: {  	s4 =	sld [smem:$0x3FAC]  }
0x2a: {  	p0 =	seq.s32 s5, $0x0;
	s5 =	sld [smem:$0x3FAD]  }
0x2b: {  	s6 =	sld [smem:$0x3FAE]  }
0x2c: {  	s7 =	sld [smem:$0x3FAF]  }
0x2d: {  	s3 =	simm.s32 $0x108;
	s8 =	sld [smem:$0x3FB0]  }
0x2e: {  	s3 =	simm.s32 @!p0 $0x1082;
	s9 =	sld [smem:$0x3FB1]  }
0x2f: {  	lr =	sadd.s32 s0, s3;
	s0 =	sld [smem:$0x3FA8]  }
0x30: {  	s3 =	sld [smem:$0x3FAB]  }
0x31: {  	[smem:$0x3FB4] =	sst s10  }
0x32: {  	s10 =	sld [smem:$0x3FB2];
	_ =	sdelay $0x3  }
0x33: {  	p0 =	seq.s32 s10, $0x1;
	s10 =	sld [smem:$0x3FB4];
	_ =	sdelay $0x3  }
0x34: {  	[smem:$0x3FB4] =	sst s10  }
0x35: {  	s10 =	sld [smem:$0x3FB3];
	_ =	sdelay $0x3  }
0x36: {  	p1 =	seq.s32 s10, $0x1;
	s10 =	sld [smem:$0x3FB4];
	_ =	sdelay $0x3  }
0x37: {  	[smem:$0x3FB4] =	sst s10  }
0x38: {  	s10 =	sld [smem:$0x3FB5]  }
0x39: {  	_ = 	snop;
	(pc) =	sbr.ind lr, $3  }
0x3a: {  	_ = 	snop  }
0x3b: {  	_ = 	snop  }
0x3c: {  	p2 =	seq.s32 s10, $0x1;
	s10 =	sld [smem:$0x3FB4]  }
0x3d: {  	_ =	shalt  }
0x3e: {  	_ =	shalt  }
0x3f: {  	_ =	shalt  }
0x40: {  	_ =	shalt  }
0x41: {  	_ =	shalt  }
0x42: {  	_ =	shalt  }
0x43: {  	_ =	shalt  }
0x44: {  	_ =	shalt  }
0x45: {  	_ =	shalt  }
0x46: {  	_ =	shalt  }
0x47: {  	_ =	shalt  }
0x48: {  	_ =	shalt  }
0x49: {  	_ =	shalt  }
0x4a: {  	_ =	shalt  }
0x4b: {  	_ =	shalt  }
0x4c: {  	_ =	shalt  }
0x4d: {  	_ =	shalt  }
0x4e: {  	_ =	shalt  }
0x4f: {  	_ =	shalt  }
0x50: {  	_ =	shalt  }
0x51: {  	_ =	shalt  }
0x52: {  	_ =	shalt  }
0x53: {  	_ =	shalt  }
0x54: {  	_ =	shalt  }
0x55: {  	_ =	shalt  }
0x56: {  	_ =	shalt  }
0x57: {  	_ =	shalt  }
0x58: {  	_ =	shalt  }
0x59: {  	_ =	shalt  }
0x5a: {  	_ =	shalt  }
0x5b: {  	_ =	shalt  }
0x5c: {  	_ =	shalt  }
0x5d: {  	_ =	shalt  }
0x5e: {  	_ =	shalt  }
0x5f: {  	_ =	shalt  }
0x60: {  	_ =	shalt  }
0x61: {  	_ =	shalt  }
0x62: {  	_ =	shalt  }
0x63: {  	_ =	shalt  }
0x64: {  	_ =	shalt  }
0x65: {  	_ =	shalt  }
0x66: {  	_ =	shalt  }
0x67: {  	_ =	shalt  }
0x68: {  	_ =	shalt  }
0x69: {  	_ =	shalt  }
0x6a: {  	_ =	shalt  }
0x6b: {  	_ =	shalt  }
0x6c: {  	_ =	shalt  }
0x6d: {  	_ =	shalt  }
0x6e: {  	_ =	shalt  }
0x6f: {  	_ =	shalt  }
0x70: {  	_ =	shalt  }
0x71: {  	_ =	shalt  }
0x72: {  	_ =	shalt  }
0x73: {  	_ =	shalt  }
0x74: {  	_ =	shalt  }
0x75: {  	_ =	shalt  }
0x76: {  	_ =	shalt  }
0x77: {  	_ =	shalt  }
0x78: {  	_ =	shalt  }
0x79: {  	_ =	shalt  }
0x7a: {  	_ =	shalt  }
0x7b: {  	_ =	shalt  }
0x7c: {  	_ =	shalt  }
0x7d: {  	_ =	shalt  }
0x7e: {  	_ =	shalt  }
0x7f: {  	_ =	shalt  }
0x80: {  	_ =	shalt  }
0x81: {  	_ =	shalt  }
0x82: {  	_ =	shalt  }
0x83: {  	_ =	shalt  }
0x84: {  	_ =	shalt  }
0x85: {  	_ =	shalt  }
0x86: {  	_ =	shalt  }
0x87: {  	_ =	shalt  }
.Lfunc_end0:
.L_simem_size_0:
called_computation_lowered:
.L_overlay_start_0:
0x88: {  	s2 =	sld [smem:$0x3FD9]  }
0x89: {  	s3 =	sld [smem:$0x3FFE];
	_ =	sdelay $0x1  }
0x8a: {  	s1 =	srdreg.scid  }
0x8b: {  	s0 =	sand.u32 $0x1, s1  }
0x8c: {  	s18 =	sshll.u32 s0, $0xA;
	s2 =	sadd.s32 s3, s2  }
0x8d: {  	s2 =	sadd.s32 s2, s18  }
0x8e: {  	[smem:$0x3FC0] =	sst s2  }
0x8f: {  	_ = 	snop  }
0x90: {  	s2 =	sld [smem:$0x3FC9]  }
0x91: {  	s19 =	sld [smem:$0x3FC8]  }
0x92: {  	s4 =	sld [smem:$0x3FC7]  }
0x93: {  	s5 =	sld [smem:$0x3FC6]  }
0x94: {  	s6 =	sld [smem:$0x3FC5]  }
0x95: {  	s7 =	sld [smem:$0x3FC4]  }
0x96: {  	s8 =	sld [smem:$0x3FC3]  }
0x97: {  	s9 =	sld [smem:$0x3FC2]  }
0x98: {  	s10 =	sld [smem:$0x3FD0];
	(tm) =	ssettm $0x1  }
0x99: {  	s11 =	sld [smem:$0x3FFB];
	_ =	sdelay $0x3  }
0x9a: {  	_ =	strace s11  }
0x9b: {  	s11 =	sld [smem:$0x3FFC];
	_ =	sdelay $0x3  }
0x9c: {  	_ =	strace s11  }
0x9d: {  	s11 =	sld [smem:$0x3FFD];
	_ =	sdelay $0x3  }
0x9e: {  	_ =	strace s11  }
0x9f: {  	_ =	strace $0x8FFFFFFF  }
0xa0: {  	s20 =	sld [smem:$0x3FDB];
	_ =	sdelay $0x1  }
0xa1: {  	s12 =	simm.s32 $_scs_section_size  }
0xa2: {  	s13 =	simm.s32 $_size__tile_overlayer_lowered;
	s14 =	simm.s32 $_tile_overlayer_lowered  }
0xa3: {  	s23 =	simm.s32 $0x1BFF;
	s22 =	sshll.u32 s14, $0x1;
	s11 =	sadd.s32 s12, s20  }
0xa4: {  	s15 =	simm.s32 $0x0;
	s21 =	sshll.u32 s13, $0x1;
	s13 =	sadd.s32 s22, s11  }
0xa5: {  	[timem:s15], [sflag:s23] =	dma.local [hbm:s13], s21  }
0xa6: {  	_ =	swait.ge [sflag:s23], s21  }
0xa7: {  	s12 =	ssub.s32 $0x0, s21;
	[sflag:s23] =	ssyncset.done $0x0  }
0xa8: {  	[sflag:s23] =	ssyncadd.s32 s12;
	_ =	sdelay $0x1  }
0xa9: {  	s24 =	simm.s32 $0x1B8B  }
0xaa: {  	_ =	swait.ge [sflag:s24], $0x1  }
0xab: {  	[sflag:s24] =	ssyncset.done $0x0  }
0xac: {  	s25 =	simm.s32 $0x1B8E;
	[sflag:s24] =	ssyncadd.s32 $0xFFFFFFFF  }
0xad: {  	s26 =	simm.s32 $execute0_lowered;
	[smem:$0x3FD2] =	sst s25  }
0xae: {  	s12 =	sshll.u32 s26, $0x1;
	_ =	strace $0x80000046;
	[dreg:$0x1] =	wrdreg $0xFFFFFFFF  }
0xaf: {  	s28 =	simm.s32 $_size_execute0_lowered;
	s11 =	sadd.s32 s11, s12;
	[dreg:$0x0] =	wrdreg $0x0  }
0xb0: {  	s12 =	sshll.u32 s28, $0x1;
	[dreg:$0x2] =	wrdreg s11  }
0xb1: {  	[dreg:$0x3] =	wrdreg s12  }
0xb2: {  	[dreg:$0x4] =	wrdreg $0xC0  }
0xb3: {  	_ =	task [dreg:s15], $0x5FFFF  }
0xb4: {  	[dreg:$0x1] =	wrdreg $0xFFFFFFFF  }
0xb5: {  	[dreg:$0x0] =	wrdreg $0x60  }
0xb6: {  	[dreg:$0x2] =	wrdreg s2  }
0xb7: {  	[dreg:$0x3] =	wrdreg s19  }
0xb8: {  	[dreg:$0x4] =	wrdreg s4  }
0xb9: {  	[dreg:$0x5] =	wrdreg s5  }
0xba: {  	[dreg:$0x6] =	wrdreg s6  }
0xbb: {  	[dreg:$0x7] =	wrdreg s7  }
0xbc: {  	[dreg:$0x8] =	wrdreg s8  }
0xbd: {  	[dreg:$0x9] =	wrdreg s9  }
0xbe: {  	[dreg:$0xa] =	wrdreg s10  }
0xbf: {  	[dreg:$0xb] =	wrdreg $0x9  }
0xc0: {  	_ =	task.clear_ibuf [dreg:s15], $0xCFFFF;
	_ =	strace $0x90000046  }
0xc1: {  	s29 =	simm.s32 $0x9;
	_ =	strace $0x80000048  }
0xc2: {  	_ =	swait.ge [sflag:s29], $0x1  }
0xc3: {  	[sflag:s29] =	ssyncadd.s32 $0xFFFFFFFF  }
0xc4: {  	_ =	strace $0x90000048  }
0xc5: {  	_ =	sfence  }
0xc6: {  	s30 =	sld [smem:$0x0];
	_ =	sdelay $0x2  }
0xc7: {  	s31 =	sshll.u32 s1, $0xD;
	s1 =	sshrl.u32 s1, $0x2  }
0xc8: {  	s3 =	sand.u32 $0x4000, s31;
	s1 =	sadd.s32 s1, s30  }
0xc9: {  	s0 =	sor.u32 s3, s0;
	s1 =	sshll.u32 s1, $0x11  }
0xca: {  	s0 =	sor.u32 s1, s0  }
0xcb: {  	s0 =	sadd.s32 $0x8F2B, s0  }
0xcc: {  	[sflag:s0] =	ssyncadd.remote.s32 $0x1  }
0xcd: {  	_ =	sfence.sel $0xFFFF  }
0xce: {  	[dreg:$0x0] =	wrdreg $0xFFFFFFFF;
	(pc) =	sbr.abs _section_cstart, $3  }
0xcf: {  	[dreg:$0x1] =	wrdreg $0xFFFFFFFF  }
0xd0: {  	_ =	task.clear_ibuf [dreg:s15], $0x2FFFF;
	_ =	strace $0x9FFFFFFF  }
0xd1: {  	(tm) =	ssettm $0x7FFFFFFF  }
tec
execute0_lowered:
.L_overlay_start_1:
0x0: {  	(tag) =	ssettag $0x1  }
0x1: {  	s5 =	rddreg [dreg:$0x0]  }
0x2: {  	s6 =	rddreg [dreg:$0x1]  }
0x3: {  	s7 =	rddreg [dreg:$0x2]  }
0x4: {  	s8 =	rddreg [dreg:$0x3]  }
0x5: {  	s9 =	rddreg [dreg:$0x4]  }
0x6: {  	s10 =	rddreg [dreg:$0x5]  }
0x7: {  	s1 =	rddreg [dreg:$0x6]  }
0x8: {  	s2 =	rddreg [dreg:$0x7]  }
0x9: {  	s11 =	rddreg [dreg:$0x8]  }
0xa: {  	s0 =	rddreg [dreg:$0x9];
	s4 =	simm.s32 $0x0;
	s12 =	srdreg.scid  }
0xb: {  	s3 =	stileid.u32;
	s16 =	simm.s32 $0x80;
	s17 =	simm.s32 $0x600  }
0xc: {  	s18 =	simm.s32 $0x4600;
	s19 =	simm.s32 $0x8600;
	s20 =	simm.s32 $0x1  }
0xd: {  	s21 =	simm.s32 $0x180;
	s22 =	simm.s32 $0x280;
	s23 =	simm.s32 $0xC600  }
0xe: {  	s24 =	simm.s32 $0x0;
	[smem:$0x7FF] =	sst s4;
	s12 =	sand.u32 $0x1, s12  }
0xf: {  	s14 =	sshll.u32 s3, $0x6;
	s13 =	ssub.s32 $0x2, s12;
	s12 =	sshll.u32 s12, $0x5  }
0x10: {  	_ =	strace $0x80000047;
	s15 =	sshrl.u32 s13, $0x1;
	s12 =	sor.u32 s12, s14  }
0x11: {  	s14 =	simm.s32 $0x100;
	s13 =	ssub.s32 s13, s15;
	s5 =	sadd.s32 s5, s12  }
0x12: {  	s6 =	sadd.s32 s6, s12;
	s7 =	sadd.s32 s7, s12;
	s8 =	sadd.s32 s8, s12  }
0x13: {  	v0 =	vlaneseq.u32;
	s9 =	sadd.s32 s9, s12;
	s10 =	sadd.s32 s10, s12;
	s11 =	sadd.s32 s11, s12  }
0x14: {  	v0 =	vmul.u32 $0x80, v0;
	s15 =	simm.s32 $0x200;
	s12 =	smax.u32 s13, $0x1;
	s13 =	simm.s32 $0x2  }
.LBB2_1:
0x15: {  	[tilespmem:s4], [sflag:$0x2] =	stream.linear.gather [hbm4b:s5+s4], $0x100, $0x38;
	[tilespmem:$0xC700] =	vst v63  }
0x16: {  	_ =	swait.ge [sflag:s13], $0x100  }
0x17: {  	[sflag:s13] =	ssyncset.done $0x0  }
0x18: {  	[sflag:s13] =	ssyncadd.s32 $0xFFFFFF00  }
0x19: {  	[tilespmem:s14], [sflag:$0x2] =	stream.linear.gather [hbm4b:s6+s4], $0x100, $0x38;
	[tilespmem:$0xC700] =	vst v63  }
0x1a: {  	_ =	swait.ge [sflag:s13], $0x100  }
0x1b: {  	[sflag:s13] =	ssyncset.done $0x0  }
0x1c: {  	[sflag:s13] =	ssyncadd.s32 $0xFFFFFF00  }
0x1d: {  	[tilespmem:s15], [sflag:$0x2] =	stream.linear.gather [hbm4b:s7+s4], $0x100, $0x38;
	[tilespmem:$0xC700] =	vst v63  }
0x1e: {  	_ =	swait.ge [sflag:s13], $0x100  }
0x1f: {  	[sflag:s13] =	ssyncset.done $0x0  }
0x20: {  	s25 =	simm.s32 $0x300;
	[sflag:s13] =	ssyncadd.s32 $0xFFFFFF00  }
0x21: {  	[tilespmem:s25], [sflag:$0x2] =	stream.linear.gather [hbm4b:s8+s4], $0x100, $0x38;
	[tilespmem:$0xC700] =	vst v63  }
0x22: {  	_ =	swait.ge [sflag:s13], $0x100  }
0x23: {  	[sflag:s13] =	ssyncset.done $0x0  }
0x24: {  	s26 =	simm.s32 $0x400;
	[sflag:s13] =	ssyncadd.s32 $0xFFFFFF00  }
0x25: {  	[tilespmem:s26], [sflag:$0x2] =	stream.linear.gather [hbm4b:s9+s4], $0x100, $0x38;
	[tilespmem:$0xC700] =	vst v63  }
0x26: {  	_ =	swait.ge [sflag:s13], $0x100  }
0x27: {  	[sflag:s13] =	ssyncset.done $0x0  }
0x28: {  	s28 =	simm.s32 $0x500;
	[sflag:s13] =	ssyncadd.s32 $0xFFFFFF00  }
0x29: {  	[tilespmem:s28], [sflag:$0x2] =	stream.linear.gather [hbm4b:s10+s4], $0x100, $0x38;
	[tilespmem:$0xC700] =	vst v63  }
0x2a: {  	_ =	swait.ge [sflag:s13], $0x100  }
0x2b: {  	[sflag:s13] =	ssyncset.done $0x0  }
0x2c: {  	[sflag:s13] =	ssyncadd.s32 $0xFFFFFF00  }
0x2d: {  	[tilespmem:s17], [sflag:$0x1] =	stream.indirect.gather [hbm4b:s1+s16], $0x80, s4, s16, $0xb8;
	[tilespmem:$0xC700] =	vst v63  }
0x2e: {  	_ = 	snop  }
0x2f: {  	[tilespmem:s18], [sflag:$0x1] =	stream.indirect.gather [hbm4b:s2+s16], $0x80, s14, s16, $0xb8;
	[tilespmem:$0xC700] =	vst v63  }
0x30: {  	_ = 	snop  }
0x31: {  	[tilespmem:s19], [sflag:$0x1] =	stream.indirect.gather [hbm4b:s1+s16], $0x80, s15, s16, $0xb8;
	[tilespmem:$0xC700] =	vst v63  }
0x32: {  	_ =	swait.ge [sflag:s20], $0x4000  }
0x33: {  	[sflag:s20] =	ssyncset.done $0x0  }
0x34: {  	[sflag:s20] =	ssyncadd.s32 $0xFFFFC000  }
0x35: {  	_ =	swait.ge [sflag:s20], $0x4000  }
0x36: {  	[sflag:s20] =	ssyncset.done $0x0  }
0x37: {  	[sflag:s20] =	ssyncadd.s32 $0xFFFFC000  }
0x38: {  	_ =	swait.ge [sflag:s20], $0x4000  }
0x39: {  	[sflag:s20] =	ssyncset.done $0x0  }
0x3a: {  	s29 =	simm.s32 $0xC600;
	s30 =	simm.s32 $0x0;
	[sflag:s20] =	ssyncadd.s32 $0xFFFFC000  }
.LBB2_2:
0x3b: {  	v4 =	vld [tilespmem:s25+$0x0]  }
0x3c: {  	v3 =	vld [tilespmem:s26+$0x0]  }
0x3d: {  	v2 =	vld [tilespmem:s28+$0x0];
	_ =	sdelay $0x1  }
0x3e: {  	v1 =	vmov s30  }
0x3f: {  	v1 =	vshll.u32 v1, $0x7  }
0x40: {  	v1 =	vor.u32 v0, v1;
	v5 =	vand.u32 $0xFFFFFF80, v4;
	v6 =	vand.u32 $0x7F, v4  }
0x41: {  	v7 =	vand.u32 $0xFFFFFF80, v3;
	v21 =	vand.u32 $0x7F, v3;
	v22 =	vand.u32 $0xFFFFFF80, v2  }
0x42: {  	v8 =	vadd.s32 $0x1, v4;
	v9 =	vand.u32 $0x7F, v2;
	v11 =	vadd.s32 $0x1, v3  }
0x43: {  	v25 =	vadd.s32 $0x1, v2;
	v27 =	vadd.s32 $0x2, v4;
	v13 =	vadd.s32 $0x2, v3  }
0x44: {  	v33 =	vadd.s32 $0x2, v2;
	v35 =	vadd.s32 $0x3, v4;
	v37 =	vadd.s32 $0x3, v3  }
0x45: {  	v41 =	vadd.s32 $0x3, v2;
	v43 =	vadd.s32 $0x4, v4;
	v15 =	vadd.s32 $0x4, v3  }
0x46: {  	v48 =	vadd.s32 $0x4, v2;
	v16 =	vadd.s32 $0x5, v4;
	v18 =	vadd.s32 $0x5, v3  }
0x47: {  	v53 =	vadd.s32 $0x5, v2;
	v59 =	vadd.s32 $0x6, v4;
	v62 =	vadd.s32 $0x6, v3  }
0x48: {  	v5 =	vadd.s32 v1, v5;
	v7 =	vadd.s32 v1, v7;
	v10 =	vand.u32 $0xFFFFFF80, v8  }
0x49: {  	v8 =	vand.u32 $0x7F, v8;
	v23 =	vand.u32 $0xFFFFFF80, v11;
	v24 =	vand.u32 $0x7F, v11  }
0x4a: {  	v26 =	vand.u32 $0xFFFFFF80, v25;
	v11 =	vand.u32 $0x7F, v25;
	v12 =	vand.u32 $0xFFFFFF80, v27  }
0x4b: {  	v14 =	vand.u32 $0xFFFFFF80, v13;
	v28 =	vand.u32 $0x7F, v13;
	v34 =	vand.u32 $0xFFFFFF80, v33  }
0x4c: {  	v36 =	vand.u32 $0xFFFFFF80, v35;
	v39 =	vand.u32 $0xFFFFFF80, v37;
	v40 =	vand.u32 $0x7F, v37  }
0x4d: {  	v42 =	vand.u32 $0xFFFFFF80, v41;
	v44 =	vand.u32 $0xFFFFFF80, v43;
	v13 =	vand.u32 $0x7F, v43  }
0x4e: {  	v46 =	vand.u32 $0xFFFFFF80, v15;
	v47 =	vand.u32 $0x7F, v15;
	v49 =	vand.u32 $0xFFFFFF80, v48  }
0x4f: {  	v15 =	vand.u32 $0x7F, v48;
	v17 =	vand.u32 $0xFFFFFF80, v16;
	v16 =	vand.u32 $0x7F, v16  }
0x50: {  	v51 =	vand.u32 $0xFFFFFF80, v18;
	v52 =	vand.u32 $0x7F, v18;
	v56 =	vand.u32 $0xFFFFFF80, v53  }
0x51: {  	v58 =	vand.u32 $0x7F, v53;
	v61 =	vand.u32 $0xFFFFFF80, v59;
	v63 =	vand.u32 $0xFFFFFF80, v62  }
0x52: {  	v37 =	vadd.s32 $0x7, v2;
	v53 =	vadd.s32 $0x9, v2;
	v5 =	vor.u32 v6, v5  }
0x53: {  	v6 =	vor.u32 v21, v7;
	v7 =	vadd.s32 v1, v22;
	v10 =	vadd.s32 v1, v10  }
0x54: {  	v12 =	vadd.s32 v1, v12;
	v29 =	vadd.s32 v1, v14;
	v14 =	vadd.s32 v1, v44  }
0x55: {  	v17 =	vadd.s32 v1, v17;
	v21 =	vand.u32 $0x7F, v62;
	v22 =	vadd.s32 v1, v63  }
0x56: {  	v62 =	vadd.s32 $0xA, v3;
	v7 =	vor.u32 v9, v7;
	v8 =	vor.u32 v8, v10  }
0x57: {  	v9 =	vadd.s32 v1, v23;
	v10 =	vadd.s32 v1, v26;
	v45 =	vor.u32 v13, v14  }
0x58: {  	v13 =	vadd.s32 v1, v46;
	v14 =	vadd.s32 v1, v49;
	v50 =	vor.u32 v16, v17  }
0x59: {  	v16 =	vadd.s32 v1, v51;
	v23 =	vor.u32 v21, v22;
	v49 =	vadd.s32 $0x9, v3  }
0x5a: {  	v63 =	vand.u32 $0xFFFFFF80, v62;
	v21 =	vand.u32 $0x7F, v62;
	v62 =	vadd.s32 $0xE, v3  }
0x5b: {  	v9 =	vor.u32 v24, v9;
	v10 =	vor.u32 v11, v10;
	v11 =	vand.u32 $0x7F, v27;
	v5 =	vld.idx.msk [tilespmem:v5+s17+$0x0], $0xffff  }
0x5c: {  	v13 =	vor.u32 v47, v13;
	v14 =	vor.u32 v15, v14;
	v55 =	vor.u32 v52, v16;
	v6 =	vld.idx.msk [tilespmem:v6+s18+$0x0], $0xffff  }
0x5d: {  	v16 =	vadd.s32 v1, v56;
	v47 =	vadd.s32 $0x9, v4;
	v51 =	vand.u32 $0xFFFFFF80, v49;
	v7 =	vld.idx.msk [tilespmem:v7+s19+$0x0], $0xffff  }
0x5e: {  	v52 =	vand.u32 $0x7F, v49;
	v56 =	vand.u32 $0xFFFFFF80, v53;
	v11 =	vor.u32 v11, v12;
	v8 =	vld.idx.msk [tilespmem:v8+s17+$0x0], $0xffff  }
0x5f: {  	v22 =	vadd.s32 v1, v63;
	v49 =	vadd.s32 $0xD, v3;
	v12 =	vor.u32 v28, v29;
	v54 =	vld.idx.msk [tilespmem:v45+s17+$0x0], $0xffff  }
0x60: {  	v63 =	vand.u32 $0xFFFFFF80, v62;
	v28 =	vadd.s32 $0x6, v2;
	v48 =	vand.u32 $0xFFFFFF80, v47;
	v9 =	vld.idx.msk [tilespmem:v9+s18+$0x0], $0xffff  }
0x61: {  	v17 =	vadd.s32 v1, v48;
	v45 =	vadd.s32 $0x8, v2;
	v57 =	vld.idx.msk [tilespmem:v13+s18+$0x0], $0xffff;
	v13 =	vor.u32 v58, v16  }
0x62: {  	v60 =	vld.idx.msk [tilespmem:v14+s19+$0x0], $0xffff;
	v16 =	vand.u32 $0x7F, v59;
	v14 =	vadd.s32 v1, v61;
	v46 =	vand.u32 $0xFFFFFF80, v45  }
0x63: {  	v58 =	vand.u32 $0x7F, v53;
	v59 =	vadd.s32 $0xA, v4;
	v53 =	vadd.s32 $0xD, v2;
	v31 =	vld.idx.msk [tilespmem:v11+s17+$0x0], $0xffff  }
0x64: {  	v32 =	vld.idx.msk [tilespmem:v12+s18+$0x0], $0xffff;
	v11 =	vand.u32 $0x7F, v35;
	v12 =	vand.u32 $0x7F, v41;
	v14 =	vor.u32 v16, v14  }
0x65: {  	v41 =	vadd.s32 $0x8, v3;
	v16 =	vand.u32 $0x7F, v47;
	v61 =	vand.u32 $0xFFFFFF80, v59  }
0x66: {  	v15 =	vld.idx.msk [tilespmem:v50+s17+$0x0], $0xffff;
	v47 =	vadd.s32 $0xD, v4;
	v43 =	vand.u32 $0xFFFFFF80, v41;
	v44 =	vand.u32 $0x7F, v41  }
0x67: {  	v10 =	vld.idx.msk [tilespmem:v10+s19+$0x0], $0xffff;
	v50 =	vor.u32 v16, v17;
	v16 =	vadd.s32 v1, v51;
	v5 =	vadd.f32 v6, v5  }
0x68: {  	v41 =	vadd.s32 $0xC, v3;
	v48 =	vand.u32 $0xFFFFFF80, v47;
	v51 =	vand.u32 $0xFFFFFF80, v49  }
0x69: {  	v17 =	vadd.s32 v1, v48;
	v5 =	vsub.f32 v5, v7;
	v30 =	vadd.f32 v9, v8  }
0x6a: {  	v9 =	vand.u32 $0x7F, v33;
	v33 =	vadd.s32 $0x7, v3;
	v7 =	vadd.f32 v32, v31  }
0x6b: {  	v31 =	vadd.s32 $0x7, v4;
	v35 =	vand.u32 $0xFFFFFF80, v33;
	v5 =	vmul.f32 v5, v5  }
0x6c: {  	v6 =	vsub.f32 v30, v10;
	v10 =	vadd.s32 v1, v34;
	v30 =	vand.u32 $0xFFFFFF80, v28  }
0x6d: {  	v32 =	vand.u32 $0xFFFFFF80, v31;
	v9 =	vor.u32 v9, v10;
	v10 =	vadd.s32 v1, v36  }
0x6e: {  	v36 =	vand.u32 $0x7F, v33;
	v33 =	vadd.s32 $0xB, v3;
	v6 =	vmul.f32 v6, v6  }
0x6f: {  	v38 =	vor.u32 v11, v10;
	v10 =	vadd.s32 v1, v39;
	v11 =	vadd.s32 v1, v42  }
0x70: {  	v24 =	vld.idx.msk [tilespmem:v13+s19+$0x0], $0xffff;
	v39 =	vadd.s32 $0x8, v4;
	v10 =	vor.u32 v40, v10;
	v11 =	vor.u32 v12, v11  }
0x71: {  	v12 =	vld.idx.msk [tilespmem:v55+s18+$0x0], $0xffff;
	v40 =	vand.u32 $0xFFFFFF80, v39;
	v13 =	vand.u32 $0x7F, v39;
	v55 =	vor.u32 v52, v16  }
0x72: {  	v16 =	vadd.s32 v1, v56;
	v39 =	vadd.s32 $0xC, v4;
	v52 =	vand.u32 $0x7F, v49  }
0x73: {  	v56 =	vand.u32 $0xFFFFFF80, v53;
	v49 =	vadd.s32 $0x11, v3;
	v5 =	vadd.f32 v6, v5  }
0x74: {  	v27 =	vld.idx.msk [tilespmem:v14+s17+$0x0], $0xffff;
	v6 =	vadd.f32 v57, v54;
	v14 =	vadd.s32 v1, v40;
	v40 =	vand.u32 $0xFFFFFF80, v39  }
0x75: {  	v42 =	vor.u32 v13, v14;
	v13 =	vadd.s32 v1, v43;
	v14 =	vadd.s32 v1, v46  }
0x76: {  	v43 =	vand.u32 $0xFFFFFF80, v41;
	v9 =	vld.idx.msk [tilespmem:v9+s19+$0x0], $0xffff;
	v6 =	vsub.f32 v6, v60;
	v13 =	vor.u32 v44, v13  }
0x77: {  	v44 =	vand.u32 $0x7F, v41;
	v41 =	vadd.s32 $0x10, v3;
	v8 =	vld.idx.msk [tilespmem:v38+s17+$0x0], $0xffff;
	v38 =	vand.u32 $0xFFFFFF80, v37  }
0x78: {  	v6 =	vmul.f32 v6, v6;
	v26 =	vadd.f32 v12, v15;
	v12 =	vand.u32 $0x7F, v37  }
0x79: {  	v10 =	vld.idx.msk [tilespmem:v10+s18+$0x0], $0xffff;
	v15 =	vand.u32 $0x7F, v45;
	v37 =	vadd.s32 $0xB, v2;
	v45 =	vadd.s32 $0xC, v2  }
0x7a: {  	v11 =	vld.idx.msk [tilespmem:v11+s19+$0x0], $0xffff;
	v14 =	vor.u32 v15, v14;
	v46 =	vand.u32 $0xFFFFFF80, v45;
	v29 =	vsub.f32 v26, v24  }
0x7b: {  	v7 =	vsub.f32 v7, v9;
	v57 =	vld.idx.msk [tilespmem:v13+s18+$0x0], $0xffff;
	v13 =	vor.u32 v58, v16;
	v16 =	vand.u32 $0x7F, v59  }
0x7c: {  	v9 =	vld.idx.msk [tilespmem:v23+s18+$0x0], $0xffff;
	v23 =	vor.u32 v21, v22;
	v58 =	vand.u32 $0x7F, v53;
	v59 =	vadd.s32 $0xE, v4  }
0x7d: {  	v21 =	vand.u32 $0x7F, v62;
	v22 =	vadd.s32 v1, v63;
	v62 =	vadd.s32 $0x12, v3  }
0x7e: {  	v53 =	vadd.s32 $0x11, v2;
	v63 =	vand.u32 $0xFFFFFF80, v62;
	v8 =	vadd.f32 v10, v8  }
0x7f: {  	v7 =	vmul.f32 v7, v7;
	v10 =	vand.u32 $0x7F, v28;
	v28 =	vadd.s32 $0xA, v2  }
0x80: {  	v60 =	vld.idx.msk [tilespmem:v14+s19+$0x0], $0xffff;
	v14 =	vadd.s32 v1, v61;
	v61 =	vand.u32 $0xFFFFFF80, v59;
	v8 =	vsub.f32 v8, v11  }
0x81: {  	v5 =	vadd.f32 v7, v5;
	v7 =	vadd.s32 v1, v30;
	v11 =	vand.u32 $0x7F, v31  }
0x82: {  	v14 =	vor.u32 v16, v14;
	v30 =	vand.u32 $0xFFFFFF80, v28;
	v31 =	vadd.s32 $0xB, v4  }
0x83: {  	v16 =	vand.u32 $0x7F, v47;
	v47 =	vadd.s32 $0x11, v4;
	v7 =	vor.u32 v10, v7  }
0x84: {  	v10 =	vadd.s32 v1, v32;
	v24 =	vld.idx.msk [tilespmem:v13+s19+$0x0], $0xffff;
	v32 =	vand.u32 $0xFFFFFF80, v31;
	v13 =	vand.u32 $0x7F, v39  }
0x85: {  	v15 =	vld.idx.msk [tilespmem:v50+s17+$0x0], $0xffff;
	v50 =	vor.u32 v16, v17;
	v16 =	vadd.s32 v1, v51;
	v39 =	vadd.s32 $0x10, v4  }
0x86: {  	v48 =	vand.u32 $0xFFFFFF80, v47;
	v51 =	vand.u32 $0xFFFFFF80, v49;
	v25 =	vmul.f32 v8, v8  }
0x87: {  	v8 =	vadd.f32 v9, v27;
	v34 =	vor.u32 v11, v10;
	v10 =	vadd.s32 v1, v35  }
0x88: {  	v11 =	vadd.s32 v1, v38;
	v35 =	vand.u32 $0xFFFFFF80, v33;
	v38 =	vand.u32 $0xFFFFFF80, v37  }
0x89: {  	v17 =	vadd.s32 v1, v48;
	v10 =	vor.u32 v36, v10;
	v11 =	vor.u32 v12, v11  }
0x8a: {  	v12 =	vld.idx.msk [tilespmem:v55+s18+$0x0], $0xffff;
	v36 =	vand.u32 $0x7F, v33;
	v55 =	vor.u32 v52, v16;
	v16 =	vadd.s32 v1, v56  }
0x8b: {  	v54 =	vld.idx.msk [tilespmem:v42+s17+$0x0], $0xffff;
	v33 =	vadd.s32 $0xF, v3;
	v52 =	vand.u32 $0x7F, v49;
	v5 =	vadd.f32 v25, v5  }
0x8c: {  	v56 =	vand.u32 $0xFFFFFF80, v53;
	v49 =	vadd.s32 $0x15, v3;
	v27 =	vld.idx.msk [tilespmem:v14+s17+$0x0], $0xffff;
	v14 =	vadd.s32 v1, v40  }
0x8d: {  	v40 =	vand.u32 $0xFFFFFF80, v39;
	v5 =	vadd.f32 v6, v5;
	v6 =	vmul.f32 v29, v29  }
0x8e: {  	v42 =	vor.u32 v13, v14;
	v13 =	vadd.s32 v1, v43;
	v14 =	vadd.s32 v1, v46  }
0x8f: {  	v7 =	vld.idx.msk [tilespmem:v7+s19+$0x0], $0xffff;
	v43 =	vand.u32 $0xFFFFFF80, v41;
	v13 =	vor.u32 v44, v13;
	v44 =	vand.u32 $0x7F, v41  }
0x90: {  	v41 =	vadd.s32 $0x14, v3;
	v5 =	vadd.f32 v6, v5;
	v6 =	vadd.f32 v57, v54  }
0x91: {  	v26 =	vadd.f32 v12, v15;
	v12 =	vand.u32 $0x7F, v37;
	v15 =	vand.u32 $0x7F, v45  }
0x92: {  	v9 =	vld.idx.msk [tilespmem:v34+s17+$0x0], $0xffff;
	v37 =	vadd.s32 $0xF, v2;
	v45 =	vadd.s32 $0x10, v2;
	v14 =	vor.u32 v15, v14  }
0x93: {  	v10 =	vld.idx.msk [tilespmem:v10+s18+$0x0], $0xffff;
	v46 =	vand.u32 $0xFFFFFF80, v45;
	v6 =	vsub.f32 v6, v60;
	v29 =	vsub.f32 v26, v24  }
0x94: {  	v7 =	vsub.f32 v8, v7;
	v8 =	vld.idx.msk [tilespmem:v23+s18+$0x0], $0xffff;
	v23 =	vor.u32 v21, v22;
	v21 =	vand.u32 $0x7F, v62  }
0x95: {  	v11 =	vld.idx.msk [tilespmem:v11+s19+$0x0], $0xffff;
	v22 =	vadd.s32 v1, v63;
	v62 =	vadd.s32 $0x16, v3;
	v6 =	vmul.f32 v6, v6  }
0x96: {  	v57 =	vld.idx.msk [tilespmem:v13+s18+$0x0], $0xffff;
	v13 =	vor.u32 v58, v16;
	v16 =	vand.u32 $0x7F, v59;
	v58 =	vand.u32 $0x7F, v53  }
0x97: {  	v59 =	vadd.s32 $0x12, v4;
	v53 =	vadd.s32 $0x15, v2;
	v63 =	vand.u32 $0xFFFFFF80, v62  }
0x98: {  	v7 =	vmul.f32 v7, v7;
	v9 =	vadd.f32 v10, v9;
	v10 =	vand.u32 $0x7F, v28  }
0x99: {  	v28 =	vadd.s32 $0xE, v2;
	v60 =	vld.idx.msk [tilespmem:v14+s19+$0x0], $0xffff;
	v14 =	vadd.s32 v1, v61;
	v61 =	vand.u32 $0xFFFFFF80, v59  }
0x9a: {  	v9 =	vsub.f32 v9, v11;
	v5 =	vadd.f32 v7, v5;
	v7 =	vadd.s32 v1, v30  }
0x9b: {  	v11 =	vand.u32 $0x7F, v31;
	v14 =	vor.u32 v16, v14;
	v30 =	vand.u32 $0xFFFFFF80, v28  }
0x9c: {  	v31 =	vadd.s32 $0xF, v4;
	v16 =	vand.u32 $0x7F, v47;
	v47 =	vadd.s32 $0x15, v4  }
0x9d: {  	v7 =	vor.u32 v10, v7;
	v10 =	vadd.s32 v1, v32;
	v8 =	vadd.f32 v8, v27  }
0x9e: {  	v15 =	vld.idx.msk [tilespmem:v50+s17+$0x0], $0xffff;
	v32 =	vand.u32 $0xFFFFFF80, v31;
	v50 =	vor.u32 v16, v17;
	v16 =	vadd.s32 v1, v51  }
0x9f: {  	v48 =	vand.u32 $0xFFFFFF80, v47;
	v51 =	vand.u32 $0xFFFFFF80, v49;
	v25 =	vmul.f32 v9, v9  }
0xa0: {  	v34 =	vor.u32 v11, v10;
	v10 =	vadd.s32 v1, v35;
	v11 =	vadd.s32 v1, v38  }
0xa1: {  	v24 =	vld.idx.msk [tilespmem:v13+s19+$0x0], $0xffff;
	v35 =	vand.u32 $0xFFFFFF80, v33;
	v38 =	vand.u32 $0xFFFFFF80, v37;
	v13 =	vand.u32 $0x7F, v39  }
0xa2: {  	v39 =	vadd.s32 $0x14, v4;
	v17 =	vadd.s32 v1, v48;
	v10 =	vor.u32 v36, v10  }
0xa3: {  	v11 =	vor.u32 v12, v11;
	v12 =	vld.idx.msk [tilespmem:v55+s18+$0x0], $0xffff;
	v36 =	vand.u32 $0x7F, v33;
	v55 =	vor.u32 v52, v16  }
0xa4: {  	v16 =	vadd.s32 v1, v56;
	v33 =	vadd.s32 $0x13, v3;
	v5 =	vadd.f32 v25, v5  }
0xa5: {  	v54 =	vld.idx.msk [tilespmem:v42+s17+$0x0], $0xffff;
	v52 =	vand.u32 $0x7F, v49;
	v56 =	vand.u32 $0xFFFFFF80, v53;
	v49 =	vadd.s32 $0x19, v3  }
0xa6: {  	v27 =	vld.idx.msk [tilespmem:v14+s17+$0x0], $0xffff;
	v14 =	vadd.s32 v1, v40;
	v40 =	vand.u32 $0xFFFFFF80, v39;
	v5 =	vadd.f32 v6, v5  }
0xa7: {  	v6 =	vmul.f32 v29, v29;
	v42 =	vor.u32 v13, v14;
	v13 =	vadd.s32 v1, v43  }
0xa8: {  	v7 =	vld.idx.msk [tilespmem:v7+s19+$0x0], $0xffff;
	v14 =	vadd.s32 v1, v46;
	v43 =	vand.u32 $0xFFFFFF80, v41;
	v13 =	vor.u32 v44, v13  }
0xa9: {  	v44 =	vand.u32 $0x7F, v41;
	v41 =	vadd.s32 $0x18, v3;
	v5 =	vadd.f32 v6, v5  }
0xaa: {  	v6 =	vadd.f32 v57, v54;
	v26 =	vadd.f32 v12, v15;
	v12 =	vand.u32 $0x7F, v37  }
0xab: {  	v9 =	vld.idx.msk [tilespmem:v34+s17+$0x0], $0xffff;
	v15 =	vand.u32 $0x7F, v45;
	v37 =	vadd.s32 $0x13, v2;
	v45 =	vadd.s32 $0x14, v2  }
0xac: {  	v10 =	vld.idx.msk [tilespmem:v10+s18+$0x0], $0xffff;
	v14 =	vor.u32 v15, v14;
	v46 =	vand.u32 $0xFFFFFF80, v45;
	v6 =	vsub.f32 v6, v60  }
0xad: {  	v29 =	vsub.f32 v26, v24;
	v7 =	vsub.f32 v8, v7;
	v8 =	vld.idx.msk [tilespmem:v23+s18+$0x0], $0xffff;
	v23 =	vor.u32 v21, v22  }
0xae: {  	v11 =	vld.idx.msk [tilespmem:v11+s19+$0x0], $0xffff;
	v21 =	vand.u32 $0x7F, v62;
	v22 =	vadd.s32 v1, v63;
	v62 =	vadd.s32 $0x1A, v3  }
0xaf: {  	v6 =	vmul.f32 v6, v6;
	v57 =	vld.idx.msk [tilespmem:v13+s18+$0x0], $0xffff;
	v13 =	vor.u32 v58, v16;
	v16 =	vand.u32 $0x7F, v59  }
0xb0: {  	v58 =	vand.u32 $0x7F, v53;
	v59 =	vadd.s32 $0x16, v4;
	v53 =	vadd.s32 $0x19, v2  }
0xb1: {  	v63 =	vand.u32 $0xFFFFFF80, v62;
	v7 =	vmul.f32 v7, v7;
	v9 =	vadd.f32 v10, v9  }
0xb2: {  	v10 =	vand.u32 $0x7F, v28;
	v28 =	vadd.s32 $0x12, v2;
	v60 =	vld.idx.msk [tilespmem:v14+s19+$0x0], $0xffff;
	v14 =	vadd.s32 v1, v61  }
0xb3: {  	v61 =	vand.u32 $0xFFFFFF80, v59;
	v9 =	vsub.f32 v9, v11;
	v5 =	vadd.f32 v7, v5  }
0xb4: {  	v7 =	vadd.s32 v1, v30;
	v11 =	vand.u32 $0x7F, v31;
	v14 =	vor.u32 v16, v14  }
0xb5: {  	v30 =	vand.u32 $0xFFFFFF80, v28;
	v31 =	vadd.s32 $0x13, v4;
	v16 =	vand.u32 $0x7F, v47  }
0xb6: {  	v47 =	vadd.s32 $0x19, v4;
	v7 =	vor.u32 v10, v7;
	v10 =	vadd.s32 v1, v32  }
0xb7: {  	v15 =	vld.idx.msk [tilespmem:v50+s17+$0x0], $0xffff;
	v8 =	vadd.f32 v8, v27;
	v32 =	vand.u32 $0xFFFFFF80, v31;
	v50 =	vor.u32 v16, v17  }
0xb8: {  	v16 =	vadd.s32 v1, v51;
	v48 =	vand.u32 $0xFFFFFF80, v47;
	v51 =	vand.u32 $0xFFFFFF80, v49  }
0xb9: {  	v25 =	vmul.f32 v9, v9;
	v34 =	vor.u32 v11, v10;
	v10 =	vadd.s32 v1, v35  }
0xba: {  	v11 =	vadd.s32 v1, v38;
	v35 =	vand.u32 $0xFFFFFF80, v33;
	v38 =	vand.u32 $0xFFFFFF80, v37  }
0xbb: {  	v24 =	vld.idx.msk [tilespmem:v13+s19+$0x0], $0xffff;
	v13 =	vand.u32 $0x7F, v39;
	v39 =	vadd.s32 $0x18, v4;
	v17 =	vadd.s32 v1, v48  }
0xbc: {  	v10 =	vor.u32 v36, v10;
	v11 =	vor.u32 v12, v11;
	v36 =	vand.u32 $0x7F, v33  }
0xbd: {  	v12 =	vld.idx.msk [tilespmem:v55+s18+$0x0], $0xffff;
	v55 =	vor.u32 v52, v16;
	v16 =	vadd.s32 v1, v56;
	v33 =	vadd.s32 $0x17, v3  }
0xbe: {  	v54 =	vld.idx.msk [tilespmem:v42+s17+$0x0], $0xffff;
	v52 =	vand.u32 $0x7F, v49;
	v56 =	vand.u32 $0xFFFFFF80, v53;
	v5 =	vadd.f32 v25, v5  }
0xbf: {  	v49 =	vadd.s32 $0x1D, v3;
	v27 =	vld.idx.msk [tilespmem:v14+s17+$0x0], $0xffff;
	v14 =	vadd.s32 v1, v40;
	v40 =	vand.u32 $0xFFFFFF80, v39  }
0xc0: {  	v5 =	vadd.f32 v6, v5;
	v6 =	vmul.f32 v29, v29;
	v42 =	vor.u32 v13, v14  }
0xc1: {  	v7 =	vld.idx.msk [tilespmem:v7+s19+$0x0], $0xffff;
	v13 =	vadd.s32 v1, v43;
	v14 =	vadd.s32 v1, v46;
	v43 =	vand.u32 $0xFFFFFF80, v41  }
0xc2: {  	v13 =	vor.u32 v44, v13;
	v44 =	vand.u32 $0x7F, v41;
	v5 =	vadd.f32 v6, v5  }
0xc3: {  	v41 =	vadd.s32 $0x1C, v3;
	v6 =	vadd.f32 v57, v54;
	v26 =	vadd.f32 v12, v15  }
0xc4: {  	v9 =	vld.idx.msk [tilespmem:v34+s17+$0x0], $0xffff;
	v12 =	vand.u32 $0x7F, v37;
	v15 =	vand.u32 $0x7F, v45;
	v37 =	vadd.s32 $0x17, v2  }
0xc5: {  	v10 =	vld.idx.msk [tilespmem:v10+s18+$0x0], $0xffff;
	v45 =	vadd.s32 $0x18, v2;
	v14 =	vor.u32 v15, v14;
	v6 =	vsub.f32 v6, v60  }
0xc6: {  	v11 =	vld.idx.msk [tilespmem:v11+s19+$0x0], $0xffff;
	v46 =	vand.u32 $0xFFFFFF80, v45;
	v29 =	vsub.f32 v26, v24;
	v7 =	vsub.f32 v8, v7  }
0xc7: {  	v8 =	vld.idx.msk [tilespmem:v23+s18+$0x0], $0xffff;
	v23 =	vor.u32 v21, v22;
	v21 =	vand.u32 $0x7F, v62;
	v22 =	vadd.s32 v1, v63  }
0xc8: {  	v62 =	vadd.s32 $0x1E, v3;
	v6 =	vmul.f32 v6, v6;
	v57 =	vld.idx.msk [tilespmem:v13+s18+$0x0], $0xffff;
	v13 =	vor.u32 v58, v16  }
0xc9: {  	v16 =	vand.u32 $0x7F, v59;
	v58 =	vand.u32 $0x7F, v53;
	v59 =	vadd.s32 $0x1A, v4  }
0xca: {  	v53 =	vadd.s32 $0x1D, v2;
	v63 =	vand.u32 $0xFFFFFF80, v62;
	v9 =	vadd.f32 v10, v9  }
0xcb: {  	v7 =	vmul.f32 v7, v7;
	v10 =	vand.u32 $0x7F, v28;
	v28 =	vadd.s32 $0x16, v2  }
0xcc: {  	v60 =	vld.idx.msk [tilespmem:v14+s19+$0x0], $0xffff;
	v14 =	vadd.s32 v1, v61;
	v61 =	vand.u32 $0xFFFFFF80, v59;
	v9 =	vsub.f32 v9, v11  }
0xcd: {  	v5 =	vadd.f32 v7, v5;
	v7 =	vadd.s32 v1, v30;
	v11 =	vand.u32 $0x7F, v31  }
0xce: {  	v14 =	vor.u32 v16, v14;
	v30 =	vand.u32 $0xFFFFFF80, v28;
	v31 =	vadd.s32 $0x17, v4  }
0xcf: {  	v16 =	vand.u32 $0x7F, v47;
	v47 =	vadd.s32 $0x1D, v4;
	v7 =	vor.u32 v10, v7  }
0xd0: {  	v10 =	vadd.s32 v1, v32;
	v8 =	vadd.f32 v8, v27;
	v32 =	vand.u32 $0xFFFFFF80, v31  }
0xd1: {  	v15 =	vld.idx.msk [tilespmem:v50+s17+$0x0], $0xffff;
	v50 =	vor.u32 v16, v17;
	v16 =	vadd.s32 v1, v51;
	v48 =	vand.u32 $0xFFFFFF80, v47  }
0xd2: {  	v51 =	vand.u32 $0xFFFFFF80, v49;
	v25 =	vmul.f32 v9, v9;
	v34 =	vor.u32 v11, v10  }
0xd3: {  	v10 =	vadd.s32 v1, v35;
	v11 =	vadd.s32 v1, v38;
	v35 =	vand.u32 $0xFFFFFF80, v33  }
0xd4: {  	v24 =	vld.idx.msk [tilespmem:v13+s19+$0x0], $0xffff;
	v38 =	vand.u32 $0xFFFFFF80, v37;
	v13 =	vand.u32 $0x7F, v39;
	v39 =	vadd.s32 $0x1C, v4  }
0xd5: {  	v17 =	vadd.s32 v1, v48;
	v10 =	vor.u32 v36, v10;
	v11 =	vor.u32 v12, v11  }
0xd6: {  	v12 =	vld.idx.msk [tilespmem:v55+s18+$0x0], $0xffff;
	v36 =	vand.u32 $0x7F, v33;
	v55 =	vor.u32 v52, v16;
	v16 =	vadd.s32 v1, v56  }
0xd7: {  	v54 =	vld.idx.msk [tilespmem:v42+s17+$0x0], $0xffff;
	v33 =	vadd.s32 $0x1B, v3;
	v52 =	vand.u32 $0x7F, v49;
	v5 =	vadd.f32 v25, v5  }
0xd8: {  	v56 =	vand.u32 $0xFFFFFF80, v53;
	v49 =	vadd.s32 $0x21, v3;
	v27 =	vld.idx.msk [tilespmem:v14+s17+$0x0], $0xffff;
	v14 =	vadd.s32 v1, v40  }
0xd9: {  	v40 =	vand.u32 $0xFFFFFF80, v39;
	v5 =	vadd.f32 v6, v5;
	v6 =	vmul.f32 v29, v29  }
0xda: {  	v42 =	vor.u32 v13, v14;
	v13 =	vadd.s32 v1, v43;
	v14 =	vadd.s32 v1, v46  }
0xdb: {  	v7 =	vld.idx.msk [tilespmem:v7+s19+$0x0], $0xffff;
	v43 =	vand.u32 $0xFFFFFF80, v41;
	v13 =	vor.u32 v44, v13;
	v44 =	vand.u32 $0x7F, v41  }
0xdc: {  	v41 =	vadd.s32 $0x20, v3;
	v5 =	vadd.f32 v6, v5;
	v6 =	vadd.f32 v57, v54  }
0xdd: {  	v26 =	vadd.f32 v12, v15;
	v12 =	vand.u32 $0x7F, v37;
	v15 =	vand.u32 $0x7F, v45  }
0xde: {  	v9 =	vld.idx.msk [tilespmem:v34+s17+$0x0], $0xffff;
	v37 =	vadd.s32 $0x1B, v2;
	v45 =	vadd.s32 $0x1C, v2;
	v14 =	vor.u32 v15, v14  }
0xdf: {  	v10 =	vld.idx.msk [tilespmem:v10+s18+$0x0], $0xffff;
	v46 =	vand.u32 $0xFFFFFF80, v45;
	v6 =	vsub.f32 v6, v60;
	v29 =	vsub.f32 v26, v24  }
0xe0: {  	v7 =	vsub.f32 v8, v7;
	v8 =	vld.idx.msk [tilespmem:v23+s18+$0x0], $0xffff;
	v23 =	vor.u32 v21, v22;
	v21 =	vand.u32 $0x7F, v62  }
0xe1: {  	v11 =	vld.idx.msk [tilespmem:v11+s19+$0x0], $0xffff;
	v22 =	vadd.s32 v1, v63;
	v62 =	vadd.s32 $0x22, v3;
	v6 =	vmul.f32 v6, v6  }
0xe2: {  	v57 =	vld.idx.msk [tilespmem:v13+s18+$0x0], $0xffff;
	v13 =	vor.u32 v58, v16;
	v16 =	vand.u32 $0x7F, v59;
	v58 =	vand.u32 $0x7F, v53  }
0xe3: {  	v59 =	vadd.s32 $0x1E, v4;
	v53 =	vadd.s32 $0x21, v2;
	v63 =	vand.u32 $0xFFFFFF80, v62  }
0xe4: {  	v7 =	vmul.f32 v7, v7;
	v9 =	vadd.f32 v10, v9;
	v10 =	vand.u32 $0x7F, v28  }
0xe5: {  	v28 =	vadd.s32 $0x1A, v2;
	v60 =	vld.idx.msk [tilespmem:v14+s19+$0x0], $0xffff;
	v14 =	vadd.s32 v1, v61;
	v61 =	vand.u32 $0xFFFFFF80, v59  }
0xe6: {  	v9 =	vsub.f32 v9, v11;
	v5 =	vadd.f32 v7, v5;
	v7 =	vadd.s32 v1, v30  }
0xe7: {  	v11 =	vand.u32 $0x7F, v31;
	v14 =	vor.u32 v16, v14;
	v30 =	vand.u32 $0xFFFFFF80, v28  }
0xe8: {  	v31 =	vadd.s32 $0x1B, v4;
	v16 =	vand.u32 $0x7F, v47;
	v47 =	vadd.s32 $0x21, v4  }
0xe9: {  	v7 =	vor.u32 v10, v7;
	v10 =	vadd.s32 v1, v32;
	v8 =	vadd.f32 v8, v27  }
0xea: {  	v15 =	vld.idx.msk [tilespmem:v50+s17+$0x0], $0xffff;
	v32 =	vand.u32 $0xFFFFFF80, v31;
	v50 =	vor.u32 v16, v17;
	v16 =	vadd.s32 v1, v51  }
0xeb: {  	v48 =	vand.u32 $0xFFFFFF80, v47;
	v51 =	vand.u32 $0xFFFFFF80, v49;
	v25 =	vmul.f32 v9, v9  }
0xec: {  	v34 =	vor.u32 v11, v10;
	v10 =	vadd.s32 v1, v35;
	v11 =	vadd.s32 v1, v38  }
0xed: {  	v24 =	vld.idx.msk [tilespmem:v13+s19+$0x0], $0xffff;
	v35 =	vand.u32 $0xFFFFFF80, v33;
	v38 =	vand.u32 $0xFFFFFF80, v37;
	v13 =	vand.u32 $0x7F, v39  }
0xee: {  	v39 =	vadd.s32 $0x20, v4;
	v17 =	vadd.s32 v1, v48;
	v10 =	vor.u32 v36, v10  }
0xef: {  	v11 =	vor.u32 v12, v11;
	v12 =	vld.idx.msk [tilespmem:v55+s18+$0x0], $0xffff;
	v36 =	vand.u32 $0x7F, v33;
	v55 =	vor.u32 v52, v16  }
0xf0: {  	v16 =	vadd.s32 v1, v56;
	v33 =	vadd.s32 $0x1F, v3;
	v5 =	vadd.f32 v25, v5  }
0xf1: {  	v54 =	vld.idx.msk [tilespmem:v42+s17+$0x0], $0xffff;
	v52 =	vand.u32 $0x7F, v49;
	v56 =	vand.u32 $0xFFFFFF80, v53;
	v49 =	vadd.s32 $0x25, v3  }
0xf2: {  	v27 =	vld.idx.msk [tilespmem:v14+s17+$0x0], $0xffff;
	v14 =	vadd.s32 v1, v40;
	v40 =	vand.u32 $0xFFFFFF80, v39;
	v5 =	vadd.f32 v6, v5  }
0xf3: {  	v6 =	vmul.f32 v29, v29;
	v42 =	vor.u32 v13, v14;
	v13 =	vadd.s32 v1, v43  }
0xf4: {  	v7 =	vld.idx.msk [tilespmem:v7+s19+$0x0], $0xffff;
	v14 =	vadd.s32 v1, v46;
	v43 =	vand.u32 $0xFFFFFF80, v41;
	v13 =	vor.u32 v44, v13  }
0xf5: {  	v44 =	vand.u32 $0x7F, v41;
	v41 =	vadd.s32 $0x24, v3;
	v5 =	vadd.f32 v6, v5  }
0xf6: {  	v6 =	vadd.f32 v57, v54;
	v26 =	vadd.f32 v12, v15;
	v12 =	vand.u32 $0x7F, v37  }
0xf7: {  	v9 =	vld.idx.msk [tilespmem:v34+s17+$0x0], $0xffff;
	v15 =	vand.u32 $0x7F, v45;
	v37 =	vadd.s32 $0x1F, v2;
	v45 =	vadd.s32 $0x20, v2  }
0xf8: {  	v10 =	vld.idx.msk [tilespmem:v10+s18+$0x0], $0xffff;
	v14 =	vor.u32 v15, v14;
	v46 =	vand.u32 $0xFFFFFF80, v45;
	v6 =	vsub.f32 v6, v60  }
0xf9: {  	v29 =	vsub.f32 v26, v24;
	v7 =	vsub.f32 v8, v7;
	v8 =	vld.idx.msk [tilespmem:v23+s18+$0x0], $0xffff;
	v23 =	vor.u32 v21, v22  }
0xfa: {  	v11 =	vld.idx.msk [tilespmem:v11+s19+$0x0], $0xffff;
	v21 =	vand.u32 $0x7F, v62;
	v22 =	vadd.s32 v1, v63;
	v62 =	vadd.s32 $0x26, v3  }
0xfb: {  	v6 =	vmul.f32 v6, v6;
	v57 =	vld.idx.msk [tilespmem:v13+s18+$0x0], $0xffff;
	v13 =	vor.u32 v58, v16;
	v16 =	vand.u32 $0x7F, v59  }
0xfc: {  	v58 =	vand.u32 $0x7F, v53;
	v59 =	vadd.s32 $0x22, v4;
	v53 =	vadd.s32 $0x25, v2  }
0xfd: {  	v63 =	vand.u32 $0xFFFFFF80, v62;
	v7 =	vmul.f32 v7, v7;
	v9 =	vadd.f32 v10, v9  }
0xfe: {  	v10 =	vand.u32 $0x7F, v28;
	v28 =	vadd.s32 $0x1E, v2;
	v60 =	vld.idx.msk [tilespmem:v14+s19+$0x0], $0xffff;
	v14 =	vadd.s32 v1, v61  }
0xff: {  	v61 =	vand.u32 $0xFFFFFF80, v59;
	v9 =	vsub.f32 v9, v11;
	v5 =	vadd.f32 v7, v5  }
0x100: {  	v7 =	vadd.s32 v1, v30;
	v11 =	vand.u32 $0x7F, v31;
	v14 =	vor.u32 v16, v14  }
0x101: {  	v30 =	vand.u32 $0xFFFFFF80, v28;
	v31 =	vadd.s32 $0x1F, v4;
	v16 =	vand.u32 $0x7F, v47  }
0x102: {  	v47 =	vadd.s32 $0x25, v4;
	v7 =	vor.u32 v10, v7;
	v10 =	vadd.s32 v1, v32  }
0x103: {  	v15 =	vld.idx.msk [tilespmem:v50+s17+$0x0], $0xffff;
	v8 =	vadd.f32 v8, v27;
	v32 =	vand.u32 $0xFFFFFF80, v31;
	v50 =	vor.u32 v16, v17  }
0x104: {  	v16 =	vadd.s32 v1, v51;
	v48 =	vand.u32 $0xFFFFFF80, v47;
	v51 =	vand.u32 $0xFFFFFF80, v49  }
0x105: {  	v25 =	vmul.f32 v9, v9;
	v34 =	vor.u32 v11, v10;
	v10 =	vadd.s32 v1, v35  }
0x106: {  	v11 =	vadd.s32 v1, v38;
	v35 =	vand.u32 $0xFFFFFF80, v33;
	v38 =	vand.u32 $0xFFFFFF80, v37  }
0x107: {  	v24 =	vld.idx.msk [tilespmem:v13+s19+$0x0], $0xffff;
	v13 =	vand.u32 $0x7F, v39;
	v39 =	vadd.s32 $0x24, v4;
	v17 =	vadd.s32 v1, v48  }
0x108: {  	v10 =	vor.u32 v36, v10;
	v11 =	vor.u32 v12, v11;
	v36 =	vand.u32 $0x7F, v33  }
0x109: {  	v12 =	vld.idx.msk [tilespmem:v55+s18+$0x0], $0xffff;
	v55 =	vor.u32 v52, v16;
	v16 =	vadd.s32 v1, v56;
	v33 =	vadd.s32 $0x23, v3  }
0x10a: {  	v54 =	vld.idx.msk [tilespmem:v42+s17+$0x0], $0xffff;
	v52 =	vand.u32 $0x7F, v49;
	v56 =	vand.u32 $0xFFFFFF80, v53;
	v5 =	vadd.f32 v25, v5  }
0x10b: {  	v49 =	vadd.s32 $0x29, v3;
	v27 =	vld.idx.msk [tilespmem:v14+s17+$0x0], $0xffff;
	v14 =	vadd.s32 v1, v40;
	v40 =	vand.u32 $0xFFFFFF80, v39  }
0x10c: {  	v5 =	vadd.f32 v6, v5;
	v6 =	vmul.f32 v29, v29;
	v42 =	vor.u32 v13, v14  }
0x10d: {  	v7 =	vld.idx.msk [tilespmem:v7+s19+$0x0], $0xffff;
	v13 =	vadd.s32 v1, v43;
	v14 =	vadd.s32 v1, v46;
	v43 =	vand.u32 $0xFFFFFF80, v41  }
0x10e: {  	v13 =	vor.u32 v44, v13;
	v44 =	vand.u32 $0x7F, v41;
	v5 =	vadd.f32 v6, v5  }
0x10f: {  	v41 =	vadd.s32 $0x28, v3;
	v6 =	vadd.f32 v57, v54;
	v26 =	vadd.f32 v12, v15  }
0x110: {  	v9 =	vld.idx.msk [tilespmem:v34+s17+$0x0], $0xffff;
	v12 =	vand.u32 $0x7F, v37;
	v15 =	vand.u32 $0x7F, v45;
	v37 =	vadd.s32 $0x23, v2  }
0x111: {  	v10 =	vld.idx.msk [tilespmem:v10+s18+$0x0], $0xffff;
	v45 =	vadd.s32 $0x24, v2;
	v14 =	vor.u32 v15, v14;
	v6 =	vsub.f32 v6, v60  }
0x112: {  	v11 =	vld.idx.msk [tilespmem:v11+s19+$0x0], $0xffff;
	v46 =	vand.u32 $0xFFFFFF80, v45;
	v29 =	vsub.f32 v26, v24;
	v7 =	vsub.f32 v8, v7  }
0x113: {  	v8 =	vld.idx.msk [tilespmem:v23+s18+$0x0], $0xffff;
	v23 =	vor.u32 v21, v22;
	v21 =	vand.u32 $0x7F, v62;
	v22 =	vadd.s32 v1, v63  }
0x114: {  	v62 =	vadd.s32 $0x2A, v3;
	v6 =	vmul.f32 v6, v6;
	v57 =	vld.idx.msk [tilespmem:v13+s18+$0x0], $0xffff;
	v13 =	vor.u32 v58, v16  }
0x115: {  	v16 =	vand.u32 $0x7F, v59;
	v58 =	vand.u32 $0x7F, v53;
	v59 =	vadd.s32 $0x26, v4  }
0x116: {  	v53 =	vadd.s32 $0x29, v2;
	v63 =	vand.u32 $0xFFFFFF80, v62;
	v9 =	vadd.f32 v10, v9  }
0x117: {  	v7 =	vmul.f32 v7, v7;
	v10 =	vand.u32 $0x7F, v28;
	v28 =	vadd.s32 $0x22, v2  }
0x118: {  	v60 =	vld.idx.msk [tilespmem:v14+s19+$0x0], $0xffff;
	v14 =	vadd.s32 v1, v61;
	v61 =	vand.u32 $0xFFFFFF80, v59;
	v9 =	vsub.f32 v9, v11  }
0x119: {  	v5 =	vadd.f32 v7, v5;
	v7 =	vadd.s32 v1, v30;
	v11 =	vand.u32 $0x7F, v31  }
0x11a: {  	v14 =	vor.u32 v16, v14;
	v30 =	vand.u32 $0xFFFFFF80, v28;
	v31 =	vadd.s32 $0x23, v4  }
0x11b: {  	v16 =	vand.u32 $0x7F, v47;
	v47 =	vadd.s32 $0x29, v4;
	v7 =	vor.u32 v10, v7  }
0x11c: {  	v10 =	vadd.s32 v1, v32;
	v8 =	vadd.f32 v8, v27;
	v32 =	vand.u32 $0xFFFFFF80, v31  }
0x11d: {  	v15 =	vld.idx.msk [tilespmem:v50+s17+$0x0], $0xffff;
	v50 =	vor.u32 v16, v17;
	v16 =	vadd.s32 v1, v51;
	v48 =	vand.u32 $0xFFFFFF80, v47  }
0x11e: {  	v51 =	vand.u32 $0xFFFFFF80, v49;
	v25 =	vmul.f32 v9, v9;
	v34 =	vor.u32 v11, v10  }
0x11f: {  	v10 =	vadd.s32 v1, v35;
	v11 =	vadd.s32 v1, v38;
	v35 =	vand.u32 $0xFFFFFF80, v33  }
0x120: {  	v24 =	vld.idx.msk [tilespmem:v13+s19+$0x0], $0xffff;
	v38 =	vand.u32 $0xFFFFFF80, v37;
	v13 =	vand.u32 $0x7F, v39;
	v39 =	vadd.s32 $0x28, v4  }
0x121: {  	v17 =	vadd.s32 v1, v48;
	v10 =	vor.u32 v36, v10;
	v11 =	vor.u32 v12, v11  }
0x122: {  	v12 =	vld.idx.msk [tilespmem:v55+s18+$0x0], $0xffff;
	v36 =	vand.u32 $0x7F, v33;
	v55 =	vor.u32 v52, v16;
	v16 =	vadd.s32 v1, v56  }
0x123: {  	v54 =	vld.idx.msk [tilespmem:v42+s17+$0x0], $0xffff;
	v33 =	vadd.s32 $0x27, v3;
	v52 =	vand.u32 $0x7F, v49;
	v5 =	vadd.f32 v25, v5  }
0x124: {  	v56 =	vand.u32 $0xFFFFFF80, v53;
	v49 =	vadd.s32 $0x2D, v3;
	v27 =	vld.idx.msk [tilespmem:v14+s17+$0x0], $0xffff;
	v14 =	vadd.s32 v1, v40  }
0x125: {  	v40 =	vand.u32 $0xFFFFFF80, v39;
	v5 =	vadd.f32 v6, v5;
	v6 =	vmul.f32 v29, v29  }
0x126: {  	v42 =	vor.u32 v13, v14;
	v13 =	vadd.s32 v1, v43;
	v14 =	vadd.s32 v1, v46  }
0x127: {  	v7 =	vld.idx.msk [tilespmem:v7+s19+$0x0], $0xffff;
	v43 =	vand.u32 $0xFFFFFF80, v41;
	v13 =	vor.u32 v44, v13;
	v44 =	vand.u32 $0x7F, v41  }
0x128: {  	v41 =	vadd.s32 $0x2C, v3;
	v5 =	vadd.f32 v6, v5;
	v6 =	vadd.f32 v57, v54  }
0x129: {  	v26 =	vadd.f32 v12, v15;
	v12 =	vand.u32 $0x7F, v37;
	v15 =	vand.u32 $0x7F, v45  }
0x12a: {  	v9 =	vld.idx.msk [tilespmem:v34+s17+$0x0], $0xffff;
	v37 =	vadd.s32 $0x27, v2;
	v45 =	vadd.s32 $0x28, v2;
	v14 =	vor.u32 v15, v14  }
0x12b: {  	v10 =	vld.idx.msk [tilespmem:v10+s18+$0x0], $0xffff;
	v46 =	vand.u32 $0xFFFFFF80, v45;
	v6 =	vsub.f32 v6, v60;
	v29 =	vsub.f32 v26, v24  }
0x12c: {  	v7 =	vsub.f32 v8, v7;
	v8 =	vld.idx.msk [tilespmem:v23+s18+$0x0], $0xffff;
	v23 =	vor.u32 v21, v22;
	v21 =	vand.u32 $0x7F, v62  }
0x12d: {  	v11 =	vld.idx.msk [tilespmem:v11+s19+$0x0], $0xffff;
	v22 =	vadd.s32 v1, v63;
	v62 =	vadd.s32 $0x2E, v3;
	v6 =	vmul.f32 v6, v6  }
0x12e: {  	v57 =	vld.idx.msk [tilespmem:v13+s18+$0x0], $0xffff;
	v13 =	vor.u32 v58, v16;
	v16 =	vand.u32 $0x7F, v59;
	v58 =	vand.u32 $0x7F, v53  }
0x12f: {  	v59 =	vadd.s32 $0x2A, v4;
	v53 =	vadd.s32 $0x2D, v2;
	v63 =	vand.u32 $0xFFFFFF80, v62  }
0x130: {  	v20 =	vand.u32 $0x7F, v62;
	v7 =	vmul.f32 v7, v7;
	v9 =	vadd.f32 v10, v9  }
0x131: {  	v10 =	vand.u32 $0x7F, v28;
	v28 =	vadd.s32 $0x26, v2;
	v60 =	vld.idx.msk [tilespmem:v14+s19+$0x0], $0xffff;
	v14 =	vadd.s32 v1, v61  }
0x132: {  	v61 =	vand.u32 $0xFFFFFF80, v59;
	v9 =	vsub.f32 v9, v11;
	v5 =	vadd.f32 v7, v5  }
0x133: {  	v7 =	vadd.s32 v1, v30;
	v11 =	vand.u32 $0x7F, v31;
	v14 =	vor.u32 v16, v14  }
0x134: {  	v30 =	vand.u32 $0xFFFFFF80, v28;
	v31 =	vadd.s32 $0x27, v4;
	v16 =	vand.u32 $0x7F, v47  }
0x135: {  	v47 =	vadd.s32 $0x2D, v4;
	v7 =	vor.u32 v10, v7;
	v10 =	vadd.s32 v1, v32  }
0x136: {  	v15 =	vld.idx.msk [tilespmem:v50+s17+$0x0], $0xffff;
	v8 =	vadd.f32 v8, v27;
	v32 =	vand.u32 $0xFFFFFF80, v31;
	v50 =	vor.u32 v16, v17  }
0x137: {  	v16 =	vadd.s32 v1, v51;
	v48 =	vand.u32 $0xFFFFFF80, v47;
	v51 =	vand.u32 $0xFFFFFF80, v49  }
0x138: {  	v25 =	vmul.f32 v9, v9;
	v34 =	vor.u32 v11, v10;
	v10 =	vadd.s32 v1, v35  }
0x139: {  	v11 =	vadd.s32 v1, v38;
	v35 =	vand.u32 $0xFFFFFF80, v33;
	v38 =	vand.u32 $0xFFFFFF80, v37  }
0x13a: {  	v24 =	vld.idx.msk [tilespmem:v13+s19+$0x0], $0xffff;
	v13 =	vand.u32 $0x7F, v39;
	v39 =	vadd.s32 $0x2C, v4;
	v17 =	vadd.s32 v1, v48  }
0x13b: {  	v48 =	vadd.s32 $0x31, v3;
	v10 =	vor.u32 v36, v10;
	v11 =	vor.u32 v12, v11  }
0x13c: {  	v12 =	vld.idx.msk [tilespmem:v55+s18+$0x0], $0xffff;
	v36 =	vand.u32 $0x7F, v33;
	v55 =	vor.u32 v52, v16;
	v16 =	vadd.s32 v1, v56  }
0x13d: {  	v54 =	vld.idx.msk [tilespmem:v42+s17+$0x0], $0xffff;
	v33 =	vadd.s32 $0x2B, v3;
	v52 =	vand.u32 $0x7F, v49;
	v5 =	vadd.f32 v25, v5  }
0x13e: {  	v56 =	vand.u32 $0xFFFFFF80, v53;
	v27 =	vld.idx.msk [tilespmem:v14+s17+$0x0], $0xffff;
	v14 =	vadd.s32 v1, v40;
	v40 =	vand.u32 $0xFFFFFF80, v39  }
0x13f: {  	v5 =	vadd.f32 v6, v5;
	v6 =	vmul.f32 v29, v29;
	v42 =	vor.u32 v13, v14  }
0x140: {  	v7 =	vld.idx.msk [tilespmem:v7+s19+$0x0], $0xffff;
	v13 =	vadd.s32 v1, v43;
	v14 =	vadd.s32 v1, v46;
	v43 =	vand.u32 $0xFFFFFF80, v41  }
0x141: {  	v13 =	vor.u32 v44, v13;
	v44 =	vand.u32 $0x7F, v41;
	v5 =	vadd.f32 v6, v5  }
0x142: {  	v9 =	vld.idx.msk [tilespmem:v34+s17+$0x0], $0xffff;
	v6 =	vadd.f32 v57, v54;
	v26 =	vadd.f32 v12, v15;
	v12 =	vand.u32 $0x7F, v37  }
0x143: {  	v10 =	vld.idx.msk [tilespmem:v10+s18+$0x0], $0xffff;
	v15 =	vand.u32 $0x7F, v45;
	v37 =	vadd.s32 $0x2B, v2;
	v45 =	vadd.s32 $0x2C, v2  }
0x144: {  	v11 =	vld.idx.msk [tilespmem:v11+s19+$0x0], $0xffff;
	v14 =	vor.u32 v15, v14;
	v46 =	vand.u32 $0xFFFFFF80, v45;
	v6 =	vsub.f32 v6, v60  }
0x145: {  	v29 =	vsub.f32 v26, v24;
	v7 =	vsub.f32 v8, v7;
	v8 =	vld.idx.msk [tilespmem:v23+s18+$0x0], $0xffff;
	v23 =	vor.u32 v21, v22  }
0x146: {  	v21 =	vadd.s32 v1, v63;
	v6 =	vmul.f32 v6, v6;
	v57 =	vld.idx.msk [tilespmem:v13+s18+$0x0], $0xffff;
	v13 =	vor.u32 v58, v16  }
0x147: {  	v16 =	vand.u32 $0x7F, v59;
	v58 =	vand.u32 $0x7F, v53;
	v59 =	vadd.s32 $0x2E, v4  }
0x148: {  	v22 =	vor.u32 v20, v21;
	v7 =	vmul.f32 v7, v7;
	v9 =	vadd.f32 v10, v9  }
0x149: {  	v10 =	vand.u32 $0x7F, v28;
	v28 =	vadd.s32 $0x2A, v2;
	v60 =	vld.idx.msk [tilespmem:v14+s19+$0x0], $0xffff;
	v14 =	vadd.s32 v1, v61  }
0x14a: {  	v61 =	vand.u32 $0xFFFFFF80, v59;
	v9 =	vsub.f32 v9, v11;
	v5 =	vadd.f32 v7, v5  }
0x14b: {  	v7 =	vadd.s32 v1, v30;
	v11 =	vand.u32 $0x7F, v31;
	v14 =	vor.u32 v16, v14  }
0x14c: {  	v30 =	vand.u32 $0xFFFFFF80, v28;
	v31 =	vadd.s32 $0x2B, v4;
	v16 =	vand.u32 $0x7F, v47  }
0x14d: {  	v7 =	vor.u32 v10, v7;
	v10 =	vadd.s32 v1, v32;
	v8 =	vadd.f32 v8, v27  }
0x14e: {  	v15 =	vld.idx.msk [tilespmem:v50+s17+$0x0], $0xffff;
	v32 =	vand.u32 $0xFFFFFF80, v31;
	v50 =	vor.u32 v16, v17;
	v16 =	vadd.s32 v1, v51  }
0x14f: {  	v51 =	vand.u32 $0x7F, v48;
	v25 =	vmul.f32 v9, v9;
	v34 =	vor.u32 v11, v10  }
0x150: {  	v10 =	vadd.s32 v1, v35;
	v11 =	vadd.s32 v1, v38;
	v35 =	vand.u32 $0xFFFFFF80, v33  }
0x151: {  	v24 =	vld.idx.msk [tilespmem:v13+s19+$0x0], $0xffff;
	v38 =	vand.u32 $0xFFFFFF80, v37;
	v13 =	vand.u32 $0x7F, v39;
	v10 =	vor.u32 v36, v10  }
0x152: {  	v54 =	vld.idx.msk [tilespmem:v42+s17+$0x0], $0xffff;
	v11 =	vor.u32 v12, v11;
	v36 =	vand.u32 $0x7F, v33;
	v5 =	vadd.f32 v25, v5  }
0x153: {  	v12 =	vld.idx.msk [tilespmem:v55+s18+$0x0], $0xffff;
	v55 =	vor.u32 v52, v16;
	v16 =	vadd.s32 v1, v56;
	v52 =	vadd.s32 $0x31, v2  }
0x154: {  	v27 =	vld.idx.msk [tilespmem:v14+s17+$0x0], $0xffff;
	v14 =	vadd.s32 v1, v40;
	v40 =	vadd.s32 $0x30, v3;
	v5 =	vadd.f32 v6, v5  }
0x155: {  	v6 =	vmul.f32 v29, v29;
	v42 =	vor.u32 v13, v14;
	v13 =	vadd.s32 v1, v43  }
0x156: {  	v7 =	vld.idx.msk [tilespmem:v7+s19+$0x0], $0xffff;
	v14 =	vadd.s32 v1, v46;
	v43 =	vand.u32 $0x7F, v40;
	v46 =	vadd.s32 $0x31, v4  }
0x157: {  	v9 =	vld.idx.msk [tilespmem:v34+s17+$0x0], $0xffff;
	v13 =	vor.u32 v44, v13;
	v44 =	vadd.s32 $0x30, v2;
	v5 =	vadd.f32 v6, v5  }
0x158: {  	v47 =	vand.u32 $0xFFFFFF80, v46;
	v10 =	vld.idx.msk [tilespmem:v10+s18+$0x0], $0xffff;
	v6 =	vadd.f32 v57, v54;
	v26 =	vadd.f32 v12, v15  }
0x159: {  	v12 =	vand.u32 $0x7F, v37;
	v15 =	vand.u32 $0x7F, v45;
	v45 =	vand.u32 $0xFFFFFF80, v44  }
0x15a: {  	v11 =	vld.idx.msk [tilespmem:v11+s19+$0x0], $0xffff;
	v17 =	vadd.s32 v1, v47;
	v14 =	vor.u32 v15, v14;
	v6 =	vsub.f32 v6, v60  }
0x15b: {  	v47 =	vadd.s32 $0x35, v3;
	v15 =	vld.idx.msk [tilespmem:v50+s17+$0x0], $0xffff;
	v50 =	vand.u32 $0xFFFFFF80, v48;
	v29 =	vsub.f32 v26, v24  }
0x15c: {  	v7 =	vsub.f32 v8, v7;
	v54 =	vld.idx.msk [tilespmem:v42+s17+$0x0], $0xffff;
	v42 =	vand.u32 $0xFFFFFF80, v40;
	v6 =	vmul.f32 v6, v6  }
0x15d: {  	v57 =	vld.idx.msk [tilespmem:v13+s18+$0x0], $0xffff;
	v13 =	vor.u32 v58, v16;
	v16 =	vand.u32 $0x7F, v59;
	v9 =	vadd.f32 v10, v9  }
0x15e: {  	v8 =	vld.idx.msk [tilespmem:v23+s18+$0x0], $0xffff;
	v58 =	vadd.s32 $0x32, v4;
	v7 =	vmul.f32 v7, v7;
	v10 =	vand.u32 $0x7F, v28  }
0x15f: {  	v60 =	vld.idx.msk [tilespmem:v14+s19+$0x0], $0xffff;
	v14 =	vadd.s32 v1, v61;
	v61 =	vadd.s32 $0x32, v3;
	v9 =	vsub.f32 v9, v11  }
0x160: {  	v5 =	vadd.f32 v7, v5;
	v7 =	vadd.s32 v1, v30;
	v11 =	vand.u32 $0x7F, v31  }
0x161: {  	v14 =	vor.u32 v16, v14;
	v30 =	vadd.s32 $0x2F, v4;
	v16 =	vand.u32 $0x7F, v46  }
0x162: {  	v62 =	vand.u32 $0xFFFFFF80, v61;
	v63 =	vand.u32 $0x7F, v61;
	v7 =	vor.u32 v10, v7  }
0x163: {  	v10 =	vadd.s32 v1, v32;
	v8 =	vadd.f32 v8, v27;
	v27 =	vadd.s32 $0x2E, v2  }
0x164: {  	v31 =	vand.u32 $0xFFFFFF80, v30;
	v32 =	vadd.s32 $0x2F, v3;
	v49 =	vor.u32 v16, v17  }
0x165: {  	v16 =	vadd.s32 v1, v50;
	v20 =	vadd.s32 v1, v62;
	v50 =	vand.u32 $0x7F, v47  }
0x166: {  	v25 =	vmul.f32 v9, v9;
	v34 =	vor.u32 v11, v10;
	v10 =	vadd.s32 v1, v35  }
0x167: {  	v11 =	vadd.s32 v1, v38;
	v35 =	vand.u32 $0x7F, v32;
	v38 =	vadd.s32 $0x30, v4  }
0x168: {  	v21 =	vor.u32 v63, v20;
	v10 =	vor.u32 v36, v10;
	v11 =	vor.u32 v12, v11  }
0x169: {  	v23 =	vld.idx.msk [tilespmem:v13+s19+$0x0], $0xffff;
	v36 =	vadd.s32 $0x2F, v2;
	v39 =	vand.u32 $0xFFFFFF80, v38;
	v5 =	vadd.f32 v25, v5  }
0x16a: {  	v12 =	vld.idx.msk [tilespmem:v55+s18+$0x0], $0xffff;
	v13 =	vand.u32 $0x7F, v38;
	v55 =	vand.u32 $0xFFFFFF80, v52;
	v37 =	vand.u32 $0xFFFFFF80, v36  }
0x16b: {  	v26 =	vld.idx.msk [tilespmem:v14+s17+$0x0], $0xffff;
	v14 =	vadd.s32 v1, v39;
	v39 =	vadd.s32 $0x34, v3;
	v5 =	vadd.f32 v6, v5  }
0x16c: {  	v6 =	vmul.f32 v29, v29;
	v29 =	vand.u32 $0xFFFFFF80, v27;
	v41 =	vor.u32 v13, v14  }
0x16d: {  	v13 =	vadd.s32 v1, v42;
	v14 =	vadd.s32 v1, v45;
	v42 =	vand.u32 $0x7F, v39  }
0x16e: {  	v45 =	vadd.s32 $0x35, v4;
	v9 =	vld.idx.msk [tilespmem:v34+s17+$0x0], $0xffff;
	v34 =	vand.u32 $0xFFFFFF80, v32;
	v13 =	vor.u32 v43, v13  }
0x16f: {  	v43 =	vadd.s32 $0x34, v2;
	v46 =	vand.u32 $0xFFFFFF80, v45;
	v5 =	vadd.f32 v6, v5  }
0x170: {  	v7 =	vld.idx.msk [tilespmem:v7+s19+$0x0], $0xffff;
	v6 =	vadd.f32 v57, v54;
	v25 =	vadd.f32 v12, v15;
	v12 =	vand.u32 $0x7F, v36  }
0x171: {  	v10 =	vld.idx.msk [tilespmem:v10+s18+$0x0], $0xffff;
	v15 =	vand.u32 $0x7F, v44;
	v54 =	vor.u32 v51, v16;
	v57 =	vand.u32 $0x7F, v52  }
0x172: {  	v16 =	vadd.s32 v1, v55;
	v44 =	vand.u32 $0xFFFFFF80, v43;
	v17 =	vadd.s32 v1, v46  }
0x173: {  	v11 =	vld.idx.msk [tilespmem:v11+s19+$0x0], $0xffff;
	v51 =	vadd.s32 $0x35, v2;
	v14 =	vor.u32 v15, v14;
	v6 =	vsub.f32 v6, v60  }
0x174: {  	v15 =	vld.idx.msk [tilespmem:v49+s17+$0x0], $0xffff;
	v49 =	vand.u32 $0xFFFFFF80, v47;
	v28 =	vsub.f32 v25, v23;
	v60 =	vand.u32 $0xFFFFFF80, v58  }
0x175: {  	v7 =	vsub.f32 v8, v7;
	v53 =	vld.idx.msk [tilespmem:v41+s17+$0x0], $0xffff;
	v41 =	vand.u32 $0xFFFFFF80, v39;
	v6 =	vmul.f32 v6, v6  }
0x176: {  	v56 =	vld.idx.msk [tilespmem:v13+s18+$0x0], $0xffff;
	v13 =	vor.u32 v57, v16;
	v16 =	vand.u32 $0x7F, v58;
	v9 =	vadd.f32 v10, v9  }
0x177: {  	v8 =	vld.idx.msk [tilespmem:v22+s18+$0x0], $0xffff;
	v57 =	vadd.s32 $0x36, v4;
	v7 =	vmul.f32 v7, v7;
	v10 =	vand.u32 $0x7F, v27  }
0x178: {  	v59 =	vld.idx.msk [tilespmem:v14+s19+$0x0], $0xffff;
	v14 =	vadd.s32 v1, v60;
	v60 =	vadd.s32 $0x36, v3;
	v9 =	vsub.f32 v9, v11  }
0x179: {  	v5 =	vadd.f32 v7, v5;
	v7 =	vadd.s32 v1, v29;
	v11 =	vand.u32 $0x7F, v30  }
0x17a: {  	v14 =	vor.u32 v16, v14;
	v29 =	vadd.s32 $0x33, v4;
	v16 =	vand.u32 $0x7F, v45  }
0x17b: {  	v61 =	vand.u32 $0xFFFFFF80, v60;
	v62 =	vand.u32 $0x7F, v60;
	v45 =	vadd.s32 $0x39, v3  }
0x17c: {  	v7 =	vor.u32 v10, v7;
	v10 =	vadd.s32 v1, v31;
	v8 =	vadd.f32 v8, v26  }
0x17d: {  	v26 =	vadd.s32 $0x32, v2;
	v30 =	vand.u32 $0xFFFFFF80, v29;
	v31 =	vadd.s32 $0x33, v3  }
0x17e: {  	v48 =	vor.u32 v16, v17;
	v16 =	vadd.s32 v1, v49;
	v63 =	vadd.s32 v1, v61  }
0x17f: {  	v47 =	vand.u32 $0xFFFFFF80, v45;
	v49 =	vadd.s32 $0x39, v2;
	v24 =	vmul.f32 v9, v9  }
0x180: {  	v33 =	vor.u32 v11, v10;
	v10 =	vadd.s32 v1, v34;
	v11 =	vadd.s32 v1, v37  }
0x181: {  	v34 =	vand.u32 $0x7F, v31;
	v37 =	vadd.s32 $0x34, v4;
	v19 =	vor.u32 v62, v63  }
0x182: {  	v18 =	vand.u32 $0x7F, v49;
	v10 =	vor.u32 v35, v10;
	v11 =	vor.u32 v12, v11  }
0x183: {  	v22 =	vld.idx.msk [tilespmem:v13+s19+$0x0], $0xffff;
	v35 =	vadd.s32 $0x33, v2;
	v38 =	vand.u32 $0xFFFFFF80, v37;
	v13 =	vand.u32 $0x7F, v37  }
0x184: {  	v12 =	vld.idx.msk [tilespmem:v54+s18+$0x0], $0xffff;
	v54 =	vand.u32 $0xFFFFFF80, v51;
	v37 =	vadd.s32 $0x38, v3;
	v5 =	vadd.f32 v24, v5  }
0x185: {  	v36 =	vand.u32 $0xFFFFFF80, v35;
	v39 =	vand.u32 $0xFFFFFF80, v37;
	v25 =	vld.idx.msk [tilespmem:v14+s17+$0x0], $0xffff;
	v14 =	vadd.s32 v1, v38  }
0x186: {  	v5 =	vadd.f32 v6, v5;
	v6 =	vmul.f32 v28, v28;
	v28 =	vand.u32 $0xFFFFFF80, v26  }
0x187: {  	v40 =	vor.u32 v13, v14;
	v13 =	vadd.s32 v1, v41;
	v14 =	vadd.s32 v1, v44  }
0x188: {  	v41 =	vadd.s32 $0x38, v2;
	v9 =	vld.idx.msk [tilespmem:v33+s17+$0x0], $0xffff;
	v33 =	vand.u32 $0xFFFFFF80, v31;
	v13 =	vor.u32 v42, v13  }
0x189: {  	v42 =	vand.u32 $0xFFFFFF80, v41;
	v5 =	vadd.f32 v6, v5;
	v6 =	vadd.f32 v56, v53  }
0x18a: {  	v24 =	vadd.f32 v12, v15;
	v12 =	vand.u32 $0x7F, v35;
	v15 =	vand.u32 $0x7F, v43  }
0x18b: {  	v7 =	vld.idx.msk [tilespmem:v7+s19+$0x0], $0xffff;
	v53 =	vor.u32 v50, v16;
	v56 =	vand.u32 $0x7F, v51;
	v16 =	vadd.s32 v1, v54  }
0x18c: {  	v35 =	vadd.s32 $0x38, v4;
	v43 =	vadd.s32 $0x39, v4;
	v50 =	vand.u32 $0xFFFFFF80, v49  }
0x18d: {  	v10 =	vld.idx.msk [tilespmem:v10+s18+$0x0], $0xffff;
	v54 =	vadd.s32 $0x3A, v2;
	v49 =	vadd.s32 $0x3E, v2;
	v14 =	vor.u32 v15, v14  }
0x18e: {  	v15 =	vld.idx.msk [tilespmem:v48+s17+$0x0], $0xffff;
	v44 =	vand.u32 $0xFFFFFF80, v43;
	v48 =	vand.u32 $0x7F, v45;
	v45 =	vadd.s32 $0x3E, v3  }
0x18f: {  	v6 =	vsub.f32 v6, v59;
	v27 =	vsub.f32 v24, v22;
	v59 =	vand.u32 $0xFFFFFF80, v57  }
0x190: {  	v11 =	vld.idx.msk [tilespmem:v11+s19+$0x0], $0xffff;
	v24 =	vadd.s32 $0x36, v2;
	v17 =	vadd.s32 v1, v44;
	v7 =	vsub.f32 v8, v7  }
0x191: {  	v52 =	vld.idx.msk [tilespmem:v40+s17+$0x0], $0xffff;
	v40 =	vand.u32 $0x7F, v37;
	v37 =	vadd.s32 $0x3D, v3;
	v6 =	vmul.f32 v6, v6  }
0x192: {  	v55 =	vld.idx.msk [tilespmem:v13+s18+$0x0], $0xffff;
	v13 =	vor.u32 v56, v16;
	v16 =	vand.u32 $0x7F, v57;
	v57 =	vand.u32 $0xFFFFFF80, v54  }
0x193: {  	v8 =	vld.idx.msk [tilespmem:v21+s18+$0x0], $0xffff;
	v7 =	vmul.f32 v7, v7;
	v9 =	vadd.f32 v10, v9;
	v10 =	vand.u32 $0x7F, v26  }
0x194: {  	v26 =	vand.u32 $0xFFFFFF80, v24;
	v58 =	vld.idx.msk [tilespmem:v14+s19+$0x0], $0xffff;
	v14 =	vadd.s32 v1, v59;
	v59 =	vand.u32 $0x7F, v54  }
0x195: {  	v9 =	vsub.f32 v9, v11;
	v5 =	vadd.f32 v7, v5;
	v7 =	vadd.s32 v1, v28  }
0x196: {  	v11 =	vand.u32 $0x7F, v29;
	v14 =	vor.u32 v16, v14;
	v29 =	vadd.s32 $0x37, v3  }
0x197: {  	v16 =	vand.u32 $0x7F, v43;
	v43 =	vadd.s32 $0x3E, v4;
	v7 =	vor.u32 v10, v7  }
0x198: {  	v10 =	vadd.s32 v1, v30;
	v8 =	vadd.f32 v8, v25;
	v31 =	vand.u32 $0xFFFFFF80, v29  }
0x199: {  	v46 =	vor.u32 v16, v17;
	v16 =	vadd.s32 v1, v47;
	v17 =	vadd.s32 v1, v50  }
0x19a: {  	v44 =	vand.u32 $0xFFFFFF80, v43;
	v47 =	vand.u32 $0xFFFFFF80, v45;
	v50 =	vand.u32 $0xFFFFFF80, v49  }
0x19b: {  	v23 =	vmul.f32 v9, v9;
	v32 =	vor.u32 v11, v10;
	v10 =	vadd.s32 v1, v33  }
0x19c: {  	v11 =	vadd.s32 v1, v36;
	v33 =	vadd.s32 $0x37, v2;
	v36 =	vand.u32 $0xFFFFFF80, v35  }
0x19d: {  	v20 =	vld.idx.msk [tilespmem:v13+s19+$0x0], $0xffff;
	v13 =	vand.u32 $0x7F, v35;
	v16 =	vor.u32 v48, v16;
	v17 =	vor.u32 v18, v17  }
0x19e: {  	v35 =	vadd.s32 $0x3D, v4;
	v48 =	vand.u32 $0x7F, v45;
	v5 =	vadd.f32 v23, v5  }
0x19f: {  	v10 =	vor.u32 v34, v10;
	v11 =	vor.u32 v12, v11;
	v12 =	vld.idx.msk [tilespmem:v53+s18+$0x0], $0xffff;
	v34 =	vand.u32 $0xFFFFFF80, v33  }
0x1a0: {  	v23 =	vld.idx.msk [tilespmem:v14+s17+$0x0], $0xffff;
	v14 =	vadd.s32 v1, v36;
	v36 =	vand.u32 $0xFFFFFF80, v35;
	v5 =	vadd.f32 v6, v5  }
0x1a1: {  	v6 =	vmul.f32 v27, v27;
	v27 =	vadd.s32 $0x37, v4;
	v38 =	vor.u32 v13, v14  }
0x1a2: {  	v7 =	vld.idx.msk [tilespmem:v7+s19+$0x0], $0xffff;
	v13 =	vadd.s32 v1, v39;
	v14 =	vadd.s32 v1, v42;
	v39 =	vand.u32 $0xFFFFFF80, v37  }
0x1a3: {  	v9 =	vld.idx.msk [tilespmem:v32+s17+$0x0], $0xffff;
	v28 =	vand.u32 $0xFFFFFF80, v27;
	v32 =	vand.u32 $0x7F, v29;
	v13 =	vor.u32 v40, v13  }
0x1a4: {  	v29 =	vadd.s32 $0x3C, v3;
	v40 =	vand.u32 $0x7F, v37;
	v5 =	vadd.f32 v6, v5  }
0x1a5: {  	v10 =	vld.idx.msk [tilespmem:v10+s18+$0x0], $0xffff;
	v6 =	vadd.f32 v55, v52;
	v22 =	vadd.f32 v12, v15;
	v12 =	vand.u32 $0x7F, v33  }
0x1a6: {  	v15 =	vand.u32 $0x7F, v41;
	v33 =	vadd.s32 $0x3C, v2;
	v41 =	vadd.s32 $0x3D, v2  }
0x1a7: {  	v11 =	vld.idx.msk [tilespmem:v11+s19+$0x0], $0xffff;
	v14 =	vor.u32 v15, v14;
	v42 =	vand.u32 $0xFFFFFF80, v41;
	v6 =	vsub.f32 v6, v58  }
0x1a8: {  	v25 =	vsub.f32 v22, v20;
	v7 =	vsub.f32 v8, v7;
	v8 =	vld.idx.msk [tilespmem:v19+s18+$0x0], $0xffff;
	v19 =	vadd.s32 $0x3A, v4  }
0x1a9: {  	v22 =	vadd.s32 $0x3B, v3;
	v6 =	vmul.f32 v6, v6;
	v20 =	vand.u32 $0xFFFFFF80, v19  }
0x1aa: {  	v19 =	vand.u32 $0x7F, v19;
	v7 =	vmul.f32 v7, v7;
	v9 =	vadd.f32 v10, v9  }
0x1ab: {  	v10 =	vand.u32 $0x7F, v24;
	v20 =	vadd.s32 v1, v20;
	v24 =	vand.u32 $0x7F, v22  }
0x1ac: {  	v51 =	vor.u32 v19, v20;
	v55 =	vld.idx.msk [tilespmem:v14+s19+$0x0], $0xffff;
	v20 =	vadd.s32 $0x3B, v4;
	v14 =	vand.u32 $0x7F, v33  }
0x1ad: {  	v9 =	vsub.f32 v9, v11;
	v5 =	vadd.f32 v7, v5;
	v7 =	vadd.s32 v1, v26  }
0x1ae: {  	v11 =	vand.u32 $0x7F, v27;
	v27 =	vadd.s32 $0x3C, v4;
	v4 =	vadd.s32 $0x3F, v4  }
0x1af: {  	v7 =	vor.u32 v10, v7;
	v10 =	vadd.s32 v1, v28;
	v8 =	vadd.f32 v8, v23  }
0x1b0: {  	v23 =	vand.u32 $0xFFFFFF80, v22;
	v28 =	vand.u32 $0xFFFFFF80, v27;
	v21 =	vmul.f32 v9, v9  }
0x1b1: {  	v60 =	vld.idx.msk [tilespmem:v16+s18+$0x0], $0xffff;
	v30 =	vor.u32 v11, v10;
	v10 =	vadd.s32 v1, v31;
	v11 =	vadd.s32 v1, v34  }
0x1b2: {  	v13 =	vld.idx.msk [tilespmem:v13+s18+$0x0], $0xffff;
	v31 =	vand.u32 $0xFFFFFF80, v29;
	v34 =	vand.u32 $0xFFFFFF80, v33;
	v10 =	vor.u32 v32, v10  }
0x1b3: {  	v11 =	vor.u32 v12, v11;
	v12 =	vld.idx.msk [tilespmem:v38+s17+$0x0], $0xffff;
	v5 =	vadd.f32 v21, v5;
	v21 =	vadd.s32 $0x3A, v3  }
0x1b4: {  	v32 =	vand.u32 $0x7F, v29;
	v63 =	vld.idx.msk [tilespmem:v51+s17+$0x0], $0xffff;
	v51 =	vand.u32 $0xFFFFFF80, v4;
	v52 =	vand.u32 $0xFFFFFF80, v21  }
0x1b5: {  	v4 =	vand.u32 $0x7F, v4;
	v53 =	vand.u32 $0x7F, v21;
	v7 =	vld.idx.msk [tilespmem:v7+s19+$0x0], $0xffff;
	v19 =	vadd.s32 v1, v52  }
0x1b6: {  	v3 =	vadd.s32 $0x3F, v3;
	v21 =	vand.u32 $0xFFFFFF80, v20;
	v9 =	vld.idx.msk [tilespmem:v30+s17+$0x0], $0xffff;
	v56 =	vor.u32 v53, v19  }
0x1b7: {  	v5 =	vadd.f32 v6, v5;
	v6 =	vmul.f32 v25, v25;
	v19 =	vadd.s32 v1, v57;
	v10 =	vld.idx.msk [tilespmem:v10+s18+$0x0], $0xffff  }
0x1b8: {  	v58 =	vld.idx.msk [tilespmem:v46+s17+$0x0], $0xffff;
	v25 =	vadd.s32 $0x3B, v2;
	v52 =	vand.u32 $0xFFFFFF80, v3;
	v15 =	vor.u32 v59, v19  }
0x1b9: {  	v3 =	vand.u32 $0x7F, v3;
	v26 =	vand.u32 $0xFFFFFF80, v25;
	v11 =	vld.idx.msk [tilespmem:v11+s19+$0x0], $0xffff;
	v5 =	vadd.f32 v6, v5  }
0x1ba: {  	v62 =	vld.idx.msk [tilespmem:v17+s19+$0x0], $0xffff;
	v61 =	vadd.f32 v13, v12;
	v12 =	vand.u32 $0x7F, v27;
	v13 =	vadd.s32 v1, v28  }
0x1bb: {  	v30 =	vor.u32 v12, v13;
	v12 =	vadd.s32 v1, v31;
	v7 =	vsub.f32 v8, v7;
	v17 =	vld.idx.msk [tilespmem:v56+s18+$0x0], $0xffff  }
0x1bc: {  	v13 =	vadd.s32 v1, v34;
	v8 =	vsub.f32 v61, v55;
	v9 =	vadd.f32 v10, v9  }
0x1bd: {  	v6 =	vadd.f32 v60, v58;
	v12 =	vor.u32 v32, v12;
	v13 =	vor.u32 v14, v13;
	v19 =	vld.idx.msk [tilespmem:v15+s19+$0x0], $0xffff  }
0x1be: {  	v7 =	vmul.f32 v7, v7;
	v18 =	vmul.f32 v8, v8;
	v9 =	vsub.f32 v9, v11  }
0x1bf: {  	v10 =	vadd.s32 v1, v21;
	v15 =	vand.u32 $0x7F, v35;
	v21 =	vadd.s32 v1, v51  }
0x1c0: {  	v4 =	vor.u32 v4, v21;
	v16 =	vmul.f32 v9, v9;
	v9 =	vadd.f32 v17, v63  }
0x1c1: {  	v5 =	vadd.f32 v7, v5;
	v7 =	vand.u32 $0x7F, v20;
	v11 =	vand.u32 $0x7F, v25  }
0x1c2: {  	v7 =	vor.u32 v7, v10;
	v8 =	vsub.f32 v9, v19;
	v9 =	vadd.s32 v1, v23  }
0x1c3: {  	v12 =	vld.idx.msk [tilespmem:v12+s18+$0x0], $0xffff;
	v20 =	vand.u32 $0x7F, v49;
	v10 =	vadd.s32 v1, v26;
	v9 =	vor.u32 v24, v9  }
0x1c4: {  	v13 =	vld.idx.msk [tilespmem:v13+s19+$0x0], $0xffff;
	v10 =	vor.u32 v11, v10;
	v5 =	vadd.f32 v16, v5;
	v16 =	vadd.s32 v1, v36  }
0x1c5: {  	v17 =	vand.u32 $0x7F, v41;
	v11 =	vld.idx.msk [tilespmem:v30+s17+$0x0], $0xffff;
	v38 =	vor.u32 v15, v16;
	v15 =	vadd.s32 v1, v39  }
0x1c6: {  	v19 =	vadd.s32 v1, v44;
	v4 =	vld.idx.msk [tilespmem:v4+s17+$0x0], $0xffff;
	v16 =	vadd.s32 v1, v42;
	v15 =	vor.u32 v40, v15  }
0x1c7: {  	v5 =	vadd.f32 v18, v5;
	v7 =	vld.idx.msk [tilespmem:v7+s17+$0x0], $0xffff;
	v18 =	vand.u32 $0x7F, v43;
	v16 =	vor.u32 v17, v16  }
0x1c8: {  	v46 =	vor.u32 v18, v19;
	v18 =	vadd.s32 v1, v47;
	v19 =	vadd.s32 v1, v50;
	v9 =	vld.idx.msk [tilespmem:v9+s18+$0x0], $0xffff  }
0x1c9: {  	v10 =	vld.idx.msk [tilespmem:v10+s19+$0x0], $0xffff;
	v18 =	vor.u32 v48, v18;
	v19 =	vor.u32 v20, v19;
	v20 =	vadd.s32 v1, v52  }
0x1ca: {  	v2 =	vadd.s32 $0x3F, v2;
	v3 =	vor.u32 v3, v20;
	v14 =	vld.idx.msk [tilespmem:v38+s17+$0x0], $0xffff  }
0x1cb: {  	v53 =	vand.u32 $0xFFFFFF80, v2;
	v6 =	vsub.f32 v6, v62;
	v15 =	vld.idx.msk [tilespmem:v15+s18+$0x0], $0xffff  }
0x1cc: {  	v2 =	vand.u32 $0x7F, v2;
	v1 =	vadd.s32 v1, v53;
	v16 =	vld.idx.msk [tilespmem:v16+s19+$0x0], $0xffff  }
0x1cd: {  	v6 =	vmul.f32 v6, v6;
	v1 =	vor.u32 v2, v1;
	v54 =	vld.idx.msk [tilespmem:v46+s17+$0x0], $0xffff;
	v7 =	vadd.f32 v9, v7  }
0x1ce: {  	v56 =	vadd.f32 v12, v11;
	v2 =	vld.idx.msk [tilespmem:v18+s18+$0x0], $0xffff  }
0x1cf: {  	v8 =	vmul.f32 v8, v8;
	v5 =	vadd.f32 v6, v5;
	v3 =	vld.idx.msk [tilespmem:v3+s18+$0x0], $0xffff;
	v55 =	vsub.f32 v7, v10  }
0x1d0: {  	v57 =	vld.idx.msk [tilespmem:v19+s19+$0x0], $0xffff;
	v58 =	vadd.f32 v15, v14  }
0x1d1: {  	v5 =	vadd.f32 v8, v5;
	v7 =	vsub.f32 v56, v13;
	v6 =	vmul.f32 v55, v55  }
0x1d2: {  	v1 =	vld.idx.msk [tilespmem:v1+s19+$0x0], $0xffff;
	v60 =	vsub.f32 v58, v16  }
0x1d3: {  	v2 =	vadd.f32 v2, v54;
	v59 =	vmul.f32 v7, v7;
	v5 =	vadd.f32 v6, v5  }
0x1d4: {  	v3 =	vadd.f32 v3, v4  }
0x1d5: {  	v61 =	vmul.f32 v60, v60;
	v2 =	vsub.f32 v2, v57;
	v5 =	vadd.f32 v59, v5;
	_ =	sdelay $0x1  }
0x1d6: {  	v1 =	vsub.f32 v3, v1;
	v2 =	vmul.f32 v2, v2;
	v62 =	vadd.f32 v61, v5;
	_ =	sdelay $0x1  }
0x1d7: {  	v1 =	vmul.f32 v1, v1;
	v2 =	vadd.f32 v2, v62;
	_ =	sdelay $0x1  }
0x1d8: {  	v1 =	vadd.f32 v1, v2;
	_ =	sdelay $0x1  }
0x1d9: {  	v2 =	vshra.s32 v1, $0x1;
	v3 =	vmul.f32 $5.000000000e-01, v1  }
0x1da: {  	v2 =	vsub.s32 $0x5F3759DF, v2  }
0x1db: {  	v63 =	vmul.f32 v2, v3;
	_ =	sdelay $0x1  }
0x1dc: {  	v4 =	vmul.f32 v2, v63;
	_ =	sdelay $0x1  }
0x1dd: {  	v4 =	vsub.f32 $1.500000000e+00, v4;
	_ =	sdelay $0x1  }
0x1de: {  	v2 =	vmul.f32 v2, v4;
	_ =	sdelay $0x1  }
0x1df: {  	v4 =	vmul.f32 v2, v3;
	_ =	sdelay $0x1  }
0x1e0: {  	v4 =	vmul.f32 v4, v2;
	_ =	sdelay $0x1  }
0x1e1: {  	v4 =	vsub.f32 $1.500000000e+00, v4;
	_ =	sdelay $0x1  }
0x1e2: {  	v2 =	vmul.f32 v4, v2;
	_ =	sdelay $0x1  }
0x1e3: {  	v3 =	vmul.f32 v2, v3;
	_ =	sdelay $0x1  }
0x1e4: {  	v3 =	vmul.f32 v3, v2;
	_ =	sdelay $0x1  }
0x1e5: {  	v3 =	vsub.f32 $1.500000000e+00, v3;
	_ =	sdelay $0x1  }
0x1e6: {  	v2 =	vmul.f32 v3, v2  }
0x1e7: {  	p0 =	sne.s32 s30, $0x70  }
.Ltmp0:
0x1e8: {  	v1 =	vmul.f32 v2, v1;
	(pc) =	sbr.rel @p0 .LBB2_2-.Ltmp0, $4  }
0x1e9: {  	_ = 	snop  }
0x1ea: {  	v1 =	vsub.f32 $0.0e+00, v1  }
0x1eb: {  	s25 =	sadd.s32 $0x10, s25;
	s26 =	sadd.s32 $0x10, s26  }
0x1ec: {  	s28 =	sadd.s32 $0x10, s28;
	s30 =	sadd.s32 $0x10, s30;
	[tilespmem:s29+$0x0] =	vst v1;
	s29 =	sadd.s32 $0x10, s29  }
0x1ed: {  	[tilespmem:s17], [sflag:$0x1] =	stream.indirect.gather [hbm4b:s1+s16], $0x80, s16, s16, $0xb8;
	[tilespmem:$0xC700] =	vst v63  }
0x1ee: {  	_ = 	snop  }
0x1ef: {  	[tilespmem:s18], [sflag:$0x1] =	stream.indirect.gather [hbm4b:s2+s16], $0x80, s21, s16, $0xb8;
	[tilespmem:$0xC700] =	vst v63  }
0x1f0: {  	_ = 	snop  }
0x1f1: {  	[tilespmem:s19], [sflag:$0x1] =	stream.indirect.gather [hbm4b:s1+s16], $0x80, s22, s16, $0xb8;
	[tilespmem:$0xC700] =	vst v63  }
0x1f2: {  	_ =	swait.ge [sflag:s20], $0x4000  }
0x1f3: {  	[sflag:s20] =	ssyncset.done $0x0  }
0x1f4: {  	[sflag:s20] =	ssyncadd.s32 $0xFFFFC000  }
0x1f5: {  	_ =	swait.ge [sflag:s20], $0x4000  }
0x1f6: {  	[sflag:s20] =	ssyncset.done $0x0  }
0x1f7: {  	[sflag:s20] =	ssyncadd.s32 $0xFFFFC000  }
0x1f8: {  	s25 =	simm.s32 $0x0;
	_ =	swait.ge [sflag:s20], $0x4000  }
0x1f9: {  	s26 =	simm.s32 $0x380;
	s28 =	simm.s32 $0x480;
	[sflag:s20] =	ssyncset.done $0x0  }
0x1fa: {  	s29 =	simm.s32 $0x580;
	s30 =	simm.s32 $0xC680;
	[sflag:s20] =	ssyncadd.s32 $0xFFFFC000  }
.LBB2_4:
0x1fb: {  	v4 =	vld [tilespmem:s26+$0x0]  }
0x1fc: {  	v3 =	vld [tilespmem:s28+$0x0]  }
0x1fd: {  	v2 =	vld [tilespmem:s29+$0x0];
	_ =	sdelay $0x1  }
0x1fe: {  	v1 =	vmov s25  }
0x1ff: {  	v1 =	vshll.u32 v1, $0x7  }
0x200: {  	v1 =	vor.u32 v0, v1;
	v5 =	vand.u32 $0xFFFFFF80, v4;
	v6 =	vand.u32 $0x7F, v4  }
0x201: {  	v7 =	vand.u32 $0xFFFFFF80, v3;
	v21 =	vand.u32 $0x7F, v3;
	v22 =	vand.u32 $0xFFFFFF80, v2  }
0x202: {  	v8 =	vadd.s32 $0x1, v4;
	v9 =	vand.u32 $0x7F, v2;
	v11 =	vadd.s32 $0x1, v3  }
0x203: {  	v25 =	vadd.s32 $0x1, v2;
	v27 =	vadd.s32 $0x2, v4;
	v13 =	vadd.s32 $0x2, v3  }
0x204: {  	v33 =	vadd.s32 $0x2, v2;
	v35 =	vadd.s32 $0x3, v4;
	v37 =	vadd.s32 $0x3, v3  }
0x205: {  	v41 =	vadd.s32 $0x3, v2;
	v43 =	vadd.s32 $0x4, v4;
	v15 =	vadd.s32 $0x4, v3  }
0x206: {  	v48 =	vadd.s32 $0x4, v2;
	v16 =	vadd.s32 $0x5, v4;
	v18 =	vadd.s32 $0x5, v3  }
0x207: {  	v53 =	vadd.s32 $0x5, v2;
	v59 =	vadd.s32 $0x6, v4;
	v62 =	vadd.s32 $0x6, v3  }
0x208: {  	v5 =	vadd.s32 v1, v5;
	v7 =	vadd.s32 v1, v7;
	v10 =	vand.u32 $0xFFFFFF80, v8  }
0x209: {  	v8 =	vand.u32 $0x7F, v8;
	v23 =	vand.u32 $0xFFFFFF80, v11;
	v24 =	vand.u32 $0x7F, v11  }
0x20a: {  	v26 =	vand.u32 $0xFFFFFF80, v25;
	v11 =	vand.u32 $0x7F, v25;
	v12 =	vand.u32 $0xFFFFFF80, v27  }
0x20b: {  	v14 =	vand.u32 $0xFFFFFF80, v13;
	v28 =	vand.u32 $0x7F, v13;
	v34 =	vand.u32 $0xFFFFFF80, v33  }
0x20c: {  	v36 =	vand.u32 $0xFFFFFF80, v35;
	v39 =	vand.u32 $0xFFFFFF80, v37;
	v40 =	vand.u32 $0x7F, v37  }
0x20d: {  	v42 =	vand.u32 $0xFFFFFF80, v41;
	v44 =	vand.u32 $0xFFFFFF80, v43;
	v13 =	vand.u32 $0x7F, v43  }
0x20e: {  	v46 =	vand.u32 $0xFFFFFF80, v15;
	v47 =	vand.u32 $0x7F, v15;
	v49 =	vand.u32 $0xFFFFFF80, v48  }
0x20f: {  	v15 =	vand.u32 $0x7F, v48;
	v17 =	vand.u32 $0xFFFFFF80, v16;
	v16 =	vand.u32 $0x7F, v16  }
0x210: {  	v51 =	vand.u32 $0xFFFFFF80, v18;
	v52 =	vand.u32 $0x7F, v18;
	v56 =	vand.u32 $0xFFFFFF80, v53  }
0x211: {  	v58 =	vand.u32 $0x7F, v53;
	v61 =	vand.u32 $0xFFFFFF80, v59;
	v63 =	vand.u32 $0xFFFFFF80, v62  }
0x212: {  	v37 =	vadd.s32 $0x7, v2;
	v53 =	vadd.s32 $0x9, v2;
	v5 =	vor.u32 v6, v5  }
0x213: {  	v6 =	vor.u32 v21, v7;
	v7 =	vadd.s32 v1, v22;
	v10 =	vadd.s32 v1, v10  }
0x214: {  	v12 =	vadd.s32 v1, v12;
	v29 =	vadd.s32 v1, v14;
	v14 =	vadd.s32 v1, v44  }
0x215: {  	v17 =	vadd.s32 v1, v17;
	v21 =	vand.u32 $0x7F, v62;
	v22 =	vadd.s32 v1, v63  }
0x216: {  	v62 =	vadd.s32 $0xA, v3;
	v7 =	vor.u32 v9, v7;
	v8 =	vor.u32 v8, v10  }
0x217: {  	v9 =	vadd.s32 v1, v23;
	v10 =	vadd.s32 v1, v26;
	v45 =	vor.u32 v13, v14  }
0x218: {  	v13 =	vadd.s32 v1, v46;
	v14 =	vadd.s32 v1, v49;
	v50 =	vor.u32 v16, v17  }
0x219: {  	v16 =	vadd.s32 v1, v51;
	v23 =	vor.u32 v21, v22;
	v49 =	vadd.s32 $0x9, v3  }
0x21a: {  	v63 =	vand.u32 $0xFFFFFF80, v62;
	v21 =	vand.u32 $0x7F, v62;
	v62 =	vadd.s32 $0xE, v3  }
0x21b: {  	v9 =	vor.u32 v24, v9;
	v10 =	vor.u32 v11, v10;
	v11 =	vand.u32 $0x7F, v27;
	v5 =	vld.idx.msk [tilespmem:v5+s17+$0x0], $0xffff  }
0x21c: {  	v13 =	vor.u32 v47, v13;
	v14 =	vor.u32 v15, v14;
	v55 =	vor.u32 v52, v16;
	v6 =	vld.idx.msk [tilespmem:v6+s18+$0x0], $0xffff  }
0x21d: {  	v16 =	vadd.s32 v1, v56;
	v47 =	vadd.s32 $0x9, v4;
	v51 =	vand.u32 $0xFFFFFF80, v49;
	v7 =	vld.idx.msk [tilespmem:v7+s19+$0x0], $0xffff  }
0x21e: {  	v52 =	vand.u32 $0x7F, v49;
	v56 =	vand.u32 $0xFFFFFF80, v53;
	v11 =	vor.u32 v11, v12;
	v8 =	vld.idx.msk [tilespmem:v8+s17+$0x0], $0xffff  }
0x21f: {  	v22 =	vadd.s32 v1, v63;
	v49 =	vadd.s32 $0xD, v3;
	v12 =	vor.u32 v28, v29;
	v54 =	vld.idx.msk [tilespmem:v45+s17+$0x0], $0xffff  }
0x220: {  	v63 =	vand.u32 $0xFFFFFF80, v62;
	v28 =	vadd.s32 $0x6, v2;
	v48 =	vand.u32 $0xFFFFFF80, v47;
	v9 =	vld.idx.msk [tilespmem:v9+s18+$0x0], $0xffff  }
0x221: {  	v17 =	vadd.s32 v1, v48;
	v45 =	vadd.s32 $0x8, v2;
	v57 =	vld.idx.msk [tilespmem:v13+s18+$0x0], $0xffff;
	v13 =	vor.u32 v58, v16  }
0x222: {  	v60 =	vld.idx.msk [tilespmem:v14+s19+$0x0], $0xffff;
	v16 =	vand.u32 $0x7F, v59;
	v14 =	vadd.s32 v1, v61;
	v46 =	vand.u32 $0xFFFFFF80, v45  }
0x223: {  	v58 =	vand.u32 $0x7F, v53;
	v59 =	vadd.s32 $0xA, v4;
	v53 =	vadd.s32 $0xD, v2;
	v31 =	vld.idx.msk [tilespmem:v11+s17+$0x0], $0xffff  }
0x224: {  	v32 =	vld.idx.msk [tilespmem:v12+s18+$0x0], $0xffff;
	v11 =	vand.u32 $0x7F, v35;
	v12 =	vand.u32 $0x7F, v41;
	v14 =	vor.u32 v16, v14  }
0x225: {  	v41 =	vadd.s32 $0x8, v3;
	v16 =	vand.u32 $0x7F, v47;
	v61 =	vand.u32 $0xFFFFFF80, v59  }
0x226: {  	v15 =	vld.idx.msk [tilespmem:v50+s17+$0x0], $0xffff;
	v47 =	vadd.s32 $0xD, v4;
	v43 =	vand.u32 $0xFFFFFF80, v41;
	v44 =	vand.u32 $0x7F, v41  }
0x227: {  	v10 =	vld.idx.msk [tilespmem:v10+s19+$0x0], $0xffff;
	v50 =	vor.u32 v16, v17;
	v16 =	vadd.s32 v1, v51;
	v5 =	vadd.f32 v6, v5  }
0x228: {  	v41 =	vadd.s32 $0xC, v3;
	v48 =	vand.u32 $0xFFFFFF80, v47;
	v51 =	vand.u32 $0xFFFFFF80, v49  }
0x229: {  	v17 =	vadd.s32 v1, v48;
	v5 =	vsub.f32 v5, v7;
	v30 =	vadd.f32 v9, v8  }
0x22a: {  	v9 =	vand.u32 $0x7F, v33;
	v33 =	vadd.s32 $0x7, v3;
	v7 =	vadd.f32 v32, v31  }
0x22b: {  	v31 =	vadd.s32 $0x7, v4;
	v35 =	vand.u32 $0xFFFFFF80, v33;
	v5 =	vmul.f32 v5, v5  }
0x22c: {  	v6 =	vsub.f32 v30, v10;
	v10 =	vadd.s32 v1, v34;
	v30 =	vand.u32 $0xFFFFFF80, v28  }
0x22d: {  	v32 =	vand.u32 $0xFFFFFF80, v31;
	v9 =	vor.u32 v9, v10;
	v10 =	vadd.s32 v1, v36  }
0x22e: {  	v36 =	vand.u32 $0x7F, v33;
	v33 =	vadd.s32 $0xB, v3;
	v6 =	vmul.f32 v6, v6  }
0x22f: {  	v38 =	vor.u32 v11, v10;
	v10 =	vadd.s32 v1, v39;
	v11 =	vadd.s32 v1, v42  }
0x230: {  	v24 =	vld.idx.msk [tilespmem:v13+s19+$0x0], $0xffff;
	v39 =	vadd.s32 $0x8, v4;
	v10 =	vor.u32 v40, v10;
	v11 =	vor.u32 v12, v11  }
0x231: {  	v12 =	vld.idx.msk [tilespmem:v55+s18+$0x0], $0xffff;
	v40 =	vand.u32 $0xFFFFFF80, v39;
	v13 =	vand.u32 $0x7F, v39;
	v55 =	vor.u32 v52, v16  }
0x232: {  	v16 =	vadd.s32 v1, v56;
	v39 =	vadd.s32 $0xC, v4;
	v52 =	vand.u32 $0x7F, v49  }
0x233: {  	v56 =	vand.u32 $0xFFFFFF80, v53;
	v49 =	vadd.s32 $0x11, v3;
	v5 =	vadd.f32 v6, v5  }
0x234: {  	v27 =	vld.idx.msk [tilespmem:v14+s17+$0x0], $0xffff;
	v6 =	vadd.f32 v57, v54;
	v14 =	vadd.s32 v1, v40;
	v40 =	vand.u32 $0xFFFFFF80, v39  }
0x235: {  	v42 =	vor.u32 v13, v14;
	v13 =	vadd.s32 v1, v43;
	v14 =	vadd.s32 v1, v46  }
0x236: {  	v43 =	vand.u32 $0xFFFFFF80, v41;
	v9 =	vld.idx.msk [tilespmem:v9+s19+$0x0], $0xffff;
	v6 =	vsub.f32 v6, v60;
	v13 =	vor.u32 v44, v13  }
0x237: {  	v44 =	vand.u32 $0x7F, v41;
	v41 =	vadd.s32 $0x10, v3;
	v8 =	vld.idx.msk [tilespmem:v38+s17+$0x0], $0xffff;
	v38 =	vand.u32 $0xFFFFFF80, v37  }
0x238: {  	v6 =	vmul.f32 v6, v6;
	v26 =	vadd.f32 v12, v15;
	v12 =	vand.u32 $0x7F, v37  }
0x239: {  	v10 =	vld.idx.msk [tilespmem:v10+s18+$0x0], $0xffff;
	v15 =	vand.u32 $0x7F, v45;
	v37 =	vadd.s32 $0xB, v2;
	v45 =	vadd.s32 $0xC, v2  }
0x23a: {  	v11 =	vld.idx.msk [tilespmem:v11+s19+$0x0], $0xffff;
	v14 =	vor.u32 v15, v14;
	v46 =	vand.u32 $0xFFFFFF80, v45;
	v29 =	vsub.f32 v26, v24  }
0x23b: {  	v7 =	vsub.f32 v7, v9;
	v57 =	vld.idx.msk [tilespmem:v13+s18+$0x0], $0xffff;
	v13 =	vor.u32 v58, v16;
	v16 =	vand.u32 $0x7F, v59  }
0x23c: {  	v9 =	vld.idx.msk [tilespmem:v23+s18+$0x0], $0xffff;
	v23 =	vor.u32 v21, v22;
	v58 =	vand.u32 $0x7F, v53;
	v59 =	vadd.s32 $0xE, v4  }
0x23d: {  	v21 =	vand.u32 $0x7F, v62;
	v22 =	vadd.s32 v1, v63;
	v62 =	vadd.s32 $0x12, v3  }
0x23e: {  	v53 =	vadd.s32 $0x11, v2;
	v63 =	vand.u32 $0xFFFFFF80, v62;
	v8 =	vadd.f32 v10, v8  }
0x23f: {  	v7 =	vmul.f32 v7, v7;
	v10 =	vand.u32 $0x7F, v28;
	v28 =	vadd.s32 $0xA, v2  }
0x240: {  	v60 =	vld.idx.msk [tilespmem:v14+s19+$0x0], $0xffff;
	v14 =	vadd.s32 v1, v61;
	v61 =	vand.u32 $0xFFFFFF80, v59;
	v8 =	vsub.f32 v8, v11  }
0x241: {  	v5 =	vadd.f32 v7, v5;
	v7 =	vadd.s32 v1, v30;
	v11 =	vand.u32 $0x7F, v31  }
0x242: {  	v14 =	vor.u32 v16, v14;
	v30 =	vand.u32 $0xFFFFFF80, v28;
	v31 =	vadd.s32 $0xB, v4  }
0x243: {  	v16 =	vand.u32 $0x7F, v47;
	v47 =	vadd.s32 $0x11, v4;
	v7 =	vor.u32 v10, v7  }
0x244: {  	v10 =	vadd.s32 v1, v32;
	v24 =	vld.idx.msk [tilespmem:v13+s19+$0x0], $0xffff;
	v32 =	vand.u32 $0xFFFFFF80, v31;
	v13 =	vand.u32 $0x7F, v39  }
0x245: {  	v15 =	vld.idx.msk [tilespmem:v50+s17+$0x0], $0xffff;
	v50 =	vor.u32 v16, v17;
	v16 =	vadd.s32 v1, v51;
	v39 =	vadd.s32 $0x10, v4  }
0x246: {  	v48 =	vand.u32 $0xFFFFFF80, v47;
	v51 =	vand.u32 $0xFFFFFF80, v49;
	v25 =	vmul.f32 v8, v8  }
0x247: {  	v8 =	vadd.f32 v9, v27;
	v34 =	vor.u32 v11, v10;
	v10 =	vadd.s32 v1, v35  }
0x248: {  	v11 =	vadd.s32 v1, v38;
	v35 =	vand.u32 $0xFFFFFF80, v33;
	v38 =	vand.u32 $0xFFFFFF80, v37  }
0x249: {  	v17 =	vadd.s32 v1, v48;
	v10 =	vor.u32 v36, v10;
	v11 =	vor.u32 v12, v11  }
0x24a: {  	v12 =	vld.idx.msk [tilespmem:v55+s18+$0x0], $0xffff;
	v36 =	vand.u32 $0x7F, v33;
	v55 =	vor.u32 v52, v16;
	v16 =	vadd.s32 v1, v56  }
0x24b: {  	v54 =	vld.idx.msk [tilespmem:v42+s17+$0x0], $0xffff;
	v33 =	vadd.s32 $0xF, v3;
	v52 =	vand.u32 $0x7F, v49;
	v5 =	vadd.f32 v25, v5  }
0x24c: {  	v56 =	vand.u32 $0xFFFFFF80, v53;
	v49 =	vadd.s32 $0x15, v3;
	v27 =	vld.idx.msk [tilespmem:v14+s17+$0x0], $0xffff;
	v14 =	vadd.s32 v1, v40  }
0x24d: {  	v40 =	vand.u32 $0xFFFFFF80, v39;
	v5 =	vadd.f32 v6, v5;
	v6 =	vmul.f32 v29, v29  }
0x24e: {  	v42 =	vor.u32 v13, v14;
	v13 =	vadd.s32 v1, v43;
	v14 =	vadd.s32 v1, v46  }
0x24f: {  	v7 =	vld.idx.msk [tilespmem:v7+s19+$0x0], $0xffff;
	v43 =	vand.u32 $0xFFFFFF80, v41;
	v13 =	vor.u32 v44, v13;
	v44 =	vand.u32 $0x7F, v41  }
0x250: {  	v41 =	vadd.s32 $0x14, v3;
	v5 =	vadd.f32 v6, v5;
	v6 =	vadd.f32 v57, v54  }
0x251: {  	v26 =	vadd.f32 v12, v15;
	v12 =	vand.u32 $0x7F, v37;
	v15 =	vand.u32 $0x7F, v45  }
0x252: {  	v9 =	vld.idx.msk [tilespmem:v34+s17+$0x0], $0xffff;
	v37 =	vadd.s32 $0xF, v2;
	v45 =	vadd.s32 $0x10, v2;
	v14 =	vor.u32 v15, v14  }
0x253: {  	v10 =	vld.idx.msk [tilespmem:v10+s18+$0x0], $0xffff;
	v46 =	vand.u32 $0xFFFFFF80, v45;
	v6 =	vsub.f32 v6, v60;
	v29 =	vsub.f32 v26, v24  }
0x254: {  	v7 =	vsub.f32 v8, v7;
	v8 =	vld.idx.msk [tilespmem:v23+s18+$0x0], $0xffff;
	v23 =	vor.u32 v21, v22;
	v21 =	vand.u32 $0x7F, v62  }
0x255: {  	v11 =	vld.idx.msk [tilespmem:v11+s19+$0x0], $0xffff;
	v22 =	vadd.s32 v1, v63;
	v62 =	vadd.s32 $0x16, v3;
	v6 =	vmul.f32 v6, v6  }
0x256: {  	v57 =	vld.idx.msk [tilespmem:v13+s18+$0x0], $0xffff;
	v13 =	vor.u32 v58, v16;
	v16 =	vand.u32 $0x7F, v59;
	v58 =	vand.u32 $0x7F, v53  }
0x257: {  	v59 =	vadd.s32 $0x12, v4;
	v53 =	vadd.s32 $0x15, v2;
	v63 =	vand.u32 $0xFFFFFF80, v62  }
0x258: {  	v7 =	vmul.f32 v7, v7;
	v9 =	vadd.f32 v10, v9;
	v10 =	vand.u32 $0x7F, v28  }
0x259: {  	v28 =	vadd.s32 $0xE, v2;
	v60 =	vld.idx.msk [tilespmem:v14+s19+$0x0], $0xffff;
	v14 =	vadd.s32 v1, v61;
	v61 =	vand.u32 $0xFFFFFF80, v59  }
0x25a: {  	v9 =	vsub.f32 v9, v11;
	v5 =	vadd.f32 v7, v5;
	v7 =	vadd.s32 v1, v30  }
0x25b: {  	v11 =	vand.u32 $0x7F, v31;
	v14 =	vor.u32 v16, v14;
	v30 =	vand.u32 $0xFFFFFF80, v28  }
0x25c: {  	v31 =	vadd.s32 $0xF, v4;
	v16 =	vand.u32 $0x7F, v47;
	v47 =	vadd.s32 $0x15, v4  }
0x25d: {  	v7 =	vor.u32 v10, v7;
	v10 =	vadd.s32 v1, v32;
	v8 =	vadd.f32 v8, v27  }
0x25e: {  	v15 =	vld.idx.msk [tilespmem:v50+s17+$0x0], $0xffff;
	v32 =	vand.u32 $0xFFFFFF80, v31;
	v50 =	vor.u32 v16, v17;
	v16 =	vadd.s32 v1, v51  }
0x25f: {  	v48 =	vand.u32 $0xFFFFFF80, v47;
	v51 =	vand.u32 $0xFFFFFF80, v49;
	v25 =	vmul.f32 v9, v9  }
0x260: {  	v34 =	vor.u32 v11, v10;
	v10 =	vadd.s32 v1, v35;
	v11 =	vadd.s32 v1, v38  }
0x261: {  	v24 =	vld.idx.msk [tilespmem:v13+s19+$0x0], $0xffff;
	v35 =	vand.u32 $0xFFFFFF80, v33;
	v38 =	vand.u32 $0xFFFFFF80, v37;
	v13 =	vand.u32 $0x7F, v39  }
0x262: {  	v39 =	vadd.s32 $0x14, v4;
	v17 =	vadd.s32 v1, v48;
	v10 =	vor.u32 v36, v10  }
0x263: {  	v11 =	vor.u32 v12, v11;
	v12 =	vld.idx.msk [tilespmem:v55+s18+$0x0], $0xffff;
	v36 =	vand.u32 $0x7F, v33;
	v55 =	vor.u32 v52, v16  }
0x264: {  	v16 =	vadd.s32 v1, v56;
	v33 =	vadd.s32 $0x13, v3;
	v5 =	vadd.f32 v25, v5  }
0x265: {  	v54 =	vld.idx.msk [tilespmem:v42+s17+$0x0], $0xffff;
	v52 =	vand.u32 $0x7F, v49;
	v56 =	vand.u32 $0xFFFFFF80, v53;
	v49 =	vadd.s32 $0x19, v3  }
0x266: {  	v27 =	vld.idx.msk [tilespmem:v14+s17+$0x0], $0xffff;
	v14 =	vadd.s32 v1, v40;
	v40 =	vand.u32 $0xFFFFFF80, v39;
	v5 =	vadd.f32 v6, v5  }
0x267: {  	v6 =	vmul.f32 v29, v29;
	v42 =	vor.u32 v13, v14;
	v13 =	vadd.s32 v1, v43  }
0x268: {  	v7 =	vld.idx.msk [tilespmem:v7+s19+$0x0], $0xffff;
	v14 =	vadd.s32 v1, v46;
	v43 =	vand.u32 $0xFFFFFF80, v41;
	v13 =	vor.u32 v44, v13  }
0x269: {  	v44 =	vand.u32 $0x7F, v41;
	v41 =	vadd.s32 $0x18, v3;
	v5 =	vadd.f32 v6, v5  }
0x26a: {  	v6 =	vadd.f32 v57, v54;
	v26 =	vadd.f32 v12, v15;
	v12 =	vand.u32 $0x7F, v37  }
0x26b: {  	v9 =	vld.idx.msk [tilespmem:v34+s17+$0x0], $0xffff;
	v15 =	vand.u32 $0x7F, v45;
	v37 =	vadd.s32 $0x13, v2;
	v45 =	vadd.s32 $0x14, v2  }
0x26c: {  	v10 =	vld.idx.msk [tilespmem:v10+s18+$0x0], $0xffff;
	v14 =	vor.u32 v15, v14;
	v46 =	vand.u32 $0xFFFFFF80, v45;
	v6 =	vsub.f32 v6, v60  }
0x26d: {  	v29 =	vsub.f32 v26, v24;
	v7 =	vsub.f32 v8, v7;
	v8 =	vld.idx.msk [tilespmem:v23+s18+$0x0], $0xffff;
	v23 =	vor.u32 v21, v22  }
0x26e: {  	v11 =	vld.idx.msk [tilespmem:v11+s19+$0x0], $0xffff;
	v21 =	vand.u32 $0x7F, v62;
	v22 =	vadd.s32 v1, v63;
	v62 =	vadd.s32 $0x1A, v3  }
0x26f: {  	v6 =	vmul.f32 v6, v6;
	v57 =	vld.idx.msk [tilespmem:v13+s18+$0x0], $0xffff;
	v13 =	vor.u32 v58, v16;
	v16 =	vand.u32 $0x7F, v59  }
0x270: {  	v58 =	vand.u32 $0x7F, v53;
	v59 =	vadd.s32 $0x16, v4;
	v53 =	vadd.s32 $0x19, v2  }
0x271: {  	v63 =	vand.u32 $0xFFFFFF80, v62;
	v7 =	vmul.f32 v7, v7;
	v9 =	vadd.f32 v10, v9  }
0x272: {  	v10 =	vand.u32 $0x7F, v28;
	v28 =	vadd.s32 $0x12, v2;
	v60 =	vld.idx.msk [tilespmem:v14+s19+$0x0], $0xffff;
	v14 =	vadd.s32 v1, v61  }
0x273: {  	v61 =	vand.u32 $0xFFFFFF80, v59;
	v9 =	vsub.f32 v9, v11;
	v5 =	vadd.f32 v7, v5  }
0x274: {  	v7 =	vadd.s32 v1, v30;
	v11 =	vand.u32 $0x7F, v31;
	v14 =	vor.u32 v16, v14  }
0x275: {  	v30 =	vand.u32 $0xFFFFFF80, v28;
	v31 =	vadd.s32 $0x13, v4;
	v16 =	vand.u32 $0x7F, v47  }
0x276: {  	v47 =	vadd.s32 $0x19, v4;
	v7 =	vor.u32 v10, v7;
	v10 =	vadd.s32 v1, v32  }
0x277: {  	v15 =	vld.idx.msk [tilespmem:v50+s17+$0x0], $0xffff;
	v8 =	vadd.f32 v8, v27;
	v32 =	vand.u32 $0xFFFFFF80, v31;
	v50 =	vor.u32 v16, v17  }
0x278: {  	v16 =	vadd.s32 v1, v51;
	v48 =	vand.u32 $0xFFFFFF80, v47;
	v51 =	vand.u32 $0xFFFFFF80, v49  }
0x279: {  	v25 =	vmul.f32 v9, v9;
	v34 =	vor.u32 v11, v10;
	v10 =	vadd.s32 v1, v35  }
0x27a: {  	v11 =	vadd.s32 v1, v38;
	v35 =	vand.u32 $0xFFFFFF80, v33;
	v38 =	vand.u32 $0xFFFFFF80, v37  }
0x27b: {  	v24 =	vld.idx.msk [tilespmem:v13+s19+$0x0], $0xffff;
	v13 =	vand.u32 $0x7F, v39;
	v39 =	vadd.s32 $0x18, v4;
	v17 =	vadd.s32 v1, v48  }
0x27c: {  	v10 =	vor.u32 v36, v10;
	v11 =	vor.u32 v12, v11;
	v36 =	vand.u32 $0x7F, v33  }
0x27d: {  	v12 =	vld.idx.msk [tilespmem:v55+s18+$0x0], $0xffff;
	v55 =	vor.u32 v52, v16;
	v16 =	vadd.s32 v1, v56;
	v33 =	vadd.s32 $0x17, v3  }
0x27e: {  	v54 =	vld.idx.msk [tilespmem:v42+s17+$0x0], $0xffff;
	v52 =	vand.u32 $0x7F, v49;
	v56 =	vand.u32 $0xFFFFFF80, v53;
	v5 =	vadd.f32 v25, v5  }
0x27f: {  	v49 =	vadd.s32 $0x1D, v3;
	v27 =	vld.idx.msk [tilespmem:v14+s17+$0x0], $0xffff;
	v14 =	vadd.s32 v1, v40;
	v40 =	vand.u32 $0xFFFFFF80, v39  }
0x280: {  	v5 =	vadd.f32 v6, v5;
	v6 =	vmul.f32 v29, v29;
	v42 =	vor.u32 v13, v14  }
0x281: {  	v7 =	vld.idx.msk [tilespmem:v7+s19+$0x0], $0xffff;
	v13 =	vadd.s32 v1, v43;
	v14 =	vadd.s32 v1, v46;
	v43 =	vand.u32 $0xFFFFFF80, v41  }
0x282: {  	v13 =	vor.u32 v44, v13;
	v44 =	vand.u32 $0x7F, v41;
	v5 =	vadd.f32 v6, v5  }
0x283: {  	v41 =	vadd.s32 $0x1C, v3;
	v6 =	vadd.f32 v57, v54;
	v26 =	vadd.f32 v12, v15  }
0x284: {  	v9 =	vld.idx.msk [tilespmem:v34+s17+$0x0], $0xffff;
	v12 =	vand.u32 $0x7F, v37;
	v15 =	vand.u32 $0x7F, v45;
	v37 =	vadd.s32 $0x17, v2  }
0x285: {  	v10 =	vld.idx.msk [tilespmem:v10+s18+$0x0], $0xffff;
	v45 =	vadd.s32 $0x18, v2;
	v14 =	vor.u32 v15, v14;
	v6 =	vsub.f32 v6, v60  }
0x286: {  	v11 =	vld.idx.msk [tilespmem:v11+s19+$0x0], $0xffff;
	v46 =	vand.u32 $0xFFFFFF80, v45;
	v29 =	vsub.f32 v26, v24;
	v7 =	vsub.f32 v8, v7  }
0x287: {  	v8 =	vld.idx.msk [tilespmem:v23+s18+$0x0], $0xffff;
	v23 =	vor.u32 v21, v22;
	v21 =	vand.u32 $0x7F, v62;
	v22 =	vadd.s32 v1, v63  }
0x288: {  	v62 =	vadd.s32 $0x1E, v3;
	v6 =	vmul.f32 v6, v6;
	v57 =	vld.idx.msk [tilespmem:v13+s18+$0x0], $0xffff;
	v13 =	vor.u32 v58, v16  }
0x289: {  	v16 =	vand.u32 $0x7F, v59;
	v58 =	vand.u32 $0x7F, v53;
	v59 =	vadd.s32 $0x1A, v4  }
0x28a: {  	v53 =	vadd.s32 $0x1D, v2;
	v63 =	vand.u32 $0xFFFFFF80, v62;
	v9 =	vadd.f32 v10, v9  }
0x28b: {  	v7 =	vmul.f32 v7, v7;
	v10 =	vand.u32 $0x7F, v28;
	v28 =	vadd.s32 $0x16, v2  }
0x28c: {  	v60 =	vld.idx.msk [tilespmem:v14+s19+$0x0], $0xffff;
	v14 =	vadd.s32 v1, v61;
	v61 =	vand.u32 $0xFFFFFF80, v59;
	v9 =	vsub.f32 v9, v11  }
0x28d: {  	v5 =	vadd.f32 v7, v5;
	v7 =	vadd.s32 v1, v30;
	v11 =	vand.u32 $0x7F, v31  }
0x28e: {  	v14 =	vor.u32 v16, v14;
	v30 =	vand.u32 $0xFFFFFF80, v28;
	v31 =	vadd.s32 $0x17, v4  }
0x28f: {  	v16 =	vand.u32 $0x7F, v47;
	v47 =	vadd.s32 $0x1D, v4;
	v7 =	vor.u32 v10, v7  }
0x290: {  	v10 =	vadd.s32 v1, v32;
	v8 =	vadd.f32 v8, v27;
	v32 =	vand.u32 $0xFFFFFF80, v31  }
0x291: {  	v15 =	vld.idx.msk [tilespmem:v50+s17+$0x0], $0xffff;
	v50 =	vor.u32 v16, v17;
	v16 =	vadd.s32 v1, v51;
	v48 =	vand.u32 $0xFFFFFF80, v47  }
0x292: {  	v51 =	vand.u32 $0xFFFFFF80, v49;
	v25 =	vmul.f32 v9, v9;
	v34 =	vor.u32 v11, v10  }
0x293: {  	v10 =	vadd.s32 v1, v35;
	v11 =	vadd.s32 v1, v38;
	v35 =	vand.u32 $0xFFFFFF80, v33  }
0x294: {  	v24 =	vld.idx.msk [tilespmem:v13+s19+$0x0], $0xffff;
	v38 =	vand.u32 $0xFFFFFF80, v37;
	v13 =	vand.u32 $0x7F, v39;
	v39 =	vadd.s32 $0x1C, v4  }
0x295: {  	v17 =	vadd.s32 v1, v48;
	v10 =	vor.u32 v36, v10;
	v11 =	vor.u32 v12, v11  }
0x296: {  	v12 =	vld.idx.msk [tilespmem:v55+s18+$0x0], $0xffff;
	v36 =	vand.u32 $0x7F, v33;
	v55 =	vor.u32 v52, v16;
	v16 =	vadd.s32 v1, v56  }
0x297: {  	v54 =	vld.idx.msk [tilespmem:v42+s17+$0x0], $0xffff;
	v33 =	vadd.s32 $0x1B, v3;
	v52 =	vand.u32 $0x7F, v49;
	v5 =	vadd.f32 v25, v5  }
0x298: {  	v56 =	vand.u32 $0xFFFFFF80, v53;
	v49 =	vadd.s32 $0x21, v3;
	v27 =	vld.idx.msk [tilespmem:v14+s17+$0x0], $0xffff;
	v14 =	vadd.s32 v1, v40  }
0x299: {  	v40 =	vand.u32 $0xFFFFFF80, v39;
	v5 =	vadd.f32 v6, v5;
	v6 =	vmul.f32 v29, v29  }
0x29a: {  	v42 =	vor.u32 v13, v14;
	v13 =	vadd.s32 v1, v43;
	v14 =	vadd.s32 v1, v46  }
0x29b: {  	v7 =	vld.idx.msk [tilespmem:v7+s19+$0x0], $0xffff;
	v43 =	vand.u32 $0xFFFFFF80, v41;
	v13 =	vor.u32 v44, v13;
	v44 =	vand.u32 $0x7F, v41  }
0x29c: {  	v41 =	vadd.s32 $0x20, v3;
	v5 =	vadd.f32 v6, v5;
	v6 =	vadd.f32 v57, v54  }
0x29d: {  	v26 =	vadd.f32 v12, v15;
	v12 =	vand.u32 $0x7F, v37;
	v15 =	vand.u32 $0x7F, v45  }
0x29e: {  	v9 =	vld.idx.msk [tilespmem:v34+s17+$0x0], $0xffff;
	v37 =	vadd.s32 $0x1B, v2;
	v45 =	vadd.s32 $0x1C, v2;
	v14 =	vor.u32 v15, v14  }
0x29f: {  	v10 =	vld.idx.msk [tilespmem:v10+s18+$0x0], $0xffff;
	v46 =	vand.u32 $0xFFFFFF80, v45;
	v6 =	vsub.f32 v6, v60;
	v29 =	vsub.f32 v26, v24  }
0x2a0: {  	v7 =	vsub.f32 v8, v7;
	v8 =	vld.idx.msk [tilespmem:v23+s18+$0x0], $0xffff;
	v23 =	vor.u32 v21, v22;
	v21 =	vand.u32 $0x7F, v62  }
0x2a1: {  	v11 =	vld.idx.msk [tilespmem:v11+s19+$0x0], $0xffff;
	v22 =	vadd.s32 v1, v63;
	v62 =	vadd.s32 $0x22, v3;
	v6 =	vmul.f32 v6, v6  }
0x2a2: {  	v57 =	vld.idx.msk [tilespmem:v13+s18+$0x0], $0xffff;
	v13 =	vor.u32 v58, v16;
	v16 =	vand.u32 $0x7F, v59;
	v58 =	vand.u32 $0x7F, v53  }
0x2a3: {  	v59 =	vadd.s32 $0x1E, v4;
	v53 =	vadd.s32 $0x21, v2;
	v63 =	vand.u32 $0xFFFFFF80, v62  }
0x2a4: {  	v7 =	vmul.f32 v7, v7;
	v9 =	vadd.f32 v10, v9;
	v10 =	vand.u32 $0x7F, v28  }
0x2a5: {  	v28 =	vadd.s32 $0x1A, v2;
	v60 =	vld.idx.msk [tilespmem:v14+s19+$0x0], $0xffff;
	v14 =	vadd.s32 v1, v61;
	v61 =	vand.u32 $0xFFFFFF80, v59  }
0x2a6: {  	v9 =	vsub.f32 v9, v11;
	v5 =	vadd.f32 v7, v5;
	v7 =	vadd.s32 v1, v30  }
0x2a7: {  	v11 =	vand.u32 $0x7F, v31;
	v14 =	vor.u32 v16, v14;
	v30 =	vand.u32 $0xFFFFFF80, v28  }
0x2a8: {  	v31 =	vadd.s32 $0x1B, v4;
	v16 =	vand.u32 $0x7F, v47;
	v47 =	vadd.s32 $0x21, v4  }
0x2a9: {  	v7 =	vor.u32 v10, v7;
	v10 =	vadd.s32 v1, v32;
	v8 =	vadd.f32 v8, v27  }
0x2aa: {  	v15 =	vld.idx.msk [tilespmem:v50+s17+$0x0], $0xffff;
	v32 =	vand.u32 $0xFFFFFF80, v31;
	v50 =	vor.u32 v16, v17;
	v16 =	vadd.s32 v1, v51  }
0x2ab: {  	v48 =	vand.u32 $0xFFFFFF80, v47;
	v51 =	vand.u32 $0xFFFFFF80, v49;
	v25 =	vmul.f32 v9, v9  }
0x2ac: {  	v34 =	vor.u32 v11, v10;
	v10 =	vadd.s32 v1, v35;
	v11 =	vadd.s32 v1, v38  }
0x2ad: {  	v24 =	vld.idx.msk [tilespmem:v13+s19+$0x0], $0xffff;
	v35 =	vand.u32 $0xFFFFFF80, v33;
	v38 =	vand.u32 $0xFFFFFF80, v37;
	v13 =	vand.u32 $0x7F, v39  }
0x2ae: {  	v39 =	vadd.s32 $0x20, v4;
	v17 =	vadd.s32 v1, v48;
	v10 =	vor.u32 v36, v10  }
0x2af: {  	v11 =	vor.u32 v12, v11;
	v12 =	vld.idx.msk [tilespmem:v55+s18+$0x0], $0xffff;
	v36 =	vand.u32 $0x7F, v33;
	v55 =	vor.u32 v52, v16  }
0x2b0: {  	v16 =	vadd.s32 v1, v56;
	v33 =	vadd.s32 $0x1F, v3;
	v5 =	vadd.f32 v25, v5  }
0x2b1: {  	v54 =	vld.idx.msk [tilespmem:v42+s17+$0x0], $0xffff;
	v52 =	vand.u32 $0x7F, v49;
	v56 =	vand.u32 $0xFFFFFF80, v53;
	v49 =	vadd.s32 $0x25, v3  }
0x2b2: {  	v27 =	vld.idx.msk [tilespmem:v14+s17+$0x0], $0xffff;
	v14 =	vadd.s32 v1, v40;
	v40 =	vand.u32 $0xFFFFFF80, v39;
	v5 =	vadd.f32 v6, v5  }
0x2b3: {  	v6 =	vmul.f32 v29, v29;
	v42 =	vor.u32 v13, v14;
	v13 =	vadd.s32 v1, v43  }
0x2b4: {  	v7 =	vld.idx.msk [tilespmem:v7+s19+$0x0], $0xffff;
	v14 =	vadd.s32 v1, v46;
	v43 =	vand.u32 $0xFFFFFF80, v41;
	v13 =	vor.u32 v44, v13  }
0x2b5: {  	v44 =	vand.u32 $0x7F, v41;
	v41 =	vadd.s32 $0x24, v3;
	v5 =	vadd.f32 v6, v5  }
0x2b6: {  	v6 =	vadd.f32 v57, v54;
	v26 =	vadd.f32 v12, v15;
	v12 =	vand.u32 $0x7F, v37  }
0x2b7: {  	v9 =	vld.idx.msk [tilespmem:v34+s17+$0x0], $0xffff;
	v15 =	vand.u32 $0x7F, v45;
	v37 =	vadd.s32 $0x1F, v2;
	v45 =	vadd.s32 $0x20, v2  }
0x2b8: {  	v10 =	vld.idx.msk [tilespmem:v10+s18+$0x0], $0xffff;
	v14 =	vor.u32 v15, v14;
	v46 =	vand.u32 $0xFFFFFF80, v45;
	v6 =	vsub.f32 v6, v60  }
0x2b9: {  	v29 =	vsub.f32 v26, v24;
	v7 =	vsub.f32 v8, v7;
	v8 =	vld.idx.msk [tilespmem:v23+s18+$0x0], $0xffff;
	v23 =	vor.u32 v21, v22  }
0x2ba: {  	v11 =	vld.idx.msk [tilespmem:v11+s19+$0x0], $0xffff;
	v21 =	vand.u32 $0x7F, v62;
	v22 =	vadd.s32 v1, v63;
	v62 =	vadd.s32 $0x26, v3  }
0x2bb: {  	v6 =	vmul.f32 v6, v6;
	v57 =	vld.idx.msk [tilespmem:v13+s18+$0x0], $0xffff;
	v13 =	vor.u32 v58, v16;
	v16 =	vand.u32 $0x7F, v59  }
0x2bc: {  	v58 =	vand.u32 $0x7F, v53;
	v59 =	vadd.s32 $0x22, v4;
	v53 =	vadd.s32 $0x25, v2  }
0x2bd: {  	v63 =	vand.u32 $0xFFFFFF80, v62;
	v7 =	vmul.f32 v7, v7;
	v9 =	vadd.f32 v10, v9  }
0x2be: {  	v10 =	vand.u32 $0x7F, v28;
	v28 =	vadd.s32 $0x1E, v2;
	v60 =	vld.idx.msk [tilespmem:v14+s19+$0x0], $0xffff;
	v14 =	vadd.s32 v1, v61  }
0x2bf: {  	v61 =	vand.u32 $0xFFFFFF80, v59;
	v9 =	vsub.f32 v9, v11;
	v5 =	vadd.f32 v7, v5  }
0x2c0: {  	v7 =	vadd.s32 v1, v30;
	v11 =	vand.u32 $0x7F, v31;
	v14 =	vor.u32 v16, v14  }
0x2c1: {  	v30 =	vand.u32 $0xFFFFFF80, v28;
	v31 =	vadd.s32 $0x1F, v4;
	v16 =	vand.u32 $0x7F, v47  }
0x2c2: {  	v47 =	vadd.s32 $0x25, v4;
	v7 =	vor.u32 v10, v7;
	v10 =	vadd.s32 v1, v32  }
0x2c3: {  	v15 =	vld.idx.msk [tilespmem:v50+s17+$0x0], $0xffff;
	v8 =	vadd.f32 v8, v27;
	v32 =	vand.u32 $0xFFFFFF80, v31;
	v50 =	vor.u32 v16, v17  }
0x2c4: {  	v16 =	vadd.s32 v1, v51;
	v48 =	vand.u32 $0xFFFFFF80, v47;
	v51 =	vand.u32 $0xFFFFFF80, v49  }
0x2c5: {  	v25 =	vmul.f32 v9, v9;
	v34 =	vor.u32 v11, v10;
	v10 =	vadd.s32 v1, v35  }
0x2c6: {  	v11 =	vadd.s32 v1, v38;
	v35 =	vand.u32 $0xFFFFFF80, v33;
	v38 =	vand.u32 $0xFFFFFF80, v37  }
0x2c7: {  	v24 =	vld.idx.msk [tilespmem:v13+s19+$0x0], $0xffff;
	v13 =	vand.u32 $0x7F, v39;
	v39 =	vadd.s32 $0x24, v4;
	v17 =	vadd.s32 v1, v48  }
0x2c8: {  	v10 =	vor.u32 v36, v10;
	v11 =	vor.u32 v12, v11;
	v36 =	vand.u32 $0x7F, v33  }
0x2c9: {  	v12 =	vld.idx.msk [tilespmem:v55+s18+$0x0], $0xffff;
	v55 =	vor.u32 v52, v16;
	v16 =	vadd.s32 v1, v56;
	v33 =	vadd.s32 $0x23, v3  }
0x2ca: {  	v54 =	vld.idx.msk [tilespmem:v42+s17+$0x0], $0xffff;
	v52 =	vand.u32 $0x7F, v49;
	v56 =	vand.u32 $0xFFFFFF80, v53;
	v5 =	vadd.f32 v25, v5  }
0x2cb: {  	v49 =	vadd.s32 $0x29, v3;
	v27 =	vld.idx.msk [tilespmem:v14+s17+$0x0], $0xffff;
	v14 =	vadd.s32 v1, v40;
	v40 =	vand.u32 $0xFFFFFF80, v39  }
0x2cc: {  	v5 =	vadd.f32 v6, v5;
	v6 =	vmul.f32 v29, v29;
	v42 =	vor.u32 v13, v14  }
0x2cd: {  	v7 =	vld.idx.msk [tilespmem:v7+s19+$0x0], $0xffff;
	v13 =	vadd.s32 v1, v43;
	v14 =	vadd.s32 v1, v46;
	v43 =	vand.u32 $0xFFFFFF80, v41  }
0x2ce: {  	v13 =	vor.u32 v44, v13;
	v44 =	vand.u32 $0x7F, v41;
	v5 =	vadd.f32 v6, v5  }
0x2cf: {  	v41 =	vadd.s32 $0x28, v3;
	v6 =	vadd.f32 v57, v54;
	v26 =	vadd.f32 v12, v15  }
0x2d0: {  	v9 =	vld.idx.msk [tilespmem:v34+s17+$0x0], $0xffff;
	v12 =	vand.u32 $0x7F, v37;
	v15 =	vand.u32 $0x7F, v45;
	v37 =	vadd.s32 $0x23, v2  }
0x2d1: {  	v10 =	vld.idx.msk [tilespmem:v10+s18+$0x0], $0xffff;
	v45 =	vadd.s32 $0x24, v2;
	v14 =	vor.u32 v15, v14;
	v6 =	vsub.f32 v6, v60  }
0x2d2: {  	v11 =	vld.idx.msk [tilespmem:v11+s19+$0x0], $0xffff;
	v46 =	vand.u32 $0xFFFFFF80, v45;
	v29 =	vsub.f32 v26, v24;
	v7 =	vsub.f32 v8, v7  }
0x2d3: {  	v8 =	vld.idx.msk [tilespmem:v23+s18+$0x0], $0xffff;
	v23 =	vor.u32 v21, v22;
	v21 =	vand.u32 $0x7F, v62;
	v22 =	vadd.s32 v1, v63  }
0x2d4: {  	v62 =	vadd.s32 $0x2A, v3;
	v6 =	vmul.f32 v6, v6;
	v57 =	vld.idx.msk [tilespmem:v13+s18+$0x0], $0xffff;
	v13 =	vor.u32 v58, v16  }
0x2d5: {  	v16 =	vand.u32 $0x7F, v59;
	v58 =	vand.u32 $0x7F, v53;
	v59 =	vadd.s32 $0x26, v4  }
0x2d6: {  	v53 =	vadd.s32 $0x29, v2;
	v63 =	vand.u32 $0xFFFFFF80, v62;
	v9 =	vadd.f32 v10, v9  }
0x2d7: {  	v7 =	vmul.f32 v7, v7;
	v10 =	vand.u32 $0x7F, v28;
	v28 =	vadd.s32 $0x22, v2  }
0x2d8: {  	v60 =	vld.idx.msk [tilespmem:v14+s19+$0x0], $0xffff;
	v14 =	vadd.s32 v1, v61;
	v61 =	vand.u32 $0xFFFFFF80, v59;
	v9 =	vsub.f32 v9, v11  }
0x2d9: {  	v5 =	vadd.f32 v7, v5;
	v7 =	vadd.s32 v1, v30;
	v11 =	vand.u32 $0x7F, v31  }
0x2da: {  	v14 =	vor.u32 v16, v14;
	v30 =	vand.u32 $0xFFFFFF80, v28;
	v31 =	vadd.s32 $0x23, v4  }
0x2db: {  	v16 =	vand.u32 $0x7F, v47;
	v47 =	vadd.s32 $0x29, v4;
	v7 =	vor.u32 v10, v7  }
0x2dc: {  	v10 =	vadd.s32 v1, v32;
	v8 =	vadd.f32 v8, v27;
	v32 =	vand.u32 $0xFFFFFF80, v31  }
0x2dd: {  	v15 =	vld.idx.msk [tilespmem:v50+s17+$0x0], $0xffff;
	v50 =	vor.u32 v16, v17;
	v16 =	vadd.s32 v1, v51;
	v48 =	vand.u32 $0xFFFFFF80, v47  }
0x2de: {  	v51 =	vand.u32 $0xFFFFFF80, v49;
	v25 =	vmul.f32 v9, v9;
	v34 =	vor.u32 v11, v10  }
0x2df: {  	v10 =	vadd.s32 v1, v35;
	v11 =	vadd.s32 v1, v38;
	v35 =	vand.u32 $0xFFFFFF80, v33  }
0x2e0: {  	v24 =	vld.idx.msk [tilespmem:v13+s19+$0x0], $0xffff;
	v38 =	vand.u32 $0xFFFFFF80, v37;
	v13 =	vand.u32 $0x7F, v39;
	v39 =	vadd.s32 $0x28, v4  }
0x2e1: {  	v17 =	vadd.s32 v1, v48;
	v10 =	vor.u32 v36, v10;
	v11 =	vor.u32 v12, v11  }
0x2e2: {  	v12 =	vld.idx.msk [tilespmem:v55+s18+$0x0], $0xffff;
	v36 =	vand.u32 $0x7F, v33;
	v55 =	vor.u32 v52, v16;
	v16 =	vadd.s32 v1, v56  }
0x2e3: {  	v54 =	vld.idx.msk [tilespmem:v42+s17+$0x0], $0xffff;
	v33 =	vadd.s32 $0x27, v3;
	v52 =	vand.u32 $0x7F, v49;
	v5 =	vadd.f32 v25, v5  }
0x2e4: {  	v56 =	vand.u32 $0xFFFFFF80, v53;
	v49 =	vadd.s32 $0x2D, v3;
	v27 =	vld.idx.msk [tilespmem:v14+s17+$0x0], $0xffff;
	v14 =	vadd.s32 v1, v40  }
0x2e5: {  	v40 =	vand.u32 $0xFFFFFF80, v39;
	v5 =	vadd.f32 v6, v5;
	v6 =	vmul.f32 v29, v29  }
0x2e6: {  	v42 =	vor.u32 v13, v14;
	v13 =	vadd.s32 v1, v43;
	v14 =	vadd.s32 v1, v46  }
0x2e7: {  	v7 =	vld.idx.msk [tilespmem:v7+s19+$0x0], $0xffff;
	v43 =	vand.u32 $0xFFFFFF80, v41;
	v13 =	vor.u32 v44, v13;
	v44 =	vand.u32 $0x7F, v41  }
0x2e8: {  	v41 =	vadd.s32 $0x2C, v3;
	v5 =	vadd.f32 v6, v5;
	v6 =	vadd.f32 v57, v54  }
0x2e9: {  	v26 =	vadd.f32 v12, v15;
	v12 =	vand.u32 $0x7F, v37;
	v15 =	vand.u32 $0x7F, v45  }
0x2ea: {  	v9 =	vld.idx.msk [tilespmem:v34+s17+$0x0], $0xffff;
	v37 =	vadd.s32 $0x27, v2;
	v45 =	vadd.s32 $0x28, v2;
	v14 =	vor.u32 v15, v14  }
0x2eb: {  	v10 =	vld.idx.msk [tilespmem:v10+s18+$0x0], $0xffff;
	v46 =	vand.u32 $0xFFFFFF80, v45;
	v6 =	vsub.f32 v6, v60;
	v29 =	vsub.f32 v26, v24  }
0x2ec: {  	v7 =	vsub.f32 v8, v7;
	v8 =	vld.idx.msk [tilespmem:v23+s18+$0x0], $0xffff;
	v23 =	vor.u32 v21, v22;
	v21 =	vand.u32 $0x7F, v62  }
0x2ed: {  	v11 =	vld.idx.msk [tilespmem:v11+s19+$0x0], $0xffff;
	v22 =	vadd.s32 v1, v63;
	v62 =	vadd.s32 $0x2E, v3;
	v6 =	vmul.f32 v6, v6  }
0x2ee: {  	v57 =	vld.idx.msk [tilespmem:v13+s18+$0x0], $0xffff;
	v13 =	vor.u32 v58, v16;
	v16 =	vand.u32 $0x7F, v59;
	v58 =	vand.u32 $0x7F, v53  }
0x2ef: {  	v59 =	vadd.s32 $0x2A, v4;
	v53 =	vadd.s32 $0x2D, v2;
	v63 =	vand.u32 $0xFFFFFF80, v62  }
0x2f0: {  	v20 =	vand.u32 $0x7F, v62;
	v7 =	vmul.f32 v7, v7;
	v9 =	vadd.f32 v10, v9  }
0x2f1: {  	v10 =	vand.u32 $0x7F, v28;
	v28 =	vadd.s32 $0x26, v2;
	v60 =	vld.idx.msk [tilespmem:v14+s19+$0x0], $0xffff;
	v14 =	vadd.s32 v1, v61  }
0x2f2: {  	v61 =	vand.u32 $0xFFFFFF80, v59;
	v9 =	vsub.f32 v9, v11;
	v5 =	vadd.f32 v7, v5  }
0x2f3: {  	v7 =	vadd.s32 v1, v30;
	v11 =	vand.u32 $0x7F, v31;
	v14 =	vor.u32 v16, v14  }
0x2f4: {  	v30 =	vand.u32 $0xFFFFFF80, v28;
	v31 =	vadd.s32 $0x27, v4;
	v16 =	vand.u32 $0x7F, v47  }
0x2f5: {  	v47 =	vadd.s32 $0x2D, v4;
	v7 =	vor.u32 v10, v7;
	v10 =	vadd.s32 v1, v32  }
0x2f6: {  	v15 =	vld.idx.msk [tilespmem:v50+s17+$0x0], $0xffff;
	v8 =	vadd.f32 v8, v27;
	v32 =	vand.u32 $0xFFFFFF80, v31;
	v50 =	vor.u32 v16, v17  }
0x2f7: {  	v16 =	vadd.s32 v1, v51;
	v48 =	vand.u32 $0xFFFFFF80, v47;
	v51 =	vand.u32 $0xFFFFFF80, v49  }
0x2f8: {  	v25 =	vmul.f32 v9, v9;
	v34 =	vor.u32 v11, v10;
	v10 =	vadd.s32 v1, v35  }
0x2f9: {  	v11 =	vadd.s32 v1, v38;
	v35 =	vand.u32 $0xFFFFFF80, v33;
	v38 =	vand.u32 $0xFFFFFF80, v37  }
0x2fa: {  	v24 =	vld.idx.msk [tilespmem:v13+s19+$0x0], $0xffff;
	v13 =	vand.u32 $0x7F, v39;
	v39 =	vadd.s32 $0x2C, v4;
	v17 =	vadd.s32 v1, v48  }
0x2fb: {  	v48 =	vadd.s32 $0x31, v3;
	v10 =	vor.u32 v36, v10;
	v11 =	vor.u32 v12, v11  }
0x2fc: {  	v12 =	vld.idx.msk [tilespmem:v55+s18+$0x0], $0xffff;
	v36 =	vand.u32 $0x7F, v33;
	v55 =	vor.u32 v52, v16;
	v16 =	vadd.s32 v1, v56  }
0x2fd: {  	v54 =	vld.idx.msk [tilespmem:v42+s17+$0x0], $0xffff;
	v33 =	vadd.s32 $0x2B, v3;
	v52 =	vand.u32 $0x7F, v49;
	v5 =	vadd.f32 v25, v5  }
0x2fe: {  	v56 =	vand.u32 $0xFFFFFF80, v53;
	v27 =	vld.idx.msk [tilespmem:v14+s17+$0x0], $0xffff;
	v14 =	vadd.s32 v1, v40;
	v40 =	vand.u32 $0xFFFFFF80, v39  }
0x2ff: {  	v5 =	vadd.f32 v6, v5;
	v6 =	vmul.f32 v29, v29;
	v42 =	vor.u32 v13, v14  }
0x300: {  	v7 =	vld.idx.msk [tilespmem:v7+s19+$0x0], $0xffff;
	v13 =	vadd.s32 v1, v43;
	v14 =	vadd.s32 v1, v46;
	v43 =	vand.u32 $0xFFFFFF80, v41  }
0x301: {  	v13 =	vor.u32 v44, v13;
	v44 =	vand.u32 $0x7F, v41;
	v5 =	vadd.f32 v6, v5  }
0x302: {  	v9 =	vld.idx.msk [tilespmem:v34+s17+$0x0], $0xffff;
	v6 =	vadd.f32 v57, v54;
	v26 =	vadd.f32 v12, v15;
	v12 =	vand.u32 $0x7F, v37  }
0x303: {  	v10 =	vld.idx.msk [tilespmem:v10+s18+$0x0], $0xffff;
	v15 =	vand.u32 $0x7F, v45;
	v37 =	vadd.s32 $0x2B, v2;
	v45 =	vadd.s32 $0x2C, v2  }
0x304: {  	v11 =	vld.idx.msk [tilespmem:v11+s19+$0x0], $0xffff;
	v14 =	vor.u32 v15, v14;
	v46 =	vand.u32 $0xFFFFFF80, v45;
	v6 =	vsub.f32 v6, v60  }
0x305: {  	v29 =	vsub.f32 v26, v24;
	v7 =	vsub.f32 v8, v7;
	v8 =	vld.idx.msk [tilespmem:v23+s18+$0x0], $0xffff;
	v23 =	vor.u32 v21, v22  }
0x306: {  	v21 =	vadd.s32 v1, v63;
	v6 =	vmul.f32 v6, v6;
	v57 =	vld.idx.msk [tilespmem:v13+s18+$0x0], $0xffff;
	v13 =	vor.u32 v58, v16  }
0x307: {  	v16 =	vand.u32 $0x7F, v59;
	v58 =	vand.u32 $0x7F, v53;
	v59 =	vadd.s32 $0x2E, v4  }
0x308: {  	v22 =	vor.u32 v20, v21;
	v7 =	vmul.f32 v7, v7;
	v9 =	vadd.f32 v10, v9  }
0x309: {  	v10 =	vand.u32 $0x7F, v28;
	v28 =	vadd.s32 $0x2A, v2;
	v60 =	vld.idx.msk [tilespmem:v14+s19+$0x0], $0xffff;
	v14 =	vadd.s32 v1, v61  }
0x30a: {  	v61 =	vand.u32 $0xFFFFFF80, v59;
	v9 =	vsub.f32 v9, v11;
	v5 =	vadd.f32 v7, v5  }
0x30b: {  	v7 =	vadd.s32 v1, v30;
	v11 =	vand.u32 $0x7F, v31;
	v14 =	vor.u32 v16, v14  }
0x30c: {  	v30 =	vand.u32 $0xFFFFFF80, v28;
	v31 =	vadd.s32 $0x2B, v4;
	v16 =	vand.u32 $0x7F, v47  }
0x30d: {  	v7 =	vor.u32 v10, v7;
	v10 =	vadd.s32 v1, v32;
	v8 =	vadd.f32 v8, v27  }
0x30e: {  	v15 =	vld.idx.msk [tilespmem:v50+s17+$0x0], $0xffff;
	v32 =	vand.u32 $0xFFFFFF80, v31;
	v50 =	vor.u32 v16, v17;
	v16 =	vadd.s32 v1, v51  }
0x30f: {  	v51 =	vand.u32 $0x7F, v48;
	v25 =	vmul.f32 v9, v9;
	v34 =	vor.u32 v11, v10  }
0x310: {  	v10 =	vadd.s32 v1, v35;
	v11 =	vadd.s32 v1, v38;
	v35 =	vand.u32 $0xFFFFFF80, v33  }
0x311: {  	v24 =	vld.idx.msk [tilespmem:v13+s19+$0x0], $0xffff;
	v38 =	vand.u32 $0xFFFFFF80, v37;
	v13 =	vand.u32 $0x7F, v39;
	v10 =	vor.u32 v36, v10  }
0x312: {  	v54 =	vld.idx.msk [tilespmem:v42+s17+$0x0], $0xffff;
	v11 =	vor.u32 v12, v11;
	v36 =	vand.u32 $0x7F, v33;
	v5 =	vadd.f32 v25, v5  }
0x313: {  	v12 =	vld.idx.msk [tilespmem:v55+s18+$0x0], $0xffff;
	v55 =	vor.u32 v52, v16;
	v16 =	vadd.s32 v1, v56;
	v52 =	vadd.s32 $0x31, v2  }
0x314: {  	v27 =	vld.idx.msk [tilespmem:v14+s17+$0x0], $0xffff;
	v14 =	vadd.s32 v1, v40;
	v40 =	vadd.s32 $0x30, v3;
	v5 =	vadd.f32 v6, v5  }
0x315: {  	v6 =	vmul.f32 v29, v29;
	v42 =	vor.u32 v13, v14;
	v13 =	vadd.s32 v1, v43  }
0x316: {  	v7 =	vld.idx.msk [tilespmem:v7+s19+$0x0], $0xffff;
	v14 =	vadd.s32 v1, v46;
	v43 =	vand.u32 $0x7F, v40;
	v46 =	vadd.s32 $0x31, v4  }
0x317: {  	v9 =	vld.idx.msk [tilespmem:v34+s17+$0x0], $0xffff;
	v13 =	vor.u32 v44, v13;
	v44 =	vadd.s32 $0x30, v2;
	v5 =	vadd.f32 v6, v5  }
0x318: {  	v47 =	vand.u32 $0xFFFFFF80, v46;
	v10 =	vld.idx.msk [tilespmem:v10+s18+$0x0], $0xffff;
	v6 =	vadd.f32 v57, v54;
	v26 =	vadd.f32 v12, v15  }
0x319: {  	v12 =	vand.u32 $0x7F, v37;
	v15 =	vand.u32 $0x7F, v45;
	v45 =	vand.u32 $0xFFFFFF80, v44  }
0x31a: {  	v11 =	vld.idx.msk [tilespmem:v11+s19+$0x0], $0xffff;
	v17 =	vadd.s32 v1, v47;
	v14 =	vor.u32 v15, v14;
	v6 =	vsub.f32 v6, v60  }
0x31b: {  	v47 =	vadd.s32 $0x35, v3;
	v15 =	vld.idx.msk [tilespmem:v50+s17+$0x0], $0xffff;
	v50 =	vand.u32 $0xFFFFFF80, v48;
	v29 =	vsub.f32 v26, v24  }
0x31c: {  	v7 =	vsub.f32 v8, v7;
	v54 =	vld.idx.msk [tilespmem:v42+s17+$0x0], $0xffff;
	v42 =	vand.u32 $0xFFFFFF80, v40;
	v6 =	vmul.f32 v6, v6  }
0x31d: {  	v57 =	vld.idx.msk [tilespmem:v13+s18+$0x0], $0xffff;
	v13 =	vor.u32 v58, v16;
	v16 =	vand.u32 $0x7F, v59;
	v9 =	vadd.f32 v10, v9  }
0x31e: {  	v8 =	vld.idx.msk [tilespmem:v23+s18+$0x0], $0xffff;
	v58 =	vadd.s32 $0x32, v4;
	v7 =	vmul.f32 v7, v7;
	v10 =	vand.u32 $0x7F, v28  }
0x31f: {  	v60 =	vld.idx.msk [tilespmem:v14+s19+$0x0], $0xffff;
	v14 =	vadd.s32 v1, v61;
	v61 =	vadd.s32 $0x32, v3;
	v9 =	vsub.f32 v9, v11  }
0x320: {  	v5 =	vadd.f32 v7, v5;
	v7 =	vadd.s32 v1, v30;
	v11 =	vand.u32 $0x7F, v31  }
0x321: {  	v14 =	vor.u32 v16, v14;
	v30 =	vadd.s32 $0x2F, v4;
	v16 =	vand.u32 $0x7F, v46  }
0x322: {  	v62 =	vand.u32 $0xFFFFFF80, v61;
	v63 =	vand.u32 $0x7F, v61;
	v7 =	vor.u32 v10, v7  }
0x323: {  	v10 =	vadd.s32 v1, v32;
	v8 =	vadd.f32 v8, v27;
	v27 =	vadd.s32 $0x2E, v2  }
0x324: {  	v31 =	vand.u32 $0xFFFFFF80, v30;
	v32 =	vadd.s32 $0x2F, v3;
	v49 =	vor.u32 v16, v17  }
0x325: {  	v16 =	vadd.s32 v1, v50;
	v20 =	vadd.s32 v1, v62;
	v50 =	vand.u32 $0x7F, v47  }
0x326: {  	v25 =	vmul.f32 v9, v9;
	v34 =	vor.u32 v11, v10;
	v10 =	vadd.s32 v1, v35  }
0x327: {  	v11 =	vadd.s32 v1, v38;
	v35 =	vand.u32 $0x7F, v32;
	v38 =	vadd.s32 $0x30, v4  }
0x328: {  	v21 =	vor.u32 v63, v20;
	v10 =	vor.u32 v36, v10;
	v11 =	vor.u32 v12, v11  }
0x329: {  	v23 =	vld.idx.msk [tilespmem:v13+s19+$0x0], $0xffff;
	v36 =	vadd.s32 $0x2F, v2;
	v39 =	vand.u32 $0xFFFFFF80, v38;
	v5 =	vadd.f32 v25, v5  }
0x32a: {  	v12 =	vld.idx.msk [tilespmem:v55+s18+$0x0], $0xffff;
	v13 =	vand.u32 $0x7F, v38;
	v55 =	vand.u32 $0xFFFFFF80, v52;
	v37 =	vand.u32 $0xFFFFFF80, v36  }
0x32b: {  	v26 =	vld.idx.msk [tilespmem:v14+s17+$0x0], $0xffff;
	v14 =	vadd.s32 v1, v39;
	v39 =	vadd.s32 $0x34, v3;
	v5 =	vadd.f32 v6, v5  }
0x32c: {  	v6 =	vmul.f32 v29, v29;
	v29 =	vand.u32 $0xFFFFFF80, v27;
	v41 =	vor.u32 v13, v14  }
0x32d: {  	v13 =	vadd.s32 v1, v42;
	v14 =	vadd.s32 v1, v45;
	v42 =	vand.u32 $0x7F, v39  }
0x32e: {  	v45 =	vadd.s32 $0x35, v4;
	v9 =	vld.idx.msk [tilespmem:v34+s17+$0x0], $0xffff;
	v34 =	vand.u32 $0xFFFFFF80, v32;
	v13 =	vor.u32 v43, v13  }
0x32f: {  	v43 =	vadd.s32 $0x34, v2;
	v46 =	vand.u32 $0xFFFFFF80, v45;
	v5 =	vadd.f32 v6, v5  }
0x330: {  	v7 =	vld.idx.msk [tilespmem:v7+s19+$0x0], $0xffff;
	v6 =	vadd.f32 v57, v54;
	v25 =	vadd.f32 v12, v15;
	v12 =	vand.u32 $0x7F, v36  }
0x331: {  	v10 =	vld.idx.msk [tilespmem:v10+s18+$0x0], $0xffff;
	v15 =	vand.u32 $0x7F, v44;
	v54 =	vor.u32 v51, v16;
	v57 =	vand.u32 $0x7F, v52  }
0x332: {  	v16 =	vadd.s32 v1, v55;
	v44 =	vand.u32 $0xFFFFFF80, v43;
	v17 =	vadd.s32 v1, v46  }
0x333: {  	v11 =	vld.idx.msk [tilespmem:v11+s19+$0x0], $0xffff;
	v51 =	vadd.s32 $0x35, v2;
	v14 =	vor.u32 v15, v14;
	v6 =	vsub.f32 v6, v60  }
0x334: {  	v15 =	vld.idx.msk [tilespmem:v49+s17+$0x0], $0xffff;
	v49 =	vand.u32 $0xFFFFFF80, v47;
	v28 =	vsub.f32 v25, v23;
	v60 =	vand.u32 $0xFFFFFF80, v58  }
0x335: {  	v7 =	vsub.f32 v8, v7;
	v53 =	vld.idx.msk [tilespmem:v41+s17+$0x0], $0xffff;
	v41 =	vand.u32 $0xFFFFFF80, v39;
	v6 =	vmul.f32 v6, v6  }
0x336: {  	v56 =	vld.idx.msk [tilespmem:v13+s18+$0x0], $0xffff;
	v13 =	vor.u32 v57, v16;
	v16 =	vand.u32 $0x7F, v58;
	v9 =	vadd.f32 v10, v9  }
0x337: {  	v8 =	vld.idx.msk [tilespmem:v22+s18+$0x0], $0xffff;
	v57 =	vadd.s32 $0x36, v4;
	v7 =	vmul.f32 v7, v7;
	v10 =	vand.u32 $0x7F, v27  }
0x338: {  	v59 =	vld.idx.msk [tilespmem:v14+s19+$0x0], $0xffff;
	v14 =	vadd.s32 v1, v60;
	v60 =	vadd.s32 $0x36, v3;
	v9 =	vsub.f32 v9, v11  }
0x339: {  	v5 =	vadd.f32 v7, v5;
	v7 =	vadd.s32 v1, v29;
	v11 =	vand.u32 $0x7F, v30  }
0x33a: {  	v14 =	vor.u32 v16, v14;
	v29 =	vadd.s32 $0x33, v4;
	v16 =	vand.u32 $0x7F, v45  }
0x33b: {  	v61 =	vand.u32 $0xFFFFFF80, v60;
	v62 =	vand.u32 $0x7F, v60;
	v45 =	vadd.s32 $0x39, v3  }
0x33c: {  	v7 =	vor.u32 v10, v7;
	v10 =	vadd.s32 v1, v31;
	v8 =	vadd.f32 v8, v26  }
0x33d: {  	v26 =	vadd.s32 $0x32, v2;
	v30 =	vand.u32 $0xFFFFFF80, v29;
	v31 =	vadd.s32 $0x33, v3  }
0x33e: {  	v48 =	vor.u32 v16, v17;
	v16 =	vadd.s32 v1, v49;
	v63 =	vadd.s32 v1, v61  }
0x33f: {  	v47 =	vand.u32 $0xFFFFFF80, v45;
	v49 =	vadd.s32 $0x39, v2;
	v24 =	vmul.f32 v9, v9  }
0x340: {  	v33 =	vor.u32 v11, v10;
	v10 =	vadd.s32 v1, v34;
	v11 =	vadd.s32 v1, v37  }
0x341: {  	v34 =	vand.u32 $0x7F, v31;
	v37 =	vadd.s32 $0x34, v4;
	v19 =	vor.u32 v62, v63  }
0x342: {  	v18 =	vand.u32 $0x7F, v49;
	v10 =	vor.u32 v35, v10;
	v11 =	vor.u32 v12, v11  }
0x343: {  	v22 =	vld.idx.msk [tilespmem:v13+s19+$0x0], $0xffff;
	v35 =	vadd.s32 $0x33, v2;
	v38 =	vand.u32 $0xFFFFFF80, v37;
	v13 =	vand.u32 $0x7F, v37  }
0x344: {  	v12 =	vld.idx.msk [tilespmem:v54+s18+$0x0], $0xffff;
	v54 =	vand.u32 $0xFFFFFF80, v51;
	v37 =	vadd.s32 $0x38, v3;
	v5 =	vadd.f32 v24, v5  }
0x345: {  	v36 =	vand.u32 $0xFFFFFF80, v35;
	v39 =	vand.u32 $0xFFFFFF80, v37;
	v25 =	vld.idx.msk [tilespmem:v14+s17+$0x0], $0xffff;
	v14 =	vadd.s32 v1, v38  }
0x346: {  	v5 =	vadd.f32 v6, v5;
	v6 =	vmul.f32 v28, v28;
	v28 =	vand.u32 $0xFFFFFF80, v26  }
0x347: {  	v40 =	vor.u32 v13, v14;
	v13 =	vadd.s32 v1, v41;
	v14 =	vadd.s32 v1, v44  }
0x348: {  	v41 =	vadd.s32 $0x38, v2;
	v9 =	vld.idx.msk [tilespmem:v33+s17+$0x0], $0xffff;
	v33 =	vand.u32 $0xFFFFFF80, v31;
	v13 =	vor.u32 v42, v13  }
0x349: {  	v42 =	vand.u32 $0xFFFFFF80, v41;
	v5 =	vadd.f32 v6, v5;
	v6 =	vadd.f32 v56, v53  }
0x34a: {  	v24 =	vadd.f32 v12, v15;
	v12 =	vand.u32 $0x7F, v35;
	v15 =	vand.u32 $0x7F, v43  }
0x34b: {  	v7 =	vld.idx.msk [tilespmem:v7+s19+$0x0], $0xffff;
	v53 =	vor.u32 v50, v16;
	v56 =	vand.u32 $0x7F, v51;
	v16 =	vadd.s32 v1, v54  }
0x34c: {  	v35 =	vadd.s32 $0x38, v4;
	v43 =	vadd.s32 $0x39, v4;
	v50 =	vand.u32 $0xFFFFFF80, v49  }
0x34d: {  	v10 =	vld.idx.msk [tilespmem:v10+s18+$0x0], $0xffff;
	v54 =	vadd.s32 $0x3A, v2;
	v49 =	vadd.s32 $0x3E, v2;
	v14 =	vor.u32 v15, v14  }
0x34e: {  	v15 =	vld.idx.msk [tilespmem:v48+s17+$0x0], $0xffff;
	v44 =	vand.u32 $0xFFFFFF80, v43;
	v48 =	vand.u32 $0x7F, v45;
	v45 =	vadd.s32 $0x3E, v3  }
0x34f: {  	v6 =	vsub.f32 v6, v59;
	v27 =	vsub.f32 v24, v22;
	v59 =	vand.u32 $0xFFFFFF80, v57  }
0x350: {  	v11 =	vld.idx.msk [tilespmem:v11+s19+$0x0], $0xffff;
	v24 =	vadd.s32 $0x36, v2;
	v17 =	vadd.s32 v1, v44;
	v7 =	vsub.f32 v8, v7  }
0x351: {  	v52 =	vld.idx.msk [tilespmem:v40+s17+$0x0], $0xffff;
	v40 =	vand.u32 $0x7F, v37;
	v37 =	vadd.s32 $0x3D, v3;
	v6 =	vmul.f32 v6, v6  }
0x352: {  	v55 =	vld.idx.msk [tilespmem:v13+s18+$0x0], $0xffff;
	v13 =	vor.u32 v56, v16;
	v16 =	vand.u32 $0x7F, v57;
	v57 =	vand.u32 $0xFFFFFF80, v54  }
0x353: {  	v8 =	vld.idx.msk [tilespmem:v21+s18+$0x0], $0xffff;
	v7 =	vmul.f32 v7, v7;
	v9 =	vadd.f32 v10, v9;
	v10 =	vand.u32 $0x7F, v26  }
0x354: {  	v26 =	vand.u32 $0xFFFFFF80, v24;
	v58 =	vld.idx.msk [tilespmem:v14+s19+$0x0], $0xffff;
	v14 =	vadd.s32 v1, v59;
	v59 =	vand.u32 $0x7F, v54  }
0x355: {  	v9 =	vsub.f32 v9, v11;
	v5 =	vadd.f32 v7, v5;
	v7 =	vadd.s32 v1, v28  }
0x356: {  	v11 =	vand.u32 $0x7F, v29;
	v14 =	vor.u32 v16, v14;
	v29 =	vadd.s32 $0x37, v3  }
0x357: {  	v16 =	vand.u32 $0x7F, v43;
	v43 =	vadd.s32 $0x3E, v4;
	v7 =	vor.u32 v10, v7  }
0x358: {  	v10 =	vadd.s32 v1, v30;
	v8 =	vadd.f32 v8, v25;
	v31 =	vand.u32 $0xFFFFFF80, v29  }
0x359: {  	v46 =	vor.u32 v16, v17;
	v16 =	vadd.s32 v1, v47;
	v17 =	vadd.s32 v1, v50  }
0x35a: {  	v44 =	vand.u32 $0xFFFFFF80, v43;
	v47 =	vand.u32 $0xFFFFFF80, v45;
	v50 =	vand.u32 $0xFFFFFF80, v49  }
0x35b: {  	v23 =	vmul.f32 v9, v9;
	v32 =	vor.u32 v11, v10;
	v10 =	vadd.s32 v1, v33  }
0x35c: {  	v11 =	vadd.s32 v1, v36;
	v33 =	vadd.s32 $0x37, v2;
	v36 =	vand.u32 $0xFFFFFF80, v35  }
0x35d: {  	v20 =	vld.idx.msk [tilespmem:v13+s19+$0x0], $0xffff;
	v13 =	vand.u32 $0x7F, v35;
	v16 =	vor.u32 v48, v16;
	v17 =	vor.u32 v18, v17  }
0x35e: {  	v35 =	vadd.s32 $0x3D, v4;
	v48 =	vand.u32 $0x7F, v45;
	v5 =	vadd.f32 v23, v5  }
0x35f: {  	v10 =	vor.u32 v34, v10;
	v11 =	vor.u32 v12, v11;
	v12 =	vld.idx.msk [tilespmem:v53+s18+$0x0], $0xffff;
	v34 =	vand.u32 $0xFFFFFF80, v33  }
0x360: {  	v23 =	vld.idx.msk [tilespmem:v14+s17+$0x0], $0xffff;
	v14 =	vadd.s32 v1, v36;
	v36 =	vand.u32 $0xFFFFFF80, v35;
	v5 =	vadd.f32 v6, v5  }
0x361: {  	v6 =	vmul.f32 v27, v27;
	v27 =	vadd.s32 $0x37, v4;
	v38 =	vor.u32 v13, v14  }
0x362: {  	v7 =	vld.idx.msk [tilespmem:v7+s19+$0x0], $0xffff;
	v13 =	vadd.s32 v1, v39;
	v14 =	vadd.s32 v1, v42;
	v39 =	vand.u32 $0xFFFFFF80, v37  }
0x363: {  	v9 =	vld.idx.msk [tilespmem:v32+s17+$0x0], $0xffff;
	v28 =	vand.u32 $0xFFFFFF80, v27;
	v32 =	vand.u32 $0x7F, v29;
	v13 =	vor.u32 v40, v13  }
0x364: {  	v29 =	vadd.s32 $0x3C, v3;
	v40 =	vand.u32 $0x7F, v37;
	v5 =	vadd.f32 v6, v5  }
0x365: {  	v10 =	vld.idx.msk [tilespmem:v10+s18+$0x0], $0xffff;
	v6 =	vadd.f32 v55, v52;
	v22 =	vadd.f32 v12, v15;
	v12 =	vand.u32 $0x7F, v33  }
0x366: {  	v15 =	vand.u32 $0x7F, v41;
	v33 =	vadd.s32 $0x3C, v2;
	v41 =	vadd.s32 $0x3D, v2  }
0x367: {  	v11 =	vld.idx.msk [tilespmem:v11+s19+$0x0], $0xffff;
	v14 =	vor.u32 v15, v14;
	v42 =	vand.u32 $0xFFFFFF80, v41;
	v6 =	vsub.f32 v6, v58  }
0x368: {  	v25 =	vsub.f32 v22, v20;
	v7 =	vsub.f32 v8, v7;
	v8 =	vld.idx.msk [tilespmem:v19+s18+$0x0], $0xffff;
	v19 =	vadd.s32 $0x3A, v4  }
0x369: {  	v22 =	vadd.s32 $0x3B, v3;
	v6 =	vmul.f32 v6, v6;
	v20 =	vand.u32 $0xFFFFFF80, v19  }
0x36a: {  	v19 =	vand.u32 $0x7F, v19;
	v7 =	vmul.f32 v7, v7;
	v9 =	vadd.f32 v10, v9  }
0x36b: {  	v10 =	vand.u32 $0x7F, v24;
	v20 =	vadd.s32 v1, v20;
	v24 =	vand.u32 $0x7F, v22  }
0x36c: {  	v51 =	vor.u32 v19, v20;
	v55 =	vld.idx.msk [tilespmem:v14+s19+$0x0], $0xffff;
	v20 =	vadd.s32 $0x3B, v4;
	v14 =	vand.u32 $0x7F, v33  }
0x36d: {  	v9 =	vsub.f32 v9, v11;
	v5 =	vadd.f32 v7, v5;
	v7 =	vadd.s32 v1, v26  }
0x36e: {  	v11 =	vand.u32 $0x7F, v27;
	v27 =	vadd.s32 $0x3C, v4;
	v4 =	vadd.s32 $0x3F, v4  }
0x36f: {  	v7 =	vor.u32 v10, v7;
	v10 =	vadd.s32 v1, v28;
	v8 =	vadd.f32 v8, v23  }
0x370: {  	v23 =	vand.u32 $0xFFFFFF80, v22;
	v28 =	vand.u32 $0xFFFFFF80, v27;
	v21 =	vmul.f32 v9, v9  }
0x371: {  	v60 =	vld.idx.msk [tilespmem:v16+s18+$0x0], $0xffff;
	v30 =	vor.u32 v11, v10;
	v10 =	vadd.s32 v1, v31;
	v11 =	vadd.s32 v1, v34  }
0x372: {  	v13 =	vld.idx.msk [tilespmem:v13+s18+$0x0], $0xffff;
	v31 =	vand.u32 $0xFFFFFF80, v29;
	v34 =	vand.u32 $0xFFFFFF80, v33;
	v10 =	vor.u32 v32, v10  }
0x373: {  	v11 =	vor.u32 v12, v11;
	v12 =	vld.idx.msk [tilespmem:v38+s17+$0x0], $0xffff;
	v5 =	vadd.f32 v21, v5;
	v21 =	vadd.s32 $0x3A, v3  }
0x374: {  	v32 =	vand.u32 $0x7F, v29;
	v63 =	vld.idx.msk [tilespmem:v51+s17+$0x0], $0xffff;
	v51 =	vand.u32 $0xFFFFFF80, v4;
	v52 =	vand.u32 $0xFFFFFF80, v21  }
0x375: {  	v4 =	vand.u32 $0x7F, v4;
	v53 =	vand.u32 $0x7F, v21;
	v7 =	vld.idx.msk [tilespmem:v7+s19+$0x0], $0xffff;
	v19 =	vadd.s32 v1, v52  }
0x376: {  	v3 =	vadd.s32 $0x3F, v3;
	v21 =	vand.u32 $0xFFFFFF80, v20;
	v9 =	vld.idx.msk [tilespmem:v30+s17+$0x0], $0xffff;
	v56 =	vor.u32 v53, v19  }
0x377: {  	v5 =	vadd.f32 v6, v5;
	v6 =	vmul.f32 v25, v25;
	v19 =	vadd.s32 v1, v57;
	v10 =	vld.idx.msk [tilespmem:v10+s18+$0x0], $0xffff  }
0x378: {  	v58 =	vld.idx.msk [tilespmem:v46+s17+$0x0], $0xffff;
	v25 =	vadd.s32 $0x3B, v2;
	v52 =	vand.u32 $0xFFFFFF80, v3;
	v15 =	vor.u32 v59, v19  }
0x379: {  	v3 =	vand.u32 $0x7F, v3;
	v26 =	vand.u32 $0xFFFFFF80, v25;
	v11 =	vld.idx.msk [tilespmem:v11+s19+$0x0], $0xffff;
	v5 =	vadd.f32 v6, v5  }
0x37a: {  	v62 =	vld.idx.msk [tilespmem:v17+s19+$0x0], $0xffff;
	v61 =	vadd.f32 v13, v12;
	v12 =	vand.u32 $0x7F, v27;
	v13 =	vadd.s32 v1, v28  }
0x37b: {  	v30 =	vor.u32 v12, v13;
	v12 =	vadd.s32 v1, v31;
	v7 =	vsub.f32 v8, v7;
	v17 =	vld.idx.msk [tilespmem:v56+s18+$0x0], $0xffff  }
0x37c: {  	v13 =	vadd.s32 v1, v34;
	v8 =	vsub.f32 v61, v55;
	v9 =	vadd.f32 v10, v9  }
0x37d: {  	v6 =	vadd.f32 v60, v58;
	v12 =	vor.u32 v32, v12;
	v13 =	vor.u32 v14, v13;
	v19 =	vld.idx.msk [tilespmem:v15+s19+$0x0], $0xffff  }
0x37e: {  	v7 =	vmul.f32 v7, v7;
	v18 =	vmul.f32 v8, v8;
	v9 =	vsub.f32 v9, v11  }
0x37f: {  	v10 =	vadd.s32 v1, v21;
	v15 =	vand.u32 $0x7F, v35;
	v21 =	vadd.s32 v1, v51  }
0x380: {  	v4 =	vor.u32 v4, v21;
	v16 =	vmul.f32 v9, v9;
	v9 =	vadd.f32 v17, v63  }
0x381: {  	v5 =	vadd.f32 v7, v5;
	v7 =	vand.u32 $0x7F, v20;
	v11 =	vand.u32 $0x7F, v25  }
0x382: {  	v7 =	vor.u32 v7, v10;
	v8 =	vsub.f32 v9, v19;
	v9 =	vadd.s32 v1, v23  }
0x383: {  	v12 =	vld.idx.msk [tilespmem:v12+s18+$0x0], $0xffff;
	v20 =	vand.u32 $0x7F, v49;
	v10 =	vadd.s32 v1, v26;
	v9 =	vor.u32 v24, v9  }
0x384: {  	v13 =	vld.idx.msk [tilespmem:v13+s19+$0x0], $0xffff;
	v10 =	vor.u32 v11, v10;
	v5 =	vadd.f32 v16, v5;
	v16 =	vadd.s32 v1, v36  }
0x385: {  	v17 =	vand.u32 $0x7F, v41;
	v11 =	vld.idx.msk [tilespmem:v30+s17+$0x0], $0xffff;
	v38 =	vor.u32 v15, v16;
	v15 =	vadd.s32 v1, v39  }
0x386: {  	v19 =	vadd.s32 v1, v44;
	v4 =	vld.idx.msk [tilespmem:v4+s17+$0x0], $0xffff;
	v16 =	vadd.s32 v1, v42;
	v15 =	vor.u32 v40, v15  }
0x387: {  	v5 =	vadd.f32 v18, v5;
	v7 =	vld.idx.msk [tilespmem:v7+s17+$0x0], $0xffff;
	v18 =	vand.u32 $0x7F, v43;
	v16 =	vor.u32 v17, v16  }
0x388: {  	v46 =	vor.u32 v18, v19;
	v18 =	vadd.s32 v1, v47;
	v19 =	vadd.s32 v1, v50;
	v9 =	vld.idx.msk [tilespmem:v9+s18+$0x0], $0xffff  }
0x389: {  	v10 =	vld.idx.msk [tilespmem:v10+s19+$0x0], $0xffff;
	v18 =	vor.u32 v48, v18;
	v19 =	vor.u32 v20, v19;
	v20 =	vadd.s32 v1, v52  }
0x38a: {  	v2 =	vadd.s32 $0x3F, v2;
	v3 =	vor.u32 v3, v20;
	v14 =	vld.idx.msk [tilespmem:v38+s17+$0x0], $0xffff  }
0x38b: {  	v53 =	vand.u32 $0xFFFFFF80, v2;
	v6 =	vsub.f32 v6, v62;
	v15 =	vld.idx.msk [tilespmem:v15+s18+$0x0], $0xffff  }
0x38c: {  	v2 =	vand.u32 $0x7F, v2;
	v1 =	vadd.s32 v1, v53;
	v16 =	vld.idx.msk [tilespmem:v16+s19+$0x0], $0xffff  }
0x38d: {  	v6 =	vmul.f32 v6, v6;
	v1 =	vor.u32 v2, v1;
	v54 =	vld.idx.msk [tilespmem:v46+s17+$0x0], $0xffff;
	v7 =	vadd.f32 v9, v7  }
0x38e: {  	v56 =	vadd.f32 v12, v11;
	v2 =	vld.idx.msk [tilespmem:v18+s18+$0x0], $0xffff  }
0x38f: {  	v8 =	vmul.f32 v8, v8;
	v5 =	vadd.f32 v6, v5;
	v3 =	vld.idx.msk [tilespmem:v3+s18+$0x0], $0xffff;
	v55 =	vsub.f32 v7, v10  }
0x390: {  	v57 =	vld.idx.msk [tilespmem:v19+s19+$0x0], $0xffff;
	v58 =	vadd.f32 v15, v14  }
0x391: {  	v5 =	vadd.f32 v8, v5;
	v7 =	vsub.f32 v56, v13;
	v6 =	vmul.f32 v55, v55  }
0x392: {  	v1 =	vld.idx.msk [tilespmem:v1+s19+$0x0], $0xffff;
	v60 =	vsub.f32 v58, v16  }
0x393: {  	v2 =	vadd.f32 v2, v54;
	v59 =	vmul.f32 v7, v7;
	v5 =	vadd.f32 v6, v5  }
0x394: {  	v3 =	vadd.f32 v3, v4  }
0x395: {  	v61 =	vmul.f32 v60, v60;
	v2 =	vsub.f32 v2, v57;
	v5 =	vadd.f32 v59, v5;
	_ =	sdelay $0x1  }
0x396: {  	v1 =	vsub.f32 v3, v1;
	v2 =	vmul.f32 v2, v2;
	v62 =	vadd.f32 v61, v5;
	_ =	sdelay $0x1  }
0x397: {  	v1 =	vmul.f32 v1, v1;
	v2 =	vadd.f32 v2, v62;
	_ =	sdelay $0x1  }
0x398: {  	v1 =	vadd.f32 v1, v2;
	_ =	sdelay $0x1  }
0x399: {  	v2 =	vshra.s32 v1, $0x1;
	v3 =	vmul.f32 $5.000000000e-01, v1  }
0x39a: {  	v2 =	vsub.s32 $0x5F3759DF, v2  }
0x39b: {  	v63 =	vmul.f32 v2, v3;
	_ =	sdelay $0x1  }
0x39c: {  	v4 =	vmul.f32 v2, v63;
	_ =	sdelay $0x1  }
0x39d: {  	v4 =	vsub.f32 $1.500000000e+00, v4;
	_ =	sdelay $0x1  }
0x39e: {  	v2 =	vmul.f32 v2, v4;
	_ =	sdelay $0x1  }
0x39f: {  	v4 =	vmul.f32 v2, v3;
	_ =	sdelay $0x1  }
0x3a0: {  	v4 =	vmul.f32 v4, v2;
	_ =	sdelay $0x1  }
0x3a1: {  	v4 =	vsub.f32 $1.500000000e+00, v4;
	_ =	sdelay $0x1  }
0x3a2: {  	v2 =	vmul.f32 v4, v2;
	_ =	sdelay $0x1  }
0x3a3: {  	v3 =	vmul.f32 v2, v3;
	_ =	sdelay $0x1  }
0x3a4: {  	v3 =	vmul.f32 v3, v2;
	_ =	sdelay $0x1  }
0x3a5: {  	v3 =	vsub.f32 $1.500000000e+00, v3;
	_ =	sdelay $0x1  }
0x3a6: {  	v2 =	vmul.f32 v3, v2  }
0x3a7: {  	p0 =	sne.s32 s25, $0x70  }
.Ltmp1:
0x3a8: {  	v1 =	vmul.f32 v2, v1;
	(pc) =	sbr.rel @p0 .LBB2_4-.Ltmp1, $4  }
0x3a9: {  	_ = 	snop  }
0x3aa: {  	v1 =	vsub.f32 $0.0e+00, v1  }
0x3ab: {  	s26 =	sadd.s32 $0x10, s26;
	s28 =	sadd.s32 $0x10, s28  }
0x3ac: {  	s29 =	sadd.s32 $0x10, s29;
	s25 =	sadd.s32 $0x10, s25;
	[tilespmem:s30+$0x0] =	vst v1;
	s30 =	sadd.s32 $0x10, s30  }
0x3ad: {  	s24 =	sadd.s32 $0x1, s24  }
0x3ae: {  	p0 =	sne.s32 s24, s12  }
.Ltmp2:
0x3af: {  	_ = 	snop;
	(pc) =	sbr.rel @p0 .LBB2_1-.Ltmp2, $4  }
0x3b0: {  	[hbm4b:s11+s4] =	stream.linear.scatter [tilespmem:s23], [sflag:$0x2], $0x100, $0x38;
	[tilespmem:$0xC700] =	vst v63  }
0x3b1: {  	_ =	swait.ge [sflag:s13], $0x100  }
0x3b2: {  	[sflag:s13] =	ssyncset.done $0x0  }
0x3b3: {  	[sflag:s13] =	ssyncadd.s32 $0xFFFFFF00  }
0x3b4: {  	_ =	sfence.sel $0x180000  }
0x3b5: {  	[bflag:$0x0] =	sbarrier.arrive $0xFFFF  }
0x3b6: {  	p0 =	sne.s32 s3, $0x0;
	_ =	strace $0x90000047  }
0x3b7: {  	s0 =	sadd.s32 @!p0 $0x100000, s0;
	[bflag:$0x2] =	sbarrier.arrive $0xFFFF  }
0x3b8: {  	[sflag:s0] =	ssyncadd.tile.s32 @!p0 $0x1;
	_ =	shalt  }
.Lfunc_end2:
_tile_overlayer_lowered:
.L_overlay_start_2:
0x3b9: {  	(tag) =	ssettag $0x2  }
0x3ba: {  	s0 =	rddreg [dreg:$0x0];
	s2 =	stileid.u32  }
0x3bb: {  	s1 =	rddreg [dreg:$0x1];
	p0 =	sne.s32 s2, $0x0  }
0x3bc: {  	s3 =	rddreg [dreg:$0x2];
	[bflag:$0x3] =	sbarrier.arrive $0xFFFF;
	s2 =	simm.s32 @!p0 $0x1C02  }
0x3bd: {  	[timem:s3], [sflag:s2] =	dma.local @!p0 [hbm:s0], s1  }
0x3be: {  	s0 =	simm.s32 @!p0 $0x2  }
0x3bf: {  	_ =	swait.ge @!p0 [sflag:s0], s1  }
0x3c0: {  	s1 =	ssub.s32 @!p0 $0x0, s1;
	[sflag:s0] =	ssyncset.done @!p0 $0x0  }
0x3c1: {  	[sflag:s0] =	ssyncadd.s32 @!p0 s1  }
0x3c2: {  	[bflag:$0x3] =	sbarrier.arrive $0xFFFF  }
0x3c3: {  	_ =	shalt  }

</sc_bundles>
